<compile_context>
chip_gen: v7x
topology: tpu7x:2x2x1
jax: 0.10.2.dev20260603
libtpu: 0.0.44.dev20260713+nightly
codegen_flags: <defaults>
</compile_context>

<pallas_src>
import jax
import jax.numpy as jnp
from jax import lax
from jax.experimental import pallas as pl
from jax.experimental.pallas import tpu as pltpu
from jax.experimental.pallas import tpu_sc as plsc

V = 100000
F = 200000
NNZ = 700000

NC = 2
NS = 16
NW = NC * NS
LANES = 16

S = 2736
NSUB = 8
Q = NSUB * S
OVERLAP = NW * Q - NNZ

VP = 100096
CHK = VP // NS


def _sc_spmv_call(vflat, cpat48, ind_l, val_l, ind_k, val_k):
    mesh = plsc.VectorSubcoreMesh(core_axis_name="c", subcore_axis_name="s",
                                  num_cores=NC, num_subcores=NS)

    def body(vflat_hbm, cpat_hbm, iL_hbm, vL_hbm, iK_hbm, vK_hbm,
             out_hbm, vc3_hbm,
             aLx, aLy, aLz, aKx, aKy, aKz, sv3,
             vbuf, xb, cp_v,
             col_v, row_v, val_v, col_w, row_w, val_w,
             ic0, ic1, ic2, jc0, jc1, jc2, gx, gy, gz, hx, hy, hz,
             sem0, sem1, sem2, lsem0, lsem1, ssem0, ssem1):
        cid = lax.axis_index("c")
        sid = lax.axis_index("s")

        def zero_body(i, _):
            xb[pl.ds(i * LANES, LANES)] = jnp.zeros((LANES,), jnp.float32)
            return 0
        lax.fori_loop(0, CHK // LANES, zero_body, 0)
        for acc in (aLx, aLy, aLz, aKx, aKy, aKz):
            pltpu.sync_copy(xb, acc.at[pl.ds(sid * CHK, CHK)])

        base0 = jnp.minimum(sid * CHK, V - CHK)
        pltpu.sync_copy(cpat_hbm, cp_v)
        q0 = cp_v[pl.ds(0, LANES)]
        q1 = cp_v[pl.ds(LANES, LANES)]
        q2 = cp_v[pl.ds(2 * LANES, LANES)]

        for off, ln in ((0, 9408), (9408, 9360)):
            pltpu.sync_copy(vflat_hbm.at[pl.ds(base0 * 3 + off, ln)],
                            vbuf.at[pl.ds(0, ln)])

            def cadd_body(g, _):
                b = g * (3 * LANES)
                vbuf[pl.ds(b, LANES)] = vbuf[pl.ds(b, LANES)] + q0
                vbuf[pl.ds(b + LANES, LANES)] = (
                    vbuf[pl.ds(b + LANES, LANES)] + q1)
                vbuf[pl.ds(b + 2 * LANES, LANES)] = (
                    vbuf[pl.ds(b + 2 * LANES, LANES)] + q2)
                return 0
            lax.fori_loop(0, ln // (3 * LANES), cadd_body, 0)
            pltpu.sync_copy(vbuf.at[pl.ds(0, ln)],
                            sv3.at[pl.ds(base0 * 3 + off, ln)])
            @pl.when(cid == 0)
            def _export_vc():
                pltpu.sync_copy(vbuf.at[pl.ds(0, ln)],
                                vc3_hbm.at[pl.ds(base0 * 3 + off, ln)])
        plsc.subcore_barrier()

        wid = cid * NS + sid
        is_last = wid == NW - 1

        chunks = []
        for m, (i_hbm, v_hbm, accs) in enumerate(
                ((iL_hbm, vL_hbm, (aLx, aLy, aLz)),
                 (iK_hbm, vK_hbm, (aKx, aKy, aKz)))):
            for j in range(NSUB):
                base = wid * Q + j * S
                if j == NSUB - 1:
                    base = jnp.where(is_last, NNZ - S, base)
                chunks.append((i_hbm, v_hbm, accs, base, j == NSUB - 1))

        rows = (row_v, row_w)
        cols = (col_v, col_w)
        vals = (val_v, val_w)
        lsems = (lsem0, lsem1)
        ics = ((ic0, ic1, ic2), (jc0, jc1, jc2))
        gs = ((gx, gy, gz), (hx, hy, hz))
        ssems = (ssem0, ssem1)

        def fire_loads(k):
            i_hbm, v_hbm, _, base, _ = chunks[k]
            b = k % 2
            return (
                pltpu.async_copy(i_hbm.at[pl.ds(base, S)], rows[b], lsems[b]),
                pltpu.async_copy(i_hbm.at[pl.ds(NNZ + base, S)], cols[b],
                                 lsems[b]),
                pltpu.async_copy(v_hbm.at[pl.ds(base, S)], vals[b], lsems[b]),
            )

        pending = fire_loads(0)
        pend_scat = [None, None]
        for k in range(len(chunks)):
            _, _, (ax, ay, az), _, tail = chunks[k]
            b = k % 2
            for d in pending:
                d.wait()
            row_b, col_b, val_b = rows[b], cols[b], vals[b]
            i0, i1, i2 = ics[b]
            g0, g1, g2 = gs[b]
            if tail:
                @pl.when(is_last)
                def _mask_tail():
                    def zv(i, _):
                        val_b[pl.ds(i * LANES, LANES)] = (
                            jnp.zeros((LANES,), jnp.float32))
                        return 0
                    lax.fori_loop(0, OVERLAP // LANES, zv, 0)

            def idx_body(i, _):
                sl = pl.ds(i * LANES, LANES)
                c3 = col_b[sl] * 3
                i0[sl] = c3
                i1[sl] = c3 + 1
                i2[sl] = c3 + 2
                return 0
            lax.fori_loop(0, S // LANES, idx_body, 0)
            if pend_scat[b] is not None:
                for d in pend_scat[b]:
                    d.wait()
                pend_scat[b] = None
            d0 = pltpu.async_copy(sv3.at[i0], g0, sem0)
            d1 = pltpu.async_copy(sv3.at[i1], g1, sem1)
            d2 = pltpu.async_copy(sv3.at[i2], g2, sem2)
            if k + 1 < len(chunks):
                if pend_scat[(k + 1) % 2] is not None:
                    for d in pend_scat[(k + 1) % 2]:
                        d.wait()
                    pend_scat[(k + 1) % 2] = None
                pending = fire_loads(k + 1)
            d0.wait()
            d1.wait()
            d2.wait()

            def mul_body(i, _):
                sl = pl.ds(i * LANES, LANES)
                w = val_b[sl]
                g0[sl] = g0[sl] * w
                g1[sl] = g1[sl] * w
                g2[sl] = g2[sl] * w
                return 0
            lax.fori_loop(0, S // LANES, mul_body, 0)

            pend_scat[b] = (
                pltpu.async_copy(g0, ax.at[row_b], ssems[b], add=True),
                pltpu.async_copy(g1, ay.at[row_b], ssems[b], add=True),
                pltpu.async_copy(g2, az.at[row_b], ssems[b], add=True),
            )

        for ds_ in pend_scat:
            if ds_ is not None:
                for d in ds_:
                    d.wait()
        plsc.subcore_barrier()

        for j, acc in enumerate((aLx, aLy, aLz, aKx, aKy, aKz)):
            off = (cid * 6 + j) * VP + sid * CHK
            pltpu.sync_copy(acc.at[pl.ds(sid * CHK, CHK)], xb)
            pltpu.sync_copy(xb, out_hbm.at[pl.ds(off, CHK)])

    kfn = pl.kernel(
        body,
        out_type=[jax.ShapeDtypeStruct((NC * 6 * VP,), jnp.float32),
                  jax.ShapeDtypeStruct((3 * V,), jnp.float32)],
        mesh=mesh,
        scratch_types=[
            pltpu.VMEM_SHARED((VP,), jnp.float32),
            pltpu.VMEM_SHARED((VP,), jnp.float32),
            pltpu.VMEM_SHARED((VP,), jnp.float32),
            pltpu.VMEM_SHARED((VP,), jnp.float32),
            pltpu.VMEM_SHARED((VP,), jnp.float32),
            pltpu.VMEM_SHARED((VP,), jnp.float32),
            pltpu.VMEM_SHARED((3 * VP,), jnp.float32),
            pltpu.VMEM((9408,), jnp.float32),
            pltpu.VMEM((CHK,), jnp.float32),
            pltpu.VMEM((3 * LANES,), jnp.float32),
            pltpu.VMEM((S,), jnp.int32),
            pltpu.VMEM((S,), jnp.int32),
            pltpu.VMEM((S,), jnp.float32),
            pltpu.VMEM((S,), jnp.int32),
            pltpu.VMEM((S,), jnp.int32),
            pltpu.VMEM((S,), jnp.float32),
            pltpu.VMEM((S,), jnp.int32),
            pltpu.VMEM((S,), jnp.int32),
            pltpu.VMEM((S,), jnp.int32),
            pltpu.VMEM((S,), jnp.int32),
            pltpu.VMEM((S,), jnp.int32),
            pltpu.VMEM((S,), jnp.int32),
            pltpu.VMEM((S,), jnp.float32),
            pltpu.VMEM((S,), jnp.float32),
            pltpu.VMEM((S,), jnp.float32),
            pltpu.VMEM((S,), jnp.float32),
            pltpu.VMEM((S,), jnp.float32),
            pltpu.VMEM((S,), jnp.float32),
            pltpu.SemaphoreType.DMA,
            pltpu.SemaphoreType.DMA,
            pltpu.SemaphoreType.DMA,
            pltpu.SemaphoreType.DMA,
            pltpu.SemaphoreType.DMA,
            pltpu.SemaphoreType.DMA,
            pltpu.SemaphoreType.DMA,
        ],
    )
    return kfn(vflat, cpat48, ind_l, val_l, ind_k, val_k)


def _tc_reduce_call(parts_flat):

    def body(p_ref, out_ref):
        def comp(j):
            return (p_ref[pl.ds(j * VP, VP)] +
                    p_ref[pl.ds((6 + j) * VP, VP)])
        eps = jnp.float32(1e-12)
        lx, ly, lz = comp(0) + eps, comp(1) + eps, comp(2) + eps
        norm = jnp.sqrt(lx * lx + ly * ly + lz * lz)
        kx, ky, kz = comp(3), comp(4), comp(5)
        ksq = kx * kx + ky * ky + kz * kz
        out_ref[0, 0] = jnp.sum(norm) / jnp.float32(V)
        out_ref[0, 1] = jnp.sum(ksq) / jnp.float32(V)

    return pl.pallas_call(
        body,
        out_specs=pl.BlockSpec(memory_space=pltpu.SMEM),
        out_shape=jax.ShapeDtypeStruct((1, 2), jnp.float32),
    )(parts_flat)


def kernel(vertices, center, faces, L_indices, L_values, K_indices, K_values,
           total_num):
    one_i = jnp.asarray(total_num, dtype=jnp.int32) // 4
    one_f = one_i.astype(jnp.float32)

    vflat = vertices.reshape(3 * V)
    c3 = center.reshape(3)
    cpat48 = jnp.tile(c3, LANES)

    parts, vc3 = _sc_spmv_call(vflat, cpat48, L_indices.reshape(2 * NNZ),
                               L_values, K_indices.reshape(2 * NNZ), K_values)
    losses = _tc_reduce_call(parts)

    vc = vc3.reshape(1, V, 3)
    verts_out = jnp.tile(vc, (4, 1, 1)) * one_f
    faces_out = jnp.tile(faces[None], (4, 1, 1)) * one_i

    laplacian_loss = losses[0, 0]
    hexagon_loss = losses[0, 1]
    zero = jnp.float32(0.0)
    return (verts_out, faces_out, laplacian_loss, hexagon_loss, zero, zero)

# --- scband reference (transcript-rebuilt; emitter-appended) ---
"""Pipeline reference for scband-model-5454608466608 (READ-ONLY COPY).

The authoritative reference and input builder live on the scoring server;
editing this copy changes nothing except your own understanding.
"""

import jax, jax.numpy as jnp
import numpy as np

V = 100000
F = 200000
NNZ = 700000

_TOTAL_NUM = 4

def setup_inputs(seed: int = 0) -> dict:
    key = jax.random.key(seed)
    ks = jax.random.split(key, 8)
    vertices = jax.random.normal(ks[0], (V, 3), dtype=jnp.float32)
    center = jnp.zeros((1, 3), dtype=jnp.float32)
    faces = jax.random.randint(ks[1], (F, 3), 0, V, dtype=jnp.int32)
    L_indices = jax.random.randint(ks[2], (2, NNZ), 0, V, dtype=jnp.int32)
    L_values = jax.random.normal(ks[3], (NNZ,), dtype=jnp.float32) * 0.1
    K_indices = jax.random.randint(ks[4], (2, NNZ), 0, V, dtype=jnp.int32)
    K_values = jax.random.normal(ks[5], (NNZ,), dtype=jnp.float32) * 0.1
    total_num = 4
    return {
        'vertices': vertices,
        'center': center,
        'faces': faces,
        'L_indices': L_indices,
        'L_values': L_values,
        'K_indices': K_indices,
        'K_values': K_values,
        'total_num': total_num,
    }


def _spmv(indices, values, x, n_rows):
    # sparse COO matrix @ dense [V, d]: gather rows of x at col indices,
    # scale by values, scatter-add into row buckets (SparseCore-friendly).
    row = indices[0]
    col = indices[1]
    gathered = jnp.take(x, col, axis=0) * values[:, None]
    return jax.ops.segment_sum(gathered, row, num_segments=n_rows)


def reference(vertices, center, faces, L_indices, L_values, K_indices, K_values, total_num):
    # uniform_flag=False, only_tex=False path of the original forward
    verts = vertices[None, :, :] + center[None, :, :]  # [1, V, 3]
    v = verts[0]

    # laplacian_smoothing(vertices, faces, method='uniform', laplacian=L):
    # lap = L @ v ; loss = mean over vertices of L2-norm of lap rows
    lap = _spmv(L_indices, L_values, v, v.shape[0])
    laplacian_loss = jnp.mean(jnp.linalg.norm(lap + 1e-12, axis=1))

    # compute_hexagon_loss(vertices, K): Kv = K @ v ; mean squared magnitude
    kv = _spmv(K_indices, K_values, v, v.shape[0])
    hexagon_loss = jnp.mean(jnp.sum(kv ** 2, axis=1))

    albedo_flatten_loss = jnp.float32(0.0)
    vertices_flatten_loss = jnp.float32(0.0)

    one_i = jnp.asarray(total_num, dtype=jnp.int32) // _TOTAL_NUM
    one_f = one_i.astype(verts.dtype)
    verts_out = jnp.tile(verts, (_TOTAL_NUM, 1, 1)) * one_f          # [B, V, 3]
    faces_out = jnp.tile(faces[None, :, :], (_TOTAL_NUM, 1, 1)) * one_i  # [B, F, 3]
    return (verts_out, faces_out, laplacian_loss, hexagon_loss,
            albedo_flatten_loss, vertices_flatten_loss)

if __name__ == "__main__":
    import jax
    _d = setup_inputs()
    print(jax.jit(kernel)(*tuple(_d.values())))

</pallas_src>

<mosaic_0001>
#map = affine_map<(d0, d1) -> (0)>
module attributes {stable_mosaic.version = 14 : i64} {
  func.func @body(%arg0: i32, %arg1: i32, %arg2: memref<300000xf32, #tpu.memory_space<hbm>>, %arg3: memref<48xf32, #tpu.memory_space<hbm>>, %arg4: memref<1400000xi32, #tpu.memory_space<hbm>>, %arg5: memref<700000xf32, #tpu.memory_space<hbm>>, %arg6: memref<1400000xi32, #tpu.memory_space<hbm>>, %arg7: memref<700000xf32, #tpu.memory_space<hbm>>, %arg8: memref<1201152xf32, #tpu.memory_space<hbm>>, %arg9: memref<300000xf32, #tpu.memory_space<hbm>>, %arg10: memref<100096xf32, #tpu.memory_space<vmem_shared>>, %arg11: memref<100096xf32, #tpu.memory_space<vmem_shared>>, %arg12: memref<100096xf32, #tpu.memory_space<vmem_shared>>, %arg13: memref<100096xf32, #tpu.memory_space<vmem_shared>>, %arg14: memref<100096xf32, #tpu.memory_space<vmem_shared>>, %arg15: memref<100096xf32, #tpu.memory_space<vmem_shared>>, %arg16: memref<300288xf32, #tpu.memory_space<vmem_shared>>, %arg17: memref<9408xf32, #tpu.memory_space<vmem>>, %arg18: memref<6256xf32, #tpu.memory_space<vmem>>, %arg19: memref<48xf32, #tpu.memory_space<vmem>>, %arg20: memref<2736xi32, #tpu.memory_space<vmem>>, %arg21: memref<2736xi32, #tpu.memory_space<vmem>>, %arg22: memref<2736xf32, #tpu.memory_space<vmem>>, %arg23: memref<2736xi32, #tpu.memory_space<vmem>>, %arg24: memref<2736xi32, #tpu.memory_space<vmem>>, %arg25: memref<2736xf32, #tpu.memory_space<vmem>>, %arg26: memref<2736xi32, #tpu.memory_space<vmem>>, %arg27: memref<2736xi32, #tpu.memory_space<vmem>>, %arg28: memref<2736xi32, #tpu.memory_space<vmem>>, %arg29: memref<2736xi32, #tpu.memory_space<vmem>>, %arg30: memref<2736xi32, #tpu.memory_space<vmem>>, %arg31: memref<2736xi32, #tpu.memory_space<vmem>>, %arg32: memref<2736xf32, #tpu.memory_space<vmem>>, %arg33: memref<2736xf32, #tpu.memory_space<vmem>>, %arg34: memref<2736xf32, #tpu.memory_space<vmem>>, %arg35: memref<2736xf32, #tpu.memory_space<vmem>>, %arg36: memref<2736xf32, #tpu.memory_space<vmem>>, %arg37: memref<2736xf32, #tpu.memory_space<vmem>>, %arg38: memref<!tpu.dma_semaphore, #tpu.memory_space<semaphore_mem>>, %arg39: memref<!tpu.dma_semaphore, #tpu.memory_space<semaphore_mem>>, %arg40: memref<!tpu.dma_semaphore, #tpu.memory_space<semaphore_mem>>, %arg41: memref<!tpu.dma_semaphore, #tpu.memory_space<semaphore_mem>>, %arg42: memref<!tpu.dma_semaphore, #tpu.memory_space<semaphore_mem>>, %arg43: memref<!tpu.dma_semaphore, #tpu.memory_space<semaphore_mem>>, %arg44: memref<!tpu.dma_semaphore, #tpu.memory_space<semaphore_mem>>) attributes {dimension_semantics = [#tpu.dimension_semantics<core_parallel>, #tpu.dimension_semantics<subcore_parallel>], iteration_bounds = array<i64: 2, 16>, scalar_prefetch = 0 : i64, scratch_operands = 35 : i64, tpu.core_type = #tpu.core_type<sc_vector_subcore>, window_params = [{transform_indices = #map}, {transform_indices = #map}, {transform_indices = #map}, {transform_indices = #map}, {transform_indices = #map}, {transform_indices = #map}, {transform_indices = #map}, {transform_indices = #map}]} {
    %scan3A = arith.constant 0 : i32
    %scan3A_0 = arith.constant 0 : i32
    %scan3A_1 = arith.constant 391 : i32
    %scan3A_2 = arith.addi %scan3A_0, %scan3A_1 : i32
    %scan3A_3 = arith.constant 1 : i32
    %scan3A_4 = scf.for %scan3A_1038 = %scan3A_0 to %scan3A_2 step %scan3A_3 iter_args(%scan3A_1039 = %scan3A) -> (i32)  : i32 {
      %broadcast_in_dim3A = arith.constant 0.000000e+00 : f32
      %broadcast_in_dim3A_1040 = vector.broadcast %broadcast_in_dim3A : f32 to vector<16xf32>
      %mul3A_1041 = arith.constant 16 : i32
      %mul3A_1042 = arith.muli %scan3A_1038, %mul3A_1041 : i32
      %swap3A = arith.index_cast %mul3A_1042 : i32 to index
      %swap3A_1043 = tpu.vector_load %arg18[%swap3A] {strides = array<i32>} : memref<6256xf32, #tpu.memory_space<vmem>>, vector<16xf32>,
      %swap3A_1044 = vector.shape_cast %swap3A_1043 : vector<16xf32> to vector<16xf32>
      %swap3A_1045 = vector.shape_cast %broadcast_in_dim3A_1040 : vector<16xf32> to vector<16xf32>
      tpu.vector_store %arg18[%swap3A], %swap3A_1045 {strides = array<i32>} : memref<6256xf32, #tpu.memory_space<vmem>>, vector<16xf32>,
      %scan3A_1046 = arith.constant 0 : i32
      scf.yield %scan3A_1046 : i32
    }
    %scan3A_5 = arith.constant 391 : i32
    %mul3A = arith.constant 6256 : i32
    %mul3A_6 = arith.muli %arg1, %mul3A : i32
    "tpu.region"() ({
      %run_scoped3A = tpu.sem_alloc : memref<!tpu.dma_semaphore, #tpu.memory_space<semaphore_mem>>
      %dma_start3A_1038 = tpu.memref_slice %arg10[%mul3A_6] : memref<100096xf32, #tpu.memory_space<vmem_shared>> -> memref<6256xf32, #tpu.memory_space<vmem_shared>>
      %dma_start3A_1039 = tpu.memref_slice %arg10[%mul3A_6] : memref<100096xf32, #tpu.memory_space<vmem_shared>> -> memref<6256xf32, #tpu.memory_space<vmem_shared>>
      tpu.enqueue_dma source(%arg18 : memref<6256xf32, #tpu.memory_space<vmem>>) target(%dma_start3A_1039 : memref<6256xf32, #tpu.memory_space<vmem_shared>>) target_semaphore(%run_scoped3A : memref<!tpu.dma_semaphore, #tpu.memory_space<semaphore_mem>>)
      %dma_wait3A_1040 = tpu.memref_slice %arg10[%mul3A_6] : memref<100096xf32, #tpu.memory_space<vmem_shared>> -> memref<6256xf32, #tpu.memory_space<vmem_shared>>
      %dma_wait3A_1041 = tpu.memref_slice %arg10[%mul3A_6] : memref<100096xf32, #tpu.memory_space<vmem_shared>> -> memref<6256xf32, #tpu.memory_space<vmem_shared>>
      tpu.wait_dma2 semaphore(%run_scoped3A : memref<!tpu.dma_semaphore, #tpu.memory_space<semaphore_mem>>) src(%arg18 : memref<6256xf32, #tpu.memory_space<vmem>>) dst(%dma_wait3A_1041 : memref<6256xf32, #tpu.memory_space<vmem_shared>>)
      tpu.yield
    }) : () -> ()
    %mul3A_7 = arith.constant 6256 : i32
    %mul3A_8 = arith.muli %arg1, %mul3A_7 : i32
    "tpu.region"() ({
      %run_scoped3A = tpu.sem_alloc : memref<!tpu.dma_semaphore, #tpu.memory_space<semaphore_mem>>
      %dma_start3A_1038 = tpu.memref_slice %arg11[%mul3A_8] : memref<100096xf32, #tpu.memory_space<vmem_shared>> -> memref<6256xf32, #tpu.memory_space<vmem_shared>>
      %dma_start3A_1039 = tpu.memref_slice %arg11[%mul3A_8] : memref<100096xf32, #tpu.memory_space<vmem_shared>> -> memref<6256xf32, #tpu.memory_space<vmem_shared>>
      tpu.enqueue_dma source(%arg18 : memref<6256xf32, #tpu.memory_space<vmem>>) target(%dma_start3A_1039 : memref<6256xf32, #tpu.memory_space<vmem_shared>>) target_semaphore(%run_scoped3A : memref<!tpu.dma_semaphore, #tpu.memory_space<semaphore_mem>>)
      %dma_wait3A_1040 = tpu.memref_slice %arg11[%mul3A_8] : memref<100096xf32, #tpu.memory_space<vmem_shared>> -> memref<6256xf32, #tpu.memory_space<vmem_shared>>
      %dma_wait3A_1041 = tpu.memref_slice %arg11[%mul3A_8] : memref<100096xf32, #tpu.memory_space<vmem_shared>> -> memref<6256xf32, #tpu.memory_space<vmem_shared>>
      tpu.wait_dma2 semaphore(%run_scoped3A : memref<!tpu.dma_semaphore, #tpu.memory_space<semaphore_mem>>) src(%arg18 : memref<6256xf32, #tpu.memory_space<vmem>>) dst(%dma_wait3A_1041 : memref<6256xf32, #tpu.memory_space<vmem_shared>>)
      tpu.yield
    }) : () -> ()
    %mul3A_9 = arith.constant 6256 : i32
    %mul3A_10 = arith.muli %arg1, %mul3A_9 : i32
    "tpu.region"() ({
      %run_scoped3A = tpu.sem_alloc : memref<!tpu.dma_semaphore, #tpu.memory_space<semaphore_mem>>
      %dma_start3A_1038 = tpu.memref_slice %arg12[%mul3A_10] : memref<100096xf32, #tpu.memory_space<vmem_shared>> -> memref<6256xf32, #tpu.memory_space<vmem_shared>>
      %dma_start3A_1039 = tpu.memref_slice %arg12[%mul3A_10] : memref<100096xf32, #tpu.memory_space<vmem_shared>> -> memref<6256xf32, #tpu.memory_space<vmem_shared>>
      tpu.enqueue_dma source(%arg18 : memref<6256xf32, #tpu.memory_space<vmem>>) target(%dma_start3A_1039 : memref<6256xf32, #tpu.memory_space<vmem_shared>>) target_semaphore(%run_scoped3A : memref<!tpu.dma_semaphore, #tpu.memory_space<semaphore_mem>>)
      %dma_wait3A_1040 = tpu.memref_slice %arg12[%mul3A_10] : memref<100096xf32, #tpu.memory_space<vmem_shared>> -> memref<6256xf32, #tpu.memory_space<vmem_shared>>
      %dma_wait3A_1041 = tpu.memref_slice %arg12[%mul3A_10] : memref<100096xf32, #tpu.memory_space<vmem_shared>> -> memref<6256xf32, #tpu.memory_space<vmem_shared>>
      tpu.wait_dma2 semaphore(%run_scoped3A : memref<!tpu.dma_semaphore, #tpu.memory_space<semaphore_mem>>) src(%arg18 : memref<6256xf32, #tpu.memory_space<vmem>>) dst(%dma_wait3A_1041 : memref<6256xf32, #tpu.memory_space<vmem_shared>>)
      tpu.yield
    }) : () -> ()
    %mul3A_11 = arith.constant 6256 : i32
    %mul3A_12 = arith.muli %arg1, %mul3A_11 : i32
    "tpu.region"() ({
      %run_scoped3A = tpu.sem_alloc : memref<!tpu.dma_semaphore, #tpu.memory_space<semaphore_mem>>
      %dma_start3A_1038 = tpu.memref_slice %arg13[%mul3A_12] : memref<100096xf32, #tpu.memory_space<vmem_shared>> -> memref<6256xf32, #tpu.memory_space<vmem_shared>>
      %dma_start3A_1039 = tpu.memref_slice %arg13[%mul3A_12] : memref<100096xf32, #tpu.memory_space<vmem_shared>> -> memref<6256xf32, #tpu.memory_space<vmem_shared>>
      tpu.enqueue_dma source(%arg18 : memref<6256xf32, #tpu.memory_space<vmem>>) target(%dma_start3A_1039 : memref<6256xf32, #tpu.memory_space<vmem_shared>>) target_semaphore(%run_scoped3A : memref<!tpu.dma_semaphore, #tpu.memory_space<semaphore_mem>>)
      %dma_wait3A_1040 = tpu.memref_slice %arg13[%mul3A_12] : memref<100096xf32, #tpu.memory_space<vmem_shared>> -> memref<6256xf32, #tpu.memory_space<vmem_shared>>
      %dma_wait3A_1041 = tpu.memref_slice %arg13[%mul3A_12] : memref<100096xf32, #tpu.memory_space<vmem_shared>> -> memref<6256xf32, #tpu.memory_space<vmem_shared>>
      tpu.wait_dma2 semaphore(%run_scoped3A : memref<!tpu.dma_semaphore, #tpu.memory_space<semaphore_mem>>) src(%arg18 : memref<6256xf32, #tpu.memory_space<vmem>>) dst(%dma_wait3A_1041 : memref<6256xf32, #tpu.memory_space<vmem_shared>>)
      tpu.yield
    }) : () -> ()
    %mul3A_13 = arith.constant 6256 : i32
    %mul3A_14 = arith.muli %arg1, %mul3A_13 : i32
    "tpu.region"() ({
      %run_scoped3A = tpu.sem_alloc : memref<!tpu.dma_semaphore, #tpu.memory_space<semaphore_mem>>
      %dma_start3A_1038 = tpu.memref_slice %arg14[%mul3A_14] : memref<100096xf32, #tpu.memory_space<vmem_shared>> -> memref<6256xf32, #tpu.memory_space<vmem_shared>>
      %dma_start3A_1039 = tpu.memref_slice %arg14[%mul3A_14] : memref<100096xf32, #tpu.memory_space<vmem_shared>> -> memref<6256xf32, #tpu.memory_space<vmem_shared>>
      tpu.enqueue_dma source(%arg18 : memref<6256xf32, #tpu.memory_space<vmem>>) target(%dma_start3A_1039 : memref<6256xf32, #tpu.memory_space<vmem_shared>>) target_semaphore(%run_scoped3A : memref<!tpu.dma_semaphore, #tpu.memory_space<semaphore_mem>>)
      %dma_wait3A_1040 = tpu.memref_slice %arg14[%mul3A_14] : memref<100096xf32, #tpu.memory_space<vmem_shared>> -> memref<6256xf32, #tpu.memory_space<vmem_shared>>
      %dma_wait3A_1041 = tpu.memref_slice %arg14[%mul3A_14] : memref<100096xf32, #tpu.memory_space<vmem_shared>> -> memref<6256xf32, #tpu.memory_space<vmem_shared>>
      tpu.wait_dma2 semaphore(%run_scoped3A : memref<!tpu.dma_semaphore, #tpu.memory_space<semaphore_mem>>) src(%arg18 : memref<6256xf32, #tpu.memory_space<vmem>>) dst(%dma_wait3A_1041 : memref<6256xf32, #tpu.memory_space<vmem_shared>>)
      tpu.yield
    }) : () -> ()
    %mul3A_15 = arith.constant 6256 : i32
    %mul3A_16 = arith.muli %arg1, %mul3A_15 : i32
    "tpu.region"() ({
      %run_scoped3A = tpu.sem_alloc : memref<!tpu.dma_semaphore, #tpu.memory_space<semaphore_mem>>
      %dma_start3A_1038 = tpu.memref_slice %arg15[%mul3A_16] : memref<100096xf32, #tpu.memory_space<vmem_shared>> -> memref<6256xf32, #tpu.memory_space<vmem_shared>>
      %dma_start3A_1039 = tpu.memref_slice %arg15[%mul3A_16] : memref<100096xf32, #tpu.memory_space<vmem_shared>> -> memref<6256xf32, #tpu.memory_space<vmem_shared>>
      tpu.enqueue_dma source(%arg18 : memref<6256xf32, #tpu.memory_space<vmem>>) target(%dma_start3A_1039 : memref<6256xf32, #tpu.memory_space<vmem_shared>>) target_semaphore(%run_scoped3A : memref<!tpu.dma_semaphore, #tpu.memory_space<semaphore_mem>>)
      %dma_wait3A_1040 = tpu.memref_slice %arg15[%mul3A_16] : memref<100096xf32, #tpu.memory_space<vmem_shared>> -> memref<6256xf32, #tpu.memory_space<vmem_shared>>
      %dma_wait3A_1041 = tpu.memref_slice %arg15[%mul3A_16] : memref<100096xf32, #tpu.memory_space<vmem_shared>> -> memref<6256xf32, #tpu.memory_space<vmem_shared>>
      tpu.wait_dma2 semaphore(%run_scoped3A : memref<!tpu.dma_semaphore, #tpu.memory_space<semaphore_mem>>) src(%arg18 : memref<6256xf32, #tpu.memory_space<vmem>>) dst(%dma_wait3A_1041 : memref<6256xf32, #tpu.memory_space<vmem_shared>>)
      tpu.yield
    }) : () -> ()
    %mul3A_17 = arith.constant 6256 : i32
    %mul3A_18 = arith.muli %arg1, %mul3A_17 : i32
    %min3A = arith.constant 93744 : i32
    %min3A_19 = arith.minsi %mul3A_18, %min3A : i32
    "tpu.region"() ({
      %run_scoped3A = tpu.sem_alloc : memref<!tpu.dma_semaphore, #tpu.memory_space<semaphore_mem>>
      tpu.enqueue_dma source(%arg3 : memref<48xf32, #tpu.memory_space<hbm>>) target(%arg19 : memref<48xf32, #tpu.memory_space<vmem>>) target_semaphore(%run_scoped3A : memref<!tpu.dma_semaphore, #tpu.memory_space<semaphore_mem>>)
      tpu.wait_dma2 semaphore(%run_scoped3A : memref<!tpu.dma_semaphore, #tpu.memory_space<semaphore_mem>>) src(%arg3 : memref<48xf32, #tpu.memory_space<hbm>>) dst(%arg19 : memref<48xf32, #tpu.memory_space<vmem>>)
      tpu.yield
    }) : () -> ()
    %get3A = arith.constant 0 : index
    %get3A_20 = tpu.vector_load %arg19[%get3A] {strides = array<i32>} : memref<48xf32, #tpu.memory_space<vmem>>, vector<16xf32>,
    %get3A_21 = vector.shape_cast %get3A_20 : vector<16xf32> to vector<16xf32>
    %get3A_22 = arith.constant 16 : index
    %get3A_23 = tpu.vector_load %arg19[%get3A_22] {strides = array<i32>} : memref<48xf32, #tpu.memory_space<vmem>>, vector<16xf32>,
    %get3A_24 = vector.shape_cast %get3A_23 : vector<16xf32> to vector<16xf32>
    %get3A_25 = arith.constant 32 : index
    %get3A_26 = tpu.vector_load %arg19[%get3A_25] {strides = array<i32>} : memref<48xf32, #tpu.memory_space<vmem>>, vector<16xf32>,
    %get3A_27 = vector.shape_cast %get3A_26 : vector<16xf32> to vector<16xf32>
    %mul3A_28 = arith.constant 3 : i32
    %mul3A_29 = arith.muli %min3A_19, %mul3A_28 : i32
    %add3A = arith.constant 0 : i32
    %add3A_30 = arith.addi %mul3A_29, %add3A : i32
    "tpu.region"() ({
      %run_scoped3A = tpu.sem_alloc : memref<!tpu.dma_semaphore, #tpu.memory_space<semaphore_mem>>
      %dma_start3A_1038 = arith.constant 0 : i32
      %dma_start3A_1039 = tpu.memref_slice %arg17[%dma_start3A_1038] : memref<9408xf32, #tpu.memory_space<vmem>> -> memref<9408xf32, #tpu.memory_space<vmem>>
      %dma_start3A_1040 = tpu.memref_slice %arg2[%add3A_30] : memref<300000xf32, #tpu.memory_space<hbm>> -> memref<9408xf32, #tpu.memory_space<hbm>>
      %dma_start3A_1041 = arith.constant 0 : i32
      %dma_start3A_1042 = tpu.memref_slice %arg17[%dma_start3A_1041] : memref<9408xf32, #tpu.memory_space<vmem>> -> memref<9408xf32, #tpu.memory_space<vmem>>
      %dma_start3A_1043 = tpu.memref_slice %arg2[%add3A_30] : memref<300000xf32, #tpu.memory_space<hbm>> -> memref<9408xf32, #tpu.memory_space<hbm>>
      tpu.enqueue_dma source(%dma_start3A_1043 : memref<9408xf32, #tpu.memory_space<hbm>>) target(%dma_start3A_1042 : memref<9408xf32, #tpu.memory_space<vmem>>) target_semaphore(%run_scoped3A : memref<!tpu.dma_semaphore, #tpu.memory_space<semaphore_mem>>)
      %dma_wait3A_1044 = arith.constant 0 : i32
      %dma_wait3A_1045 = tpu.memref_slice %arg17[%dma_wait3A_1044] : memref<9408xf32, #tpu.memory_space<vmem>> -> memref<9408xf32, #tpu.memory_space<vmem>>
      %dma_wait3A_1046 = tpu.memref_slice %arg2[%add3A_30] : memref<300000xf32, #tpu.memory_space<hbm>> -> memref<9408xf32, #tpu.memory_space<hbm>>
      %dma_wait3A_1047 = arith.constant 0 : i32
      %dma_wait3A_1048 = tpu.memref_slice %arg17[%dma_wait3A_1047] : memref<9408xf32, #tpu.memory_space<vmem>> -> memref<9408xf32, #tpu.memory_space<vmem>>
      %dma_wait3A_1049 = tpu.memref_slice %arg2[%add3A_30] : memref<300000xf32, #tpu.memory_space<hbm>> -> memref<9408xf32, #tpu.memory_space<hbm>>
      tpu.wait_dma2 semaphore(%run_scoped3A : memref<!tpu.dma_semaphore, #tpu.memory_space<semaphore_mem>>) src(%dma_wait3A_1049 : memref<9408xf32, #tpu.memory_space<hbm>>) dst(%dma_wait3A_1048 : memref<9408xf32, #tpu.memory_space<vmem>>)
      tpu.yield
    }) : () -> ()
    %scan3A_31 = arith.constant 0 : i32
    %scan3A_32 = arith.constant 0 : i32
    %scan3A_33 = arith.constant 196 : i32
    %scan3A_34 = arith.addi %scan3A_32, %scan3A_33 : i32
    %scan3A_35 = arith.constant 1 : i32
    %scan3A_36 = scf.for %scan3A_1038 = %scan3A_32 to %scan3A_34 step %scan3A_35 iter_args(%scan3A_1039 = %scan3A_31) -> (i32)  : i32 {
      %mul3A_1040 = arith.constant 48 : i32
      %mul3A_1041 = arith.muli %scan3A_1038, %mul3A_1040 : i32
      %get3A_1042 = arith.index_cast %mul3A_1041 : i32 to index
      %get3A_1043 = tpu.vector_load %arg17[%get3A_1042] {strides = array<i32>} : memref<9408xf32, #tpu.memory_space<vmem>>, vector<16xf32>,
      %get3A_1044 = vector.shape_cast %get3A_1043 : vector<16xf32> to vector<16xf32>
      %add3A_1045 = arith.addf %get3A_1044, %get3A_21 : vector<16xf32>
      %swap3A = arith.index_cast %mul3A_1041 : i32 to index
      %swap3A_1046 = tpu.vector_load %arg17[%swap3A] {strides = array<i32>} : memref<9408xf32, #tpu.memory_space<vmem>>, vector<16xf32>,
      %swap3A_1047 = vector.shape_cast %swap3A_1046 : vector<16xf32> to vector<16xf32>
      %swap3A_1048 = vector.shape_cast %add3A_1045 : vector<16xf32> to vector<16xf32>
      tpu.vector_store %arg17[%swap3A], %swap3A_1048 {strides = array<i32>} : memref<9408xf32, #tpu.memory_space<vmem>>, vector<16xf32>,
      %add3A_1049 = arith.constant 16 : i32
      %add3A_1050 = arith.addi %mul3A_1041, %add3A_1049 : i32
      %get3A_1051 = arith.index_cast %add3A_1050 : i32 to index
      %get3A_1052 = tpu.vector_load %arg17[%get3A_1051] {strides = array<i32>} : memref<9408xf32, #tpu.memory_space<vmem>>, vector<16xf32>,
      %get3A_1053 = vector.shape_cast %get3A_1052 : vector<16xf32> to vector<16xf32>
      %add3A_1054 = arith.addf %get3A_1053, %get3A_24 : vector<16xf32>
      %add3A_1055 = arith.constant 16 : i32
      %add3A_1056 = arith.addi %mul3A_1041, %add3A_1055 : i32
      %swap3A_1057 = arith.index_cast %add3A_1056 : i32 to index
      %swap3A_1058 = tpu.vector_load %arg17[%swap3A_1057] {strides = array<i32>} : memref<9408xf32, #tpu.memory_space<vmem>>, vector<16xf32>,
      %swap3A_1059 = vector.shape_cast %swap3A_1058 : vector<16xf32> to vector<16xf32>
      %swap3A_1060 = vector.shape_cast %add3A_1054 : vector<16xf32> to vector<16xf32>
      tpu.vector_store %arg17[%swap3A_1057], %swap3A_1060 {strides = array<i32>} : memref<9408xf32, #tpu.memory_space<vmem>>, vector<16xf32>,
      %add3A_1061 = arith.constant 32 : i32
      %add3A_1062 = arith.addi %mul3A_1041, %add3A_1061 : i32
      %get3A_1063 = arith.index_cast %add3A_1062 : i32 to index
      %get3A_1064 = tpu.vector_load %arg17[%get3A_1063] {strides = array<i32>} : memref<9408xf32, #tpu.memory_space<vmem>>, vector<16xf32>,
      %get3A_1065 = vector.shape_cast %get3A_1064 : vector<16xf32> to vector<16xf32>
      %add3A_1066 = arith.addf %get3A_1065, %get3A_27 : vector<16xf32>
      %add3A_1067 = arith.constant 32 : i32
      %add3A_1068 = arith.addi %mul3A_1041, %add3A_1067 : i32
      %swap3A_1069 = arith.index_cast %add3A_1068 : i32 to index
      %swap3A_1070 = tpu.vector_load %arg17[%swap3A_1069] {strides = array<i32>} : memref<9408xf32, #tpu.memory_space<vmem>>, vector<16xf32>,
      %swap3A_1071 = vector.shape_cast %swap3A_1070 : vector<16xf32> to vector<16xf32>
      %swap3A_1072 = vector.shape_cast %add3A_1066 : vector<16xf32> to vector<16xf32>
      tpu.vector_store %arg17[%swap3A_1069], %swap3A_1072 {strides = array<i32>} : memref<9408xf32, #tpu.memory_space<vmem>>, vector<16xf32>,
      %scan3A_1073 = arith.constant 0 : i32
      scf.yield %scan3A_1073 : i32
    }
    %scan3A_37 = arith.constant 196 : i32
    %mul3A_38 = arith.constant 3 : i32
    %mul3A_39 = arith.muli %min3A_19, %mul3A_38 : i32
    %add3A_40 = arith.constant 0 : i32
    %add3A_41 = arith.addi %mul3A_39, %add3A_40 : i32
    "tpu.region"() ({
      %run_scoped3A = tpu.sem_alloc : memref<!tpu.dma_semaphore, #tpu.memory_space<semaphore_mem>>
      %dma_start3A_1038 = arith.constant 0 : i32
      %dma_start3A_1039 = tpu.memref_slice %arg17[%dma_start3A_1038] : memref<9408xf32, #tpu.memory_space<vmem>> -> memref<9408xf32, #tpu.memory_space<vmem>>
      %dma_start3A_1040 = tpu.memref_slice %arg16[%add3A_41] : memref<300288xf32, #tpu.memory_space<vmem_shared>> -> memref<9408xf32, #tpu.memory_space<vmem_shared>>
      %dma_start3A_1041 = tpu.memref_slice %arg16[%add3A_41] : memref<300288xf32, #tpu.memory_space<vmem_shared>> -> memref<9408xf32, #tpu.memory_space<vmem_shared>>
      %dma_start3A_1042 = arith.constant 0 : i32
      %dma_start3A_1043 = tpu.memref_slice %arg17[%dma_start3A_1042] : memref<9408xf32, #tpu.memory_space<vmem>> -> memref<9408xf32, #tpu.memory_space<vmem>>
      tpu.enqueue_dma source(%dma_start3A_1043 : memref<9408xf32, #tpu.memory_space<vmem>>) target(%dma_start3A_1041 : memref<9408xf32, #tpu.memory_space<vmem_shared>>) target_semaphore(%run_scoped3A : memref<!tpu.dma_semaphore, #tpu.memory_space<semaphore_mem>>)
      %dma_wait3A_1044 = arith.constant 0 : i32
      %dma_wait3A_1045 = tpu.memref_slice %arg17[%dma_wait3A_1044] : memref<9408xf32, #tpu.memory_space<vmem>> -> memref<9408xf32, #tpu.memory_space<vmem>>
      %dma_wait3A_1046 = tpu.memref_slice %arg16[%add3A_41] : memref<300288xf32, #tpu.memory_space<vmem_shared>> -> memref<9408xf32, #tpu.memory_space<vmem_shared>>
      %dma_wait3A_1047 = tpu.memref_slice %arg16[%add3A_41] : memref<300288xf32, #tpu.memory_space<vmem_shared>> -> memref<9408xf32, #tpu.memory_space<vmem_shared>>
      %dma_wait3A_1048 = arith.constant 0 : i32
      %dma_wait3A_1049 = tpu.memref_slice %arg17[%dma_wait3A_1048] : memref<9408xf32, #tpu.memory_space<vmem>> -> memref<9408xf32, #tpu.memory_space<vmem>>
      tpu.wait_dma2 semaphore(%run_scoped3A : memref<!tpu.dma_semaphore, #tpu.memory_space<semaphore_mem>>) src(%dma_wait3A_1049 : memref<9408xf32, #tpu.memory_space<vmem>>) dst(%dma_wait3A_1047 : memref<9408xf32, #tpu.memory_space<vmem_shared>>)
      tpu.yield
    }) : () -> ()
    %eq3A = arith.constant 0 : i32
    %eq3A_42 = arith.cmpi eq, %arg0, %eq3A : i32
    %convert_element_type3A = arith.extui %eq3A_42 : i1 to i32
    %cond3A = arith.constant 0 : i32
    %cond3A_43 = arith.cmpi ne, %convert_element_type3A, %cond3A : i32
    scf.if %cond3A_43 {
      %mul3A_1038 = arith.constant 3 : i32
      %mul3A_1039 = arith.muli %min3A_19, %mul3A_1038 : i32
      %add3A_1040 = arith.constant 0 : i32
      %add3A_1041 = arith.addi %mul3A_1039, %add3A_1040 : i32
      "tpu.region"() ({
        %run_scoped3A = tpu.sem_alloc : memref<!tpu.dma_semaphore, #tpu.memory_space<semaphore_mem>>
        %dma_start3A_1042 = arith.constant 0 : i32
        %dma_start3A_1043 = tpu.memref_slice %arg17[%dma_start3A_1042] : memref<9408xf32, #tpu.memory_space<vmem>> -> memref<9408xf32, #tpu.memory_space<vmem>>
        %dma_start3A_1044 = tpu.memref_slice %arg9[%add3A_1041] : memref<300000xf32, #tpu.memory_space<hbm>> -> memref<9408xf32, #tpu.memory_space<hbm>>
        %dma_start3A_1045 = tpu.memref_slice %arg9[%add3A_1041] : memref<300000xf32, #tpu.memory_space<hbm>> -> memref<9408xf32, #tpu.memory_space<hbm>>
        %dma_start3A_1046 = arith.constant 0 : i32
        %dma_start3A_1047 = tpu.memref_slice %arg17[%dma_start3A_1046] : memref<9408xf32, #tpu.memory_space<vmem>> -> memref<9408xf32, #tpu.memory_space<vmem>>
        tpu.enqueue_dma source(%dma_start3A_1047 : memref<9408xf32, #tpu.memory_space<vmem>>) target(%dma_start3A_1045 : memref<9408xf32, #tpu.memory_space<hbm>>) target_semaphore(%run_scoped3A : memref<!tpu.dma_semaphore, #tpu.memory_space<semaphore_mem>>)
        %dma_wait3A_1048 = arith.constant 0 : i32
        %dma_wait3A_1049 = tpu.memref_slice %arg17[%dma_wait3A_1048] : memref<9408xf32, #tpu.memory_space<vmem>> -> memref<9408xf32, #tpu.memory_space<vmem>>
        %dma_wait3A_1050 = tpu.memref_slice %arg9[%add3A_1041] : memref<300000xf32, #tpu.memory_space<hbm>> -> memref<9408xf32, #tpu.memory_space<hbm>>
        %dma_wait3A_1051 = tpu.memref_slice %arg9[%add3A_1041] : memref<300000xf32, #tpu.memory_space<hbm>> -> memref<9408xf32, #tpu.memory_space<hbm>>
        %dma_wait3A_1052 = arith.constant 0 : i32
        %dma_wait3A_1053 = tpu.memref_slice %arg17[%dma_wait3A_1052] : memref<9408xf32, #tpu.memory_space<vmem>> -> memref<9408xf32, #tpu.memory_space<vmem>>
        tpu.wait_dma2 semaphore(%run_scoped3A : memref<!tpu.dma_semaphore, #tpu.memory_space<semaphore_mem>>) src(%dma_wait3A_1053 : memref<9408xf32, #tpu.memory_space<vmem>>) dst(%dma_wait3A_1051 : memref<9408xf32, #tpu.memory_space<hbm>>)
        tpu.yield
      }) : () -> ()
    } else {
    }
    %mul3A_44 = arith.constant 3 : i32
    %mul3A_45 = arith.muli %min3A_19, %mul3A_44 : i32
    %add3A_46 = arith.constant 9408 : i32
    %add3A_47 = arith.addi %mul3A_45, %add3A_46 : i32
    "tpu.region"() ({
      %run_scoped3A = tpu.sem_alloc : memref<!tpu.dma_semaphore, #tpu.memory_space<semaphore_mem>>
      %dma_start3A_1038 = arith.constant 0 : i32
      %dma_start3A_1039 = tpu.memref_slice %arg17[%dma_start3A_1038] : memref<9408xf32, #tpu.memory_space<vmem>> -> memref<9360xf32, #tpu.memory_space<vmem>>
      %dma_start3A_1040 = tpu.memref_slice %arg2[%add3A_47] : memref<300000xf32, #tpu.memory_space<hbm>> -> memref<9360xf32, #tpu.memory_space<hbm>>
      %dma_start3A_1041 = arith.constant 0 : i32
      %dma_start3A_1042 = tpu.memref_slice %arg17[%dma_start3A_1041] : memref<9408xf32, #tpu.memory_space<vmem>> -> memref<9360xf32, #tpu.memory_space<vmem>>
      %dma_start3A_1043 = tpu.memref_slice %arg2[%add3A_47] : memref<300000xf32, #tpu.memory_space<hbm>> -> memref<9360xf32, #tpu.memory_space<hbm>>
      tpu.enqueue_dma source(%dma_start3A_1043 : memref<9360xf32, #tpu.memory_space<hbm>>) target(%dma_start3A_1042 : memref<9360xf32, #tpu.memory_space<vmem>>) target_semaphore(%run_scoped3A : memref<!tpu.dma_semaphore, #tpu.memory_space<semaphore_mem>>)
      %dma_wait3A_1044 = arith.constant 0 : i32
      %dma_wait3A_1045 = tpu.memref_slice %arg17[%dma_wait3A_1044] : memref<9408xf32, #tpu.memory_space<vmem>> -> memref<9360xf32, #tpu.memory_space<vmem>>
      %dma_wait3A_1046 = tpu.memref_slice %arg2[%add3A_47] : memref<300000xf32, #tpu.memory_space<hbm>> -> memref<9360xf32, #tpu.memory_space<hbm>>
      %dma_wait3A_1047 = arith.constant 0 : i32
      %dma_wait3A_1048 = tpu.memref_slice %arg17[%dma_wait3A_1047] : memref<9408xf32, #tpu.memory_space<vmem>> -> memref<9360xf32, #tpu.memory_space<vmem>>
      %dma_wait3A_1049 = tpu.memref_slice %arg2[%add3A_47] : memref<300000xf32, #tpu.memory_space<hbm>> -> memref<9360xf32, #tpu.memory_space<hbm>>
      tpu.wait_dma2 semaphore(%run_scoped3A : memref<!tpu.dma_semaphore, #tpu.memory_space<semaphore_mem>>) src(%dma_wait3A_1049 : memref<9360xf32, #tpu.memory_space<hbm>>) dst(%dma_wait3A_1048 : memref<9360xf32, #tpu.memory_space<vmem>>)
      tpu.yield
    }) : () -> ()
    %scan3A_48 = arith.constant 0 : i32
    %scan3A_49 = arith.constant 0 : i32
    %scan3A_50 = arith.constant 195 : i32
    %scan3A_51 = arith.addi %scan3A_49, %scan3A_50 : i32
    %scan3A_52 = arith.constant 1 : i32
    %scan3A_53 = scf.for %scan3A_1038 = %scan3A_49 to %scan3A_51 step %scan3A_52 iter_args(%scan3A_1039 = %scan3A_48) -> (i32)  : i32 {
      %mul3A_1040 = arith.constant 48 : i32
      %mul3A_1041 = arith.muli %scan3A_1038, %mul3A_1040 : i32
      %get3A_1042 = arith.index_cast %mul3A_1041 : i32 to index
      %get3A_1043 = tpu.vector_load %arg17[%get3A_1042] {strides = array<i32>} : memref<9408xf32, #tpu.memory_space<vmem>>, vector<16xf32>,
      %get3A_1044 = vector.shape_cast %get3A_1043 : vector<16xf32> to vector<16xf32>
      %add3A_1045 = arith.addf %get3A_1044, %get3A_21 : vector<16xf32>
      %swap3A = arith.index_cast %mul3A_1041 : i32 to index
      %swap3A_1046 = tpu.vector_load %arg17[%swap3A] {strides = array<i32>} : memref<9408xf32, #tpu.memory_space<vmem>>, vector<16xf32>,
      %swap3A_1047 = vector.shape_cast %swap3A_1046 : vector<16xf32> to vector<16xf32>
      %swap3A_1048 = vector.shape_cast %add3A_1045 : vector<16xf32> to vector<16xf32>
      tpu.vector_store %arg17[%swap3A], %swap3A_1048 {strides = array<i32>} : memref<9408xf32, #tpu.memory_space<vmem>>, vector<16xf32>,
      %add3A_1049 = arith.constant 16 : i32
      %add3A_1050 = arith.addi %mul3A_1041, %add3A_1049 : i32
      %get3A_1051 = arith.index_cast %add3A_1050 : i32 to index
      %get3A_1052 = tpu.vector_load %arg17[%get3A_1051] {strides = array<i32>} : memref<9408xf32, #tpu.memory_space<vmem>>, vector<16xf32>,
      %get3A_1053 = vector.shape_cast %get3A_1052 : vector<16xf32> to vector<16xf32>
      %add3A_1054 = arith.addf %get3A_1053, %get3A_24 : vector<16xf32>
      %add3A_1055 = arith.constant 16 : i32
      %add3A_1056 = arith.addi %mul3A_1041, %add3A_1055 : i32
      %swap3A_1057 = arith.index_cast %add3A_1056 : i32 to index
      %swap3A_1058 = tpu.vector_load %arg17[%swap3A_1057] {strides = array<i32>} : memref<9408xf32, #tpu.memory_space<vmem>>, vector<16xf32>,
      %swap3A_1059 = vector.shape_cast %swap3A_1058 : vector<16xf32> to vector<16xf32>
      %swap3A_1060 = vector.shape_cast %add3A_1054 : vector<16xf32> to vector<16xf32>
      tpu.vector_store %arg17[%swap3A_1057], %swap3A_1060 {strides = array<i32>} : memref<9408xf32, #tpu.memory_space<vmem>>, vector<16xf32>,
      %add3A_1061 = arith.constant 32 : i32
      %add3A_1062 = arith.addi %mul3A_1041, %add3A_1061 : i32
      %get3A_1063 = arith.index_cast %add3A_1062 : i32 to index
      %get3A_1064 = tpu.vector_load %arg17[%get3A_1063] {strides = array<i32>} : memref<9408xf32, #tpu.memory_space<vmem>>, vector<16xf32>,
      %get3A_1065 = vector.shape_cast %get3A_1064 : vector<16xf32> to vector<16xf32>
      %add3A_1066 = arith.addf %get3A_1065, %get3A_27 : vector<16xf32>
      %add3A_1067 = arith.constant 32 : i32
      %add3A_1068 = arith.addi %mul3A_1041, %add3A_1067 : i32
      %swap3A_1069 = arith.index_cast %add3A_1068 : i32 to index
      %swap3A_1070 = tpu.vector_load %arg17[%swap3A_1069] {strides = array<i32>} : memref<9408xf32, #tpu.memory_space<vmem>>, vector<16xf32>,
      %swap3A_1071 = vector.shape_cast %swap3A_1070 : vector<16xf32> to vector<16xf32>
      %swap3A_1072 = vector.shape_cast %add3A_1066 : vector<16xf32> to vector<16xf32>
      tpu.vector_store %arg17[%swap3A_1069], %swap3A_1072 {strides = array<i32>} : memref<9408xf32, #tpu.memory_space<vmem>>, vector<16xf32>,
      %scan3A_1073 = arith.constant 0 : i32
      scf.yield %scan3A_1073 : i32
    }
    %scan3A_54 = arith.constant 195 : i32
    %mul3A_55 = arith.constant 3 : i32
    %mul3A_56 = arith.muli %min3A_19, %mul3A_55 : i32
    %add3A_57 = arith.constant 9408 : i32
    %add3A_58 = arith.addi %mul3A_56, %add3A_57 : i32
    "tpu.region"() ({
      %run_scoped3A = tpu.sem_alloc : memref<!tpu.dma_semaphore, #tpu.memory_space<semaphore_mem>>
      %dma_start3A_1038 = arith.constant 0 : i32
      %dma_start3A_1039 = tpu.memref_slice %arg17[%dma_start3A_1038] : memref<9408xf32, #tpu.memory_space<vmem>> -> memref<9360xf32, #tpu.memory_space<vmem>>
      %dma_start3A_1040 = tpu.memref_slice %arg16[%add3A_58] : memref<300288xf32, #tpu.memory_space<vmem_shared>> -> memref<9360xf32, #tpu.memory_space<vmem_shared>>
      %dma_start3A_1041 = tpu.memref_slice %arg16[%add3A_58] : memref<300288xf32, #tpu.memory_space<vmem_shared>> -> memref<9360xf32, #tpu.memory_space<vmem_shared>>
      %dma_start3A_1042 = arith.constant 0 : i32
      %dma_start3A_1043 = tpu.memref_slice %arg17[%dma_start3A_1042] : memref<9408xf32, #tpu.memory_space<vmem>> -> memref<9360xf32, #tpu.memory_space<vmem>>
      tpu.enqueue_dma source(%dma_start3A_1043 : memref<9360xf32, #tpu.memory_space<vmem>>) target(%dma_start3A_1041 : memref<9360xf32, #tpu.memory_space<vmem_shared>>) target_semaphore(%run_scoped3A : memref<!tpu.dma_semaphore, #tpu.memory_space<semaphore_mem>>)
      %dma_wait3A_1044 = arith.constant 0 : i32
      %dma_wait3A_1045 = tpu.memref_slice %arg17[%dma_wait3A_1044] : memref<9408xf32, #tpu.memory_space<vmem>> -> memref<9360xf32, #tpu.memory_space<vmem>>
      %dma_wait3A_1046 = tpu.memref_slice %arg16[%add3A_58] : memref<300288xf32, #tpu.memory_space<vmem_shared>> -> memref<9360xf32, #tpu.memory_space<vmem_shared>>
      %dma_wait3A_1047 = tpu.memref_slice %arg16[%add3A_58] : memref<300288xf32, #tpu.memory_space<vmem_shared>> -> memref<9360xf32, #tpu.memory_space<vmem_shared>>
      %dma_wait3A_1048 = arith.constant 0 : i32
      %dma_wait3A_1049 = tpu.memref_slice %arg17[%dma_wait3A_1048] : memref<9408xf32, #tpu.memory_space<vmem>> -> memref<9360xf32, #tpu.memory_space<vmem>>
      tpu.wait_dma2 semaphore(%run_scoped3A : memref<!tpu.dma_semaphore, #tpu.memory_space<semaphore_mem>>) src(%dma_wait3A_1049 : memref<9360xf32, #tpu.memory_space<vmem>>) dst(%dma_wait3A_1047 : memref<9360xf32, #tpu.memory_space<vmem_shared>>)
      tpu.yield
    }) : () -> ()
    %eq3A_59 = arith.constant 0 : i32
    %eq3A_60 = arith.cmpi eq, %arg0, %eq3A_59 : i32
    %convert_element_type3A_61 = arith.extui %eq3A_60 : i1 to i32
    %cond3A_62 = arith.constant 0 : i32
    %cond3A_63 = arith.cmpi ne, %convert_element_type3A_61, %cond3A_62 : i32
    scf.if %cond3A_63 {
      %mul3A_1038 = arith.constant 3 : i32
      %mul3A_1039 = arith.muli %min3A_19, %mul3A_1038 : i32
      %add3A_1040 = arith.constant 9408 : i32
      %add3A_1041 = arith.addi %mul3A_1039, %add3A_1040 : i32
      "tpu.region"() ({
        %run_scoped3A = tpu.sem_alloc : memref<!tpu.dma_semaphore, #tpu.memory_space<semaphore_mem>>
        %dma_start3A_1042 = arith.constant 0 : i32
        %dma_start3A_1043 = tpu.memref_slice %arg17[%dma_start3A_1042] : memref<9408xf32, #tpu.memory_space<vmem>> -> memref<9360xf32, #tpu.memory_space<vmem>>
        %dma_start3A_1044 = tpu.memref_slice %arg9[%add3A_1041] : memref<300000xf32, #tpu.memory_space<hbm>> -> memref<9360xf32, #tpu.memory_space<hbm>>
        %dma_start3A_1045 = tpu.memref_slice %arg9[%add3A_1041] : memref<300000xf32, #tpu.memory_space<hbm>> -> memref<9360xf32, #tpu.memory_space<hbm>>
        %dma_start3A_1046 = arith.constant 0 : i32
        %dma_start3A_1047 = tpu.memref_slice %arg17[%dma_start3A_1046] : memref<9408xf32, #tpu.memory_space<vmem>> -> memref<9360xf32, #tpu.memory_space<vmem>>
        tpu.enqueue_dma source(%dma_start3A_1047 : memref<9360xf32, #tpu.memory_space<vmem>>) target(%dma_start3A_1045 : memref<9360xf32, #tpu.memory_space<hbm>>) target_semaphore(%run_scoped3A : memref<!tpu.dma_semaphore, #tpu.memory_space<semaphore_mem>>)
        %dma_wait3A_1048 = arith.constant 0 : i32
        %dma_wait3A_1049 = tpu.memref_slice %arg17[%dma_wait3A_1048] : memref<9408xf32, #tpu.memory_space<vmem>> -> memref<9360xf32, #tpu.memory_space<vmem>>
        %dma_wait3A_1050 = tpu.memref_slice %arg9[%add3A_1041] : memref<300000xf32, #tpu.memory_space<hbm>> -> memref<9360xf32, #tpu.memory_space<hbm>>
        %dma_wait3A_1051 = tpu.memref_slice %arg9[%add3A_1041] : memref<300000xf32, #tpu.memory_space<hbm>> -> memref<9360xf32, #tpu.memory_space<hbm>>
        %dma_wait3A_1052 = arith.constant 0 : i32
        %dma_wait3A_1053 = tpu.memref_slice %arg17[%dma_wait3A_1052] : memref<9408xf32, #tpu.memory_space<vmem>> -> memref<9360xf32, #tpu.memory_space<vmem>>
        tpu.wait_dma2 semaphore(%run_scoped3A : memref<!tpu.dma_semaphore, #tpu.memory_space<semaphore_mem>>) src(%dma_wait3A_1053 : memref<9360xf32, #tpu.memory_space<vmem>>) dst(%dma_wait3A_1051 : memref<9360xf32, #tpu.memory_space<hbm>>)
        tpu.yield
      }) : () -> ()
    } else {
    }
    %barrier3A = arith.constant 0 : index
    tpu.barrier barrier_id(%barrier3A)
    %mul3A_64 = arith.constant 16 : i32
    %mul3A_65 = arith.muli %arg0, %mul3A_64 : i32
    %add3A_66 = arith.addi %mul3A_65, %arg1 : i32
    %eq3A_67 = arith.constant 31 : i32
    %eq3A_68 = arith.cmpi eq, %add3A_66, %eq3A_67 : i32
    %mul3A_69 = arith.constant 21888 : i32
    %mul3A_70 = arith.muli %add3A_66, %mul3A_69 : i32
    %add3A_71 = arith.constant 0 : i32
    %add3A_72 = arith.addi %mul3A_70, %add3A_71 : i32
    %mul3A_73 = arith.constant 21888 : i32
    %mul3A_74 = arith.muli %add3A_66, %mul3A_73 : i32
    %add3A_75 = arith.constant 2736 : i32
    %add3A_76 = arith.addi %mul3A_74, %add3A_75 : i32
    %mul3A_77 = arith.constant 21888 : i32
    %mul3A_78 = arith.muli %add3A_66, %mul3A_77 : i32
    %add3A_79 = arith.constant 5472 : i32
    %add3A_80 = arith.addi %mul3A_78, %add3A_79 : i32
    %mul3A_81 = arith.constant 21888 : i32
    %mul3A_82 = arith.muli %add3A_66, %mul3A_81 : i32
    %add3A_83 = arith.constant 8208 : i32
    %add3A_84 = arith.addi %mul3A_82, %add3A_83 : i32
    %mul3A_85 = arith.constant 21888 : i32
    %mul3A_86 = arith.muli %add3A_66, %mul3A_85 : i32
    %add3A_87 = arith.constant 10944 : i32
    %add3A_88 = arith.addi %mul3A_86, %add3A_87 : i32
    %mul3A_89 = arith.constant 21888 : i32
    %mul3A_90 = arith.muli %add3A_66, %mul3A_89 : i32
    %add3A_91 = arith.constant 13680 : i32
    %add3A_92 = arith.addi %mul3A_90, %add3A_91 : i32
    %mul3A_93 = arith.constant 21888 : i32
    %mul3A_94 = arith.muli %add3A_66, %mul3A_93 : i32
    %add3A_95 = arith.constant 16416 : i32
    %add3A_96 = arith.addi %mul3A_94, %add3A_95 : i32
    %mul3A_97 = arith.constant 21888 : i32
    %mul3A_98 = arith.muli %add3A_66, %mul3A_97 : i32
    %add3A_99 = arith.constant 19152 : i32
    %add3A_100 = arith.addi %mul3A_98, %add3A_99 : i32
    %jit3A = arith.constant 697264 : i32
    %select_n3A = arith.select %eq3A_68, %jit3A, %add3A_100 : i32
    %mul3A_101 = arith.constant 21888 : i32
    %mul3A_102 = arith.muli %add3A_66, %mul3A_101 : i32
    %add3A_103 = arith.constant 0 : i32
    %add3A_104 = arith.addi %mul3A_102, %add3A_103 : i32
    %mul3A_105 = arith.constant 21888 : i32
    %mul3A_106 = arith.muli %add3A_66, %mul3A_105 : i32
    %add3A_107 = arith.constant 2736 : i32
    %add3A_108 = arith.addi %mul3A_106, %add3A_107 : i32
    %mul3A_109 = arith.constant 21888 : i32
    %mul3A_110 = arith.muli %add3A_66, %mul3A_109 : i32
    %add3A_111 = arith.constant 5472 : i32
    %add3A_112 = arith.addi %mul3A_110, %add3A_111 : i32
    %mul3A_113 = arith.constant 21888 : i32
    %mul3A_114 = arith.muli %add3A_66, %mul3A_113 : i32
    %add3A_115 = arith.constant 8208 : i32
    %add3A_116 = arith.addi %mul3A_114, %add3A_115 : i32
    %mul3A_117 = arith.constant 21888 : i32
    %mul3A_118 = arith.muli %add3A_66, %mul3A_117 : i32
    %add3A_119 = arith.constant 10944 : i32
    %add3A_120 = arith.addi %mul3A_118, %add3A_119 : i32
    %mul3A_121 = arith.constant 21888 : i32
    %mul3A_122 = arith.muli %add3A_66, %mul3A_121 : i32
    %add3A_123 = arith.constant 13680 : i32
    %add3A_124 = arith.addi %mul3A_122, %add3A_123 : i32
    %mul3A_125 = arith.constant 21888 : i32
    %mul3A_126 = arith.muli %add3A_66, %mul3A_125 : i32
    %add3A_127 = arith.constant 16416 : i32
    %add3A_128 = arith.addi %mul3A_126, %add3A_127 : i32
    %mul3A_129 = arith.constant 21888 : i32
    %mul3A_130 = arith.muli %add3A_66, %mul3A_129 : i32
    %add3A_131 = arith.constant 19152 : i32
    %add3A_132 = arith.addi %mul3A_130, %add3A_131 : i32
    %jit3A_133 = arith.constant 697264 : i32
    %select_n3A_134 = arith.select %eq3A_68, %jit3A_133, %add3A_132 : i32
    %dma_start3A = tpu.memref_slice %arg4[%add3A_72] : memref<1400000xi32, #tpu.memory_space<hbm>> -> memref<2736xi32, #tpu.memory_space<hbm>>
    %dma_start3A_135 = tpu.memref_slice %arg4[%add3A_72] : memref<1400000xi32, #tpu.memory_space<hbm>> -> memref<2736xi32, #tpu.memory_space<hbm>>
    tpu.enqueue_dma source(%dma_start3A_135 : memref<2736xi32, #tpu.memory_space<hbm>>) target(%arg21 : memref<2736xi32, #tpu.memory_space<vmem>>) target_semaphore(%arg41 : memref<!tpu.dma_semaphore, #tpu.memory_space<semaphore_mem>>)
    %add3A_136 = arith.constant 700000 : i32
    %add3A_137 = arith.addi %add3A_136, %add3A_72 : i32
    %dma_start3A_138 = tpu.memref_slice %arg4[%add3A_137] : memref<1400000xi32, #tpu.memory_space<hbm>> -> memref<2736xi32, #tpu.memory_space<hbm>>
    %dma_start3A_139 = tpu.memref_slice %arg4[%add3A_137] : memref<1400000xi32, #tpu.memory_space<hbm>> -> memref<2736xi32, #tpu.memory_space<hbm>>
    tpu.enqueue_dma source(%dma_start3A_139 : memref<2736xi32, #tpu.memory_space<hbm>>) target(%arg20 : memref<2736xi32, #tpu.memory_space<vmem>>) target_semaphore(%arg41 : memref<!tpu.dma_semaphore, #tpu.memory_space<semaphore_mem>>)
    %dma_start3A_140 = tpu.memref_slice %arg5[%add3A_72] : memref<700000xf32, #tpu.memory_space<hbm>> -> memref<2736xf32, #tpu.memory_space<hbm>>
    %dma_start3A_141 = tpu.memref_slice %arg5[%add3A_72] : memref<700000xf32, #tpu.memory_space<hbm>> -> memref<2736xf32, #tpu.memory_space<hbm>>
    tpu.enqueue_dma source(%dma_start3A_141 : memref<2736xf32, #tpu.memory_space<hbm>>) target(%arg22 : memref<2736xf32, #tpu.memory_space<vmem>>) target_semaphore(%arg41 : memref<!tpu.dma_semaphore, #tpu.memory_space<semaphore_mem>>)
    %dma_wait3A = tpu.memref_slice %arg4[%add3A_72] : memref<1400000xi32, #tpu.memory_space<hbm>> -> memref<2736xi32, #tpu.memory_space<hbm>>
    %dma_wait3A_142 = tpu.memref_slice %arg4[%add3A_72] : memref<1400000xi32, #tpu.memory_space<hbm>> -> memref<2736xi32, #tpu.memory_space<hbm>>
    tpu.wait_dma2 semaphore(%arg41 : memref<!tpu.dma_semaphore, #tpu.memory_space<semaphore_mem>>) src(%dma_wait3A_142 : memref<2736xi32, #tpu.memory_space<hbm>>) dst(%arg21 : memref<2736xi32, #tpu.memory_space<vmem>>)
    %dma_wait3A_143 = tpu.memref_slice %arg4[%add3A_137] : memref<1400000xi32, #tpu.memory_space<hbm>> -> memref<2736xi32, #tpu.memory_space<hbm>>
    %dma_wait3A_144 = tpu.memref_slice %arg4[%add3A_137] : memref<1400000xi32, #tpu.memory_space<hbm>> -> memref<2736xi32, #tpu.memory_space<hbm>>
    tpu.wait_dma2 semaphore(%arg41 : memref<!tpu.dma_semaphore, #tpu.memory_space<semaphore_mem>>) src(%dma_wait3A_144 : memref<2736xi32, #tpu.memory_space<hbm>>) dst(%arg20 : memref<2736xi32, #tpu.memory_space<vmem>>)
    %dma_wait3A_145 = tpu.memref_slice %arg5[%add3A_72] : memref<700000xf32, #tpu.memory_space<hbm>> -> memref<2736xf32, #tpu.memory_space<hbm>>
    %dma_wait3A_146 = tpu.memref_slice %arg5[%add3A_72] : memref<700000xf32, #tpu.memory_space<hbm>> -> memref<2736xf32, #tpu.memory_space<hbm>>
    tpu.wait_dma2 semaphore(%arg41 : memref<!tpu.dma_semaphore, #tpu.memory_space<semaphore_mem>>) src(%dma_wait3A_146 : memref<2736xf32, #tpu.memory_space<hbm>>) dst(%arg22 : memref<2736xf32, #tpu.memory_space<vmem>>)
    %scan3A_147 = arith.constant 0 : i32
    %scan3A_148 = arith.constant 0 : i32
    %scan3A_149 = arith.constant 171 : i32
    %scan3A_150 = arith.addi %scan3A_148, %scan3A_149 : i32
    %scan3A_151 = arith.constant 1 : i32
    %scan3A_152 = scf.for %scan3A_1038 = %scan3A_148 to %scan3A_150 step %scan3A_151 iter_args(%scan3A_1039 = %scan3A_147) -> (i32)  : i32 {
      %mul3A_1040 = arith.constant 16 : i32
      %mul3A_1041 = arith.muli %scan3A_1038, %mul3A_1040 : i32
      %get3A_1042 = arith.index_cast %mul3A_1041 : i32 to index
      %get3A_1043 = tpu.vector_load %arg20[%get3A_1042] {strides = array<i32>} : memref<2736xi32, #tpu.memory_space<vmem>>, vector<16xi32>,
      %get3A_1044 = vector.shape_cast %get3A_1043 : vector<16xi32> to vector<16xi32>
      %mul3A_1045 = arith.constant 3 : i32
      %mul3A_1046 = vector.broadcast %mul3A_1045 : i32 to vector<16xi32>
      %mul3A_1047 = arith.muli %get3A_1044, %mul3A_1046 : vector<16xi32>
      %swap3A = arith.index_cast %mul3A_1041 : i32 to index
      %swap3A_1048 = tpu.vector_load %arg26[%swap3A] {strides = array<i32>} : memref<2736xi32, #tpu.memory_space<vmem>>, vector<16xi32>,
      %swap3A_1049 = vector.shape_cast %swap3A_1048 : vector<16xi32> to vector<16xi32>
      %swap3A_1050 = vector.shape_cast %mul3A_1047 : vector<16xi32> to vector<16xi32>
      tpu.vector_store %arg26[%swap3A], %swap3A_1050 {strides = array<i32>} : memref<2736xi32, #tpu.memory_space<vmem>>, vector<16xi32>,
      %add3A_1051 = arith.constant 1 : i32
      %add3A_1052 = vector.broadcast %add3A_1051 : i32 to vector<16xi32>
      %add3A_1053 = arith.addi %mul3A_1047, %add3A_1052 : vector<16xi32>
      %swap3A_1054 = arith.index_cast %mul3A_1041 : i32 to index
      %swap3A_1055 = tpu.vector_load %arg27[%swap3A_1054] {strides = array<i32>} : memref<2736xi32, #tpu.memory_space<vmem>>, vector<16xi32>,
      %swap3A_1056 = vector.shape_cast %swap3A_1055 : vector<16xi32> to vector<16xi32>
      %swap3A_1057 = vector.shape_cast %add3A_1053 : vector<16xi32> to vector<16xi32>
      tpu.vector_store %arg27[%swap3A_1054], %swap3A_1057 {strides = array<i32>} : memref<2736xi32, #tpu.memory_space<vmem>>, vector<16xi32>,
      %add3A_1058 = arith.constant 2 : i32
      %add3A_1059 = vector.broadcast %add3A_1058 : i32 to vector<16xi32>
      %add3A_1060 = arith.addi %mul3A_1047, %add3A_1059 : vector<16xi32>
      %swap3A_1061 = arith.index_cast %mul3A_1041 : i32 to index
      %swap3A_1062 = tpu.vector_load %arg28[%swap3A_1061] {strides = array<i32>} : memref<2736xi32, #tpu.memory_space<vmem>>, vector<16xi32>,
      %swap3A_1063 = vector.shape_cast %swap3A_1062 : vector<16xi32> to vector<16xi32>
      %swap3A_1064 = vector.shape_cast %add3A_1060 : vector<16xi32> to vector<16xi32>
      tpu.vector_store %arg28[%swap3A_1061], %swap3A_1064 {strides = array<i32>} : memref<2736xi32, #tpu.memory_space<vmem>>, vector<16xi32>,
      %scan3A_1065 = arith.constant 0 : i32
      scf.yield %scan3A_1065 : i32
    }
    %scan3A_153 = arith.constant 171 : i32
    %dma_start3A_154 = arith.constant 0 : i32
    %dma_start3A_155 = tpu.memref_slice %arg16[%dma_start3A_154] : memref<300288xf32, #tpu.memory_space<vmem_shared>> -> memref<300288xf32, #tpu.memory_space<vmem_shared>>
    tpu.enqueue_indirect_dma source(%dma_start3A_155 : memref<300288xf32, #tpu.memory_space<vmem_shared>>) target(%arg32 : memref<2736xf32, #tpu.memory_space<vmem>>) offsets(%arg26 : memref<2736xi32, #tpu.memory_space<vmem>>) semaphore(%arg38 : memref<!tpu.dma_semaphore, #tpu.memory_space<semaphore_mem>>)
    %dma_start3A_156 = arith.constant 0 : i32
    %dma_start3A_157 = tpu.memref_slice %arg16[%dma_start3A_156] : memref<300288xf32, #tpu.memory_space<vmem_shared>> -> memref<300288xf32, #tpu.memory_space<vmem_shared>>
    tpu.enqueue_indirect_dma source(%dma_start3A_157 : memref<300288xf32, #tpu.memory_space<vmem_shared>>) target(%arg33 : memref<2736xf32, #tpu.memory_space<vmem>>) offsets(%arg27 : memref<2736xi32, #tpu.memory_space<vmem>>) semaphore(%arg39 : memref<!tpu.dma_semaphore, #tpu.memory_space<semaphore_mem>>)
    %dma_start3A_158 = arith.constant 0 : i32
    %dma_start3A_159 = tpu.memref_slice %arg16[%dma_start3A_158] : memref<300288xf32, #tpu.memory_space<vmem_shared>> -> memref<300288xf32, #tpu.memory_space<vmem_shared>>
    tpu.enqueue_indirect_dma source(%dma_start3A_159 : memref<300288xf32, #tpu.memory_space<vmem_shared>>) target(%arg34 : memref<2736xf32, #tpu.memory_space<vmem>>) offsets(%arg28 : memref<2736xi32, #tpu.memory_space<vmem>>) semaphore(%arg40 : memref<!tpu.dma_semaphore, #tpu.memory_space<semaphore_mem>>)
    %dma_start3A_160 = tpu.memref_slice %arg4[%add3A_76] : memref<1400000xi32, #tpu.memory_space<hbm>> -> memref<2736xi32, #tpu.memory_space<hbm>>
    %dma_start3A_161 = tpu.memref_slice %arg4[%add3A_76] : memref<1400000xi32, #tpu.memory_space<hbm>> -> memref<2736xi32, #tpu.memory_space<hbm>>
    tpu.enqueue_dma source(%dma_start3A_161 : memref<2736xi32, #tpu.memory_space<hbm>>) target(%arg24 : memref<2736xi32, #tpu.memory_space<vmem>>) target_semaphore(%arg42 : memref<!tpu.dma_semaphore, #tpu.memory_space<semaphore_mem>>)
    %add3A_162 = arith.constant 700000 : i32
    %add3A_163 = arith.addi %add3A_162, %add3A_76 : i32
    %dma_start3A_164 = tpu.memref_slice %arg4[%add3A_163] : memref<1400000xi32, #tpu.memory_space<hbm>> -> memref<2736xi32, #tpu.memory_space<hbm>>
    %dma_start3A_165 = tpu.memref_slice %arg4[%add3A_163] : memref<1400000xi32, #tpu.memory_space<hbm>> -> memref<2736xi32, #tpu.memory_space<hbm>>
    tpu.enqueue_dma source(%dma_start3A_165 : memref<2736xi32, #tpu.memory_space<hbm>>) target(%arg23 : memref<2736xi32, #tpu.memory_space<vmem>>) target_semaphore(%arg42 : memref<!tpu.dma_semaphore, #tpu.memory_space<semaphore_mem>>)
    %dma_start3A_166 = tpu.memref_slice %arg5[%add3A_76] : memref<700000xf32, #tpu.memory_space<hbm>> -> memref<2736xf32, #tpu.memory_space<hbm>>
    %dma_start3A_167 = tpu.memref_slice %arg5[%add3A_76] : memref<700000xf32, #tpu.memory_space<hbm>> -> memref<2736xf32, #tpu.memory_space<hbm>>
    tpu.enqueue_dma source(%dma_start3A_167 : memref<2736xf32, #tpu.memory_space<hbm>>) target(%arg25 : memref<2736xf32, #tpu.memory_space<vmem>>) target_semaphore(%arg42 : memref<!tpu.dma_semaphore, #tpu.memory_space<semaphore_mem>>)
    %dma_wait3A_168 = arith.constant 0 : i32
    %dma_wait3A_169 = tpu.memref_slice %arg16[%dma_wait3A_168] : memref<300288xf32, #tpu.memory_space<vmem_shared>> -> memref<300288xf32, #tpu.memory_space<vmem_shared>>
    tpu.wait_indirect_dma semaphore(%arg38 : memref<!tpu.dma_semaphore, #tpu.memory_space<semaphore_mem>>) src(%dma_wait3A_169 : memref<300288xf32, #tpu.memory_space<vmem_shared>>) dst(%arg32 : memref<2736xf32, #tpu.memory_space<vmem>>)
    %dma_wait3A_170 = arith.constant 0 : i32
    %dma_wait3A_171 = tpu.memref_slice %arg16[%dma_wait3A_170] : memref<300288xf32, #tpu.memory_space<vmem_shared>> -> memref<300288xf32, #tpu.memory_space<vmem_shared>>
    tpu.wait_indirect_dma semaphore(%arg39 : memref<!tpu.dma_semaphore, #tpu.memory_space<semaphore_mem>>) src(%dma_wait3A_171 : memref<300288xf32, #tpu.memory_space<vmem_shared>>) dst(%arg33 : memref<2736xf32, #tpu.memory_space<vmem>>)
    %dma_wait3A_172 = arith.constant 0 : i32
    %dma_wait3A_173 = tpu.memref_slice %arg16[%dma_wait3A_172] : memref<300288xf32, #tpu.memory_space<vmem_shared>> -> memref<300288xf32, #tpu.memory_space<vmem_shared>>
    tpu.wait_indirect_dma semaphore(%arg40 : memref<!tpu.dma_semaphore, #tpu.memory_space<semaphore_mem>>) src(%dma_wait3A_173 : memref<300288xf32, #tpu.memory_space<vmem_shared>>) dst(%arg34 : memref<2736xf32, #tpu.memory_space<vmem>>)
    %scan3A_174 = arith.constant 0 : i32
    %scan3A_175 = arith.constant 0 : i32
    %scan3A_176 = arith.constant 171 : i32
    %scan3A_177 = arith.addi %scan3A_175, %scan3A_176 : i32
    %scan3A_178 = arith.constant 1 : i32
    %scan3A_179 = scf.for %scan3A_1038 = %scan3A_175 to %scan3A_177 step %scan3A_178 iter_args(%scan3A_1039 = %scan3A_174) -> (i32)  : i32 {
      %mul3A_1040 = arith.constant 16 : i32
      %mul3A_1041 = arith.muli %scan3A_1038, %mul3A_1040 : i32
      %get3A_1042 = arith.index_cast %mul3A_1041 : i32 to index
      %get3A_1043 = tpu.vector_load %arg22[%get3A_1042] {strides = array<i32>} : memref<2736xf32, #tpu.memory_space<vmem>>, vector<16xf32>,
      %get3A_1044 = vector.shape_cast %get3A_1043 : vector<16xf32> to vector<16xf32>
      %get3A_1045 = arith.index_cast %mul3A_1041 : i32 to index
      %get3A_1046 = tpu.vector_load %arg32[%get3A_1045] {strides = array<i32>} : memref<2736xf32, #tpu.memory_space<vmem>>, vector<16xf32>,
      %get3A_1047 = vector.shape_cast %get3A_1046 : vector<16xf32> to vector<16xf32>
      %mul3A_1048 = arith.mulf %get3A_1047, %get3A_1044 : vector<16xf32>
      %swap3A = arith.index_cast %mul3A_1041 : i32 to index
      %swap3A_1049 = tpu.vector_load %arg32[%swap3A] {strides = array<i32>} : memref<2736xf32, #tpu.memory_space<vmem>>, vector<16xf32>,
      %swap3A_1050 = vector.shape_cast %swap3A_1049 : vector<16xf32> to vector<16xf32>
      %swap3A_1051 = vector.shape_cast %mul3A_1048 : vector<16xf32> to vector<16xf32>
      tpu.vector_store %arg32[%swap3A], %swap3A_1051 {strides = array<i32>} : memref<2736xf32, #tpu.memory_space<vmem>>, vector<16xf32>,
      %get3A_1052 = arith.index_cast %mul3A_1041 : i32 to index
      %get3A_1053 = tpu.vector_load %arg33[%get3A_1052] {strides = array<i32>} : memref<2736xf32, #tpu.memory_space<vmem>>, vector<16xf32>,
      %get3A_1054 = vector.shape_cast %get3A_1053 : vector<16xf32> to vector<16xf32>
      %mul3A_1055 = arith.mulf %get3A_1054, %get3A_1044 : vector<16xf32>
      %swap3A_1056 = arith.index_cast %mul3A_1041 : i32 to index
      %swap3A_1057 = tpu.vector_load %arg33[%swap3A_1056] {strides = array<i32>} : memref<2736xf32, #tpu.memory_space<vmem>>, vector<16xf32>,
      %swap3A_1058 = vector.shape_cast %swap3A_1057 : vector<16xf32> to vector<16xf32>
      %swap3A_1059 = vector.shape_cast %mul3A_1055 : vector<16xf32> to vector<16xf32>
      tpu.vector_store %arg33[%swap3A_1056], %swap3A_1059 {strides = array<i32>} : memref<2736xf32, #tpu.memory_space<vmem>>, vector<16xf32>,
      %get3A_1060 = arith.index_cast %mul3A_1041 : i32 to index
      %get3A_1061 = tpu.vector_load %arg34[%get3A_1060] {strides = array<i32>} : memref<2736xf32, #tpu.memory_space<vmem>>, vector<16xf32>,
      %get3A_1062 = vector.shape_cast %get3A_1061 : vector<16xf32> to vector<16xf32>
      %mul3A_1063 = arith.mulf %get3A_1062, %get3A_1044 : vector<16xf32>
      %swap3A_1064 = arith.index_cast %mul3A_1041 : i32 to index
      %swap3A_1065 = tpu.vector_load %arg34[%swap3A_1064] {strides = array<i32>} : memref<2736xf32, #tpu.memory_space<vmem>>, vector<16xf32>,
      %swap3A_1066 = vector.shape_cast %swap3A_1065 : vector<16xf32> to vector<16xf32>
      %swap3A_1067 = vector.shape_cast %mul3A_1063 : vector<16xf32> to vector<16xf32>
      tpu.vector_store %arg34[%swap3A_1064], %swap3A_1067 {strides = array<i32>} : memref<2736xf32, #tpu.memory_space<vmem>>, vector<16xf32>,
      %scan3A_1068 = arith.constant 0 : i32
      scf.yield %scan3A_1068 : i32
    }
    %scan3A_180 = arith.constant 171 : i32
    %dma_start3A_181 = arith.constant 0 : i32
    %dma_start3A_182 = tpu.memref_slice %arg10[%dma_start3A_181] : memref<100096xf32, #tpu.memory_space<vmem_shared>> -> memref<100096xf32, #tpu.memory_space<vmem_shared>>
    tpu.enqueue_indirect_dma source(%arg32 : memref<2736xf32, #tpu.memory_space<vmem>>) target(%dma_start3A_182 : memref<100096xf32, #tpu.memory_space<vmem_shared>>) offsets(%arg21 : memref<2736xi32, #tpu.memory_space<vmem>>) semaphore(%arg43 : memref<!tpu.dma_semaphore, #tpu.memory_space<semaphore_mem>>) {add = true}
    %dma_start3A_183 = arith.constant 0 : i32
    %dma_start3A_184 = tpu.memref_slice %arg11[%dma_start3A_183] : memref<100096xf32, #tpu.memory_space<vmem_shared>> -> memref<100096xf32, #tpu.memory_space<vmem_shared>>
    tpu.enqueue_indirect_dma source(%arg33 : memref<2736xf32, #tpu.memory_space<vmem>>) target(%dma_start3A_184 : memref<100096xf32, #tpu.memory_space<vmem_shared>>) offsets(%arg21 : memref<2736xi32, #tpu.memory_space<vmem>>) semaphore(%arg43 : memref<!tpu.dma_semaphore, #tpu.memory_space<semaphore_mem>>) {add = true}
    %dma_start3A_185 = arith.constant 0 : i32
    %dma_start3A_186 = tpu.memref_slice %arg12[%dma_start3A_185] : memref<100096xf32, #tpu.memory_space<vmem_shared>> -> memref<100096xf32, #tpu.memory_space<vmem_shared>>
    tpu.enqueue_indirect_dma source(%arg34 : memref<2736xf32, #tpu.memory_space<vmem>>) target(%dma_start3A_186 : memref<100096xf32, #tpu.memory_space<vmem_shared>>) offsets(%arg21 : memref<2736xi32, #tpu.memory_space<vmem>>) semaphore(%arg43 : memref<!tpu.dma_semaphore, #tpu.memory_space<semaphore_mem>>) {add = true}
    %dma_wait3A_187 = tpu.memref_slice %arg4[%add3A_76] : memref<1400000xi32, #tpu.memory_space<hbm>> -> memref<2736xi32, #tpu.memory_space<hbm>>
    %dma_wait3A_188 = tpu.memref_slice %arg4[%add3A_76] : memref<1400000xi32, #tpu.memory_space<hbm>> -> memref<2736xi32, #tpu.memory_space<hbm>>
    tpu.wait_dma2 semaphore(%arg42 : memref<!tpu.dma_semaphore, #tpu.memory_space<semaphore_mem>>) src(%dma_wait3A_188 : memref<2736xi32, #tpu.memory_space<hbm>>) dst(%arg24 : memref<2736xi32, #tpu.memory_space<vmem>>)
    %dma_wait3A_189 = tpu.memref_slice %arg4[%add3A_163] : memref<1400000xi32, #tpu.memory_space<hbm>> -> memref<2736xi32, #tpu.memory_space<hbm>>
    %dma_wait3A_190 = tpu.memref_slice %arg4[%add3A_163] : memref<1400000xi32, #tpu.memory_space<hbm>> -> memref<2736xi32, #tpu.memory_space<hbm>>
    tpu.wait_dma2 semaphore(%arg42 : memref<!tpu.dma_semaphore, #tpu.memory_space<semaphore_mem>>) src(%dma_wait3A_190 : memref<2736xi32, #tpu.memory_space<hbm>>) dst(%arg23 : memref<2736xi32, #tpu.memory_space<vmem>>)
    %dma_wait3A_191 = tpu.memref_slice %arg5[%add3A_76] : memref<700000xf32, #tpu.memory_space<hbm>> -> memref<2736xf32, #tpu.memory_space<hbm>>
    %dma_wait3A_192 = tpu.memref_slice %arg5[%add3A_76] : memref<700000xf32, #tpu.memory_space<hbm>> -> memref<2736xf32, #tpu.memory_space<hbm>>
    tpu.wait_dma2 semaphore(%arg42 : memref<!tpu.dma_semaphore, #tpu.memory_space<semaphore_mem>>) src(%dma_wait3A_192 : memref<2736xf32, #tpu.memory_space<hbm>>) dst(%arg25 : memref<2736xf32, #tpu.memory_space<vmem>>)
    %scan3A_193 = arith.constant 0 : i32
    %scan3A_194 = arith.constant 0 : i32
    %scan3A_195 = arith.constant 171 : i32
    %scan3A_196 = arith.addi %scan3A_194, %scan3A_195 : i32
    %scan3A_197 = arith.constant 1 : i32
    %scan3A_198 = scf.for %scan3A_1038 = %scan3A_194 to %scan3A_196 step %scan3A_197 iter_args(%scan3A_1039 = %scan3A_193) -> (i32)  : i32 {
      %mul3A_1040 = arith.constant 16 : i32
      %mul3A_1041 = arith.muli %scan3A_1038, %mul3A_1040 : i32
      %get3A_1042 = arith.index_cast %mul3A_1041 : i32 to index
      %get3A_1043 = tpu.vector_load %arg23[%get3A_1042] {strides = array<i32>} : memref<2736xi32, #tpu.memory_space<vmem>>, vector<16xi32>,
      %get3A_1044 = vector.shape_cast %get3A_1043 : vector<16xi32> to vector<16xi32>
      %mul3A_1045 = arith.constant 3 : i32
      %mul3A_1046 = vector.broadcast %mul3A_1045 : i32 to vector<16xi32>
      %mul3A_1047 = arith.muli %get3A_1044, %mul3A_1046 : vector<16xi32>
      %swap3A = arith.index_cast %mul3A_1041 : i32 to index
      %swap3A_1048 = tpu.vector_load %arg29[%swap3A] {strides = array<i32>} : memref<2736xi32, #tpu.memory_space<vmem>>, vector<16xi32>,
      %swap3A_1049 = vector.shape_cast %swap3A_1048 : vector<16xi32> to vector<16xi32>
      %swap3A_1050 = vector.shape_cast %mul3A_1047 : vector<16xi32> to vector<16xi32>
      tpu.vector_store %arg29[%swap3A], %swap3A_1050 {strides = array<i32>} : memref<2736xi32, #tpu.memory_space<vmem>>, vector<16xi32>,
      %add3A_1051 = arith.constant 1 : i32
      %add3A_1052 = vector.broadcast %add3A_1051 : i32 to vector<16xi32>
      %add3A_1053 = arith.addi %mul3A_1047, %add3A_1052 : vector<16xi32>
      %swap3A_1054 = arith.index_cast %mul3A_1041 : i32 to index
      %swap3A_1055 = tpu.vector_load %arg30[%swap3A_1054] {strides = array<i32>} : memref<2736xi32, #tpu.memory_space<vmem>>, vector<16xi32>,
      %swap3A_1056 = vector.shape_cast %swap3A_1055 : vector<16xi32> to vector<16xi32>
      %swap3A_1057 = vector.shape_cast %add3A_1053 : vector<16xi32> to vector<16xi32>
      tpu.vector_store %arg30[%swap3A_1054], %swap3A_1057 {strides = array<i32>} : memref<2736xi32, #tpu.memory_space<vmem>>, vector<16xi32>,
      %add3A_1058 = arith.constant 2 : i32
      %add3A_1059 = vector.broadcast %add3A_1058 : i32 to vector<16xi32>
      %add3A_1060 = arith.addi %mul3A_1047, %add3A_1059 : vector<16xi32>
      %swap3A_1061 = arith.index_cast %mul3A_1041 : i32 to index
      %swap3A_1062 = tpu.vector_load %arg31[%swap3A_1061] {strides = array<i32>} : memref<2736xi32, #tpu.memory_space<vmem>>, vector<16xi32>,
      %swap3A_1063 = vector.shape_cast %swap3A_1062 : vector<16xi32> to vector<16xi32>
      %swap3A_1064 = vector.shape_cast %add3A_1060 : vector<16xi32> to vector<16xi32>
      tpu.vector_store %arg31[%swap3A_1061], %swap3A_1064 {strides = array<i32>} : memref<2736xi32, #tpu.memory_space<vmem>>, vector<16xi32>,
      %scan3A_1065 = arith.constant 0 : i32
      scf.yield %scan3A_1065 : i32
    }
    %scan3A_199 = arith.constant 171 : i32
    %dma_start3A_200 = arith.constant 0 : i32
    %dma_start3A_201 = tpu.memref_slice %arg16[%dma_start3A_200] : memref<300288xf32, #tpu.memory_space<vmem_shared>> -> memref<300288xf32, #tpu.memory_space<vmem_shared>>
    tpu.enqueue_indirect_dma source(%dma_start3A_201 : memref<300288xf32, #tpu.memory_space<vmem_shared>>) target(%arg35 : memref<2736xf32, #tpu.memory_space<vmem>>) offsets(%arg29 : memref<2736xi32, #tpu.memory_space<vmem>>) semaphore(%arg38 : memref<!tpu.dma_semaphore, #tpu.memory_space<semaphore_mem>>)
    %dma_start3A_202 = arith.constant 0 : i32
    %dma_start3A_203 = tpu.memref_slice %arg16[%dma_start3A_202] : memref<300288xf32, #tpu.memory_space<vmem_shared>> -> memref<300288xf32, #tpu.memory_space<vmem_shared>>
    tpu.enqueue_indirect_dma source(%dma_start3A_203 : memref<300288xf32, #tpu.memory_space<vmem_shared>>) target(%arg36 : memref<2736xf32, #tpu.memory_space<vmem>>) offsets(%arg30 : memref<2736xi32, #tpu.memory_space<vmem>>) semaphore(%arg39 : memref<!tpu.dma_semaphore, #tpu.memory_space<semaphore_mem>>)
    %dma_start3A_204 = arith.constant 0 : i32
    %dma_start3A_205 = tpu.memref_slice %arg16[%dma_start3A_204] : memref<300288xf32, #tpu.memory_space<vmem_shared>> -> memref<300288xf32, #tpu.memory_space<vmem_shared>>
    tpu.enqueue_indirect_dma source(%dma_start3A_205 : memref<300288xf32, #tpu.memory_space<vmem_shared>>) target(%arg37 : memref<2736xf32, #tpu.memory_space<vmem>>) offsets(%arg31 : memref<2736xi32, #tpu.memory_space<vmem>>) semaphore(%arg40 : memref<!tpu.dma_semaphore, #tpu.memory_space<semaphore_mem>>)
    %dma_wait3A_206 = arith.constant 0 : i32
    %dma_wait3A_207 = tpu.memref_slice %arg10[%dma_wait3A_206] : memref<100096xf32, #tpu.memory_space<vmem_shared>> -> memref<100096xf32, #tpu.memory_space<vmem_shared>>
    tpu.wait_indirect_dma semaphore(%arg43 : memref<!tpu.dma_semaphore, #tpu.memory_space<semaphore_mem>>) src(%arg32 : memref<2736xf32, #tpu.memory_space<vmem>>) dst(%dma_wait3A_207 : memref<100096xf32, #tpu.memory_space<vmem_shared>>)
    %dma_wait3A_208 = arith.constant 0 : i32
    %dma_wait3A_209 = tpu.memref_slice %arg11[%dma_wait3A_208] : memref<100096xf32, #tpu.memory_space<vmem_shared>> -> memref<100096xf32, #tpu.memory_space<vmem_shared>>
    tpu.wait_indirect_dma semaphore(%arg43 : memref<!tpu.dma_semaphore, #tpu.memory_space<semaphore_mem>>) src(%arg33 : memref<2736xf32, #tpu.memory_space<vmem>>) dst(%dma_wait3A_209 : memref<100096xf32, #tpu.memory_space<vmem_shared>>)
    %dma_wait3A_210 = arith.constant 0 : i32
    %dma_wait3A_211 = tpu.memref_slice %arg12[%dma_wait3A_210] : memref<100096xf32, #tpu.memory_space<vmem_shared>> -> memref<100096xf32, #tpu.memory_space<vmem_shared>>
    tpu.wait_indirect_dma semaphore(%arg43 : memref<!tpu.dma_semaphore, #tpu.memory_space<semaphore_mem>>) src(%arg34 : memref<2736xf32, #tpu.memory_space<vmem>>) dst(%dma_wait3A_211 : memref<100096xf32, #tpu.memory_space<vmem_shared>>)
    %dma_start3A_212 = tpu.memref_slice %arg4[%add3A_80] : memref<1400000xi32, #tpu.memory_space<hbm>> -> memref<2736xi32, #tpu.memory_space<hbm>>
    %dma_start3A_213 = tpu.memref_slice %arg4[%add3A_80] : memref<1400000xi32, #tpu.memory_space<hbm>> -> memref<2736xi32, #tpu.memory_space<hbm>>
    tpu.enqueue_dma source(%dma_start3A_213 : memref<2736xi32, #tpu.memory_space<hbm>>) target(%arg21 : memref<2736xi32, #tpu.memory_space<vmem>>) target_semaphore(%arg41 : memref<!tpu.dma_semaphore, #tpu.memory_space<semaphore_mem>>)
    %add3A_214 = arith.constant 700000 : i32
    %add3A_215 = arith.addi %add3A_214, %add3A_80 : i32
    %dma_start3A_216 = tpu.memref_slice %arg4[%add3A_215] : memref<1400000xi32, #tpu.memory_space<hbm>> -> memref<2736xi32, #tpu.memory_space<hbm>>
    %dma_start3A_217 = tpu.memref_slice %arg4[%add3A_215] : memref<1400000xi32, #tpu.memory_space<hbm>> -> memref<2736xi32, #tpu.memory_space<hbm>>
    tpu.enqueue_dma source(%dma_start3A_217 : memref<2736xi32, #tpu.memory_space<hbm>>) target(%arg20 : memref<2736xi32, #tpu.memory_space<vmem>>) target_semaphore(%arg41 : memref<!tpu.dma_semaphore, #tpu.memory_space<semaphore_mem>>)
    %dma_start3A_218 = tpu.memref_slice %arg5[%add3A_80] : memref<700000xf32, #tpu.memory_space<hbm>> -> memref<2736xf32, #tpu.memory_space<hbm>>
    %dma_start3A_219 = tpu.memref_slice %arg5[%add3A_80] : memref<700000xf32, #tpu.memory_space<hbm>> -> memref<2736xf32, #tpu.memory_space<hbm>>
    tpu.enqueue_dma source(%dma_start3A_219 : memref<2736xf32, #tpu.memory_space<hbm>>) target(%arg22 : memref<2736xf32, #tpu.memory_space<vmem>>) target_semaphore(%arg41 : memref<!tpu.dma_semaphore, #tpu.memory_space<semaphore_mem>>)
    %dma_wait3A_220 = arith.constant 0 : i32
    %dma_wait3A_221 = tpu.memref_slice %arg16[%dma_wait3A_220] : memref<300288xf32, #tpu.memory_space<vmem_shared>> -> memref<300288xf32, #tpu.memory_space<vmem_shared>>
    tpu.wait_indirect_dma semaphore(%arg38 : memref<!tpu.dma_semaphore, #tpu.memory_space<semaphore_mem>>) src(%dma_wait3A_221 : memref<300288xf32, #tpu.memory_space<vmem_shared>>) dst(%arg35 : memref<2736xf32, #tpu.memory_space<vmem>>)
    %dma_wait3A_222 = arith.constant 0 : i32
    %dma_wait3A_223 = tpu.memref_slice %arg16[%dma_wait3A_222] : memref<300288xf32, #tpu.memory_space<vmem_shared>> -> memref<300288xf32, #tpu.memory_space<vmem_shared>>
    tpu.wait_indirect_dma semaphore(%arg39 : memref<!tpu.dma_semaphore, #tpu.memory_space<semaphore_mem>>) src(%dma_wait3A_223 : memref<300288xf32, #tpu.memory_space<vmem_shared>>) dst(%arg36 : memref<2736xf32, #tpu.memory_space<vmem>>)
    %dma_wait3A_224 = arith.constant 0 : i32
    %dma_wait3A_225 = tpu.memref_slice %arg16[%dma_wait3A_224] : memref<300288xf32, #tpu.memory_space<vmem_shared>> -> memref<300288xf32, #tpu.memory_space<vmem_shared>>
    tpu.wait_indirect_dma semaphore(%arg40 : memref<!tpu.dma_semaphore, #tpu.memory_space<semaphore_mem>>) src(%dma_wait3A_225 : memref<300288xf32, #tpu.memory_space<vmem_shared>>) dst(%arg37 : memref<2736xf32, #tpu.memory_space<vmem>>)
    %scan3A_226 = arith.constant 0 : i32
    %scan3A_227 = arith.constant 0 : i32
    %scan3A_228 = arith.constant 171 : i32
    %scan3A_229 = arith.addi %scan3A_227, %scan3A_228 : i32
    %scan3A_230 = arith.constant 1 : i32
    %scan3A_231 = scf.for %scan3A_1038 = %scan3A_227 to %scan3A_229 step %scan3A_230 iter_args(%scan3A_1039 = %scan3A_226) -> (i32)  : i32 {
      %mul3A_1040 = arith.constant 16 : i32
      %mul3A_1041 = arith.muli %scan3A_1038, %mul3A_1040 : i32
      %get3A_1042 = arith.index_cast %mul3A_1041 : i32 to index
      %get3A_1043 = tpu.vector_load %arg25[%get3A_1042] {strides = array<i32>} : memref<2736xf32, #tpu.memory_space<vmem>>, vector<16xf32>,
      %get3A_1044 = vector.shape_cast %get3A_1043 : vector<16xf32> to vector<16xf32>
      %get3A_1045 = arith.index_cast %mul3A_1041 : i32 to index
      %get3A_1046 = tpu.vector_load %arg35[%get3A_1045] {strides = array<i32>} : memref<2736xf32, #tpu.memory_space<vmem>>, vector<16xf32>,
      %get3A_1047 = vector.shape_cast %get3A_1046 : vector<16xf32> to vector<16xf32>
      %mul3A_1048 = arith.mulf %get3A_1047, %get3A_1044 : vector<16xf32>
      %swap3A = arith.index_cast %mul3A_1041 : i32 to index
      %swap3A_1049 = tpu.vector_load %arg35[%swap3A] {strides = array<i32>} : memref<2736xf32, #tpu.memory_space<vmem>>, vector<16xf32>,
      %swap3A_1050 = vector.shape_cast %swap3A_1049 : vector<16xf32> to vector<16xf32>
      %swap3A_1051 = vector.shape_cast %mul3A_1048 : vector<16xf32> to vector<16xf32>
      tpu.vector_store %arg35[%swap3A], %swap3A_1051 {strides = array<i32>} : memref<2736xf32, #tpu.memory_space<vmem>>, vector<16xf32>,
      %get3A_1052 = arith.index_cast %mul3A_1041 : i32 to index
      %get3A_1053 = tpu.vector_load %arg36[%get3A_1052] {strides = array<i32>} : memref<2736xf32, #tpu.memory_space<vmem>>, vector<16xf32>,
      %get3A_1054 = vector.shape_cast %get3A_1053 : vector<16xf32> to vector<16xf32>
      %mul3A_1055 = arith.mulf %get3A_1054, %get3A_1044 : vector<16xf32>
      %swap3A_1056 = arith.index_cast %mul3A_1041 : i32 to index
      %swap3A_1057 = tpu.vector_load %arg36[%swap3A_1056] {strides = array<i32>} : memref<2736xf32, #tpu.memory_space<vmem>>, vector<16xf32>,
      %swap3A_1058 = vector.shape_cast %swap3A_1057 : vector<16xf32> to vector<16xf32>
      %swap3A_1059 = vector.shape_cast %mul3A_1055 : vector<16xf32> to vector<16xf32>
      tpu.vector_store %arg36[%swap3A_1056], %swap3A_1059 {strides = array<i32>} : memref<2736xf32, #tpu.memory_space<vmem>>, vector<16xf32>,
      %get3A_1060 = arith.index_cast %mul3A_1041 : i32 to index
      %get3A_1061 = tpu.vector_load %arg37[%get3A_1060] {strides = array<i32>} : memref<2736xf32, #tpu.memory_space<vmem>>, vector<16xf32>,
      %get3A_1062 = vector.shape_cast %get3A_1061 : vector<16xf32> to vector<16xf32>
      %mul3A_1063 = arith.mulf %get3A_1062, %get3A_1044 : vector<16xf32>
      %swap3A_1064 = arith.index_cast %mul3A_1041 : i32 to index
      %swap3A_1065 = tpu.vector_load %arg37[%swap3A_1064] {strides = array<i32>} : memref<2736xf32, #tpu.memory_space<vmem>>, vector<16xf32>,
      %swap3A_1066 = vector.shape_cast %swap3A_1065 : vector<16xf32> to vector<16xf32>
      %swap3A_1067 = vector.shape_cast %mul3A_1063 : vector<16xf32> to vector<16xf32>
      tpu.vector_store %arg37[%swap3A_1064], %swap3A_1067 {strides = array<i32>} : memref<2736xf32, #tpu.memory_space<vmem>>, vector<16xf32>,
      %scan3A_1068 = arith.constant 0 : i32
      scf.yield %scan3A_1068 : i32
    }
    %scan3A_232 = arith.constant 171 : i32
    %dma_start3A_233 = arith.constant 0 : i32
    %dma_start3A_234 = tpu.memref_slice %arg10[%dma_start3A_233] : memref<100096xf32, #tpu.memory_space<vmem_shared>> -> memref<100096xf32, #tpu.memory_space<vmem_shared>>
    tpu.enqueue_indirect_dma source(%arg35 : memref<2736xf32, #tpu.memory_space<vmem>>) target(%dma_start3A_234 : memref<100096xf32, #tpu.memory_space<vmem_shared>>) offsets(%arg24 : memref<2736xi32, #tpu.memory_space<vmem>>) semaphore(%arg44 : memref<!tpu.dma_semaphore, #tpu.memory_space<semaphore_mem>>) {add = true}
    %dma_start3A_235 = arith.constant 0 : i32
    %dma_start3A_236 = tpu.memref_slice %arg11[%dma_start3A_235] : memref<100096xf32, #tpu.memory_space<vmem_shared>> -> memref<100096xf32, #tpu.memory_space<vmem_shared>>
    tpu.enqueue_indirect_dma source(%arg36 : memref<2736xf32, #tpu.memory_space<vmem>>) target(%dma_start3A_236 : memref<100096xf32, #tpu.memory_space<vmem_shared>>) offsets(%arg24 : memref<2736xi32, #tpu.memory_space<vmem>>) semaphore(%arg44 : memref<!tpu.dma_semaphore, #tpu.memory_space<semaphore_mem>>) {add = true}
    %dma_start3A_237 = arith.constant 0 : i32
    %dma_start3A_238 = tpu.memref_slice %arg12[%dma_start3A_237] : memref<100096xf32, #tpu.memory_space<vmem_shared>> -> memref<100096xf32, #tpu.memory_space<vmem_shared>>
    tpu.enqueue_indirect_dma source(%arg37 : memref<2736xf32, #tpu.memory_space<vmem>>) target(%dma_start3A_238 : memref<100096xf32, #tpu.memory_space<vmem_shared>>) offsets(%arg24 : memref<2736xi32, #tpu.memory_space<vmem>>) semaphore(%arg44 : memref<!tpu.dma_semaphore, #tpu.memory_space<semaphore_mem>>) {add = true}
    %dma_wait3A_239 = tpu.memref_slice %arg4[%add3A_80] : memref<1400000xi32, #tpu.memory_space<hbm>> -> memref<2736xi32, #tpu.memory_space<hbm>>
    %dma_wait3A_240 = tpu.memref_slice %arg4[%add3A_80] : memref<1400000xi32, #tpu.memory_space<hbm>> -> memref<2736xi32, #tpu.memory_space<hbm>>
    tpu.wait_dma2 semaphore(%arg41 : memref<!tpu.dma_semaphore, #tpu.memory_space<semaphore_mem>>) src(%dma_wait3A_240 : memref<2736xi32, #tpu.memory_space<hbm>>) dst(%arg21 : memref<2736xi32, #tpu.memory_space<vmem>>)
    %dma_wait3A_241 = tpu.memref_slice %arg4[%add3A_215] : memref<1400000xi32, #tpu.memory_space<hbm>> -> memref<2736xi32, #tpu.memory_space<hbm>>
    %dma_wait3A_242 = tpu.memref_slice %arg4[%add3A_215] : memref<1400000xi32, #tpu.memory_space<hbm>> -> memref<2736xi32, #tpu.memory_space<hbm>>
    tpu.wait_dma2 semaphore(%arg41 : memref<!tpu.dma_semaphore, #tpu.memory_space<semaphore_mem>>) src(%dma_wait3A_242 : memref<2736xi32, #tpu.memory_space<hbm>>) dst(%arg20 : memref<2736xi32, #tpu.memory_space<vmem>>)
    %dma_wait3A_243 = tpu.memref_slice %arg5[%add3A_80] : memref<700000xf32, #tpu.memory_space<hbm>> -> memref<2736xf32, #tpu.memory_space<hbm>>
    %dma_wait3A_244 = tpu.memref_slice %arg5[%add3A_80] : memref<700000xf32, #tpu.memory_space<hbm>> -> memref<2736xf32, #tpu.memory_space<hbm>>
    tpu.wait_dma2 semaphore(%arg41 : memref<!tpu.dma_semaphore, #tpu.memory_space<semaphore_mem>>) src(%dma_wait3A_244 : memref<2736xf32, #tpu.memory_space<hbm>>) dst(%arg22 : memref<2736xf32, #tpu.memory_space<vmem>>)
    %scan3A_245 = arith.constant 0 : i32
    %scan3A_246 = arith.constant 0 : i32
    %scan3A_247 = arith.constant 171 : i32
    %scan3A_248 = arith.addi %scan3A_246, %scan3A_247 : i32
    %scan3A_249 = arith.constant 1 : i32
    %scan3A_250 = scf.for %scan3A_1038 = %scan3A_246 to %scan3A_248 step %scan3A_249 iter_args(%scan3A_1039 = %scan3A_245) -> (i32)  : i32 {
      %mul3A_1040 = arith.constant 16 : i32
      %mul3A_1041 = arith.muli %scan3A_1038, %mul3A_1040 : i32
      %get3A_1042 = arith.index_cast %mul3A_1041 : i32 to index
      %get3A_1043 = tpu.vector_load %arg20[%get3A_1042] {strides = array<i32>} : memref<2736xi32, #tpu.memory_space<vmem>>, vector<16xi32>,
      %get3A_1044 = vector.shape_cast %get3A_1043 : vector<16xi32> to vector<16xi32>
      %mul3A_1045 = arith.constant 3 : i32
      %mul3A_1046 = vector.broadcast %mul3A_1045 : i32 to vector<16xi32>
      %mul3A_1047 = arith.muli %get3A_1044, %mul3A_1046 : vector<16xi32>
      %swap3A = arith.index_cast %mul3A_1041 : i32 to index
      %swap3A_1048 = tpu.vector_load %arg26[%swap3A] {strides = array<i32>} : memref<2736xi32, #tpu.memory_space<vmem>>, vector<16xi32>,
      %swap3A_1049 = vector.shape_cast %swap3A_1048 : vector<16xi32> to vector<16xi32>
      %swap3A_1050 = vector.shape_cast %mul3A_1047 : vector<16xi32> to vector<16xi32>
      tpu.vector_store %arg26[%swap3A], %swap3A_1050 {strides = array<i32>} : memref<2736xi32, #tpu.memory_space<vmem>>, vector<16xi32>,
      %add3A_1051 = arith.constant 1 : i32
      %add3A_1052 = vector.broadcast %add3A_1051 : i32 to vector<16xi32>
      %add3A_1053 = arith.addi %mul3A_1047, %add3A_1052 : vector<16xi32>
      %swap3A_1054 = arith.index_cast %mul3A_1041 : i32 to index
      %swap3A_1055 = tpu.vector_load %arg27[%swap3A_1054] {strides = array<i32>} : memref<2736xi32, #tpu.memory_space<vmem>>, vector<16xi32>,
      %swap3A_1056 = vector.shape_cast %swap3A_1055 : vector<16xi32> to vector<16xi32>
      %swap3A_1057 = vector.shape_cast %add3A_1053 : vector<16xi32> to vector<16xi32>
      tpu.vector_store %arg27[%swap3A_1054], %swap3A_1057 {strides = array<i32>} : memref<2736xi32, #tpu.memory_space<vmem>>, vector<16xi32>,
      %add3A_1058 = arith.constant 2 : i32
      %add3A_1059 = vector.broadcast %add3A_1058 : i32 to vector<16xi32>
      %add3A_1060 = arith.addi %mul3A_1047, %add3A_1059 : vector<16xi32>
      %swap3A_1061 = arith.index_cast %mul3A_1041 : i32 to index
      %swap3A_1062 = tpu.vector_load %arg28[%swap3A_1061] {strides = array<i32>} : memref<2736xi32, #tpu.memory_space<vmem>>, vector<16xi32>,
      %swap3A_1063 = vector.shape_cast %swap3A_1062 : vector<16xi32> to vector<16xi32>
      %swap3A_1064 = vector.shape_cast %add3A_1060 : vector<16xi32> to vector<16xi32>
      tpu.vector_store %arg28[%swap3A_1061], %swap3A_1064 {strides = array<i32>} : memref<2736xi32, #tpu.memory_space<vmem>>, vector<16xi32>,
      %scan3A_1065 = arith.constant 0 : i32
      scf.yield %scan3A_1065 : i32
    }
    %scan3A_251 = arith.constant 171 : i32
    %dma_start3A_252 = arith.constant 0 : i32
    %dma_start3A_253 = tpu.memref_slice %arg16[%dma_start3A_252] : memref<300288xf32, #tpu.memory_space<vmem_shared>> -> memref<300288xf32, #tpu.memory_space<vmem_shared>>
    tpu.enqueue_indirect_dma source(%dma_start3A_253 : memref<300288xf32, #tpu.memory_space<vmem_shared>>) target(%arg32 : memref<2736xf32, #tpu.memory_space<vmem>>) offsets(%arg26 : memref<2736xi32, #tpu.memory_space<vmem>>) semaphore(%arg38 : memref<!tpu.dma_semaphore, #tpu.memory_space<semaphore_mem>>)
    %dma_start3A_254 = arith.constant 0 : i32
    %dma_start3A_255 = tpu.memref_slice %arg16[%dma_start3A_254] : memref<300288xf32, #tpu.memory_space<vmem_shared>> -> memref<300288xf32, #tpu.memory_space<vmem_shared>>
    tpu.enqueue_indirect_dma source(%dma_start3A_255 : memref<300288xf32, #tpu.memory_space<vmem_shared>>) target(%arg33 : memref<2736xf32, #tpu.memory_space<vmem>>) offsets(%arg27 : memref<2736xi32, #tpu.memory_space<vmem>>) semaphore(%arg39 : memref<!tpu.dma_semaphore, #tpu.memory_space<semaphore_mem>>)
    %dma_start3A_256 = arith.constant 0 : i32
    %dma_start3A_257 = tpu.memref_slice %arg16[%dma_start3A_256] : memref<300288xf32, #tpu.memory_space<vmem_shared>> -> memref<300288xf32, #tpu.memory_space<vmem_shared>>
    tpu.enqueue_indirect_dma source(%dma_start3A_257 : memref<300288xf32, #tpu.memory_space<vmem_shared>>) target(%arg34 : memref<2736xf32, #tpu.memory_space<vmem>>) offsets(%arg28 : memref<2736xi32, #tpu.memory_space<vmem>>) semaphore(%arg40 : memref<!tpu.dma_semaphore, #tpu.memory_space<semaphore_mem>>)
    %dma_wait3A_258 = arith.constant 0 : i32
    %dma_wait3A_259 = tpu.memref_slice %arg10[%dma_wait3A_258] : memref<100096xf32, #tpu.memory_space<vmem_shared>> -> memref<100096xf32, #tpu.memory_space<vmem_shared>>
    tpu.wait_indirect_dma semaphore(%arg44 : memref<!tpu.dma_semaphore, #tpu.memory_space<semaphore_mem>>) src(%arg35 : memref<2736xf32, #tpu.memory_space<vmem>>) dst(%dma_wait3A_259 : memref<100096xf32, #tpu.memory_space<vmem_shared>>)
    %dma_wait3A_260 = arith.constant 0 : i32
    %dma_wait3A_261 = tpu.memref_slice %arg11[%dma_wait3A_260] : memref<100096xf32, #tpu.memory_space<vmem_shared>> -> memref<100096xf32, #tpu.memory_space<vmem_shared>>
    tpu.wait_indirect_dma semaphore(%arg44 : memref<!tpu.dma_semaphore, #tpu.memory_space<semaphore_mem>>) src(%arg36 : memref<2736xf32, #tpu.memory_space<vmem>>) dst(%dma_wait3A_261 : memref<100096xf32, #tpu.memory_space<vmem_shared>>)
    %dma_wait3A_262 = arith.constant 0 : i32
    %dma_wait3A_263 = tpu.memref_slice %arg12[%dma_wait3A_262] : memref<100096xf32, #tpu.memory_space<vmem_shared>> -> memref<100096xf32, #tpu.memory_space<vmem_shared>>
    tpu.wait_indirect_dma semaphore(%arg44 : memref<!tpu.dma_semaphore, #tpu.memory_space<semaphore_mem>>) src(%arg37 : memref<2736xf32, #tpu.memory_space<vmem>>) dst(%dma_wait3A_263 : memref<100096xf32, #tpu.memory_space<vmem_shared>>)
    %dma_start3A_264 = tpu.memref_slice %arg4[%add3A_84] : memref<1400000xi32, #tpu.memory_space<hbm>> -> memref<2736xi32, #tpu.memory_space<hbm>>
    %dma_start3A_265 = tpu.memref_slice %arg4[%add3A_84] : memref<1400000xi32, #tpu.memory_space<hbm>> -> memref<2736xi32, #tpu.memory_space<hbm>>
    tpu.enqueue_dma source(%dma_start3A_265 : memref<2736xi32, #tpu.memory_space<hbm>>) target(%arg24 : memref<2736xi32, #tpu.memory_space<vmem>>) target_semaphore(%arg42 : memref<!tpu.dma_semaphore, #tpu.memory_space<semaphore_mem>>)
    %add3A_266 = arith.constant 700000 : i32
    %add3A_267 = arith.addi %add3A_266, %add3A_84 : i32
    %dma_start3A_268 = tpu.memref_slice %arg4[%add3A_267] : memref<1400000xi32, #tpu.memory_space<hbm>> -> memref<2736xi32, #tpu.memory_space<hbm>>
    %dma_start3A_269 = tpu.memref_slice %arg4[%add3A_267] : memref<1400000xi32, #tpu.memory_space<hbm>> -> memref<2736xi32, #tpu.memory_space<hbm>>
    tpu.enqueue_dma source(%dma_start3A_269 : memref<2736xi32, #tpu.memory_space<hbm>>) target(%arg23 : memref<2736xi32, #tpu.memory_space<vmem>>) target_semaphore(%arg42 : memref<!tpu.dma_semaphore, #tpu.memory_space<semaphore_mem>>)
    %dma_start3A_270 = tpu.memref_slice %arg5[%add3A_84] : memref<700000xf32, #tpu.memory_space<hbm>> -> memref<2736xf32, #tpu.memory_space<hbm>>
    %dma_start3A_271 = tpu.memref_slice %arg5[%add3A_84] : memref<700000xf32, #tpu.memory_space<hbm>> -> memref<2736xf32, #tpu.memory_space<hbm>>
    tpu.enqueue_dma source(%dma_start3A_271 : memref<2736xf32, #tpu.memory_space<hbm>>) target(%arg25 : memref<2736xf32, #tpu.memory_space<vmem>>) target_semaphore(%arg42 : memref<!tpu.dma_semaphore, #tpu.memory_space<semaphore_mem>>)
    %dma_wait3A_272 = arith.constant 0 : i32
    %dma_wait3A_273 = tpu.memref_slice %arg16[%dma_wait3A_272] : memref<300288xf32, #tpu.memory_space<vmem_shared>> -> memref<300288xf32, #tpu.memory_space<vmem_shared>>
    tpu.wait_indirect_dma semaphore(%arg38 : memref<!tpu.dma_semaphore, #tpu.memory_space<semaphore_mem>>) src(%dma_wait3A_273 : memref<300288xf32, #tpu.memory_space<vmem_shared>>) dst(%arg32 : memref<2736xf32, #tpu.memory_space<vmem>>)
    %dma_wait3A_274 = arith.constant 0 : i32
    %dma_wait3A_275 = tpu.memref_slice %arg16[%dma_wait3A_274] : memref<300288xf32, #tpu.memory_space<vmem_shared>> -> memref<300288xf32, #tpu.memory_space<vmem_shared>>
    tpu.wait_indirect_dma semaphore(%arg39 : memref<!tpu.dma_semaphore, #tpu.memory_space<semaphore_mem>>) src(%dma_wait3A_275 : memref<300288xf32, #tpu.memory_space<vmem_shared>>) dst(%arg33 : memref<2736xf32, #tpu.memory_space<vmem>>)
    %dma_wait3A_276 = arith.constant 0 : i32
    %dma_wait3A_277 = tpu.memref_slice %arg16[%dma_wait3A_276] : memref<300288xf32, #tpu.memory_space<vmem_shared>> -> memref<300288xf32, #tpu.memory_space<vmem_shared>>
    tpu.wait_indirect_dma semaphore(%arg40 : memref<!tpu.dma_semaphore, #tpu.memory_space<semaphore_mem>>) src(%dma_wait3A_277 : memref<300288xf32, #tpu.memory_space<vmem_shared>>) dst(%arg34 : memref<2736xf32, #tpu.memory_space<vmem>>)
    %scan3A_278 = arith.constant 0 : i32
    %scan3A_279 = arith.constant 0 : i32
    %scan3A_280 = arith.constant 171 : i32
    %scan3A_281 = arith.addi %scan3A_279, %scan3A_280 : i32
    %scan3A_282 = arith.constant 1 : i32
    %scan3A_283 = scf.for %scan3A_1038 = %scan3A_279 to %scan3A_281 step %scan3A_282 iter_args(%scan3A_1039 = %scan3A_278) -> (i32)  : i32 {
      %mul3A_1040 = arith.constant 16 : i32
      %mul3A_1041 = arith.muli %scan3A_1038, %mul3A_1040 : i32
      %get3A_1042 = arith.index_cast %mul3A_1041 : i32 to index
      %get3A_1043 = tpu.vector_load %arg22[%get3A_1042] {strides = array<i32>} : memref<2736xf32, #tpu.memory_space<vmem>>, vector<16xf32>,
      %get3A_1044 = vector.shape_cast %get3A_1043 : vector<16xf32> to vector<16xf32>
      %get3A_1045 = arith.index_cast %mul3A_1041 : i32 to index
      %get3A_1046 = tpu.vector_load %arg32[%get3A_1045] {strides = array<i32>} : memref<2736xf32, #tpu.memory_space<vmem>>, vector<16xf32>,
      %get3A_1047 = vector.shape_cast %get3A_1046 : vector<16xf32> to vector<16xf32>
      %mul3A_1048 = arith.mulf %get3A_1047, %get3A_1044 : vector<16xf32>
      %swap3A = arith.index_cast %mul3A_1041 : i32 to index
      %swap3A_1049 = tpu.vector_load %arg32[%swap3A] {strides = array<i32>} : memref<2736xf32, #tpu.memory_space<vmem>>, vector<16xf32>,
      %swap3A_1050 = vector.shape_cast %swap3A_1049 : vector<16xf32> to vector<16xf32>
      %swap3A_1051 = vector.shape_cast %mul3A_1048 : vector<16xf32> to vector<16xf32>
      tpu.vector_store %arg32[%swap3A], %swap3A_1051 {strides = array<i32>} : memref<2736xf32, #tpu.memory_space<vmem>>, vector<16xf32>,
      %get3A_1052 = arith.index_cast %mul3A_1041 : i32 to index
      %get3A_1053 = tpu.vector_load %arg33[%get3A_1052] {strides = array<i32>} : memref<2736xf32, #tpu.memory_space<vmem>>, vector<16xf32>,
      %get3A_1054 = vector.shape_cast %get3A_1053 : vector<16xf32> to vector<16xf32>
      %mul3A_1055 = arith.mulf %get3A_1054, %get3A_1044 : vector<16xf32>
      %swap3A_1056 = arith.index_cast %mul3A_1041 : i32 to index
      %swap3A_1057 = tpu.vector_load %arg33[%swap3A_1056] {strides = array<i32>} : memref<2736xf32, #tpu.memory_space<vmem>>, vector<16xf32>,
      %swap3A_1058 = vector.shape_cast %swap3A_1057 : vector<16xf32> to vector<16xf32>
      %swap3A_1059 = vector.shape_cast %mul3A_1055 : vector<16xf32> to vector<16xf32>
      tpu.vector_store %arg33[%swap3A_1056], %swap3A_1059 {strides = array<i32>} : memref<2736xf32, #tpu.memory_space<vmem>>, vector<16xf32>,
      %get3A_1060 = arith.index_cast %mul3A_1041 : i32 to index
      %get3A_1061 = tpu.vector_load %arg34[%get3A_1060] {strides = array<i32>} : memref<2736xf32, #tpu.memory_space<vmem>>, vector<16xf32>,
      %get3A_1062 = vector.shape_cast %get3A_1061 : vector<16xf32> to vector<16xf32>
      %mul3A_1063 = arith.mulf %get3A_1062, %get3A_1044 : vector<16xf32>
      %swap3A_1064 = arith.index_cast %mul3A_1041 : i32 to index
      %swap3A_1065 = tpu.vector_load %arg34[%swap3A_1064] {strides = array<i32>} : memref<2736xf32, #tpu.memory_space<vmem>>, vector<16xf32>,
      %swap3A_1066 = vector.shape_cast %swap3A_1065 : vector<16xf32> to vector<16xf32>
      %swap3A_1067 = vector.shape_cast %mul3A_1063 : vector<16xf32> to vector<16xf32>
      tpu.vector_store %arg34[%swap3A_1064], %swap3A_1067 {strides = array<i32>} : memref<2736xf32, #tpu.memory_space<vmem>>, vector<16xf32>,
      %scan3A_1068 = arith.constant 0 : i32
      scf.yield %scan3A_1068 : i32
    }
    %scan3A_284 = arith.constant 171 : i32
    %dma_start3A_285 = arith.constant 0 : i32
    %dma_start3A_286 = tpu.memref_slice %arg10[%dma_start3A_285] : memref<100096xf32, #tpu.memory_space<vmem_shared>> -> memref<100096xf32, #tpu.memory_space<vmem_shared>>
    tpu.enqueue_indirect_dma source(%arg32 : memref<2736xf32, #tpu.memory_space<vmem>>) target(%dma_start3A_286 : memref<100096xf32, #tpu.memory_space<vmem_shared>>) offsets(%arg21 : memref<2736xi32, #tpu.memory_space<vmem>>) semaphore(%arg43 : memref<!tpu.dma_semaphore, #tpu.memory_space<semaphore_mem>>) {add = true}
    %dma_start3A_287 = arith.constant 0 : i32
    %dma_start3A_288 = tpu.memref_slice %arg11[%dma_start3A_287] : memref<100096xf32, #tpu.memory_space<vmem_shared>> -> memref<100096xf32, #tpu.memory_space<vmem_shared>>
    tpu.enqueue_indirect_dma source(%arg33 : memref<2736xf32, #tpu.memory_space<vmem>>) target(%dma_start3A_288 : memref<100096xf32, #tpu.memory_space<vmem_shared>>) offsets(%arg21 : memref<2736xi32, #tpu.memory_space<vmem>>) semaphore(%arg43 : memref<!tpu.dma_semaphore, #tpu.memory_space<semaphore_mem>>) {add = true}
    %dma_start3A_289 = arith.constant 0 : i32
    %dma_start3A_290 = tpu.memref_slice %arg12[%dma_start3A_289] : memref<100096xf32, #tpu.memory_space<vmem_shared>> -> memref<100096xf32, #tpu.memory_space<vmem_shared>>
    tpu.enqueue_indirect_dma source(%arg34 : memref<2736xf32, #tpu.memory_space<vmem>>) target(%dma_start3A_290 : memref<100096xf32, #tpu.memory_space<vmem_shared>>) offsets(%arg21 : memref<2736xi32, #tpu.memory_space<vmem>>) semaphore(%arg43 : memref<!tpu.dma_semaphore, #tpu.memory_space<semaphore_mem>>) {add = true}
    %dma_wait3A_291 = tpu.memref_slice %arg4[%add3A_84] : memref<1400000xi32, #tpu.memory_space<hbm>> -> memref<2736xi32, #tpu.memory_space<hbm>>
    %dma_wait3A_292 = tpu.memref_slice %arg4[%add3A_84] : memref<1400000xi32, #tpu.memory_space<hbm>> -> memref<2736xi32, #tpu.memory_space<hbm>>
    tpu.wait_dma2 semaphore(%arg42 : memref<!tpu.dma_semaphore, #tpu.memory_space<semaphore_mem>>) src(%dma_wait3A_292 : memref<2736xi32, #tpu.memory_space<hbm>>) dst(%arg24 : memref<2736xi32, #tpu.memory_space<vmem>>)
    %dma_wait3A_293 = tpu.memref_slice %arg4[%add3A_267] : memref<1400000xi32, #tpu.memory_space<hbm>> -> memref<2736xi32, #tpu.memory_space<hbm>>
    %dma_wait3A_294 = tpu.memref_slice %arg4[%add3A_267] : memref<1400000xi32, #tpu.memory_space<hbm>> -> memref<2736xi32, #tpu.memory_space<hbm>>
    tpu.wait_dma2 semaphore(%arg42 : memref<!tpu.dma_semaphore, #tpu.memory_space<semaphore_mem>>) src(%dma_wait3A_294 : memref<2736xi32, #tpu.memory_space<hbm>>) dst(%arg23 : memref<2736xi32, #tpu.memory_space<vmem>>)
    %dma_wait3A_295 = tpu.memref_slice %arg5[%add3A_84] : memref<700000xf32, #tpu.memory_space<hbm>> -> memref<2736xf32, #tpu.memory_space<hbm>>
    %dma_wait3A_296 = tpu.memref_slice %arg5[%add3A_84] : memref<700000xf32, #tpu.memory_space<hbm>> -> memref<2736xf32, #tpu.memory_space<hbm>>
    tpu.wait_dma2 semaphore(%arg42 : memref<!tpu.dma_semaphore, #tpu.memory_space<semaphore_mem>>) src(%dma_wait3A_296 : memref<2736xf32, #tpu.memory_space<hbm>>) dst(%arg25 : memref<2736xf32, #tpu.memory_space<vmem>>)
    %scan3A_297 = arith.constant 0 : i32
    %scan3A_298 = arith.constant 0 : i32
    %scan3A_299 = arith.constant 171 : i32
    %scan3A_300 = arith.addi %scan3A_298, %scan3A_299 : i32
    %scan3A_301 = arith.constant 1 : i32
    %scan3A_302 = scf.for %scan3A_1038 = %scan3A_298 to %scan3A_300 step %scan3A_301 iter_args(%scan3A_1039 = %scan3A_297) -> (i32)  : i32 {
      %mul3A_1040 = arith.constant 16 : i32
      %mul3A_1041 = arith.muli %scan3A_1038, %mul3A_1040 : i32
      %get3A_1042 = arith.index_cast %mul3A_1041 : i32 to index
      %get3A_1043 = tpu.vector_load %arg23[%get3A_1042] {strides = array<i32>} : memref<2736xi32, #tpu.memory_space<vmem>>, vector<16xi32>,
      %get3A_1044 = vector.shape_cast %get3A_1043 : vector<16xi32> to vector<16xi32>
      %mul3A_1045 = arith.constant 3 : i32
      %mul3A_1046 = vector.broadcast %mul3A_1045 : i32 to vector<16xi32>
      %mul3A_1047 = arith.muli %get3A_1044, %mul3A_1046 : vector<16xi32>
      %swap3A = arith.index_cast %mul3A_1041 : i32 to index
      %swap3A_1048 = tpu.vector_load %arg29[%swap3A] {strides = array<i32>} : memref<2736xi32, #tpu.memory_space<vmem>>, vector<16xi32>,
      %swap3A_1049 = vector.shape_cast %swap3A_1048 : vector<16xi32> to vector<16xi32>
      %swap3A_1050 = vector.shape_cast %mul3A_1047 : vector<16xi32> to vector<16xi32>
      tpu.vector_store %arg29[%swap3A], %swap3A_1050 {strides = array<i32>} : memref<2736xi32, #tpu.memory_space<vmem>>, vector<16xi32>,
      %add3A_1051 = arith.constant 1 : i32
      %add3A_1052 = vector.broadcast %add3A_1051 : i32 to vector<16xi32>
      %add3A_1053 = arith.addi %mul3A_1047, %add3A_1052 : vector<16xi32>
      %swap3A_1054 = arith.index_cast %mul3A_1041 : i32 to index
      %swap3A_1055 = tpu.vector_load %arg30[%swap3A_1054] {strides = array<i32>} : memref<2736xi32, #tpu.memory_space<vmem>>, vector<16xi32>,
      %swap3A_1056 = vector.shape_cast %swap3A_1055 : vector<16xi32> to vector<16xi32>
      %swap3A_1057 = vector.shape_cast %add3A_1053 : vector<16xi32> to vector<16xi32>
      tpu.vector_store %arg30[%swap3A_1054], %swap3A_1057 {strides = array<i32>} : memref<2736xi32, #tpu.memory_space<vmem>>, vector<16xi32>,
      %add3A_1058 = arith.constant 2 : i32
      %add3A_1059 = vector.broadcast %add3A_1058 : i32 to vector<16xi32>
      %add3A_1060 = arith.addi %mul3A_1047, %add3A_1059 : vector<16xi32>
      %swap3A_1061 = arith.index_cast %mul3A_1041 : i32 to index
      %swap3A_1062 = tpu.vector_load %arg31[%swap3A_1061] {strides = array<i32>} : memref<2736xi32, #tpu.memory_space<vmem>>, vector<16xi32>,
      %swap3A_1063 = vector.shape_cast %swap3A_1062 : vector<16xi32> to vector<16xi32>
      %swap3A_1064 = vector.shape_cast %add3A_1060 : vector<16xi32> to vector<16xi32>
      tpu.vector_store %arg31[%swap3A_1061], %swap3A_1064 {strides = array<i32>} : memref<2736xi32, #tpu.memory_space<vmem>>, vector<16xi32>,
      %scan3A_1065 = arith.constant 0 : i32
      scf.yield %scan3A_1065 : i32
    }
    %scan3A_303 = arith.constant 171 : i32
    %dma_start3A_304 = arith.constant 0 : i32
    %dma_start3A_305 = tpu.memref_slice %arg16[%dma_start3A_304] : memref<300288xf32, #tpu.memory_space<vmem_shared>> -> memref<300288xf32, #tpu.memory_space<vmem_shared>>
    tpu.enqueue_indirect_dma source(%dma_start3A_305 : memref<300288xf32, #tpu.memory_space<vmem_shared>>) target(%arg35 : memref<2736xf32, #tpu.memory_space<vmem>>) offsets(%arg29 : memref<2736xi32, #tpu.memory_space<vmem>>) semaphore(%arg38 : memref<!tpu.dma_semaphore, #tpu.memory_space<semaphore_mem>>)
    %dma_start3A_306 = arith.constant 0 : i32
    %dma_start3A_307 = tpu.memref_slice %arg16[%dma_start3A_306] : memref<300288xf32, #tpu.memory_space<vmem_shared>> -> memref<300288xf32, #tpu.memory_space<vmem_shared>>
    tpu.enqueue_indirect_dma source(%dma_start3A_307 : memref<300288xf32, #tpu.memory_space<vmem_shared>>) target(%arg36 : memref<2736xf32, #tpu.memory_space<vmem>>) offsets(%arg30 : memref<2736xi32, #tpu.memory_space<vmem>>) semaphore(%arg39 : memref<!tpu.dma_semaphore, #tpu.memory_space<semaphore_mem>>)
    %dma_start3A_308 = arith.constant 0 : i32
    %dma_start3A_309 = tpu.memref_slice %arg16[%dma_start3A_308] : memref<300288xf32, #tpu.memory_space<vmem_shared>> -> memref<300288xf32, #tpu.memory_space<vmem_shared>>
    tpu.enqueue_indirect_dma source(%dma_start3A_309 : memref<300288xf32, #tpu.memory_space<vmem_shared>>) target(%arg37 : memref<2736xf32, #tpu.memory_space<vmem>>) offsets(%arg31 : memref<2736xi32, #tpu.memory_space<vmem>>) semaphore(%arg40 : memref<!tpu.dma_semaphore, #tpu.memory_space<semaphore_mem>>)
    %dma_wait3A_310 = arith.constant 0 : i32
    %dma_wait3A_311 = tpu.memref_slice %arg10[%dma_wait3A_310] : memref<100096xf32, #tpu.memory_space<vmem_shared>> -> memref<100096xf32, #tpu.memory_space<vmem_shared>>
    tpu.wait_indirect_dma semaphore(%arg43 : memref<!tpu.dma_semaphore, #tpu.memory_space<semaphore_mem>>) src(%arg32 : memref<2736xf32, #tpu.memory_space<vmem>>) dst(%dma_wait3A_311 : memref<100096xf32, #tpu.memory_space<vmem_shared>>)
    %dma_wait3A_312 = arith.constant 0 : i32
    %dma_wait3A_313 = tpu.memref_slice %arg11[%dma_wait3A_312] : memref<100096xf32, #tpu.memory_space<vmem_shared>> -> memref<100096xf32, #tpu.memory_space<vmem_shared>>
    tpu.wait_indirect_dma semaphore(%arg43 : memref<!tpu.dma_semaphore, #tpu.memory_space<semaphore_mem>>) src(%arg33 : memref<2736xf32, #tpu.memory_space<vmem>>) dst(%dma_wait3A_313 : memref<100096xf32, #tpu.memory_space<vmem_shared>>)
    %dma_wait3A_314 = arith.constant 0 : i32
    %dma_wait3A_315 = tpu.memref_slice %arg12[%dma_wait3A_314] : memref<100096xf32, #tpu.memory_space<vmem_shared>> -> memref<100096xf32, #tpu.memory_space<vmem_shared>>
    tpu.wait_indirect_dma semaphore(%arg43 : memref<!tpu.dma_semaphore, #tpu.memory_space<semaphore_mem>>) src(%arg34 : memref<2736xf32, #tpu.memory_space<vmem>>) dst(%dma_wait3A_315 : memref<100096xf32, #tpu.memory_space<vmem_shared>>)
    %dma_start3A_316 = tpu.memref_slice %arg4[%add3A_88] : memref<1400000xi32, #tpu.memory_space<hbm>> -> memref<2736xi32, #tpu.memory_space<hbm>>
    %dma_start3A_317 = tpu.memref_slice %arg4[%add3A_88] : memref<1400000xi32, #tpu.memory_space<hbm>> -> memref<2736xi32, #tpu.memory_space<hbm>>
    tpu.enqueue_dma source(%dma_start3A_317 : memref<2736xi32, #tpu.memory_space<hbm>>) target(%arg21 : memref<2736xi32, #tpu.memory_space<vmem>>) target_semaphore(%arg41 : memref<!tpu.dma_semaphore, #tpu.memory_space<semaphore_mem>>)
    %add3A_318 = arith.constant 700000 : i32
    %add3A_319 = arith.addi %add3A_318, %add3A_88 : i32
    %dma_start3A_320 = tpu.memref_slice %arg4[%add3A_319] : memref<1400000xi32, #tpu.memory_space<hbm>> -> memref<2736xi32, #tpu.memory_space<hbm>>
    %dma_start3A_321 = tpu.memref_slice %arg4[%add3A_319] : memref<1400000xi32, #tpu.memory_space<hbm>> -> memref<2736xi32, #tpu.memory_space<hbm>>
    tpu.enqueue_dma source(%dma_start3A_321 : memref<2736xi32, #tpu.memory_space<hbm>>) target(%arg20 : memref<2736xi32, #tpu.memory_space<vmem>>) target_semaphore(%arg41 : memref<!tpu.dma_semaphore, #tpu.memory_space<semaphore_mem>>)
    %dma_start3A_322 = tpu.memref_slice %arg5[%add3A_88] : memref<700000xf32, #tpu.memory_space<hbm>> -> memref<2736xf32, #tpu.memory_space<hbm>>
    %dma_start3A_323 = tpu.memref_slice %arg5[%add3A_88] : memref<700000xf32, #tpu.memory_space<hbm>> -> memref<2736xf32, #tpu.memory_space<hbm>>
    tpu.enqueue_dma source(%dma_start3A_323 : memref<2736xf32, #tpu.memory_space<hbm>>) target(%arg22 : memref<2736xf32, #tpu.memory_space<vmem>>) target_semaphore(%arg41 : memref<!tpu.dma_semaphore, #tpu.memory_space<semaphore_mem>>)
    %dma_wait3A_324 = arith.constant 0 : i32
    %dma_wait3A_325 = tpu.memref_slice %arg16[%dma_wait3A_324] : memref<300288xf32, #tpu.memory_space<vmem_shared>> -> memref<300288xf32, #tpu.memory_space<vmem_shared>>
    tpu.wait_indirect_dma semaphore(%arg38 : memref<!tpu.dma_semaphore, #tpu.memory_space<semaphore_mem>>) src(%dma_wait3A_325 : memref<300288xf32, #tpu.memory_space<vmem_shared>>) dst(%arg35 : memref<2736xf32, #tpu.memory_space<vmem>>)
    %dma_wait3A_326 = arith.constant 0 : i32
    %dma_wait3A_327 = tpu.memref_slice %arg16[%dma_wait3A_326] : memref<300288xf32, #tpu.memory_space<vmem_shared>> -> memref<300288xf32, #tpu.memory_space<vmem_shared>>
    tpu.wait_indirect_dma semaphore(%arg39 : memref<!tpu.dma_semaphore, #tpu.memory_space<semaphore_mem>>) src(%dma_wait3A_327 : memref<300288xf32, #tpu.memory_space<vmem_shared>>) dst(%arg36 : memref<2736xf32, #tpu.memory_space<vmem>>)
    %dma_wait3A_328 = arith.constant 0 : i32
    %dma_wait3A_329 = tpu.memref_slice %arg16[%dma_wait3A_328] : memref<300288xf32, #tpu.memory_space<vmem_shared>> -> memref<300288xf32, #tpu.memory_space<vmem_shared>>
    tpu.wait_indirect_dma semaphore(%arg40 : memref<!tpu.dma_semaphore, #tpu.memory_space<semaphore_mem>>) src(%dma_wait3A_329 : memref<300288xf32, #tpu.memory_space<vmem_shared>>) dst(%arg37 : memref<2736xf32, #tpu.memory_space<vmem>>)
    %scan3A_330 = arith.constant 0 : i32
    %scan3A_331 = arith.constant 0 : i32
    %scan3A_332 = arith.constant 171 : i32
    %scan3A_333 = arith.addi %scan3A_331, %scan3A_332 : i32
    %scan3A_334 = arith.constant 1 : i32
    %scan3A_335 = scf.for %scan3A_1038 = %scan3A_331 to %scan3A_333 step %scan3A_334 iter_args(%scan3A_1039 = %scan3A_330) -> (i32)  : i32 {
      %mul3A_1040 = arith.constant 16 : i32
      %mul3A_1041 = arith.muli %scan3A_1038, %mul3A_1040 : i32
      %get3A_1042 = arith.index_cast %mul3A_1041 : i32 to index
      %get3A_1043 = tpu.vector_load %arg25[%get3A_1042] {strides = array<i32>} : memref<2736xf32, #tpu.memory_space<vmem>>, vector<16xf32>,
      %get3A_1044 = vector.shape_cast %get3A_1043 : vector<16xf32> to vector<16xf32>
      %get3A_1045 = arith.index_cast %mul3A_1041 : i32 to index
      %get3A_1046 = tpu.vector_load %arg35[%get3A_1045] {strides = array<i32>} : memref<2736xf32, #tpu.memory_space<vmem>>, vector<16xf32>,
      %get3A_1047 = vector.shape_cast %get3A_1046 : vector<16xf32> to vector<16xf32>
      %mul3A_1048 = arith.mulf %get3A_1047, %get3A_1044 : vector<16xf32>
      %swap3A = arith.index_cast %mul3A_1041 : i32 to index
      %swap3A_1049 = tpu.vector_load %arg35[%swap3A] {strides = array<i32>} : memref<2736xf32, #tpu.memory_space<vmem>>, vector<16xf32>,
      %swap3A_1050 = vector.shape_cast %swap3A_1049 : vector<16xf32> to vector<16xf32>
      %swap3A_1051 = vector.shape_cast %mul3A_1048 : vector<16xf32> to vector<16xf32>
      tpu.vector_store %arg35[%swap3A], %swap3A_1051 {strides = array<i32>} : memref<2736xf32, #tpu.memory_space<vmem>>, vector<16xf32>,
      %get3A_1052 = arith.index_cast %mul3A_1041 : i32 to index
      %get3A_1053 = tpu.vector_load %arg36[%get3A_1052] {strides = array<i32>} : memref<2736xf32, #tpu.memory_space<vmem>>, vector<16xf32>,
      %get3A_1054 = vector.shape_cast %get3A_1053 : vector<16xf32> to vector<16xf32>
      %mul3A_1055 = arith.mulf %get3A_1054, %get3A_1044 : vector<16xf32>
      %swap3A_1056 = arith.index_cast %mul3A_1041 : i32 to index
      %swap3A_1057 = tpu.vector_load %arg36[%swap3A_1056] {strides = array<i32>} : memref<2736xf32, #tpu.memory_space<vmem>>, vector<16xf32>,
      %swap3A_1058 = vector.shape_cast %swap3A_1057 : vector<16xf32> to vector<16xf32>
      %swap3A_1059 = vector.shape_cast %mul3A_1055 : vector<16xf32> to vector<16xf32>
      tpu.vector_store %arg36[%swap3A_1056], %swap3A_1059 {strides = array<i32>} : memref<2736xf32, #tpu.memory_space<vmem>>, vector<16xf32>,
      %get3A_1060 = arith.index_cast %mul3A_1041 : i32 to index
      %get3A_1061 = tpu.vector_load %arg37[%get3A_1060] {strides = array<i32>} : memref<2736xf32, #tpu.memory_space<vmem>>, vector<16xf32>,
      %get3A_1062 = vector.shape_cast %get3A_1061 : vector<16xf32> to vector<16xf32>
      %mul3A_1063 = arith.mulf %get3A_1062, %get3A_1044 : vector<16xf32>
      %swap3A_1064 = arith.index_cast %mul3A_1041 : i32 to index
      %swap3A_1065 = tpu.vector_load %arg37[%swap3A_1064] {strides = array<i32>} : memref<2736xf32, #tpu.memory_space<vmem>>, vector<16xf32>,
      %swap3A_1066 = vector.shape_cast %swap3A_1065 : vector<16xf32> to vector<16xf32>
      %swap3A_1067 = vector.shape_cast %mul3A_1063 : vector<16xf32> to vector<16xf32>
      tpu.vector_store %arg37[%swap3A_1064], %swap3A_1067 {strides = array<i32>} : memref<2736xf32, #tpu.memory_space<vmem>>, vector<16xf32>,
      %scan3A_1068 = arith.constant 0 : i32
      scf.yield %scan3A_1068 : i32
    }
    %scan3A_336 = arith.constant 171 : i32
    %dma_start3A_337 = arith.constant 0 : i32
    %dma_start3A_338 = tpu.memref_slice %arg10[%dma_start3A_337] : memref<100096xf32, #tpu.memory_space<vmem_shared>> -> memref<100096xf32, #tpu.memory_space<vmem_shared>>
    tpu.enqueue_indirect_dma source(%arg35 : memref<2736xf32, #tpu.memory_space<vmem>>) target(%dma_start3A_338 : memref<100096xf32, #tpu.memory_space<vmem_shared>>) offsets(%arg24 : memref<2736xi32, #tpu.memory_space<vmem>>) semaphore(%arg44 : memref<!tpu.dma_semaphore, #tpu.memory_space<semaphore_mem>>) {add = true}
    %dma_start3A_339 = arith.constant 0 : i32
    %dma_start3A_340 = tpu.memref_slice %arg11[%dma_start3A_339] : memref<100096xf32, #tpu.memory_space<vmem_shared>> -> memref<100096xf32, #tpu.memory_space<vmem_shared>>
    tpu.enqueue_indirect_dma source(%arg36 : memref<2736xf32, #tpu.memory_space<vmem>>) target(%dma_start3A_340 : memref<100096xf32, #tpu.memory_space<vmem_shared>>) offsets(%arg24 : memref<2736xi32, #tpu.memory_space<vmem>>) semaphore(%arg44 : memref<!tpu.dma_semaphore, #tpu.memory_space<semaphore_mem>>) {add = true}
    %dma_start3A_341 = arith.constant 0 : i32
    %dma_start3A_342 = tpu.memref_slice %arg12[%dma_start3A_341] : memref<100096xf32, #tpu.memory_space<vmem_shared>> -> memref<100096xf32, #tpu.memory_space<vmem_shared>>
    tpu.enqueue_indirect_dma source(%arg37 : memref<2736xf32, #tpu.memory_space<vmem>>) target(%dma_start3A_342 : memref<100096xf32, #tpu.memory_space<vmem_shared>>) offsets(%arg24 : memref<2736xi32, #tpu.memory_space<vmem>>) semaphore(%arg44 : memref<!tpu.dma_semaphore, #tpu.memory_space<semaphore_mem>>) {add = true}
    %dma_wait3A_343 = tpu.memref_slice %arg4[%add3A_88] : memref<1400000xi32, #tpu.memory_space<hbm>> -> memref<2736xi32, #tpu.memory_space<hbm>>
    %dma_wait3A_344 = tpu.memref_slice %arg4[%add3A_88] : memref<1400000xi32, #tpu.memory_space<hbm>> -> memref<2736xi32, #tpu.memory_space<hbm>>
    tpu.wait_dma2 semaphore(%arg41 : memref<!tpu.dma_semaphore, #tpu.memory_space<semaphore_mem>>) src(%dma_wait3A_344 : memref<2736xi32, #tpu.memory_space<hbm>>) dst(%arg21 : memref<2736xi32, #tpu.memory_space<vmem>>)
    %dma_wait3A_345 = tpu.memref_slice %arg4[%add3A_319] : memref<1400000xi32, #tpu.memory_space<hbm>> -> memref<2736xi32, #tpu.memory_space<hbm>>
    %dma_wait3A_346 = tpu.memref_slice %arg4[%add3A_319] : memref<1400000xi32, #tpu.memory_space<hbm>> -> memref<2736xi32, #tpu.memory_space<hbm>>
    tpu.wait_dma2 semaphore(%arg41 : memref<!tpu.dma_semaphore, #tpu.memory_space<semaphore_mem>>) src(%dma_wait3A_346 : memref<2736xi32, #tpu.memory_space<hbm>>) dst(%arg20 : memref<2736xi32, #tpu.memory_space<vmem>>)
    %dma_wait3A_347 = tpu.memref_slice %arg5[%add3A_88] : memref<700000xf32, #tpu.memory_space<hbm>> -> memref<2736xf32, #tpu.memory_space<hbm>>
    %dma_wait3A_348 = tpu.memref_slice %arg5[%add3A_88] : memref<700000xf32, #tpu.memory_space<hbm>> -> memref<2736xf32, #tpu.memory_space<hbm>>
    tpu.wait_dma2 semaphore(%arg41 : memref<!tpu.dma_semaphore, #tpu.memory_space<semaphore_mem>>) src(%dma_wait3A_348 : memref<2736xf32, #tpu.memory_space<hbm>>) dst(%arg22 : memref<2736xf32, #tpu.memory_space<vmem>>)
    %scan3A_349 = arith.constant 0 : i32
    %scan3A_350 = arith.constant 0 : i32
    %scan3A_351 = arith.constant 171 : i32
    %scan3A_352 = arith.addi %scan3A_350, %scan3A_351 : i32
    %scan3A_353 = arith.constant 1 : i32
    %scan3A_354 = scf.for %scan3A_1038 = %scan3A_350 to %scan3A_352 step %scan3A_353 iter_args(%scan3A_1039 = %scan3A_349) -> (i32)  : i32 {
      %mul3A_1040 = arith.constant 16 : i32
      %mul3A_1041 = arith.muli %scan3A_1038, %mul3A_1040 : i32
      %get3A_1042 = arith.index_cast %mul3A_1041 : i32 to index
      %get3A_1043 = tpu.vector_load %arg20[%get3A_1042] {strides = array<i32>} : memref<2736xi32, #tpu.memory_space<vmem>>, vector<16xi32>,
      %get3A_1044 = vector.shape_cast %get3A_1043 : vector<16xi32> to vector<16xi32>
      %mul3A_1045 = arith.constant 3 : i32
      %mul3A_1046 = vector.broadcast %mul3A_1045 : i32 to vector<16xi32>
      %mul3A_1047 = arith.muli %get3A_1044, %mul3A_1046 : vector<16xi32>
      %swap3A = arith.index_cast %mul3A_1041 : i32 to index
      %swap3A_1048 = tpu.vector_load %arg26[%swap3A] {strides = array<i32>} : memref<2736xi32, #tpu.memory_space<vmem>>, vector<16xi32>,
      %swap3A_1049 = vector.shape_cast %swap3A_1048 : vector<16xi32> to vector<16xi32>
      %swap3A_1050 = vector.shape_cast %mul3A_1047 : vector<16xi32> to vector<16xi32>
      tpu.vector_store %arg26[%swap3A], %swap3A_1050 {strides = array<i32>} : memref<2736xi32, #tpu.memory_space<vmem>>, vector<16xi32>,
      %add3A_1051 = arith.constant 1 : i32
      %add3A_1052 = vector.broadcast %add3A_1051 : i32 to vector<16xi32>
      %add3A_1053 = arith.addi %mul3A_1047, %add3A_1052 : vector<16xi32>
      %swap3A_1054 = arith.index_cast %mul3A_1041 : i32 to index
      %swap3A_1055 = tpu.vector_load %arg27[%swap3A_1054] {strides = array<i32>} : memref<2736xi32, #tpu.memory_space<vmem>>, vector<16xi32>,
      %swap3A_1056 = vector.shape_cast %swap3A_1055 : vector<16xi32> to vector<16xi32>
      %swap3A_1057 = vector.shape_cast %add3A_1053 : vector<16xi32> to vector<16xi32>
      tpu.vector_store %arg27[%swap3A_1054], %swap3A_1057 {strides = array<i32>} : memref<2736xi32, #tpu.memory_space<vmem>>, vector<16xi32>,
      %add3A_1058 = arith.constant 2 : i32
      %add3A_1059 = vector.broadcast %add3A_1058 : i32 to vector<16xi32>
      %add3A_1060 = arith.addi %mul3A_1047, %add3A_1059 : vector<16xi32>
      %swap3A_1061 = arith.index_cast %mul3A_1041 : i32 to index
      %swap3A_1062 = tpu.vector_load %arg28[%swap3A_1061] {strides = array<i32>} : memref<2736xi32, #tpu.memory_space<vmem>>, vector<16xi32>,
      %swap3A_1063 = vector.shape_cast %swap3A_1062 : vector<16xi32> to vector<16xi32>
      %swap3A_1064 = vector.shape_cast %add3A_1060 : vector<16xi32> to vector<16xi32>
      tpu.vector_store %arg28[%swap3A_1061], %swap3A_1064 {strides = array<i32>} : memref<2736xi32, #tpu.memory_space<vmem>>, vector<16xi32>,
      %scan3A_1065 = arith.constant 0 : i32
      scf.yield %scan3A_1065 : i32
    }
    %scan3A_355 = arith.constant 171 : i32
    %dma_start3A_356 = arith.constant 0 : i32
    %dma_start3A_357 = tpu.memref_slice %arg16[%dma_start3A_356] : memref<300288xf32, #tpu.memory_space<vmem_shared>> -> memref<300288xf32, #tpu.memory_space<vmem_shared>>
    tpu.enqueue_indirect_dma source(%dma_start3A_357 : memref<300288xf32, #tpu.memory_space<vmem_shared>>) target(%arg32 : memref<2736xf32, #tpu.memory_space<vmem>>) offsets(%arg26 : memref<2736xi32, #tpu.memory_space<vmem>>) semaphore(%arg38 : memref<!tpu.dma_semaphore, #tpu.memory_space<semaphore_mem>>)
    %dma_start3A_358 = arith.constant 0 : i32
    %dma_start3A_359 = tpu.memref_slice %arg16[%dma_start3A_358] : memref<300288xf32, #tpu.memory_space<vmem_shared>> -> memref<300288xf32, #tpu.memory_space<vmem_shared>>
    tpu.enqueue_indirect_dma source(%dma_start3A_359 : memref<300288xf32, #tpu.memory_space<vmem_shared>>) target(%arg33 : memref<2736xf32, #tpu.memory_space<vmem>>) offsets(%arg27 : memref<2736xi32, #tpu.memory_space<vmem>>) semaphore(%arg39 : memref<!tpu.dma_semaphore, #tpu.memory_space<semaphore_mem>>)
    %dma_start3A_360 = arith.constant 0 : i32
    %dma_start3A_361 = tpu.memref_slice %arg16[%dma_start3A_360] : memref<300288xf32, #tpu.memory_space<vmem_shared>> -> memref<300288xf32, #tpu.memory_space<vmem_shared>>
    tpu.enqueue_indirect_dma source(%dma_start3A_361 : memref<300288xf32, #tpu.memory_space<vmem_shared>>) target(%arg34 : memref<2736xf32, #tpu.memory_space<vmem>>) offsets(%arg28 : memref<2736xi32, #tpu.memory_space<vmem>>) semaphore(%arg40 : memref<!tpu.dma_semaphore, #tpu.memory_space<semaphore_mem>>)
    %dma_wait3A_362 = arith.constant 0 : i32
    %dma_wait3A_363 = tpu.memref_slice %arg10[%dma_wait3A_362] : memref<100096xf32, #tpu.memory_space<vmem_shared>> -> memref<100096xf32, #tpu.memory_space<vmem_shared>>
    tpu.wait_indirect_dma semaphore(%arg44 : memref<!tpu.dma_semaphore, #tpu.memory_space<semaphore_mem>>) src(%arg35 : memref<2736xf32, #tpu.memory_space<vmem>>) dst(%dma_wait3A_363 : memref<100096xf32, #tpu.memory_space<vmem_shared>>)
    %dma_wait3A_364 = arith.constant 0 : i32
    %dma_wait3A_365 = tpu.memref_slice %arg11[%dma_wait3A_364] : memref<100096xf32, #tpu.memory_space<vmem_shared>> -> memref<100096xf32, #tpu.memory_space<vmem_shared>>
    tpu.wait_indirect_dma semaphore(%arg44 : memref<!tpu.dma_semaphore, #tpu.memory_space<semaphore_mem>>) src(%arg36 : memref<2736xf32, #tpu.memory_space<vmem>>) dst(%dma_wait3A_365 : memref<100096xf32, #tpu.memory_space<vmem_shared>>)
    %dma_wait3A_366 = arith.constant 0 : i32
    %dma_wait3A_367 = tpu.memref_slice %arg12[%dma_wait3A_366] : memref<100096xf32, #tpu.memory_space<vmem_shared>> -> memref<100096xf32, #tpu.memory_space<vmem_shared>>
    tpu.wait_indirect_dma semaphore(%arg44 : memref<!tpu.dma_semaphore, #tpu.memory_space<semaphore_mem>>) src(%arg37 : memref<2736xf32, #tpu.memory_space<vmem>>) dst(%dma_wait3A_367 : memref<100096xf32, #tpu.memory_space<vmem_shared>>)
    %dma_start3A_368 = tpu.memref_slice %arg4[%add3A_92] : memref<1400000xi32, #tpu.memory_space<hbm>> -> memref<2736xi32, #tpu.memory_space<hbm>>
    %dma_start3A_369 = tpu.memref_slice %arg4[%add3A_92] : memref<1400000xi32, #tpu.memory_space<hbm>> -> memref<2736xi32, #tpu.memory_space<hbm>>
    tpu.enqueue_dma source(%dma_start3A_369 : memref<2736xi32, #tpu.memory_space<hbm>>) target(%arg24 : memref<2736xi32, #tpu.memory_space<vmem>>) target_semaphore(%arg42 : memref<!tpu.dma_semaphore, #tpu.memory_space<semaphore_mem>>)
    %add3A_370 = arith.constant 700000 : i32
    %add3A_371 = arith.addi %add3A_370, %add3A_92 : i32
    %dma_start3A_372 = tpu.memref_slice %arg4[%add3A_371] : memref<1400000xi32, #tpu.memory_space<hbm>> -> memref<2736xi32, #tpu.memory_space<hbm>>
    %dma_start3A_373 = tpu.memref_slice %arg4[%add3A_371] : memref<1400000xi32, #tpu.memory_space<hbm>> -> memref<2736xi32, #tpu.memory_space<hbm>>
    tpu.enqueue_dma source(%dma_start3A_373 : memref<2736xi32, #tpu.memory_space<hbm>>) target(%arg23 : memref<2736xi32, #tpu.memory_space<vmem>>) target_semaphore(%arg42 : memref<!tpu.dma_semaphore, #tpu.memory_space<semaphore_mem>>)
    %dma_start3A_374 = tpu.memref_slice %arg5[%add3A_92] : memref<700000xf32, #tpu.memory_space<hbm>> -> memref<2736xf32, #tpu.memory_space<hbm>>
    %dma_start3A_375 = tpu.memref_slice %arg5[%add3A_92] : memref<700000xf32, #tpu.memory_space<hbm>> -> memref<2736xf32, #tpu.memory_space<hbm>>
    tpu.enqueue_dma source(%dma_start3A_375 : memref<2736xf32, #tpu.memory_space<hbm>>) target(%arg25 : memref<2736xf32, #tpu.memory_space<vmem>>) target_semaphore(%arg42 : memref<!tpu.dma_semaphore, #tpu.memory_space<semaphore_mem>>)
    %dma_wait3A_376 = arith.constant 0 : i32
    %dma_wait3A_377 = tpu.memref_slice %arg16[%dma_wait3A_376] : memref<300288xf32, #tpu.memory_space<vmem_shared>> -> memref<300288xf32, #tpu.memory_space<vmem_shared>>
    tpu.wait_indirect_dma semaphore(%arg38 : memref<!tpu.dma_semaphore, #tpu.memory_space<semaphore_mem>>) src(%dma_wait3A_377 : memref<300288xf32, #tpu.memory_space<vmem_shared>>) dst(%arg32 : memref<2736xf32, #tpu.memory_space<vmem>>)
    %dma_wait3A_378 = arith.constant 0 : i32
    %dma_wait3A_379 = tpu.memref_slice %arg16[%dma_wait3A_378] : memref<300288xf32, #tpu.memory_space<vmem_shared>> -> memref<300288xf32, #tpu.memory_space<vmem_shared>>
    tpu.wait_indirect_dma semaphore(%arg39 : memref<!tpu.dma_semaphore, #tpu.memory_space<semaphore_mem>>) src(%dma_wait3A_379 : memref<300288xf32, #tpu.memory_space<vmem_shared>>) dst(%arg33 : memref<2736xf32, #tpu.memory_space<vmem>>)
    %dma_wait3A_380 = arith.constant 0 : i32
    %dma_wait3A_381 = tpu.memref_slice %arg16[%dma_wait3A_380] : memref<300288xf32, #tpu.memory_space<vmem_shared>> -> memref<300288xf32, #tpu.memory_space<vmem_shared>>
    tpu.wait_indirect_dma semaphore(%arg40 : memref<!tpu.dma_semaphore, #tpu.memory_space<semaphore_mem>>) src(%dma_wait3A_381 : memref<300288xf32, #tpu.memory_space<vmem_shared>>) dst(%arg34 : memref<2736xf32, #tpu.memory_space<vmem>>)
    %scan3A_382 = arith.constant 0 : i32
    %scan3A_383 = arith.constant 0 : i32
    %scan3A_384 = arith.constant 171 : i32
    %scan3A_385 = arith.addi %scan3A_383, %scan3A_384 : i32
    %scan3A_386 = arith.constant 1 : i32
    %scan3A_387 = scf.for %scan3A_1038 = %scan3A_383 to %scan3A_385 step %scan3A_386 iter_args(%scan3A_1039 = %scan3A_382) -> (i32)  : i32 {
      %mul3A_1040 = arith.constant 16 : i32
      %mul3A_1041 = arith.muli %scan3A_1038, %mul3A_1040 : i32
      %get3A_1042 = arith.index_cast %mul3A_1041 : i32 to index
      %get3A_1043 = tpu.vector_load %arg22[%get3A_1042] {strides = array<i32>} : memref<2736xf32, #tpu.memory_space<vmem>>, vector<16xf32>,
      %get3A_1044 = vector.shape_cast %get3A_1043 : vector<16xf32> to vector<16xf32>
      %get3A_1045 = arith.index_cast %mul3A_1041 : i32 to index
      %get3A_1046 = tpu.vector_load %arg32[%get3A_1045] {strides = array<i32>} : memref<2736xf32, #tpu.memory_space<vmem>>, vector<16xf32>,
      %get3A_1047 = vector.shape_cast %get3A_1046 : vector<16xf32> to vector<16xf32>
      %mul3A_1048 = arith.mulf %get3A_1047, %get3A_1044 : vector<16xf32>
      %swap3A = arith.index_cast %mul3A_1041 : i32 to index
      %swap3A_1049 = tpu.vector_load %arg32[%swap3A] {strides = array<i32>} : memref<2736xf32, #tpu.memory_space<vmem>>, vector<16xf32>,
      %swap3A_1050 = vector.shape_cast %swap3A_1049 : vector<16xf32> to vector<16xf32>
      %swap3A_1051 = vector.shape_cast %mul3A_1048 : vector<16xf32> to vector<16xf32>
      tpu.vector_store %arg32[%swap3A], %swap3A_1051 {strides = array<i32>} : memref<2736xf32, #tpu.memory_space<vmem>>, vector<16xf32>,
      %get3A_1052 = arith.index_cast %mul3A_1041 : i32 to index
      %get3A_1053 = tpu.vector_load %arg33[%get3A_1052] {strides = array<i32>} : memref<2736xf32, #tpu.memory_space<vmem>>, vector<16xf32>,
      %get3A_1054 = vector.shape_cast %get3A_1053 : vector<16xf32> to vector<16xf32>
      %mul3A_1055 = arith.mulf %get3A_1054, %get3A_1044 : vector<16xf32>
      %swap3A_1056 = arith.index_cast %mul3A_1041 : i32 to index
      %swap3A_1057 = tpu.vector_load %arg33[%swap3A_1056] {strides = array<i32>} : memref<2736xf32, #tpu.memory_space<vmem>>, vector<16xf32>,
      %swap3A_1058 = vector.shape_cast %swap3A_1057 : vector<16xf32> to vector<16xf32>
      %swap3A_1059 = vector.shape_cast %mul3A_1055 : vector<16xf32> to vector<16xf32>
      tpu.vector_store %arg33[%swap3A_1056], %swap3A_1059 {strides = array<i32>} : memref<2736xf32, #tpu.memory_space<vmem>>, vector<16xf32>,
      %get3A_1060 = arith.index_cast %mul3A_1041 : i32 to index
      %get3A_1061 = tpu.vector_load %arg34[%get3A_1060] {strides = array<i32>} : memref<2736xf32, #tpu.memory_space<vmem>>, vector<16xf32>,
      %get3A_1062 = vector.shape_cast %get3A_1061 : vector<16xf32> to vector<16xf32>
      %mul3A_1063 = arith.mulf %get3A_1062, %get3A_1044 : vector<16xf32>
      %swap3A_1064 = arith.index_cast %mul3A_1041 : i32 to index
      %swap3A_1065 = tpu.vector_load %arg34[%swap3A_1064] {strides = array<i32>} : memref<2736xf32, #tpu.memory_space<vmem>>, vector<16xf32>,
      %swap3A_1066 = vector.shape_cast %swap3A_1065 : vector<16xf32> to vector<16xf32>
      %swap3A_1067 = vector.shape_cast %mul3A_1063 : vector<16xf32> to vector<16xf32>
      tpu.vector_store %arg34[%swap3A_1064], %swap3A_1067 {strides = array<i32>} : memref<2736xf32, #tpu.memory_space<vmem>>, vector<16xf32>,
      %scan3A_1068 = arith.constant 0 : i32
      scf.yield %scan3A_1068 : i32
    }
    %scan3A_388 = arith.constant 171 : i32
    %dma_start3A_389 = arith.constant 0 : i32
    %dma_start3A_390 = tpu.memref_slice %arg10[%dma_start3A_389] : memref<100096xf32, #tpu.memory_space<vmem_shared>> -> memref<100096xf32, #tpu.memory_space<vmem_shared>>
    tpu.enqueue_indirect_dma source(%arg32 : memref<2736xf32, #tpu.memory_space<vmem>>) target(%dma_start3A_390 : memref<100096xf32, #tpu.memory_space<vmem_shared>>) offsets(%arg21 : memref<2736xi32, #tpu.memory_space<vmem>>) semaphore(%arg43 : memref<!tpu.dma_semaphore, #tpu.memory_space<semaphore_mem>>) {add = true}
    %dma_start3A_391 = arith.constant 0 : i32
    %dma_start3A_392 = tpu.memref_slice %arg11[%dma_start3A_391] : memref<100096xf32, #tpu.memory_space<vmem_shared>> -> memref<100096xf32, #tpu.memory_space<vmem_shared>>
    tpu.enqueue_indirect_dma source(%arg33 : memref<2736xf32, #tpu.memory_space<vmem>>) target(%dma_start3A_392 : memref<100096xf32, #tpu.memory_space<vmem_shared>>) offsets(%arg21 : memref<2736xi32, #tpu.memory_space<vmem>>) semaphore(%arg43 : memref<!tpu.dma_semaphore, #tpu.memory_space<semaphore_mem>>) {add = true}
    %dma_start3A_393 = arith.constant 0 : i32
    %dma_start3A_394 = tpu.memref_slice %arg12[%dma_start3A_393] : memref<100096xf32, #tpu.memory_space<vmem_shared>> -> memref<100096xf32, #tpu.memory_space<vmem_shared>>
    tpu.enqueue_indirect_dma source(%arg34 : memref<2736xf32, #tpu.memory_space<vmem>>) target(%dma_start3A_394 : memref<100096xf32, #tpu.memory_space<vmem_shared>>) offsets(%arg21 : memref<2736xi32, #tpu.memory_space<vmem>>) semaphore(%arg43 : memref<!tpu.dma_semaphore, #tpu.memory_space<semaphore_mem>>) {add = true}
    %dma_wait3A_395 = tpu.memref_slice %arg4[%add3A_92] : memref<1400000xi32, #tpu.memory_space<hbm>> -> memref<2736xi32, #tpu.memory_space<hbm>>
    %dma_wait3A_396 = tpu.memref_slice %arg4[%add3A_92] : memref<1400000xi32, #tpu.memory_space<hbm>> -> memref<2736xi32, #tpu.memory_space<hbm>>
    tpu.wait_dma2 semaphore(%arg42 : memref<!tpu.dma_semaphore, #tpu.memory_space<semaphore_mem>>) src(%dma_wait3A_396 : memref<2736xi32, #tpu.memory_space<hbm>>) dst(%arg24 : memref<2736xi32, #tpu.memory_space<vmem>>)
    %dma_wait3A_397 = tpu.memref_slice %arg4[%add3A_371] : memref<1400000xi32, #tpu.memory_space<hbm>> -> memref<2736xi32, #tpu.memory_space<hbm>>
    %dma_wait3A_398 = tpu.memref_slice %arg4[%add3A_371] : memref<1400000xi32, #tpu.memory_space<hbm>> -> memref<2736xi32, #tpu.memory_space<hbm>>
    tpu.wait_dma2 semaphore(%arg42 : memref<!tpu.dma_semaphore, #tpu.memory_space<semaphore_mem>>) src(%dma_wait3A_398 : memref<2736xi32, #tpu.memory_space<hbm>>) dst(%arg23 : memref<2736xi32, #tpu.memory_space<vmem>>)
    %dma_wait3A_399 = tpu.memref_slice %arg5[%add3A_92] : memref<700000xf32, #tpu.memory_space<hbm>> -> memref<2736xf32, #tpu.memory_space<hbm>>
    %dma_wait3A_400 = tpu.memref_slice %arg5[%add3A_92] : memref<700000xf32, #tpu.memory_space<hbm>> -> memref<2736xf32, #tpu.memory_space<hbm>>
    tpu.wait_dma2 semaphore(%arg42 : memref<!tpu.dma_semaphore, #tpu.memory_space<semaphore_mem>>) src(%dma_wait3A_400 : memref<2736xf32, #tpu.memory_space<hbm>>) dst(%arg25 : memref<2736xf32, #tpu.memory_space<vmem>>)
    %scan3A_401 = arith.constant 0 : i32
    %scan3A_402 = arith.constant 0 : i32
    %scan3A_403 = arith.constant 171 : i32
    %scan3A_404 = arith.addi %scan3A_402, %scan3A_403 : i32
    %scan3A_405 = arith.constant 1 : i32
    %scan3A_406 = scf.for %scan3A_1038 = %scan3A_402 to %scan3A_404 step %scan3A_405 iter_args(%scan3A_1039 = %scan3A_401) -> (i32)  : i32 {
      %mul3A_1040 = arith.constant 16 : i32
      %mul3A_1041 = arith.muli %scan3A_1038, %mul3A_1040 : i32
      %get3A_1042 = arith.index_cast %mul3A_1041 : i32 to index
      %get3A_1043 = tpu.vector_load %arg23[%get3A_1042] {strides = array<i32>} : memref<2736xi32, #tpu.memory_space<vmem>>, vector<16xi32>,
      %get3A_1044 = vector.shape_cast %get3A_1043 : vector<16xi32> to vector<16xi32>
      %mul3A_1045 = arith.constant 3 : i32
      %mul3A_1046 = vector.broadcast %mul3A_1045 : i32 to vector<16xi32>
      %mul3A_1047 = arith.muli %get3A_1044, %mul3A_1046 : vector<16xi32>
      %swap3A = arith.index_cast %mul3A_1041 : i32 to index
      %swap3A_1048 = tpu.vector_load %arg29[%swap3A] {strides = array<i32>} : memref<2736xi32, #tpu.memory_space<vmem>>, vector<16xi32>,
      %swap3A_1049 = vector.shape_cast %swap3A_1048 : vector<16xi32> to vector<16xi32>
      %swap3A_1050 = vector.shape_cast %mul3A_1047 : vector<16xi32> to vector<16xi32>
      tpu.vector_store %arg29[%swap3A], %swap3A_1050 {strides = array<i32>} : memref<2736xi32, #tpu.memory_space<vmem>>, vector<16xi32>,
      %add3A_1051 = arith.constant 1 : i32
      %add3A_1052 = vector.broadcast %add3A_1051 : i32 to vector<16xi32>
      %add3A_1053 = arith.addi %mul3A_1047, %add3A_1052 : vector<16xi32>
      %swap3A_1054 = arith.index_cast %mul3A_1041 : i32 to index
      %swap3A_1055 = tpu.vector_load %arg30[%swap3A_1054] {strides = array<i32>} : memref<2736xi32, #tpu.memory_space<vmem>>, vector<16xi32>,
      %swap3A_1056 = vector.shape_cast %swap3A_1055 : vector<16xi32> to vector<16xi32>
      %swap3A_1057 = vector.shape_cast %add3A_1053 : vector<16xi32> to vector<16xi32>
      tpu.vector_store %arg30[%swap3A_1054], %swap3A_1057 {strides = array<i32>} : memref<2736xi32, #tpu.memory_space<vmem>>, vector<16xi32>,
      %add3A_1058 = arith.constant 2 : i32
      %add3A_1059 = vector.broadcast %add3A_1058 : i32 to vector<16xi32>
      %add3A_1060 = arith.addi %mul3A_1047, %add3A_1059 : vector<16xi32>
      %swap3A_1061 = arith.index_cast %mul3A_1041 : i32 to index
      %swap3A_1062 = tpu.vector_load %arg31[%swap3A_1061] {strides = array<i32>} : memref<2736xi32, #tpu.memory_space<vmem>>, vector<16xi32>,
      %swap3A_1063 = vector.shape_cast %swap3A_1062 : vector<16xi32> to vector<16xi32>
      %swap3A_1064 = vector.shape_cast %add3A_1060 : vector<16xi32> to vector<16xi32>
      tpu.vector_store %arg31[%swap3A_1061], %swap3A_1064 {strides = array<i32>} : memref<2736xi32, #tpu.memory_space<vmem>>, vector<16xi32>,
      %scan3A_1065 = arith.constant 0 : i32
      scf.yield %scan3A_1065 : i32
    }
    %scan3A_407 = arith.constant 171 : i32
    %dma_start3A_408 = arith.constant 0 : i32
    %dma_start3A_409 = tpu.memref_slice %arg16[%dma_start3A_408] : memref<300288xf32, #tpu.memory_space<vmem_shared>> -> memref<300288xf32, #tpu.memory_space<vmem_shared>>
    tpu.enqueue_indirect_dma source(%dma_start3A_409 : memref<300288xf32, #tpu.memory_space<vmem_shared>>) target(%arg35 : memref<2736xf32, #tpu.memory_space<vmem>>) offsets(%arg29 : memref<2736xi32, #tpu.memory_space<vmem>>) semaphore(%arg38 : memref<!tpu.dma_semaphore, #tpu.memory_space<semaphore_mem>>)
    %dma_start3A_410 = arith.constant 0 : i32
    %dma_start3A_411 = tpu.memref_slice %arg16[%dma_start3A_410] : memref<300288xf32, #tpu.memory_space<vmem_shared>> -> memref<300288xf32, #tpu.memory_space<vmem_shared>>
    tpu.enqueue_indirect_dma source(%dma_start3A_411 : memref<300288xf32, #tpu.memory_space<vmem_shared>>) target(%arg36 : memref<2736xf32, #tpu.memory_space<vmem>>) offsets(%arg30 : memref<2736xi32, #tpu.memory_space<vmem>>) semaphore(%arg39 : memref<!tpu.dma_semaphore, #tpu.memory_space<semaphore_mem>>)
    %dma_start3A_412 = arith.constant 0 : i32
    %dma_start3A_413 = tpu.memref_slice %arg16[%dma_start3A_412] : memref<300288xf32, #tpu.memory_space<vmem_shared>> -> memref<300288xf32, #tpu.memory_space<vmem_shared>>
    tpu.enqueue_indirect_dma source(%dma_start3A_413 : memref<300288xf32, #tpu.memory_space<vmem_shared>>) target(%arg37 : memref<2736xf32, #tpu.memory_space<vmem>>) offsets(%arg31 : memref<2736xi32, #tpu.memory_space<vmem>>) semaphore(%arg40 : memref<!tpu.dma_semaphore, #tpu.memory_space<semaphore_mem>>)
    %dma_wait3A_414 = arith.constant 0 : i32
    %dma_wait3A_415 = tpu.memref_slice %arg10[%dma_wait3A_414] : memref<100096xf32, #tpu.memory_space<vmem_shared>> -> memref<100096xf32, #tpu.memory_space<vmem_shared>>
    tpu.wait_indirect_dma semaphore(%arg43 : memref<!tpu.dma_semaphore, #tpu.memory_space<semaphore_mem>>) src(%arg32 : memref<2736xf32, #tpu.memory_space<vmem>>) dst(%dma_wait3A_415 : memref<100096xf32, #tpu.memory_space<vmem_shared>>)
    %dma_wait3A_416 = arith.constant 0 : i32
    %dma_wait3A_417 = tpu.memref_slice %arg11[%dma_wait3A_416] : memref<100096xf32, #tpu.memory_space<vmem_shared>> -> memref<100096xf32, #tpu.memory_space<vmem_shared>>
    tpu.wait_indirect_dma semaphore(%arg43 : memref<!tpu.dma_semaphore, #tpu.memory_space<semaphore_mem>>) src(%arg33 : memref<2736xf32, #tpu.memory_space<vmem>>) dst(%dma_wait3A_417 : memref<100096xf32, #tpu.memory_space<vmem_shared>>)
    %dma_wait3A_418 = arith.constant 0 : i32
    %dma_wait3A_419 = tpu.memref_slice %arg12[%dma_wait3A_418] : memref<100096xf32, #tpu.memory_space<vmem_shared>> -> memref<100096xf32, #tpu.memory_space<vmem_shared>>
    tpu.wait_indirect_dma semaphore(%arg43 : memref<!tpu.dma_semaphore, #tpu.memory_space<semaphore_mem>>) src(%arg34 : memref<2736xf32, #tpu.memory_space<vmem>>) dst(%dma_wait3A_419 : memref<100096xf32, #tpu.memory_space<vmem_shared>>)
    %dma_start3A_420 = tpu.memref_slice %arg4[%add3A_96] : memref<1400000xi32, #tpu.memory_space<hbm>> -> memref<2736xi32, #tpu.memory_space<hbm>>
    %dma_start3A_421 = tpu.memref_slice %arg4[%add3A_96] : memref<1400000xi32, #tpu.memory_space<hbm>> -> memref<2736xi32, #tpu.memory_space<hbm>>
    tpu.enqueue_dma source(%dma_start3A_421 : memref<2736xi32, #tpu.memory_space<hbm>>) target(%arg21 : memref<2736xi32, #tpu.memory_space<vmem>>) target_semaphore(%arg41 : memref<!tpu.dma_semaphore, #tpu.memory_space<semaphore_mem>>)
    %add3A_422 = arith.constant 700000 : i32
    %add3A_423 = arith.addi %add3A_422, %add3A_96 : i32
    %dma_start3A_424 = tpu.memref_slice %arg4[%add3A_423] : memref<1400000xi32, #tpu.memory_space<hbm>> -> memref<2736xi32, #tpu.memory_space<hbm>>
    %dma_start3A_425 = tpu.memref_slice %arg4[%add3A_423] : memref<1400000xi32, #tpu.memory_space<hbm>> -> memref<2736xi32, #tpu.memory_space<hbm>>
    tpu.enqueue_dma source(%dma_start3A_425 : memref<2736xi32, #tpu.memory_space<hbm>>) target(%arg20 : memref<2736xi32, #tpu.memory_space<vmem>>) target_semaphore(%arg41 : memref<!tpu.dma_semaphore, #tpu.memory_space<semaphore_mem>>)
    %dma_start3A_426 = tpu.memref_slice %arg5[%add3A_96] : memref<700000xf32, #tpu.memory_space<hbm>> -> memref<2736xf32, #tpu.memory_space<hbm>>
    %dma_start3A_427 = tpu.memref_slice %arg5[%add3A_96] : memref<700000xf32, #tpu.memory_space<hbm>> -> memref<2736xf32, #tpu.memory_space<hbm>>
    tpu.enqueue_dma source(%dma_start3A_427 : memref<2736xf32, #tpu.memory_space<hbm>>) target(%arg22 : memref<2736xf32, #tpu.memory_space<vmem>>) target_semaphore(%arg41 : memref<!tpu.dma_semaphore, #tpu.memory_space<semaphore_mem>>)
    %dma_wait3A_428 = arith.constant 0 : i32
    %dma_wait3A_429 = tpu.memref_slice %arg16[%dma_wait3A_428] : memref<300288xf32, #tpu.memory_space<vmem_shared>> -> memref<300288xf32, #tpu.memory_space<vmem_shared>>
    tpu.wait_indirect_dma semaphore(%arg38 : memref<!tpu.dma_semaphore, #tpu.memory_space<semaphore_mem>>) src(%dma_wait3A_429 : memref<300288xf32, #tpu.memory_space<vmem_shared>>) dst(%arg35 : memref<2736xf32, #tpu.memory_space<vmem>>)
    %dma_wait3A_430 = arith.constant 0 : i32
    %dma_wait3A_431 = tpu.memref_slice %arg16[%dma_wait3A_430] : memref<300288xf32, #tpu.memory_space<vmem_shared>> -> memref<300288xf32, #tpu.memory_space<vmem_shared>>
    tpu.wait_indirect_dma semaphore(%arg39 : memref<!tpu.dma_semaphore, #tpu.memory_space<semaphore_mem>>) src(%dma_wait3A_431 : memref<300288xf32, #tpu.memory_space<vmem_shared>>) dst(%arg36 : memref<2736xf32, #tpu.memory_space<vmem>>)
    %dma_wait3A_432 = arith.constant 0 : i32
    %dma_wait3A_433 = tpu.memref_slice %arg16[%dma_wait3A_432] : memref<300288xf32, #tpu.memory_space<vmem_shared>> -> memref<300288xf32, #tpu.memory_space<vmem_shared>>
    tpu.wait_indirect_dma semaphore(%arg40 : memref<!tpu.dma_semaphore, #tpu.memory_space<semaphore_mem>>) src(%dma_wait3A_433 : memref<300288xf32, #tpu.memory_space<vmem_shared>>) dst(%arg37 : memref<2736xf32, #tpu.memory_space<vmem>>)
    %scan3A_434 = arith.constant 0 : i32
    %scan3A_435 = arith.constant 0 : i32
    %scan3A_436 = arith.constant 171 : i32
    %scan3A_437 = arith.addi %scan3A_435, %scan3A_436 : i32
    %scan3A_438 = arith.constant 1 : i32
    %scan3A_439 = scf.for %scan3A_1038 = %scan3A_435 to %scan3A_437 step %scan3A_438 iter_args(%scan3A_1039 = %scan3A_434) -> (i32)  : i32 {
      %mul3A_1040 = arith.constant 16 : i32
      %mul3A_1041 = arith.muli %scan3A_1038, %mul3A_1040 : i32
      %get3A_1042 = arith.index_cast %mul3A_1041 : i32 to index
      %get3A_1043 = tpu.vector_load %arg25[%get3A_1042] {strides = array<i32>} : memref<2736xf32, #tpu.memory_space<vmem>>, vector<16xf32>,
      %get3A_1044 = vector.shape_cast %get3A_1043 : vector<16xf32> to vector<16xf32>
      %get3A_1045 = arith.index_cast %mul3A_1041 : i32 to index
      %get3A_1046 = tpu.vector_load %arg35[%get3A_1045] {strides = array<i32>} : memref<2736xf32, #tpu.memory_space<vmem>>, vector<16xf32>,
      %get3A_1047 = vector.shape_cast %get3A_1046 : vector<16xf32> to vector<16xf32>
      %mul3A_1048 = arith.mulf %get3A_1047, %get3A_1044 : vector<16xf32>
      %swap3A = arith.index_cast %mul3A_1041 : i32 to index
      %swap3A_1049 = tpu.vector_load %arg35[%swap3A] {strides = array<i32>} : memref<2736xf32, #tpu.memory_space<vmem>>, vector<16xf32>,
      %swap3A_1050 = vector.shape_cast %swap3A_1049 : vector<16xf32> to vector<16xf32>
      %swap3A_1051 = vector.shape_cast %mul3A_1048 : vector<16xf32> to vector<16xf32>
      tpu.vector_store %arg35[%swap3A], %swap3A_1051 {strides = array<i32>} : memref<2736xf32, #tpu.memory_space<vmem>>, vector<16xf32>,
      %get3A_1052 = arith.index_cast %mul3A_1041 : i32 to index
      %get3A_1053 = tpu.vector_load %arg36[%get3A_1052] {strides = array<i32>} : memref<2736xf32, #tpu.memory_space<vmem>>, vector<16xf32>,
      %get3A_1054 = vector.shape_cast %get3A_1053 : vector<16xf32> to vector<16xf32>
      %mul3A_1055 = arith.mulf %get3A_1054, %get3A_1044 : vector<16xf32>
      %swap3A_1056 = arith.index_cast %mul3A_1041 : i32 to index
      %swap3A_1057 = tpu.vector_load %arg36[%swap3A_1056] {strides = array<i32>} : memref<2736xf32, #tpu.memory_space<vmem>>, vector<16xf32>,
      %swap3A_1058 = vector.shape_cast %swap3A_1057 : vector<16xf32> to vector<16xf32>
      %swap3A_1059 = vector.shape_cast %mul3A_1055 : vector<16xf32> to vector<16xf32>
      tpu.vector_store %arg36[%swap3A_1056], %swap3A_1059 {strides = array<i32>} : memref<2736xf32, #tpu.memory_space<vmem>>, vector<16xf32>,
      %get3A_1060 = arith.index_cast %mul3A_1041 : i32 to index
      %get3A_1061 = tpu.vector_load %arg37[%get3A_1060] {strides = array<i32>} : memref<2736xf32, #tpu.memory_space<vmem>>, vector<16xf32>,
      %get3A_1062 = vector.shape_cast %get3A_1061 : vector<16xf32> to vector<16xf32>
      %mul3A_1063 = arith.mulf %get3A_1062, %get3A_1044 : vector<16xf32>
      %swap3A_1064 = arith.index_cast %mul3A_1041 : i32 to index
      %swap3A_1065 = tpu.vector_load %arg37[%swap3A_1064] {strides = array<i32>} : memref<2736xf32, #tpu.memory_space<vmem>>, vector<16xf32>,
      %swap3A_1066 = vector.shape_cast %swap3A_1065 : vector<16xf32> to vector<16xf32>
      %swap3A_1067 = vector.shape_cast %mul3A_1063 : vector<16xf32> to vector<16xf32>
      tpu.vector_store %arg37[%swap3A_1064], %swap3A_1067 {strides = array<i32>} : memref<2736xf32, #tpu.memory_space<vmem>>, vector<16xf32>,
      %scan3A_1068 = arith.constant 0 : i32
      scf.yield %scan3A_1068 : i32
    }
    %scan3A_440 = arith.constant 171 : i32
    %dma_start3A_441 = arith.constant 0 : i32
    %dma_start3A_442 = tpu.memref_slice %arg10[%dma_start3A_441] : memref<100096xf32, #tpu.memory_space<vmem_shared>> -> memref<100096xf32, #tpu.memory_space<vmem_shared>>
    tpu.enqueue_indirect_dma source(%arg35 : memref<2736xf32, #tpu.memory_space<vmem>>) target(%dma_start3A_442 : memref<100096xf32, #tpu.memory_space<vmem_shared>>) offsets(%arg24 : memref<2736xi32, #tpu.memory_space<vmem>>) semaphore(%arg44 : memref<!tpu.dma_semaphore, #tpu.memory_space<semaphore_mem>>) {add = true}
    %dma_start3A_443 = arith.constant 0 : i32
    %dma_start3A_444 = tpu.memref_slice %arg11[%dma_start3A_443] : memref<100096xf32, #tpu.memory_space<vmem_shared>> -> memref<100096xf32, #tpu.memory_space<vmem_shared>>
    tpu.enqueue_indirect_dma source(%arg36 : memref<2736xf32, #tpu.memory_space<vmem>>) target(%dma_start3A_444 : memref<100096xf32, #tpu.memory_space<vmem_shared>>) offsets(%arg24 : memref<2736xi32, #tpu.memory_space<vmem>>) semaphore(%arg44 : memref<!tpu.dma_semaphore, #tpu.memory_space<semaphore_mem>>) {add = true}
    %dma_start3A_445 = arith.constant 0 : i32
    %dma_start3A_446 = tpu.memref_slice %arg12[%dma_start3A_445] : memref<100096xf32, #tpu.memory_space<vmem_shared>> -> memref<100096xf32, #tpu.memory_space<vmem_shared>>
    tpu.enqueue_indirect_dma source(%arg37 : memref<2736xf32, #tpu.memory_space<vmem>>) target(%dma_start3A_446 : memref<100096xf32, #tpu.memory_space<vmem_shared>>) offsets(%arg24 : memref<2736xi32, #tpu.memory_space<vmem>>) semaphore(%arg44 : memref<!tpu.dma_semaphore, #tpu.memory_space<semaphore_mem>>) {add = true}
    %dma_wait3A_447 = tpu.memref_slice %arg4[%add3A_96] : memref<1400000xi32, #tpu.memory_space<hbm>> -> memref<2736xi32, #tpu.memory_space<hbm>>
    %dma_wait3A_448 = tpu.memref_slice %arg4[%add3A_96] : memref<1400000xi32, #tpu.memory_space<hbm>> -> memref<2736xi32, #tpu.memory_space<hbm>>
    tpu.wait_dma2 semaphore(%arg41 : memref<!tpu.dma_semaphore, #tpu.memory_space<semaphore_mem>>) src(%dma_wait3A_448 : memref<2736xi32, #tpu.memory_space<hbm>>) dst(%arg21 : memref<2736xi32, #tpu.memory_space<vmem>>)
    %dma_wait3A_449 = tpu.memref_slice %arg4[%add3A_423] : memref<1400000xi32, #tpu.memory_space<hbm>> -> memref<2736xi32, #tpu.memory_space<hbm>>
    %dma_wait3A_450 = tpu.memref_slice %arg4[%add3A_423] : memref<1400000xi32, #tpu.memory_space<hbm>> -> memref<2736xi32, #tpu.memory_space<hbm>>
    tpu.wait_dma2 semaphore(%arg41 : memref<!tpu.dma_semaphore, #tpu.memory_space<semaphore_mem>>) src(%dma_wait3A_450 : memref<2736xi32, #tpu.memory_space<hbm>>) dst(%arg20 : memref<2736xi32, #tpu.memory_space<vmem>>)
    %dma_wait3A_451 = tpu.memref_slice %arg5[%add3A_96] : memref<700000xf32, #tpu.memory_space<hbm>> -> memref<2736xf32, #tpu.memory_space<hbm>>
    %dma_wait3A_452 = tpu.memref_slice %arg5[%add3A_96] : memref<700000xf32, #tpu.memory_space<hbm>> -> memref<2736xf32, #tpu.memory_space<hbm>>
    tpu.wait_dma2 semaphore(%arg41 : memref<!tpu.dma_semaphore, #tpu.memory_space<semaphore_mem>>) src(%dma_wait3A_452 : memref<2736xf32, #tpu.memory_space<hbm>>) dst(%arg22 : memref<2736xf32, #tpu.memory_space<vmem>>)
    %scan3A_453 = arith.constant 0 : i32
    %scan3A_454 = arith.constant 0 : i32
    %scan3A_455 = arith.constant 171 : i32
    %scan3A_456 = arith.addi %scan3A_454, %scan3A_455 : i32
    %scan3A_457 = arith.constant 1 : i32
    %scan3A_458 = scf.for %scan3A_1038 = %scan3A_454 to %scan3A_456 step %scan3A_457 iter_args(%scan3A_1039 = %scan3A_453) -> (i32)  : i32 {
      %mul3A_1040 = arith.constant 16 : i32
      %mul3A_1041 = arith.muli %scan3A_1038, %mul3A_1040 : i32
      %get3A_1042 = arith.index_cast %mul3A_1041 : i32 to index
      %get3A_1043 = tpu.vector_load %arg20[%get3A_1042] {strides = array<i32>} : memref<2736xi32, #tpu.memory_space<vmem>>, vector<16xi32>,
      %get3A_1044 = vector.shape_cast %get3A_1043 : vector<16xi32> to vector<16xi32>
      %mul3A_1045 = arith.constant 3 : i32
      %mul3A_1046 = vector.broadcast %mul3A_1045 : i32 to vector<16xi32>
      %mul3A_1047 = arith.muli %get3A_1044, %mul3A_1046 : vector<16xi32>
      %swap3A = arith.index_cast %mul3A_1041 : i32 to index
      %swap3A_1048 = tpu.vector_load %arg26[%swap3A] {strides = array<i32>} : memref<2736xi32, #tpu.memory_space<vmem>>, vector<16xi32>,
      %swap3A_1049 = vector.shape_cast %swap3A_1048 : vector<16xi32> to vector<16xi32>
      %swap3A_1050 = vector.shape_cast %mul3A_1047 : vector<16xi32> to vector<16xi32>
      tpu.vector_store %arg26[%swap3A], %swap3A_1050 {strides = array<i32>} : memref<2736xi32, #tpu.memory_space<vmem>>, vector<16xi32>,
      %add3A_1051 = arith.constant 1 : i32
      %add3A_1052 = vector.broadcast %add3A_1051 : i32 to vector<16xi32>
      %add3A_1053 = arith.addi %mul3A_1047, %add3A_1052 : vector<16xi32>
      %swap3A_1054 = arith.index_cast %mul3A_1041 : i32 to index
      %swap3A_1055 = tpu.vector_load %arg27[%swap3A_1054] {strides = array<i32>} : memref<2736xi32, #tpu.memory_space<vmem>>, vector<16xi32>,
      %swap3A_1056 = vector.shape_cast %swap3A_1055 : vector<16xi32> to vector<16xi32>
      %swap3A_1057 = vector.shape_cast %add3A_1053 : vector<16xi32> to vector<16xi32>
      tpu.vector_store %arg27[%swap3A_1054], %swap3A_1057 {strides = array<i32>} : memref<2736xi32, #tpu.memory_space<vmem>>, vector<16xi32>,
      %add3A_1058 = arith.constant 2 : i32
      %add3A_1059 = vector.broadcast %add3A_1058 : i32 to vector<16xi32>
      %add3A_1060 = arith.addi %mul3A_1047, %add3A_1059 : vector<16xi32>
      %swap3A_1061 = arith.index_cast %mul3A_1041 : i32 to index
      %swap3A_1062 = tpu.vector_load %arg28[%swap3A_1061] {strides = array<i32>} : memref<2736xi32, #tpu.memory_space<vmem>>, vector<16xi32>,
      %swap3A_1063 = vector.shape_cast %swap3A_1062 : vector<16xi32> to vector<16xi32>
      %swap3A_1064 = vector.shape_cast %add3A_1060 : vector<16xi32> to vector<16xi32>
      tpu.vector_store %arg28[%swap3A_1061], %swap3A_1064 {strides = array<i32>} : memref<2736xi32, #tpu.memory_space<vmem>>, vector<16xi32>,
      %scan3A_1065 = arith.constant 0 : i32
      scf.yield %scan3A_1065 : i32
    }
    %scan3A_459 = arith.constant 171 : i32
    %dma_start3A_460 = arith.constant 0 : i32
    %dma_start3A_461 = tpu.memref_slice %arg16[%dma_start3A_460] : memref<300288xf32, #tpu.memory_space<vmem_shared>> -> memref<300288xf32, #tpu.memory_space<vmem_shared>>
    tpu.enqueue_indirect_dma source(%dma_start3A_461 : memref<300288xf32, #tpu.memory_space<vmem_shared>>) target(%arg32 : memref<2736xf32, #tpu.memory_space<vmem>>) offsets(%arg26 : memref<2736xi32, #tpu.memory_space<vmem>>) semaphore(%arg38 : memref<!tpu.dma_semaphore, #tpu.memory_space<semaphore_mem>>)
    %dma_start3A_462 = arith.constant 0 : i32
    %dma_start3A_463 = tpu.memref_slice %arg16[%dma_start3A_462] : memref<300288xf32, #tpu.memory_space<vmem_shared>> -> memref<300288xf32, #tpu.memory_space<vmem_shared>>
    tpu.enqueue_indirect_dma source(%dma_start3A_463 : memref<300288xf32, #tpu.memory_space<vmem_shared>>) target(%arg33 : memref<2736xf32, #tpu.memory_space<vmem>>) offsets(%arg27 : memref<2736xi32, #tpu.memory_space<vmem>>) semaphore(%arg39 : memref<!tpu.dma_semaphore, #tpu.memory_space<semaphore_mem>>)
    %dma_start3A_464 = arith.constant 0 : i32
    %dma_start3A_465 = tpu.memref_slice %arg16[%dma_start3A_464] : memref<300288xf32, #tpu.memory_space<vmem_shared>> -> memref<300288xf32, #tpu.memory_space<vmem_shared>>
    tpu.enqueue_indirect_dma source(%dma_start3A_465 : memref<300288xf32, #tpu.memory_space<vmem_shared>>) target(%arg34 : memref<2736xf32, #tpu.memory_space<vmem>>) offsets(%arg28 : memref<2736xi32, #tpu.memory_space<vmem>>) semaphore(%arg40 : memref<!tpu.dma_semaphore, #tpu.memory_space<semaphore_mem>>)
    %dma_wait3A_466 = arith.constant 0 : i32
    %dma_wait3A_467 = tpu.memref_slice %arg10[%dma_wait3A_466] : memref<100096xf32, #tpu.memory_space<vmem_shared>> -> memref<100096xf32, #tpu.memory_space<vmem_shared>>
    tpu.wait_indirect_dma semaphore(%arg44 : memref<!tpu.dma_semaphore, #tpu.memory_space<semaphore_mem>>) src(%arg35 : memref<2736xf32, #tpu.memory_space<vmem>>) dst(%dma_wait3A_467 : memref<100096xf32, #tpu.memory_space<vmem_shared>>)
    %dma_wait3A_468 = arith.constant 0 : i32
    %dma_wait3A_469 = tpu.memref_slice %arg11[%dma_wait3A_468] : memref<100096xf32, #tpu.memory_space<vmem_shared>> -> memref<100096xf32, #tpu.memory_space<vmem_shared>>
    tpu.wait_indirect_dma semaphore(%arg44 : memref<!tpu.dma_semaphore, #tpu.memory_space<semaphore_mem>>) src(%arg36 : memref<2736xf32, #tpu.memory_space<vmem>>) dst(%dma_wait3A_469 : memref<100096xf32, #tpu.memory_space<vmem_shared>>)
    %dma_wait3A_470 = arith.constant 0 : i32
    %dma_wait3A_471 = tpu.memref_slice %arg12[%dma_wait3A_470] : memref<100096xf32, #tpu.memory_space<vmem_shared>> -> memref<100096xf32, #tpu.memory_space<vmem_shared>>
    tpu.wait_indirect_dma semaphore(%arg44 : memref<!tpu.dma_semaphore, #tpu.memory_space<semaphore_mem>>) src(%arg37 : memref<2736xf32, #tpu.memory_space<vmem>>) dst(%dma_wait3A_471 : memref<100096xf32, #tpu.memory_space<vmem_shared>>)
    %dma_start3A_472 = tpu.memref_slice %arg4[%select_n3A] : memref<1400000xi32, #tpu.memory_space<hbm>> -> memref<2736xi32, #tpu.memory_space<hbm>>
    %dma_start3A_473 = tpu.memref_slice %arg4[%select_n3A] : memref<1400000xi32, #tpu.memory_space<hbm>> -> memref<2736xi32, #tpu.memory_space<hbm>>
    tpu.enqueue_dma source(%dma_start3A_473 : memref<2736xi32, #tpu.memory_space<hbm>>) target(%arg24 : memref<2736xi32, #tpu.memory_space<vmem>>) target_semaphore(%arg42 : memref<!tpu.dma_semaphore, #tpu.memory_space<semaphore_mem>>)
    %add3A_474 = arith.constant 700000 : i32
    %add3A_475 = arith.addi %add3A_474, %select_n3A : i32
    %dma_start3A_476 = tpu.memref_slice %arg4[%add3A_475] : memref<1400000xi32, #tpu.memory_space<hbm>> -> memref<2736xi32, #tpu.memory_space<hbm>>
    %dma_start3A_477 = tpu.memref_slice %arg4[%add3A_475] : memref<1400000xi32, #tpu.memory_space<hbm>> -> memref<2736xi32, #tpu.memory_space<hbm>>
    tpu.enqueue_dma source(%dma_start3A_477 : memref<2736xi32, #tpu.memory_space<hbm>>) target(%arg23 : memref<2736xi32, #tpu.memory_space<vmem>>) target_semaphore(%arg42 : memref<!tpu.dma_semaphore, #tpu.memory_space<semaphore_mem>>)
    %dma_start3A_478 = tpu.memref_slice %arg5[%select_n3A] : memref<700000xf32, #tpu.memory_space<hbm>> -> memref<2736xf32, #tpu.memory_space<hbm>>
    %dma_start3A_479 = tpu.memref_slice %arg5[%select_n3A] : memref<700000xf32, #tpu.memory_space<hbm>> -> memref<2736xf32, #tpu.memory_space<hbm>>
    tpu.enqueue_dma source(%dma_start3A_479 : memref<2736xf32, #tpu.memory_space<hbm>>) target(%arg25 : memref<2736xf32, #tpu.memory_space<vmem>>) target_semaphore(%arg42 : memref<!tpu.dma_semaphore, #tpu.memory_space<semaphore_mem>>)
    %dma_wait3A_480 = arith.constant 0 : i32
    %dma_wait3A_481 = tpu.memref_slice %arg16[%dma_wait3A_480] : memref<300288xf32, #tpu.memory_space<vmem_shared>> -> memref<300288xf32, #tpu.memory_space<vmem_shared>>
    tpu.wait_indirect_dma semaphore(%arg38 : memref<!tpu.dma_semaphore, #tpu.memory_space<semaphore_mem>>) src(%dma_wait3A_481 : memref<300288xf32, #tpu.memory_space<vmem_shared>>) dst(%arg32 : memref<2736xf32, #tpu.memory_space<vmem>>)
    %dma_wait3A_482 = arith.constant 0 : i32
    %dma_wait3A_483 = tpu.memref_slice %arg16[%dma_wait3A_482] : memref<300288xf32, #tpu.memory_space<vmem_shared>> -> memref<300288xf32, #tpu.memory_space<vmem_shared>>
    tpu.wait_indirect_dma semaphore(%arg39 : memref<!tpu.dma_semaphore, #tpu.memory_space<semaphore_mem>>) src(%dma_wait3A_483 : memref<300288xf32, #tpu.memory_space<vmem_shared>>) dst(%arg33 : memref<2736xf32, #tpu.memory_space<vmem>>)
    %dma_wait3A_484 = arith.constant 0 : i32
    %dma_wait3A_485 = tpu.memref_slice %arg16[%dma_wait3A_484] : memref<300288xf32, #tpu.memory_space<vmem_shared>> -> memref<300288xf32, #tpu.memory_space<vmem_shared>>
    tpu.wait_indirect_dma semaphore(%arg40 : memref<!tpu.dma_semaphore, #tpu.memory_space<semaphore_mem>>) src(%dma_wait3A_485 : memref<300288xf32, #tpu.memory_space<vmem_shared>>) dst(%arg34 : memref<2736xf32, #tpu.memory_space<vmem>>)
    %scan3A_486 = arith.constant 0 : i32
    %scan3A_487 = arith.constant 0 : i32
    %scan3A_488 = arith.constant 171 : i32
    %scan3A_489 = arith.addi %scan3A_487, %scan3A_488 : i32
    %scan3A_490 = arith.constant 1 : i32
    %scan3A_491 = scf.for %scan3A_1038 = %scan3A_487 to %scan3A_489 step %scan3A_490 iter_args(%scan3A_1039 = %scan3A_486) -> (i32)  : i32 {
      %mul3A_1040 = arith.constant 16 : i32
      %mul3A_1041 = arith.muli %scan3A_1038, %mul3A_1040 : i32
      %get3A_1042 = arith.index_cast %mul3A_1041 : i32 to index
      %get3A_1043 = tpu.vector_load %arg22[%get3A_1042] {strides = array<i32>} : memref<2736xf32, #tpu.memory_space<vmem>>, vector<16xf32>,
      %get3A_1044 = vector.shape_cast %get3A_1043 : vector<16xf32> to vector<16xf32>
      %get3A_1045 = arith.index_cast %mul3A_1041 : i32 to index
      %get3A_1046 = tpu.vector_load %arg32[%get3A_1045] {strides = array<i32>} : memref<2736xf32, #tpu.memory_space<vmem>>, vector<16xf32>,
      %get3A_1047 = vector.shape_cast %get3A_1046 : vector<16xf32> to vector<16xf32>
      %mul3A_1048 = arith.mulf %get3A_1047, %get3A_1044 : vector<16xf32>
      %swap3A = arith.index_cast %mul3A_1041 : i32 to index
      %swap3A_1049 = tpu.vector_load %arg32[%swap3A] {strides = array<i32>} : memref<2736xf32, #tpu.memory_space<vmem>>, vector<16xf32>,
      %swap3A_1050 = vector.shape_cast %swap3A_1049 : vector<16xf32> to vector<16xf32>
      %swap3A_1051 = vector.shape_cast %mul3A_1048 : vector<16xf32> to vector<16xf32>
      tpu.vector_store %arg32[%swap3A], %swap3A_1051 {strides = array<i32>} : memref<2736xf32, #tpu.memory_space<vmem>>, vector<16xf32>,
      %get3A_1052 = arith.index_cast %mul3A_1041 : i32 to index
      %get3A_1053 = tpu.vector_load %arg33[%get3A_1052] {strides = array<i32>} : memref<2736xf32, #tpu.memory_space<vmem>>, vector<16xf32>,
      %get3A_1054 = vector.shape_cast %get3A_1053 : vector<16xf32> to vector<16xf32>
      %mul3A_1055 = arith.mulf %get3A_1054, %get3A_1044 : vector<16xf32>
      %swap3A_1056 = arith.index_cast %mul3A_1041 : i32 to index
      %swap3A_1057 = tpu.vector_load %arg33[%swap3A_1056] {strides = array<i32>} : memref<2736xf32, #tpu.memory_space<vmem>>, vector<16xf32>,
      %swap3A_1058 = vector.shape_cast %swap3A_1057 : vector<16xf32> to vector<16xf32>
      %swap3A_1059 = vector.shape_cast %mul3A_1055 : vector<16xf32> to vector<16xf32>
      tpu.vector_store %arg33[%swap3A_1056], %swap3A_1059 {strides = array<i32>} : memref<2736xf32, #tpu.memory_space<vmem>>, vector<16xf32>,
      %get3A_1060 = arith.index_cast %mul3A_1041 : i32 to index
      %get3A_1061 = tpu.vector_load %arg34[%get3A_1060] {strides = array<i32>} : memref<2736xf32, #tpu.memory_space<vmem>>, vector<16xf32>,
      %get3A_1062 = vector.shape_cast %get3A_1061 : vector<16xf32> to vector<16xf32>
      %mul3A_1063 = arith.mulf %get3A_1062, %get3A_1044 : vector<16xf32>
      %swap3A_1064 = arith.index_cast %mul3A_1041 : i32 to index
      %swap3A_1065 = tpu.vector_load %arg34[%swap3A_1064] {strides = array<i32>} : memref<2736xf32, #tpu.memory_space<vmem>>, vector<16xf32>,
      %swap3A_1066 = vector.shape_cast %swap3A_1065 : vector<16xf32> to vector<16xf32>
      %swap3A_1067 = vector.shape_cast %mul3A_1063 : vector<16xf32> to vector<16xf32>
      tpu.vector_store %arg34[%swap3A_1064], %swap3A_1067 {strides = array<i32>} : memref<2736xf32, #tpu.memory_space<vmem>>, vector<16xf32>,
      %scan3A_1068 = arith.constant 0 : i32
      scf.yield %scan3A_1068 : i32
    }
    %scan3A_492 = arith.constant 171 : i32
    %dma_start3A_493 = arith.constant 0 : i32
    %dma_start3A_494 = tpu.memref_slice %arg10[%dma_start3A_493] : memref<100096xf32, #tpu.memory_space<vmem_shared>> -> memref<100096xf32, #tpu.memory_space<vmem_shared>>
    tpu.enqueue_indirect_dma source(%arg32 : memref<2736xf32, #tpu.memory_space<vmem>>) target(%dma_start3A_494 : memref<100096xf32, #tpu.memory_space<vmem_shared>>) offsets(%arg21 : memref<2736xi32, #tpu.memory_space<vmem>>) semaphore(%arg43 : memref<!tpu.dma_semaphore, #tpu.memory_space<semaphore_mem>>) {add = true}
    %dma_start3A_495 = arith.constant 0 : i32
    %dma_start3A_496 = tpu.memref_slice %arg11[%dma_start3A_495] : memref<100096xf32, #tpu.memory_space<vmem_shared>> -> memref<100096xf32, #tpu.memory_space<vmem_shared>>
    tpu.enqueue_indirect_dma source(%arg33 : memref<2736xf32, #tpu.memory_space<vmem>>) target(%dma_start3A_496 : memref<100096xf32, #tpu.memory_space<vmem_shared>>) offsets(%arg21 : memref<2736xi32, #tpu.memory_space<vmem>>) semaphore(%arg43 : memref<!tpu.dma_semaphore, #tpu.memory_space<semaphore_mem>>) {add = true}
    %dma_start3A_497 = arith.constant 0 : i32
    %dma_start3A_498 = tpu.memref_slice %arg12[%dma_start3A_497] : memref<100096xf32, #tpu.memory_space<vmem_shared>> -> memref<100096xf32, #tpu.memory_space<vmem_shared>>
    tpu.enqueue_indirect_dma source(%arg34 : memref<2736xf32, #tpu.memory_space<vmem>>) target(%dma_start3A_498 : memref<100096xf32, #tpu.memory_space<vmem_shared>>) offsets(%arg21 : memref<2736xi32, #tpu.memory_space<vmem>>) semaphore(%arg43 : memref<!tpu.dma_semaphore, #tpu.memory_space<semaphore_mem>>) {add = true}
    %dma_wait3A_499 = tpu.memref_slice %arg4[%select_n3A] : memref<1400000xi32, #tpu.memory_space<hbm>> -> memref<2736xi32, #tpu.memory_space<hbm>>
    %dma_wait3A_500 = tpu.memref_slice %arg4[%select_n3A] : memref<1400000xi32, #tpu.memory_space<hbm>> -> memref<2736xi32, #tpu.memory_space<hbm>>
    tpu.wait_dma2 semaphore(%arg42 : memref<!tpu.dma_semaphore, #tpu.memory_space<semaphore_mem>>) src(%dma_wait3A_500 : memref<2736xi32, #tpu.memory_space<hbm>>) dst(%arg24 : memref<2736xi32, #tpu.memory_space<vmem>>)
    %dma_wait3A_501 = tpu.memref_slice %arg4[%add3A_475] : memref<1400000xi32, #tpu.memory_space<hbm>> -> memref<2736xi32, #tpu.memory_space<hbm>>
    %dma_wait3A_502 = tpu.memref_slice %arg4[%add3A_475] : memref<1400000xi32, #tpu.memory_space<hbm>> -> memref<2736xi32, #tpu.memory_space<hbm>>
    tpu.wait_dma2 semaphore(%arg42 : memref<!tpu.dma_semaphore, #tpu.memory_space<semaphore_mem>>) src(%dma_wait3A_502 : memref<2736xi32, #tpu.memory_space<hbm>>) dst(%arg23 : memref<2736xi32, #tpu.memory_space<vmem>>)
    %dma_wait3A_503 = tpu.memref_slice %arg5[%select_n3A] : memref<700000xf32, #tpu.memory_space<hbm>> -> memref<2736xf32, #tpu.memory_space<hbm>>
    %dma_wait3A_504 = tpu.memref_slice %arg5[%select_n3A] : memref<700000xf32, #tpu.memory_space<hbm>> -> memref<2736xf32, #tpu.memory_space<hbm>>
    tpu.wait_dma2 semaphore(%arg42 : memref<!tpu.dma_semaphore, #tpu.memory_space<semaphore_mem>>) src(%dma_wait3A_504 : memref<2736xf32, #tpu.memory_space<hbm>>) dst(%arg25 : memref<2736xf32, #tpu.memory_space<vmem>>)
    %convert_element_type3A_505 = arith.extui %eq3A_68 : i1 to i32
    %cond3A_506 = arith.constant 0 : i32
    %cond3A_507 = arith.cmpi ne, %convert_element_type3A_505, %cond3A_506 : i32
    scf.if %cond3A_507 {
      %scan3A_1038 = arith.constant 0 : i32
      %scan3A_1039 = arith.constant 0 : i32
      %scan3A_1040 = arith.constant 26 : i32
      %scan3A_1041 = arith.addi %scan3A_1039, %scan3A_1040 : i32
      %scan3A_1042 = arith.constant 1 : i32
      %scan3A_1043 = scf.for %scan3A_1045 = %scan3A_1039 to %scan3A_1041 step %scan3A_1042 iter_args(%scan3A_1046 = %scan3A_1038) -> (i32)  : i32 {
        %broadcast_in_dim3A = arith.constant 0.000000e+00 : f32
        %broadcast_in_dim3A_1047 = vector.broadcast %broadcast_in_dim3A : f32 to vector<16xf32>
        %mul3A_1048 = arith.constant 16 : i32
        %mul3A_1049 = arith.muli %scan3A_1045, %mul3A_1048 : i32
        %swap3A = arith.index_cast %mul3A_1049 : i32 to index
        %swap3A_1050 = tpu.vector_load %arg25[%swap3A] {strides = array<i32>} : memref<2736xf32, #tpu.memory_space<vmem>>, vector<16xf32>,
        %swap3A_1051 = vector.shape_cast %swap3A_1050 : vector<16xf32> to vector<16xf32>
        %swap3A_1052 = vector.shape_cast %broadcast_in_dim3A_1047 : vector<16xf32> to vector<16xf32>
        tpu.vector_store %arg25[%swap3A], %swap3A_1052 {strides = array<i32>} : memref<2736xf32, #tpu.memory_space<vmem>>, vector<16xf32>,
        %scan3A_1053 = arith.constant 0 : i32
        scf.yield %scan3A_1053 : i32
      }
      %scan3A_1044 = arith.constant 26 : i32
    } else {
    }
    %scan3A_508 = arith.constant 0 : i32
    %scan3A_509 = arith.constant 0 : i32
    %scan3A_510 = arith.constant 171 : i32
    %scan3A_511 = arith.addi %scan3A_509, %scan3A_510 : i32
    %scan3A_512 = arith.constant 1 : i32
    %scan3A_513 = scf.for %scan3A_1038 = %scan3A_509 to %scan3A_511 step %scan3A_512 iter_args(%scan3A_1039 = %scan3A_508) -> (i32)  : i32 {
      %mul3A_1040 = arith.constant 16 : i32
      %mul3A_1041 = arith.muli %scan3A_1038, %mul3A_1040 : i32
      %get3A_1042 = arith.index_cast %mul3A_1041 : i32 to index
      %get3A_1043 = tpu.vector_load %arg23[%get3A_1042] {strides = array<i32>} : memref<2736xi32, #tpu.memory_space<vmem>>, vector<16xi32>,
      %get3A_1044 = vector.shape_cast %get3A_1043 : vector<16xi32> to vector<16xi32>
      %mul3A_1045 = arith.constant 3 : i32
      %mul3A_1046 = vector.broadcast %mul3A_1045 : i32 to vector<16xi32>
      %mul3A_1047 = arith.muli %get3A_1044, %mul3A_1046 : vector<16xi32>
      %swap3A = arith.index_cast %mul3A_1041 : i32 to index
      %swap3A_1048 = tpu.vector_load %arg29[%swap3A] {strides = array<i32>} : memref<2736xi32, #tpu.memory_space<vmem>>, vector<16xi32>,
      %swap3A_1049 = vector.shape_cast %swap3A_1048 : vector<16xi32> to vector<16xi32>
      %swap3A_1050 = vector.shape_cast %mul3A_1047 : vector<16xi32> to vector<16xi32>
      tpu.vector_store %arg29[%swap3A], %swap3A_1050 {strides = array<i32>} : memref<2736xi32, #tpu.memory_space<vmem>>, vector<16xi32>,
      %add3A_1051 = arith.constant 1 : i32
      %add3A_1052 = vector.broadcast %add3A_1051 : i32 to vector<16xi32>
      %add3A_1053 = arith.addi %mul3A_1047, %add3A_1052 : vector<16xi32>
      %swap3A_1054 = arith.index_cast %mul3A_1041 : i32 to index
      %swap3A_1055 = tpu.vector_load %arg30[%swap3A_1054] {strides = array<i32>} : memref<2736xi32, #tpu.memory_space<vmem>>, vector<16xi32>,
      %swap3A_1056 = vector.shape_cast %swap3A_1055 : vector<16xi32> to vector<16xi32>
      %swap3A_1057 = vector.shape_cast %add3A_1053 : vector<16xi32> to vector<16xi32>
      tpu.vector_store %arg30[%swap3A_1054], %swap3A_1057 {strides = array<i32>} : memref<2736xi32, #tpu.memory_space<vmem>>, vector<16xi32>,
      %add3A_1058 = arith.constant 2 : i32
      %add3A_1059 = vector.broadcast %add3A_1058 : i32 to vector<16xi32>
      %add3A_1060 = arith.addi %mul3A_1047, %add3A_1059 : vector<16xi32>
      %swap3A_1061 = arith.index_cast %mul3A_1041 : i32 to index
      %swap3A_1062 = tpu.vector_load %arg31[%swap3A_1061] {strides = array<i32>} : memref<2736xi32, #tpu.memory_space<vmem>>, vector<16xi32>,
      %swap3A_1063 = vector.shape_cast %swap3A_1062 : vector<16xi32> to vector<16xi32>
      %swap3A_1064 = vector.shape_cast %add3A_1060 : vector<16xi32> to vector<16xi32>
      tpu.vector_store %arg31[%swap3A_1061], %swap3A_1064 {strides = array<i32>} : memref<2736xi32, #tpu.memory_space<vmem>>, vector<16xi32>,
      %scan3A_1065 = arith.constant 0 : i32
      scf.yield %scan3A_1065 : i32
    }
    %scan3A_514 = arith.constant 171 : i32
    %dma_start3A_515 = arith.constant 0 : i32
    %dma_start3A_516 = tpu.memref_slice %arg16[%dma_start3A_515] : memref<300288xf32, #tpu.memory_space<vmem_shared>> -> memref<300288xf32, #tpu.memory_space<vmem_shared>>
    tpu.enqueue_indirect_dma source(%dma_start3A_516 : memref<300288xf32, #tpu.memory_space<vmem_shared>>) target(%arg35 : memref<2736xf32, #tpu.memory_space<vmem>>) offsets(%arg29 : memref<2736xi32, #tpu.memory_space<vmem>>) semaphore(%arg38 : memref<!tpu.dma_semaphore, #tpu.memory_space<semaphore_mem>>)
    %dma_start3A_517 = arith.constant 0 : i32
    %dma_start3A_518 = tpu.memref_slice %arg16[%dma_start3A_517] : memref<300288xf32, #tpu.memory_space<vmem_shared>> -> memref<300288xf32, #tpu.memory_space<vmem_shared>>
    tpu.enqueue_indirect_dma source(%dma_start3A_518 : memref<300288xf32, #tpu.memory_space<vmem_shared>>) target(%arg36 : memref<2736xf32, #tpu.memory_space<vmem>>) offsets(%arg30 : memref<2736xi32, #tpu.memory_space<vmem>>) semaphore(%arg39 : memref<!tpu.dma_semaphore, #tpu.memory_space<semaphore_mem>>)
    %dma_start3A_519 = arith.constant 0 : i32
    %dma_start3A_520 = tpu.memref_slice %arg16[%dma_start3A_519] : memref<300288xf32, #tpu.memory_space<vmem_shared>> -> memref<300288xf32, #tpu.memory_space<vmem_shared>>
    tpu.enqueue_indirect_dma source(%dma_start3A_520 : memref<300288xf32, #tpu.memory_space<vmem_shared>>) target(%arg37 : memref<2736xf32, #tpu.memory_space<vmem>>) offsets(%arg31 : memref<2736xi32, #tpu.memory_space<vmem>>) semaphore(%arg40 : memref<!tpu.dma_semaphore, #tpu.memory_space<semaphore_mem>>)
    %dma_wait3A_521 = arith.constant 0 : i32
    %dma_wait3A_522 = tpu.memref_slice %arg10[%dma_wait3A_521] : memref<100096xf32, #tpu.memory_space<vmem_shared>> -> memref<100096xf32, #tpu.memory_space<vmem_shared>>
    tpu.wait_indirect_dma semaphore(%arg43 : memref<!tpu.dma_semaphore, #tpu.memory_space<semaphore_mem>>) src(%arg32 : memref<2736xf32, #tpu.memory_space<vmem>>) dst(%dma_wait3A_522 : memref<100096xf32, #tpu.memory_space<vmem_shared>>)
    %dma_wait3A_523 = arith.constant 0 : i32
    %dma_wait3A_524 = tpu.memref_slice %arg11[%dma_wait3A_523] : memref<100096xf32, #tpu.memory_space<vmem_shared>> -> memref<100096xf32, #tpu.memory_space<vmem_shared>>
    tpu.wait_indirect_dma semaphore(%arg43 : memref<!tpu.dma_semaphore, #tpu.memory_space<semaphore_mem>>) src(%arg33 : memref<2736xf32, #tpu.memory_space<vmem>>) dst(%dma_wait3A_524 : memref<100096xf32, #tpu.memory_space<vmem_shared>>)
    %dma_wait3A_525 = arith.constant 0 : i32
    %dma_wait3A_526 = tpu.memref_slice %arg12[%dma_wait3A_525] : memref<100096xf32, #tpu.memory_space<vmem_shared>> -> memref<100096xf32, #tpu.memory_space<vmem_shared>>
    tpu.wait_indirect_dma semaphore(%arg43 : memref<!tpu.dma_semaphore, #tpu.memory_space<semaphore_mem>>) src(%arg34 : memref<2736xf32, #tpu.memory_space<vmem>>) dst(%dma_wait3A_526 : memref<100096xf32, #tpu.memory_space<vmem_shared>>)
    %dma_start3A_527 = tpu.memref_slice %arg6[%add3A_104] : memref<1400000xi32, #tpu.memory_space<hbm>> -> memref<2736xi32, #tpu.memory_space<hbm>>
    %dma_start3A_528 = tpu.memref_slice %arg6[%add3A_104] : memref<1400000xi32, #tpu.memory_space<hbm>> -> memref<2736xi32, #tpu.memory_space<hbm>>
    tpu.enqueue_dma source(%dma_start3A_528 : memref<2736xi32, #tpu.memory_space<hbm>>) target(%arg21 : memref<2736xi32, #tpu.memory_space<vmem>>) target_semaphore(%arg41 : memref<!tpu.dma_semaphore, #tpu.memory_space<semaphore_mem>>)
    %add3A_529 = arith.constant 700000 : i32
    %add3A_530 = arith.addi %add3A_529, %add3A_104 : i32
    %dma_start3A_531 = tpu.memref_slice %arg6[%add3A_530] : memref<1400000xi32, #tpu.memory_space<hbm>> -> memref<2736xi32, #tpu.memory_space<hbm>>
    %dma_start3A_532 = tpu.memref_slice %arg6[%add3A_530] : memref<1400000xi32, #tpu.memory_space<hbm>> -> memref<2736xi32, #tpu.memory_space<hbm>>
    tpu.enqueue_dma source(%dma_start3A_532 : memref<2736xi32, #tpu.memory_space<hbm>>) target(%arg20 : memref<2736xi32, #tpu.memory_space<vmem>>) target_semaphore(%arg41 : memref<!tpu.dma_semaphore, #tpu.memory_space<semaphore_mem>>)
    %dma_start3A_533 = tpu.memref_slice %arg7[%add3A_104] : memref<700000xf32, #tpu.memory_space<hbm>> -> memref<2736xf32, #tpu.memory_space<hbm>>
    %dma_start3A_534 = tpu.memref_slice %arg7[%add3A_104] : memref<700000xf32, #tpu.memory_space<hbm>> -> memref<2736xf32, #tpu.memory_space<hbm>>
    tpu.enqueue_dma source(%dma_start3A_534 : memref<2736xf32, #tpu.memory_space<hbm>>) target(%arg22 : memref<2736xf32, #tpu.memory_space<vmem>>) target_semaphore(%arg41 : memref<!tpu.dma_semaphore, #tpu.memory_space<semaphore_mem>>)
    %dma_wait3A_535 = arith.constant 0 : i32
    %dma_wait3A_536 = tpu.memref_slice %arg16[%dma_wait3A_535] : memref<300288xf32, #tpu.memory_space<vmem_shared>> -> memref<300288xf32, #tpu.memory_space<vmem_shared>>
    tpu.wait_indirect_dma semaphore(%arg38 : memref<!tpu.dma_semaphore, #tpu.memory_space<semaphore_mem>>) src(%dma_wait3A_536 : memref<300288xf32, #tpu.memory_space<vmem_shared>>) dst(%arg35 : memref<2736xf32, #tpu.memory_space<vmem>>)
    %dma_wait3A_537 = arith.constant 0 : i32
    %dma_wait3A_538 = tpu.memref_slice %arg16[%dma_wait3A_537] : memref<300288xf32, #tpu.memory_space<vmem_shared>> -> memref<300288xf32, #tpu.memory_space<vmem_shared>>
    tpu.wait_indirect_dma semaphore(%arg39 : memref<!tpu.dma_semaphore, #tpu.memory_space<semaphore_mem>>) src(%dma_wait3A_538 : memref<300288xf32, #tpu.memory_space<vmem_shared>>) dst(%arg36 : memref<2736xf32, #tpu.memory_space<vmem>>)
    %dma_wait3A_539 = arith.constant 0 : i32
    %dma_wait3A_540 = tpu.memref_slice %arg16[%dma_wait3A_539] : memref<300288xf32, #tpu.memory_space<vmem_shared>> -> memref<300288xf32, #tpu.memory_space<vmem_shared>>
    tpu.wait_indirect_dma semaphore(%arg40 : memref<!tpu.dma_semaphore, #tpu.memory_space<semaphore_mem>>) src(%dma_wait3A_540 : memref<300288xf32, #tpu.memory_space<vmem_shared>>) dst(%arg37 : memref<2736xf32, #tpu.memory_space<vmem>>)
    %scan3A_541 = arith.constant 0 : i32
    %scan3A_542 = arith.constant 0 : i32
    %scan3A_543 = arith.constant 171 : i32
    %scan3A_544 = arith.addi %scan3A_542, %scan3A_543 : i32
    %scan3A_545 = arith.constant 1 : i32
    %scan3A_546 = scf.for %scan3A_1038 = %scan3A_542 to %scan3A_544 step %scan3A_545 iter_args(%scan3A_1039 = %scan3A_541) -> (i32)  : i32 {
      %mul3A_1040 = arith.constant 16 : i32
      %mul3A_1041 = arith.muli %scan3A_1038, %mul3A_1040 : i32
      %get3A_1042 = arith.index_cast %mul3A_1041 : i32 to index
      %get3A_1043 = tpu.vector_load %arg25[%get3A_1042] {strides = array<i32>} : memref<2736xf32, #tpu.memory_space<vmem>>, vector<16xf32>,
      %get3A_1044 = vector.shape_cast %get3A_1043 : vector<16xf32> to vector<16xf32>
      %get3A_1045 = arith.index_cast %mul3A_1041 : i32 to index
      %get3A_1046 = tpu.vector_load %arg35[%get3A_1045] {strides = array<i32>} : memref<2736xf32, #tpu.memory_space<vmem>>, vector<16xf32>,
      %get3A_1047 = vector.shape_cast %get3A_1046 : vector<16xf32> to vector<16xf32>
      %mul3A_1048 = arith.mulf %get3A_1047, %get3A_1044 : vector<16xf32>
      %swap3A = arith.index_cast %mul3A_1041 : i32 to index
      %swap3A_1049 = tpu.vector_load %arg35[%swap3A] {strides = array<i32>} : memref<2736xf32, #tpu.memory_space<vmem>>, vector<16xf32>,
      %swap3A_1050 = vector.shape_cast %swap3A_1049 : vector<16xf32> to vector<16xf32>
      %swap3A_1051 = vector.shape_cast %mul3A_1048 : vector<16xf32> to vector<16xf32>
      tpu.vector_store %arg35[%swap3A], %swap3A_1051 {strides = array<i32>} : memref<2736xf32, #tpu.memory_space<vmem>>, vector<16xf32>,
      %get3A_1052 = arith.index_cast %mul3A_1041 : i32 to index
      %get3A_1053 = tpu.vector_load %arg36[%get3A_1052] {strides = array<i32>} : memref<2736xf32, #tpu.memory_space<vmem>>, vector<16xf32>,
      %get3A_1054 = vector.shape_cast %get3A_1053 : vector<16xf32> to vector<16xf32>
      %mul3A_1055 = arith.mulf %get3A_1054, %get3A_1044 : vector<16xf32>
      %swap3A_1056 = arith.index_cast %mul3A_1041 : i32 to index
      %swap3A_1057 = tpu.vector_load %arg36[%swap3A_1056] {strides = array<i32>} : memref<2736xf32, #tpu.memory_space<vmem>>, vector<16xf32>,
      %swap3A_1058 = vector.shape_cast %swap3A_1057 : vector<16xf32> to vector<16xf32>
      %swap3A_1059 = vector.shape_cast %mul3A_1055 : vector<16xf32> to vector<16xf32>
      tpu.vector_store %arg36[%swap3A_1056], %swap3A_1059 {strides = array<i32>} : memref<2736xf32, #tpu.memory_space<vmem>>, vector<16xf32>,
      %get3A_1060 = arith.index_cast %mul3A_1041 : i32 to index
      %get3A_1061 = tpu.vector_load %arg37[%get3A_1060] {strides = array<i32>} : memref<2736xf32, #tpu.memory_space<vmem>>, vector<16xf32>,
      %get3A_1062 = vector.shape_cast %get3A_1061 : vector<16xf32> to vector<16xf32>
      %mul3A_1063 = arith.mulf %get3A_1062, %get3A_1044 : vector<16xf32>
      %swap3A_1064 = arith.index_cast %mul3A_1041 : i32 to index
      %swap3A_1065 = tpu.vector_load %arg37[%swap3A_1064] {strides = array<i32>} : memref<2736xf32, #tpu.memory_space<vmem>>, vector<16xf32>,
      %swap3A_1066 = vector.shape_cast %swap3A_1065 : vector<16xf32> to vector<16xf32>
      %swap3A_1067 = vector.shape_cast %mul3A_1063 : vector<16xf32> to vector<16xf32>
      tpu.vector_store %arg37[%swap3A_1064], %swap3A_1067 {strides = array<i32>} : memref<2736xf32, #tpu.memory_space<vmem>>, vector<16xf32>,
      %scan3A_1068 = arith.constant 0 : i32
      scf.yield %scan3A_1068 : i32
    }
    %scan3A_547 = arith.constant 171 : i32
    %dma_start3A_548 = arith.constant 0 : i32
    %dma_start3A_549 = tpu.memref_slice %arg10[%dma_start3A_548] : memref<100096xf32, #tpu.memory_space<vmem_shared>> -> memref<100096xf32, #tpu.memory_space<vmem_shared>>
    tpu.enqueue_indirect_dma source(%arg35 : memref<2736xf32, #tpu.memory_space<vmem>>) target(%dma_start3A_549 : memref<100096xf32, #tpu.memory_space<vmem_shared>>) offsets(%arg24 : memref<2736xi32, #tpu.memory_space<vmem>>) semaphore(%arg44 : memref<!tpu.dma_semaphore, #tpu.memory_space<semaphore_mem>>) {add = true}
    %dma_start3A_550 = arith.constant 0 : i32
    %dma_start3A_551 = tpu.memref_slice %arg11[%dma_start3A_550] : memref<100096xf32, #tpu.memory_space<vmem_shared>> -> memref<100096xf32, #tpu.memory_space<vmem_shared>>
    tpu.enqueue_indirect_dma source(%arg36 : memref<2736xf32, #tpu.memory_space<vmem>>) target(%dma_start3A_551 : memref<100096xf32, #tpu.memory_space<vmem_shared>>) offsets(%arg24 : memref<2736xi32, #tpu.memory_space<vmem>>) semaphore(%arg44 : memref<!tpu.dma_semaphore, #tpu.memory_space<semaphore_mem>>) {add = true}
    %dma_start3A_552 = arith.constant 0 : i32
    %dma_start3A_553 = tpu.memref_slice %arg12[%dma_start3A_552] : memref<100096xf32, #tpu.memory_space<vmem_shared>> -> memref<100096xf32, #tpu.memory_space<vmem_shared>>
    tpu.enqueue_indirect_dma source(%arg37 : memref<2736xf32, #tpu.memory_space<vmem>>) target(%dma_start3A_553 : memref<100096xf32, #tpu.memory_space<vmem_shared>>) offsets(%arg24 : memref<2736xi32, #tpu.memory_space<vmem>>) semaphore(%arg44 : memref<!tpu.dma_semaphore, #tpu.memory_space<semaphore_mem>>) {add = true}
    %dma_wait3A_554 = tpu.memref_slice %arg6[%add3A_104] : memref<1400000xi32, #tpu.memory_space<hbm>> -> memref<2736xi32, #tpu.memory_space<hbm>>
    %dma_wait3A_555 = tpu.memref_slice %arg6[%add3A_104] : memref<1400000xi32, #tpu.memory_space<hbm>> -> memref<2736xi32, #tpu.memory_space<hbm>>
    tpu.wait_dma2 semaphore(%arg41 : memref<!tpu.dma_semaphore, #tpu.memory_space<semaphore_mem>>) src(%dma_wait3A_555 : memref<2736xi32, #tpu.memory_space<hbm>>) dst(%arg21 : memref<2736xi32, #tpu.memory_space<vmem>>)
    %dma_wait3A_556 = tpu.memref_slice %arg6[%add3A_530] : memref<1400000xi32, #tpu.memory_space<hbm>> -> memref<2736xi32, #tpu.memory_space<hbm>>
    %dma_wait3A_557 = tpu.memref_slice %arg6[%add3A_530] : memref<1400000xi32, #tpu.memory_space<hbm>> -> memref<2736xi32, #tpu.memory_space<hbm>>
    tpu.wait_dma2 semaphore(%arg41 : memref<!tpu.dma_semaphore, #tpu.memory_space<semaphore_mem>>) src(%dma_wait3A_557 : memref<2736xi32, #tpu.memory_space<hbm>>) dst(%arg20 : memref<2736xi32, #tpu.memory_space<vmem>>)
    %dma_wait3A_558 = tpu.memref_slice %arg7[%add3A_104] : memref<700000xf32, #tpu.memory_space<hbm>> -> memref<2736xf32, #tpu.memory_space<hbm>>
    %dma_wait3A_559 = tpu.memref_slice %arg7[%add3A_104] : memref<700000xf32, #tpu.memory_space<hbm>> -> memref<2736xf32, #tpu.memory_space<hbm>>
    tpu.wait_dma2 semaphore(%arg41 : memref<!tpu.dma_semaphore, #tpu.memory_space<semaphore_mem>>) src(%dma_wait3A_559 : memref<2736xf32, #tpu.memory_space<hbm>>) dst(%arg22 : memref<2736xf32, #tpu.memory_space<vmem>>)
    %scan3A_560 = arith.constant 0 : i32
    %scan3A_561 = arith.constant 0 : i32
    %scan3A_562 = arith.constant 171 : i32
    %scan3A_563 = arith.addi %scan3A_561, %scan3A_562 : i32
    %scan3A_564 = arith.constant 1 : i32
    %scan3A_565 = scf.for %scan3A_1038 = %scan3A_561 to %scan3A_563 step %scan3A_564 iter_args(%scan3A_1039 = %scan3A_560) -> (i32)  : i32 {
      %mul3A_1040 = arith.constant 16 : i32
      %mul3A_1041 = arith.muli %scan3A_1038, %mul3A_1040 : i32
      %get3A_1042 = arith.index_cast %mul3A_1041 : i32 to index
      %get3A_1043 = tpu.vector_load %arg20[%get3A_1042] {strides = array<i32>} : memref<2736xi32, #tpu.memory_space<vmem>>, vector<16xi32>,
      %get3A_1044 = vector.shape_cast %get3A_1043 : vector<16xi32> to vector<16xi32>
      %mul3A_1045 = arith.constant 3 : i32
      %mul3A_1046 = vector.broadcast %mul3A_1045 : i32 to vector<16xi32>
      %mul3A_1047 = arith.muli %get3A_1044, %mul3A_1046 : vector<16xi32>
      %swap3A = arith.index_cast %mul3A_1041 : i32 to index
      %swap3A_1048 = tpu.vector_load %arg26[%swap3A] {strides = array<i32>} : memref<2736xi32, #tpu.memory_space<vmem>>, vector<16xi32>,
      %swap3A_1049 = vector.shape_cast %swap3A_1048 : vector<16xi32> to vector<16xi32>
      %swap3A_1050 = vector.shape_cast %mul3A_1047 : vector<16xi32> to vector<16xi32>
      tpu.vector_store %arg26[%swap3A], %swap3A_1050 {strides = array<i32>} : memref<2736xi32, #tpu.memory_space<vmem>>, vector<16xi32>,
      %add3A_1051 = arith.constant 1 : i32
      %add3A_1052 = vector.broadcast %add3A_1051 : i32 to vector<16xi32>
      %add3A_1053 = arith.addi %mul3A_1047, %add3A_1052 : vector<16xi32>
      %swap3A_1054 = arith.index_cast %mul3A_1041 : i32 to index
      %swap3A_1055 = tpu.vector_load %arg27[%swap3A_1054] {strides = array<i32>} : memref<2736xi32, #tpu.memory_space<vmem>>, vector<16xi32>,
      %swap3A_1056 = vector.shape_cast %swap3A_1055 : vector<16xi32> to vector<16xi32>
      %swap3A_1057 = vector.shape_cast %add3A_1053 : vector<16xi32> to vector<16xi32>
      tpu.vector_store %arg27[%swap3A_1054], %swap3A_1057 {strides = array<i32>} : memref<2736xi32, #tpu.memory_space<vmem>>, vector<16xi32>,
      %add3A_1058 = arith.constant 2 : i32
      %add3A_1059 = vector.broadcast %add3A_1058 : i32 to vector<16xi32>
      %add3A_1060 = arith.addi %mul3A_1047, %add3A_1059 : vector<16xi32>
      %swap3A_1061 = arith.index_cast %mul3A_1041 : i32 to index
      %swap3A_1062 = tpu.vector_load %arg28[%swap3A_1061] {strides = array<i32>} : memref<2736xi32, #tpu.memory_space<vmem>>, vector<16xi32>,
      %swap3A_1063 = vector.shape_cast %swap3A_1062 : vector<16xi32> to vector<16xi32>
      %swap3A_1064 = vector.shape_cast %add3A_1060 : vector<16xi32> to vector<16xi32>
      tpu.vector_store %arg28[%swap3A_1061], %swap3A_1064 {strides = array<i32>} : memref<2736xi32, #tpu.memory_space<vmem>>, vector<16xi32>,
      %scan3A_1065 = arith.constant 0 : i32
      scf.yield %scan3A_1065 : i32
    }
    %scan3A_566 = arith.constant 171 : i32
    %dma_start3A_567 = arith.constant 0 : i32
    %dma_start3A_568 = tpu.memref_slice %arg16[%dma_start3A_567] : memref<300288xf32, #tpu.memory_space<vmem_shared>> -> memref<300288xf32, #tpu.memory_space<vmem_shared>>
    tpu.enqueue_indirect_dma source(%dma_start3A_568 : memref<300288xf32, #tpu.memory_space<vmem_shared>>) target(%arg32 : memref<2736xf32, #tpu.memory_space<vmem>>) offsets(%arg26 : memref<2736xi32, #tpu.memory_space<vmem>>) semaphore(%arg38 : memref<!tpu.dma_semaphore, #tpu.memory_space<semaphore_mem>>)
    %dma_start3A_569 = arith.constant 0 : i32
    %dma_start3A_570 = tpu.memref_slice %arg16[%dma_start3A_569] : memref<300288xf32, #tpu.memory_space<vmem_shared>> -> memref<300288xf32, #tpu.memory_space<vmem_shared>>
    tpu.enqueue_indirect_dma source(%dma_start3A_570 : memref<300288xf32, #tpu.memory_space<vmem_shared>>) target(%arg33 : memref<2736xf32, #tpu.memory_space<vmem>>) offsets(%arg27 : memref<2736xi32, #tpu.memory_space<vmem>>) semaphore(%arg39 : memref<!tpu.dma_semaphore, #tpu.memory_space<semaphore_mem>>)
    %dma_start3A_571 = arith.constant 0 : i32
    %dma_start3A_572 = tpu.memref_slice %arg16[%dma_start3A_571] : memref<300288xf32, #tpu.memory_space<vmem_shared>> -> memref<300288xf32, #tpu.memory_space<vmem_shared>>
    tpu.enqueue_indirect_dma source(%dma_start3A_572 : memref<300288xf32, #tpu.memory_space<vmem_shared>>) target(%arg34 : memref<2736xf32, #tpu.memory_space<vmem>>) offsets(%arg28 : memref<2736xi32, #tpu.memory_space<vmem>>) semaphore(%arg40 : memref<!tpu.dma_semaphore, #tpu.memory_space<semaphore_mem>>)
    %dma_wait3A_573 = arith.constant 0 : i32
    %dma_wait3A_574 = tpu.memref_slice %arg10[%dma_wait3A_573] : memref<100096xf32, #tpu.memory_space<vmem_shared>> -> memref<100096xf32, #tpu.memory_space<vmem_shared>>
    tpu.wait_indirect_dma semaphore(%arg44 : memref<!tpu.dma_semaphore, #tpu.memory_space<semaphore_mem>>) src(%arg35 : memref<2736xf32, #tpu.memory_space<vmem>>) dst(%dma_wait3A_574 : memref<100096xf32, #tpu.memory_space<vmem_shared>>)
    %dma_wait3A_575 = arith.constant 0 : i32
    %dma_wait3A_576 = tpu.memref_slice %arg11[%dma_wait3A_575] : memref<100096xf32, #tpu.memory_space<vmem_shared>> -> memref<100096xf32, #tpu.memory_space<vmem_shared>>
    tpu.wait_indirect_dma semaphore(%arg44 : memref<!tpu.dma_semaphore, #tpu.memory_space<semaphore_mem>>) src(%arg36 : memref<2736xf32, #tpu.memory_space<vmem>>) dst(%dma_wait3A_576 : memref<100096xf32, #tpu.memory_space<vmem_shared>>)
    %dma_wait3A_577 = arith.constant 0 : i32
    %dma_wait3A_578 = tpu.memref_slice %arg12[%dma_wait3A_577] : memref<100096xf32, #tpu.memory_space<vmem_shared>> -> memref<100096xf32, #tpu.memory_space<vmem_shared>>
    tpu.wait_indirect_dma semaphore(%arg44 : memref<!tpu.dma_semaphore, #tpu.memory_space<semaphore_mem>>) src(%arg37 : memref<2736xf32, #tpu.memory_space<vmem>>) dst(%dma_wait3A_578 : memref<100096xf32, #tpu.memory_space<vmem_shared>>)
    %dma_start3A_579 = tpu.memref_slice %arg6[%add3A_108] : memref<1400000xi32, #tpu.memory_space<hbm>> -> memref<2736xi32, #tpu.memory_space<hbm>>
    %dma_start3A_580 = tpu.memref_slice %arg6[%add3A_108] : memref<1400000xi32, #tpu.memory_space<hbm>> -> memref<2736xi32, #tpu.memory_space<hbm>>
    tpu.enqueue_dma source(%dma_start3A_580 : memref<2736xi32, #tpu.memory_space<hbm>>) target(%arg24 : memref<2736xi32, #tpu.memory_space<vmem>>) target_semaphore(%arg42 : memref<!tpu.dma_semaphore, #tpu.memory_space<semaphore_mem>>)
    %add3A_581 = arith.constant 700000 : i32
    %add3A_582 = arith.addi %add3A_581, %add3A_108 : i32
    %dma_start3A_583 = tpu.memref_slice %arg6[%add3A_582] : memref<1400000xi32, #tpu.memory_space<hbm>> -> memref<2736xi32, #tpu.memory_space<hbm>>
    %dma_start3A_584 = tpu.memref_slice %arg6[%add3A_582] : memref<1400000xi32, #tpu.memory_space<hbm>> -> memref<2736xi32, #tpu.memory_space<hbm>>
    tpu.enqueue_dma source(%dma_start3A_584 : memref<2736xi32, #tpu.memory_space<hbm>>) target(%arg23 : memref<2736xi32, #tpu.memory_space<vmem>>) target_semaphore(%arg42 : memref<!tpu.dma_semaphore, #tpu.memory_space<semaphore_mem>>)
    %dma_start3A_585 = tpu.memref_slice %arg7[%add3A_108] : memref<700000xf32, #tpu.memory_space<hbm>> -> memref<2736xf32, #tpu.memory_space<hbm>>
    %dma_start3A_586 = tpu.memref_slice %arg7[%add3A_108] : memref<700000xf32, #tpu.memory_space<hbm>> -> memref<2736xf32, #tpu.memory_space<hbm>>
    tpu.enqueue_dma source(%dma_start3A_586 : memref<2736xf32, #tpu.memory_space<hbm>>) target(%arg25 : memref<2736xf32, #tpu.memory_space<vmem>>) target_semaphore(%arg42 : memref<!tpu.dma_semaphore, #tpu.memory_space<semaphore_mem>>)
    %dma_wait3A_587 = arith.constant 0 : i32
    %dma_wait3A_588 = tpu.memref_slice %arg16[%dma_wait3A_587] : memref<300288xf32, #tpu.memory_space<vmem_shared>> -> memref<300288xf32, #tpu.memory_space<vmem_shared>>
    tpu.wait_indirect_dma semaphore(%arg38 : memref<!tpu.dma_semaphore, #tpu.memory_space<semaphore_mem>>) src(%dma_wait3A_588 : memref<300288xf32, #tpu.memory_space<vmem_shared>>) dst(%arg32 : memref<2736xf32, #tpu.memory_space<vmem>>)
    %dma_wait3A_589 = arith.constant 0 : i32
    %dma_wait3A_590 = tpu.memref_slice %arg16[%dma_wait3A_589] : memref<300288xf32, #tpu.memory_space<vmem_shared>> -> memref<300288xf32, #tpu.memory_space<vmem_shared>>
    tpu.wait_indirect_dma semaphore(%arg39 : memref<!tpu.dma_semaphore, #tpu.memory_space<semaphore_mem>>) src(%dma_wait3A_590 : memref<300288xf32, #tpu.memory_space<vmem_shared>>) dst(%arg33 : memref<2736xf32, #tpu.memory_space<vmem>>)
    %dma_wait3A_591 = arith.constant 0 : i32
    %dma_wait3A_592 = tpu.memref_slice %arg16[%dma_wait3A_591] : memref<300288xf32, #tpu.memory_space<vmem_shared>> -> memref<300288xf32, #tpu.memory_space<vmem_shared>>
    tpu.wait_indirect_dma semaphore(%arg40 : memref<!tpu.dma_semaphore, #tpu.memory_space<semaphore_mem>>) src(%dma_wait3A_592 : memref<300288xf32, #tpu.memory_space<vmem_shared>>) dst(%arg34 : memref<2736xf32, #tpu.memory_space<vmem>>)
    %scan3A_593 = arith.constant 0 : i32
    %scan3A_594 = arith.constant 0 : i32
    %scan3A_595 = arith.constant 171 : i32
    %scan3A_596 = arith.addi %scan3A_594, %scan3A_595 : i32
    %scan3A_597 = arith.constant 1 : i32
    %scan3A_598 = scf.for %scan3A_1038 = %scan3A_594 to %scan3A_596 step %scan3A_597 iter_args(%scan3A_1039 = %scan3A_593) -> (i32)  : i32 {
      %mul3A_1040 = arith.constant 16 : i32
      %mul3A_1041 = arith.muli %scan3A_1038, %mul3A_1040 : i32
      %get3A_1042 = arith.index_cast %mul3A_1041 : i32 to index
      %get3A_1043 = tpu.vector_load %arg22[%get3A_1042] {strides = array<i32>} : memref<2736xf32, #tpu.memory_space<vmem>>, vector<16xf32>,
      %get3A_1044 = vector.shape_cast %get3A_1043 : vector<16xf32> to vector<16xf32>
      %get3A_1045 = arith.index_cast %mul3A_1041 : i32 to index
      %get3A_1046 = tpu.vector_load %arg32[%get3A_1045] {strides = array<i32>} : memref<2736xf32, #tpu.memory_space<vmem>>, vector<16xf32>,
      %get3A_1047 = vector.shape_cast %get3A_1046 : vector<16xf32> to vector<16xf32>
      %mul3A_1048 = arith.mulf %get3A_1047, %get3A_1044 : vector<16xf32>
      %swap3A = arith.index_cast %mul3A_1041 : i32 to index
      %swap3A_1049 = tpu.vector_load %arg32[%swap3A] {strides = array<i32>} : memref<2736xf32, #tpu.memory_space<vmem>>, vector<16xf32>,
      %swap3A_1050 = vector.shape_cast %swap3A_1049 : vector<16xf32> to vector<16xf32>
      %swap3A_1051 = vector.shape_cast %mul3A_1048 : vector<16xf32> to vector<16xf32>
      tpu.vector_store %arg32[%swap3A], %swap3A_1051 {strides = array<i32>} : memref<2736xf32, #tpu.memory_space<vmem>>, vector<16xf32>,
      %get3A_1052 = arith.index_cast %mul3A_1041 : i32 to index
      %get3A_1053 = tpu.vector_load %arg33[%get3A_1052] {strides = array<i32>} : memref<2736xf32, #tpu.memory_space<vmem>>, vector<16xf32>,
      %get3A_1054 = vector.shape_cast %get3A_1053 : vector<16xf32> to vector<16xf32>
      %mul3A_1055 = arith.mulf %get3A_1054, %get3A_1044 : vector<16xf32>
      %swap3A_1056 = arith.index_cast %mul3A_1041 : i32 to index
      %swap3A_1057 = tpu.vector_load %arg33[%swap3A_1056] {strides = array<i32>} : memref<2736xf32, #tpu.memory_space<vmem>>, vector<16xf32>,
      %swap3A_1058 = vector.shape_cast %swap3A_1057 : vector<16xf32> to vector<16xf32>
      %swap3A_1059 = vector.shape_cast %mul3A_1055 : vector<16xf32> to vector<16xf32>
      tpu.vector_store %arg33[%swap3A_1056], %swap3A_1059 {strides = array<i32>} : memref<2736xf32, #tpu.memory_space<vmem>>, vector<16xf32>,
      %get3A_1060 = arith.index_cast %mul3A_1041 : i32 to index
      %get3A_1061 = tpu.vector_load %arg34[%get3A_1060] {strides = array<i32>} : memref<2736xf32, #tpu.memory_space<vmem>>, vector<16xf32>,
      %get3A_1062 = vector.shape_cast %get3A_1061 : vector<16xf32> to vector<16xf32>
      %mul3A_1063 = arith.mulf %get3A_1062, %get3A_1044 : vector<16xf32>
      %swap3A_1064 = arith.index_cast %mul3A_1041 : i32 to index
      %swap3A_1065 = tpu.vector_load %arg34[%swap3A_1064] {strides = array<i32>} : memref<2736xf32, #tpu.memory_space<vmem>>, vector<16xf32>,
      %swap3A_1066 = vector.shape_cast %swap3A_1065 : vector<16xf32> to vector<16xf32>
      %swap3A_1067 = vector.shape_cast %mul3A_1063 : vector<16xf32> to vector<16xf32>
      tpu.vector_store %arg34[%swap3A_1064], %swap3A_1067 {strides = array<i32>} : memref<2736xf32, #tpu.memory_space<vmem>>, vector<16xf32>,
      %scan3A_1068 = arith.constant 0 : i32
      scf.yield %scan3A_1068 : i32
    }
    %scan3A_599 = arith.constant 171 : i32
    %dma_start3A_600 = arith.constant 0 : i32
    %dma_start3A_601 = tpu.memref_slice %arg13[%dma_start3A_600] : memref<100096xf32, #tpu.memory_space<vmem_shared>> -> memref<100096xf32, #tpu.memory_space<vmem_shared>>
    tpu.enqueue_indirect_dma source(%arg32 : memref<2736xf32, #tpu.memory_space<vmem>>) target(%dma_start3A_601 : memref<100096xf32, #tpu.memory_space<vmem_shared>>) offsets(%arg21 : memref<2736xi32, #tpu.memory_space<vmem>>) semaphore(%arg43 : memref<!tpu.dma_semaphore, #tpu.memory_space<semaphore_mem>>) {add = true}
    %dma_start3A_602 = arith.constant 0 : i32
    %dma_start3A_603 = tpu.memref_slice %arg14[%dma_start3A_602] : memref<100096xf32, #tpu.memory_space<vmem_shared>> -> memref<100096xf32, #tpu.memory_space<vmem_shared>>
    tpu.enqueue_indirect_dma source(%arg33 : memref<2736xf32, #tpu.memory_space<vmem>>) target(%dma_start3A_603 : memref<100096xf32, #tpu.memory_space<vmem_shared>>) offsets(%arg21 : memref<2736xi32, #tpu.memory_space<vmem>>) semaphore(%arg43 : memref<!tpu.dma_semaphore, #tpu.memory_space<semaphore_mem>>) {add = true}
    %dma_start3A_604 = arith.constant 0 : i32
    %dma_start3A_605 = tpu.memref_slice %arg15[%dma_start3A_604] : memref<100096xf32, #tpu.memory_space<vmem_shared>> -> memref<100096xf32, #tpu.memory_space<vmem_shared>>
    tpu.enqueue_indirect_dma source(%arg34 : memref<2736xf32, #tpu.memory_space<vmem>>) target(%dma_start3A_605 : memref<100096xf32, #tpu.memory_space<vmem_shared>>) offsets(%arg21 : memref<2736xi32, #tpu.memory_space<vmem>>) semaphore(%arg43 : memref<!tpu.dma_semaphore, #tpu.memory_space<semaphore_mem>>) {add = true}
    %dma_wait3A_606 = tpu.memref_slice %arg6[%add3A_108] : memref<1400000xi32, #tpu.memory_space<hbm>> -> memref<2736xi32, #tpu.memory_space<hbm>>
    %dma_wait3A_607 = tpu.memref_slice %arg6[%add3A_108] : memref<1400000xi32, #tpu.memory_space<hbm>> -> memref<2736xi32, #tpu.memory_space<hbm>>
    tpu.wait_dma2 semaphore(%arg42 : memref<!tpu.dma_semaphore, #tpu.memory_space<semaphore_mem>>) src(%dma_wait3A_607 : memref<2736xi32, #tpu.memory_space<hbm>>) dst(%arg24 : memref<2736xi32, #tpu.memory_space<vmem>>)
    %dma_wait3A_608 = tpu.memref_slice %arg6[%add3A_582] : memref<1400000xi32, #tpu.memory_space<hbm>> -> memref<2736xi32, #tpu.memory_space<hbm>>
    %dma_wait3A_609 = tpu.memref_slice %arg6[%add3A_582] : memref<1400000xi32, #tpu.memory_space<hbm>> -> memref<2736xi32, #tpu.memory_space<hbm>>
    tpu.wait_dma2 semaphore(%arg42 : memref<!tpu.dma_semaphore, #tpu.memory_space<semaphore_mem>>) src(%dma_wait3A_609 : memref<2736xi32, #tpu.memory_space<hbm>>) dst(%arg23 : memref<2736xi32, #tpu.memory_space<vmem>>)
    %dma_wait3A_610 = tpu.memref_slice %arg7[%add3A_108] : memref<700000xf32, #tpu.memory_space<hbm>> -> memref<2736xf32, #tpu.memory_space<hbm>>
    %dma_wait3A_611 = tpu.memref_slice %arg7[%add3A_108] : memref<700000xf32, #tpu.memory_space<hbm>> -> memref<2736xf32, #tpu.memory_space<hbm>>
    tpu.wait_dma2 semaphore(%arg42 : memref<!tpu.dma_semaphore, #tpu.memory_space<semaphore_mem>>) src(%dma_wait3A_611 : memref<2736xf32, #tpu.memory_space<hbm>>) dst(%arg25 : memref<2736xf32, #tpu.memory_space<vmem>>)
    %scan3A_612 = arith.constant 0 : i32
    %scan3A_613 = arith.constant 0 : i32
    %scan3A_614 = arith.constant 171 : i32
    %scan3A_615 = arith.addi %scan3A_613, %scan3A_614 : i32
    %scan3A_616 = arith.constant 1 : i32
    %scan3A_617 = scf.for %scan3A_1038 = %scan3A_613 to %scan3A_615 step %scan3A_616 iter_args(%scan3A_1039 = %scan3A_612) -> (i32)  : i32 {
      %mul3A_1040 = arith.constant 16 : i32
      %mul3A_1041 = arith.muli %scan3A_1038, %mul3A_1040 : i32
      %get3A_1042 = arith.index_cast %mul3A_1041 : i32 to index
      %get3A_1043 = tpu.vector_load %arg23[%get3A_1042] {strides = array<i32>} : memref<2736xi32, #tpu.memory_space<vmem>>, vector<16xi32>,
      %get3A_1044 = vector.shape_cast %get3A_1043 : vector<16xi32> to vector<16xi32>
      %mul3A_1045 = arith.constant 3 : i32
      %mul3A_1046 = vector.broadcast %mul3A_1045 : i32 to vector<16xi32>
      %mul3A_1047 = arith.muli %get3A_1044, %mul3A_1046 : vector<16xi32>
      %swap3A = arith.index_cast %mul3A_1041 : i32 to index
      %swap3A_1048 = tpu.vector_load %arg29[%swap3A] {strides = array<i32>} : memref<2736xi32, #tpu.memory_space<vmem>>, vector<16xi32>,
      %swap3A_1049 = vector.shape_cast %swap3A_1048 : vector<16xi32> to vector<16xi32>
      %swap3A_1050 = vector.shape_cast %mul3A_1047 : vector<16xi32> to vector<16xi32>
      tpu.vector_store %arg29[%swap3A], %swap3A_1050 {strides = array<i32>} : memref<2736xi32, #tpu.memory_space<vmem>>, vector<16xi32>,
      %add3A_1051 = arith.constant 1 : i32
      %add3A_1052 = vector.broadcast %add3A_1051 : i32 to vector<16xi32>
      %add3A_1053 = arith.addi %mul3A_1047, %add3A_1052 : vector<16xi32>
      %swap3A_1054 = arith.index_cast %mul3A_1041 : i32 to index
      %swap3A_1055 = tpu.vector_load %arg30[%swap3A_1054] {strides = array<i32>} : memref<2736xi32, #tpu.memory_space<vmem>>, vector<16xi32>,
      %swap3A_1056 = vector.shape_cast %swap3A_1055 : vector<16xi32> to vector<16xi32>
      %swap3A_1057 = vector.shape_cast %add3A_1053 : vector<16xi32> to vector<16xi32>
      tpu.vector_store %arg30[%swap3A_1054], %swap3A_1057 {strides = array<i32>} : memref<2736xi32, #tpu.memory_space<vmem>>, vector<16xi32>,
      %add3A_1058 = arith.constant 2 : i32
      %add3A_1059 = vector.broadcast %add3A_1058 : i32 to vector<16xi32>
      %add3A_1060 = arith.addi %mul3A_1047, %add3A_1059 : vector<16xi32>
      %swap3A_1061 = arith.index_cast %mul3A_1041 : i32 to index
      %swap3A_1062 = tpu.vector_load %arg31[%swap3A_1061] {strides = array<i32>} : memref<2736xi32, #tpu.memory_space<vmem>>, vector<16xi32>,
      %swap3A_1063 = vector.shape_cast %swap3A_1062 : vector<16xi32> to vector<16xi32>
      %swap3A_1064 = vector.shape_cast %add3A_1060 : vector<16xi32> to vector<16xi32>
      tpu.vector_store %arg31[%swap3A_1061], %swap3A_1064 {strides = array<i32>} : memref<2736xi32, #tpu.memory_space<vmem>>, vector<16xi32>,
      %scan3A_1065 = arith.constant 0 : i32
      scf.yield %scan3A_1065 : i32
    }
    %scan3A_618 = arith.constant 171 : i32
    %dma_start3A_619 = arith.constant 0 : i32
    %dma_start3A_620 = tpu.memref_slice %arg16[%dma_start3A_619] : memref<300288xf32, #tpu.memory_space<vmem_shared>> -> memref<300288xf32, #tpu.memory_space<vmem_shared>>
    tpu.enqueue_indirect_dma source(%dma_start3A_620 : memref<300288xf32, #tpu.memory_space<vmem_shared>>) target(%arg35 : memref<2736xf32, #tpu.memory_space<vmem>>) offsets(%arg29 : memref<2736xi32, #tpu.memory_space<vmem>>) semaphore(%arg38 : memref<!tpu.dma_semaphore, #tpu.memory_space<semaphore_mem>>)
    %dma_start3A_621 = arith.constant 0 : i32
    %dma_start3A_622 = tpu.memref_slice %arg16[%dma_start3A_621] : memref<300288xf32, #tpu.memory_space<vmem_shared>> -> memref<300288xf32, #tpu.memory_space<vmem_shared>>
    tpu.enqueue_indirect_dma source(%dma_start3A_622 : memref<300288xf32, #tpu.memory_space<vmem_shared>>) target(%arg36 : memref<2736xf32, #tpu.memory_space<vmem>>) offsets(%arg30 : memref<2736xi32, #tpu.memory_space<vmem>>) semaphore(%arg39 : memref<!tpu.dma_semaphore, #tpu.memory_space<semaphore_mem>>)
    %dma_start3A_623 = arith.constant 0 : i32
    %dma_start3A_624 = tpu.memref_slice %arg16[%dma_start3A_623] : memref<300288xf32, #tpu.memory_space<vmem_shared>> -> memref<300288xf32, #tpu.memory_space<vmem_shared>>
    tpu.enqueue_indirect_dma source(%dma_start3A_624 : memref<300288xf32, #tpu.memory_space<vmem_shared>>) target(%arg37 : memref<2736xf32, #tpu.memory_space<vmem>>) offsets(%arg31 : memref<2736xi32, #tpu.memory_space<vmem>>) semaphore(%arg40 : memref<!tpu.dma_semaphore, #tpu.memory_space<semaphore_mem>>)
    %dma_wait3A_625 = arith.constant 0 : i32
    %dma_wait3A_626 = tpu.memref_slice %arg13[%dma_wait3A_625] : memref<100096xf32, #tpu.memory_space<vmem_shared>> -> memref<100096xf32, #tpu.memory_space<vmem_shared>>
    tpu.wait_indirect_dma semaphore(%arg43 : memref<!tpu.dma_semaphore, #tpu.memory_space<semaphore_mem>>) src(%arg32 : memref<2736xf32, #tpu.memory_space<vmem>>) dst(%dma_wait3A_626 : memref<100096xf32, #tpu.memory_space<vmem_shared>>)
    %dma_wait3A_627 = arith.constant 0 : i32
    %dma_wait3A_628 = tpu.memref_slice %arg14[%dma_wait3A_627] : memref<100096xf32, #tpu.memory_space<vmem_shared>> -> memref<100096xf32, #tpu.memory_space<vmem_shared>>
    tpu.wait_indirect_dma semaphore(%arg43 : memref<!tpu.dma_semaphore, #tpu.memory_space<semaphore_mem>>) src(%arg33 : memref<2736xf32, #tpu.memory_space<vmem>>) dst(%dma_wait3A_628 : memref<100096xf32, #tpu.memory_space<vmem_shared>>)
    %dma_wait3A_629 = arith.constant 0 : i32
    %dma_wait3A_630 = tpu.memref_slice %arg15[%dma_wait3A_629] : memref<100096xf32, #tpu.memory_space<vmem_shared>> -> memref<100096xf32, #tpu.memory_space<vmem_shared>>
    tpu.wait_indirect_dma semaphore(%arg43 : memref<!tpu.dma_semaphore, #tpu.memory_space<semaphore_mem>>) src(%arg34 : memref<2736xf32, #tpu.memory_space<vmem>>) dst(%dma_wait3A_630 : memref<100096xf32, #tpu.memory_space<vmem_shared>>)
    %dma_start3A_631 = tpu.memref_slice %arg6[%add3A_112] : memref<1400000xi32, #tpu.memory_space<hbm>> -> memref<2736xi32, #tpu.memory_space<hbm>>
    %dma_start3A_632 = tpu.memref_slice %arg6[%add3A_112] : memref<1400000xi32, #tpu.memory_space<hbm>> -> memref<2736xi32, #tpu.memory_space<hbm>>
    tpu.enqueue_dma source(%dma_start3A_632 : memref<2736xi32, #tpu.memory_space<hbm>>) target(%arg21 : memref<2736xi32, #tpu.memory_space<vmem>>) target_semaphore(%arg41 : memref<!tpu.dma_semaphore, #tpu.memory_space<semaphore_mem>>)
    %add3A_633 = arith.constant 700000 : i32
    %add3A_634 = arith.addi %add3A_633, %add3A_112 : i32
    %dma_start3A_635 = tpu.memref_slice %arg6[%add3A_634] : memref<1400000xi32, #tpu.memory_space<hbm>> -> memref<2736xi32, #tpu.memory_space<hbm>>
    %dma_start3A_636 = tpu.memref_slice %arg6[%add3A_634] : memref<1400000xi32, #tpu.memory_space<hbm>> -> memref<2736xi32, #tpu.memory_space<hbm>>
    tpu.enqueue_dma source(%dma_start3A_636 : memref<2736xi32, #tpu.memory_space<hbm>>) target(%arg20 : memref<2736xi32, #tpu.memory_space<vmem>>) target_semaphore(%arg41 : memref<!tpu.dma_semaphore, #tpu.memory_space<semaphore_mem>>)
    %dma_start3A_637 = tpu.memref_slice %arg7[%add3A_112] : memref<700000xf32, #tpu.memory_space<hbm>> -> memref<2736xf32, #tpu.memory_space<hbm>>
    %dma_start3A_638 = tpu.memref_slice %arg7[%add3A_112] : memref<700000xf32, #tpu.memory_space<hbm>> -> memref<2736xf32, #tpu.memory_space<hbm>>
    tpu.enqueue_dma source(%dma_start3A_638 : memref<2736xf32, #tpu.memory_space<hbm>>) target(%arg22 : memref<2736xf32, #tpu.memory_space<vmem>>) target_semaphore(%arg41 : memref<!tpu.dma_semaphore, #tpu.memory_space<semaphore_mem>>)
    %dma_wait3A_639 = arith.constant 0 : i32
    %dma_wait3A_640 = tpu.memref_slice %arg16[%dma_wait3A_639] : memref<300288xf32, #tpu.memory_space<vmem_shared>> -> memref<300288xf32, #tpu.memory_space<vmem_shared>>
    tpu.wait_indirect_dma semaphore(%arg38 : memref<!tpu.dma_semaphore, #tpu.memory_space<semaphore_mem>>) src(%dma_wait3A_640 : memref<300288xf32, #tpu.memory_space<vmem_shared>>) dst(%arg35 : memref<2736xf32, #tpu.memory_space<vmem>>)
    %dma_wait3A_641 = arith.constant 0 : i32
    %dma_wait3A_642 = tpu.memref_slice %arg16[%dma_wait3A_641] : memref<300288xf32, #tpu.memory_space<vmem_shared>> -> memref<300288xf32, #tpu.memory_space<vmem_shared>>
    tpu.wait_indirect_dma semaphore(%arg39 : memref<!tpu.dma_semaphore, #tpu.memory_space<semaphore_mem>>) src(%dma_wait3A_642 : memref<300288xf32, #tpu.memory_space<vmem_shared>>) dst(%arg36 : memref<2736xf32, #tpu.memory_space<vmem>>)
    %dma_wait3A_643 = arith.constant 0 : i32
    %dma_wait3A_644 = tpu.memref_slice %arg16[%dma_wait3A_643] : memref<300288xf32, #tpu.memory_space<vmem_shared>> -> memref<300288xf32, #tpu.memory_space<vmem_shared>>
    tpu.wait_indirect_dma semaphore(%arg40 : memref<!tpu.dma_semaphore, #tpu.memory_space<semaphore_mem>>) src(%dma_wait3A_644 : memref<300288xf32, #tpu.memory_space<vmem_shared>>) dst(%arg37 : memref<2736xf32, #tpu.memory_space<vmem>>)
    %scan3A_645 = arith.constant 0 : i32
    %scan3A_646 = arith.constant 0 : i32
    %scan3A_647 = arith.constant 171 : i32
    %scan3A_648 = arith.addi %scan3A_646, %scan3A_647 : i32
    %scan3A_649 = arith.constant 1 : i32
    %scan3A_650 = scf.for %scan3A_1038 = %scan3A_646 to %scan3A_648 step %scan3A_649 iter_args(%scan3A_1039 = %scan3A_645) -> (i32)  : i32 {
      %mul3A_1040 = arith.constant 16 : i32
      %mul3A_1041 = arith.muli %scan3A_1038, %mul3A_1040 : i32
      %get3A_1042 = arith.index_cast %mul3A_1041 : i32 to index
      %get3A_1043 = tpu.vector_load %arg25[%get3A_1042] {strides = array<i32>} : memref<2736xf32, #tpu.memory_space<vmem>>, vector<16xf32>,
      %get3A_1044 = vector.shape_cast %get3A_1043 : vector<16xf32> to vector<16xf32>
      %get3A_1045 = arith.index_cast %mul3A_1041 : i32 to index
      %get3A_1046 = tpu.vector_load %arg35[%get3A_1045] {strides = array<i32>} : memref<2736xf32, #tpu.memory_space<vmem>>, vector<16xf32>,
      %get3A_1047 = vector.shape_cast %get3A_1046 : vector<16xf32> to vector<16xf32>
      %mul3A_1048 = arith.mulf %get3A_1047, %get3A_1044 : vector<16xf32>
      %swap3A = arith.index_cast %mul3A_1041 : i32 to index
      %swap3A_1049 = tpu.vector_load %arg35[%swap3A] {strides = array<i32>} : memref<2736xf32, #tpu.memory_space<vmem>>, vector<16xf32>,
      %swap3A_1050 = vector.shape_cast %swap3A_1049 : vector<16xf32> to vector<16xf32>
      %swap3A_1051 = vector.shape_cast %mul3A_1048 : vector<16xf32> to vector<16xf32>
      tpu.vector_store %arg35[%swap3A], %swap3A_1051 {strides = array<i32>} : memref<2736xf32, #tpu.memory_space<vmem>>, vector<16xf32>,
      %get3A_1052 = arith.index_cast %mul3A_1041 : i32 to index
      %get3A_1053 = tpu.vector_load %arg36[%get3A_1052] {strides = array<i32>} : memref<2736xf32, #tpu.memory_space<vmem>>, vector<16xf32>,
      %get3A_1054 = vector.shape_cast %get3A_1053 : vector<16xf32> to vector<16xf32>
      %mul3A_1055 = arith.mulf %get3A_1054, %get3A_1044 : vector<16xf32>
      %swap3A_1056 = arith.index_cast %mul3A_1041 : i32 to index
      %swap3A_1057 = tpu.vector_load %arg36[%swap3A_1056] {strides = array<i32>} : memref<2736xf32, #tpu.memory_space<vmem>>, vector<16xf32>,
      %swap3A_1058 = vector.shape_cast %swap3A_1057 : vector<16xf32> to vector<16xf32>
      %swap3A_1059 = vector.shape_cast %mul3A_1055 : vector<16xf32> to vector<16xf32>
      tpu.vector_store %arg36[%swap3A_1056], %swap3A_1059 {strides = array<i32>} : memref<2736xf32, #tpu.memory_space<vmem>>, vector<16xf32>,
      %get3A_1060 = arith.index_cast %mul3A_1041 : i32 to index
      %get3A_1061 = tpu.vector_load %arg37[%get3A_1060] {strides = array<i32>} : memref<2736xf32, #tpu.memory_space<vmem>>, vector<16xf32>,
      %get3A_1062 = vector.shape_cast %get3A_1061 : vector<16xf32> to vector<16xf32>
      %mul3A_1063 = arith.mulf %get3A_1062, %get3A_1044 : vector<16xf32>
      %swap3A_1064 = arith.index_cast %mul3A_1041 : i32 to index
      %swap3A_1065 = tpu.vector_load %arg37[%swap3A_1064] {strides = array<i32>} : memref<2736xf32, #tpu.memory_space<vmem>>, vector<16xf32>,
      %swap3A_1066 = vector.shape_cast %swap3A_1065 : vector<16xf32> to vector<16xf32>
      %swap3A_1067 = vector.shape_cast %mul3A_1063 : vector<16xf32> to vector<16xf32>
      tpu.vector_store %arg37[%swap3A_1064], %swap3A_1067 {strides = array<i32>} : memref<2736xf32, #tpu.memory_space<vmem>>, vector<16xf32>,
      %scan3A_1068 = arith.constant 0 : i32
      scf.yield %scan3A_1068 : i32
    }
    %scan3A_651 = arith.constant 171 : i32
    %dma_start3A_652 = arith.constant 0 : i32
    %dma_start3A_653 = tpu.memref_slice %arg13[%dma_start3A_652] : memref<100096xf32, #tpu.memory_space<vmem_shared>> -> memref<100096xf32, #tpu.memory_space<vmem_shared>>
    tpu.enqueue_indirect_dma source(%arg35 : memref<2736xf32, #tpu.memory_space<vmem>>) target(%dma_start3A_653 : memref<100096xf32, #tpu.memory_space<vmem_shared>>) offsets(%arg24 : memref<2736xi32, #tpu.memory_space<vmem>>) semaphore(%arg44 : memref<!tpu.dma_semaphore, #tpu.memory_space<semaphore_mem>>) {add = true}
    %dma_start3A_654 = arith.constant 0 : i32
    %dma_start3A_655 = tpu.memref_slice %arg14[%dma_start3A_654] : memref<100096xf32, #tpu.memory_space<vmem_shared>> -> memref<100096xf32, #tpu.memory_space<vmem_shared>>
    tpu.enqueue_indirect_dma source(%arg36 : memref<2736xf32, #tpu.memory_space<vmem>>) target(%dma_start3A_655 : memref<100096xf32, #tpu.memory_space<vmem_shared>>) offsets(%arg24 : memref<2736xi32, #tpu.memory_space<vmem>>) semaphore(%arg44 : memref<!tpu.dma_semaphore, #tpu.memory_space<semaphore_mem>>) {add = true}
    %dma_start3A_656 = arith.constant 0 : i32
    %dma_start3A_657 = tpu.memref_slice %arg15[%dma_start3A_656] : memref<100096xf32, #tpu.memory_space<vmem_shared>> -> memref<100096xf32, #tpu.memory_space<vmem_shared>>
    tpu.enqueue_indirect_dma source(%arg37 : memref<2736xf32, #tpu.memory_space<vmem>>) target(%dma_start3A_657 : memref<100096xf32, #tpu.memory_space<vmem_shared>>) offsets(%arg24 : memref<2736xi32, #tpu.memory_space<vmem>>) semaphore(%arg44 : memref<!tpu.dma_semaphore, #tpu.memory_space<semaphore_mem>>) {add = true}
    %dma_wait3A_658 = tpu.memref_slice %arg6[%add3A_112] : memref<1400000xi32, #tpu.memory_space<hbm>> -> memref<2736xi32, #tpu.memory_space<hbm>>
    %dma_wait3A_659 = tpu.memref_slice %arg6[%add3A_112] : memref<1400000xi32, #tpu.memory_space<hbm>> -> memref<2736xi32, #tpu.memory_space<hbm>>
    tpu.wait_dma2 semaphore(%arg41 : memref<!tpu.dma_semaphore, #tpu.memory_space<semaphore_mem>>) src(%dma_wait3A_659 : memref<2736xi32, #tpu.memory_space<hbm>>) dst(%arg21 : memref<2736xi32, #tpu.memory_space<vmem>>)
    %dma_wait3A_660 = tpu.memref_slice %arg6[%add3A_634] : memref<1400000xi32, #tpu.memory_space<hbm>> -> memref<2736xi32, #tpu.memory_space<hbm>>
    %dma_wait3A_661 = tpu.memref_slice %arg6[%add3A_634] : memref<1400000xi32, #tpu.memory_space<hbm>> -> memref<2736xi32, #tpu.memory_space<hbm>>
    tpu.wait_dma2 semaphore(%arg41 : memref<!tpu.dma_semaphore, #tpu.memory_space<semaphore_mem>>) src(%dma_wait3A_661 : memref<2736xi32, #tpu.memory_space<hbm>>) dst(%arg20 : memref<2736xi32, #tpu.memory_space<vmem>>)
    %dma_wait3A_662 = tpu.memref_slice %arg7[%add3A_112] : memref<700000xf32, #tpu.memory_space<hbm>> -> memref<2736xf32, #tpu.memory_space<hbm>>
    %dma_wait3A_663 = tpu.memref_slice %arg7[%add3A_112] : memref<700000xf32, #tpu.memory_space<hbm>> -> memref<2736xf32, #tpu.memory_space<hbm>>
    tpu.wait_dma2 semaphore(%arg41 : memref<!tpu.dma_semaphore, #tpu.memory_space<semaphore_mem>>) src(%dma_wait3A_663 : memref<2736xf32, #tpu.memory_space<hbm>>) dst(%arg22 : memref<2736xf32, #tpu.memory_space<vmem>>)
    %scan3A_664 = arith.constant 0 : i32
    %scan3A_665 = arith.constant 0 : i32
    %scan3A_666 = arith.constant 171 : i32
    %scan3A_667 = arith.addi %scan3A_665, %scan3A_666 : i32
    %scan3A_668 = arith.constant 1 : i32
    %scan3A_669 = scf.for %scan3A_1038 = %scan3A_665 to %scan3A_667 step %scan3A_668 iter_args(%scan3A_1039 = %scan3A_664) -> (i32)  : i32 {
      %mul3A_1040 = arith.constant 16 : i32
      %mul3A_1041 = arith.muli %scan3A_1038, %mul3A_1040 : i32
      %get3A_1042 = arith.index_cast %mul3A_1041 : i32 to index
      %get3A_1043 = tpu.vector_load %arg20[%get3A_1042] {strides = array<i32>} : memref<2736xi32, #tpu.memory_space<vmem>>, vector<16xi32>,
      %get3A_1044 = vector.shape_cast %get3A_1043 : vector<16xi32> to vector<16xi32>
      %mul3A_1045 = arith.constant 3 : i32
      %mul3A_1046 = vector.broadcast %mul3A_1045 : i32 to vector<16xi32>
      %mul3A_1047 = arith.muli %get3A_1044, %mul3A_1046 : vector<16xi32>
      %swap3A = arith.index_cast %mul3A_1041 : i32 to index
      %swap3A_1048 = tpu.vector_load %arg26[%swap3A] {strides = array<i32>} : memref<2736xi32, #tpu.memory_space<vmem>>, vector<16xi32>,
      %swap3A_1049 = vector.shape_cast %swap3A_1048 : vector<16xi32> to vector<16xi32>
      %swap3A_1050 = vector.shape_cast %mul3A_1047 : vector<16xi32> to vector<16xi32>
      tpu.vector_store %arg26[%swap3A], %swap3A_1050 {strides = array<i32>} : memref<2736xi32, #tpu.memory_space<vmem>>, vector<16xi32>,
      %add3A_1051 = arith.constant 1 : i32
      %add3A_1052 = vector.broadcast %add3A_1051 : i32 to vector<16xi32>
      %add3A_1053 = arith.addi %mul3A_1047, %add3A_1052 : vector<16xi32>
      %swap3A_1054 = arith.index_cast %mul3A_1041 : i32 to index
      %swap3A_1055 = tpu.vector_load %arg27[%swap3A_1054] {strides = array<i32>} : memref<2736xi32, #tpu.memory_space<vmem>>, vector<16xi32>,
      %swap3A_1056 = vector.shape_cast %swap3A_1055 : vector<16xi32> to vector<16xi32>
      %swap3A_1057 = vector.shape_cast %add3A_1053 : vector<16xi32> to vector<16xi32>
      tpu.vector_store %arg27[%swap3A_1054], %swap3A_1057 {strides = array<i32>} : memref<2736xi32, #tpu.memory_space<vmem>>, vector<16xi32>,
      %add3A_1058 = arith.constant 2 : i32
      %add3A_1059 = vector.broadcast %add3A_1058 : i32 to vector<16xi32>
      %add3A_1060 = arith.addi %mul3A_1047, %add3A_1059 : vector<16xi32>
      %swap3A_1061 = arith.index_cast %mul3A_1041 : i32 to index
      %swap3A_1062 = tpu.vector_load %arg28[%swap3A_1061] {strides = array<i32>} : memref<2736xi32, #tpu.memory_space<vmem>>, vector<16xi32>,
      %swap3A_1063 = vector.shape_cast %swap3A_1062 : vector<16xi32> to vector<16xi32>
      %swap3A_1064 = vector.shape_cast %add3A_1060 : vector<16xi32> to vector<16xi32>
      tpu.vector_store %arg28[%swap3A_1061], %swap3A_1064 {strides = array<i32>} : memref<2736xi32, #tpu.memory_space<vmem>>, vector<16xi32>,
      %scan3A_1065 = arith.constant 0 : i32
      scf.yield %scan3A_1065 : i32
    }
    %scan3A_670 = arith.constant 171 : i32
    %dma_start3A_671 = arith.constant 0 : i32
    %dma_start3A_672 = tpu.memref_slice %arg16[%dma_start3A_671] : memref<300288xf32, #tpu.memory_space<vmem_shared>> -> memref<300288xf32, #tpu.memory_space<vmem_shared>>
    tpu.enqueue_indirect_dma source(%dma_start3A_672 : memref<300288xf32, #tpu.memory_space<vmem_shared>>) target(%arg32 : memref<2736xf32, #tpu.memory_space<vmem>>) offsets(%arg26 : memref<2736xi32, #tpu.memory_space<vmem>>) semaphore(%arg38 : memref<!tpu.dma_semaphore, #tpu.memory_space<semaphore_mem>>)
    %dma_start3A_673 = arith.constant 0 : i32
    %dma_start3A_674 = tpu.memref_slice %arg16[%dma_start3A_673] : memref<300288xf32, #tpu.memory_space<vmem_shared>> -> memref<300288xf32, #tpu.memory_space<vmem_shared>>
    tpu.enqueue_indirect_dma source(%dma_start3A_674 : memref<300288xf32, #tpu.memory_space<vmem_shared>>) target(%arg33 : memref<2736xf32, #tpu.memory_space<vmem>>) offsets(%arg27 : memref<2736xi32, #tpu.memory_space<vmem>>) semaphore(%arg39 : memref<!tpu.dma_semaphore, #tpu.memory_space<semaphore_mem>>)
    %dma_start3A_675 = arith.constant 0 : i32
    %dma_start3A_676 = tpu.memref_slice %arg16[%dma_start3A_675] : memref<300288xf32, #tpu.memory_space<vmem_shared>> -> memref<300288xf32, #tpu.memory_space<vmem_shared>>
    tpu.enqueue_indirect_dma source(%dma_start3A_676 : memref<300288xf32, #tpu.memory_space<vmem_shared>>) target(%arg34 : memref<2736xf32, #tpu.memory_space<vmem>>) offsets(%arg28 : memref<2736xi32, #tpu.memory_space<vmem>>) semaphore(%arg40 : memref<!tpu.dma_semaphore, #tpu.memory_space<semaphore_mem>>)
    %dma_wait3A_677 = arith.constant 0 : i32
    %dma_wait3A_678 = tpu.memref_slice %arg13[%dma_wait3A_677] : memref<100096xf32, #tpu.memory_space<vmem_shared>> -> memref<100096xf32, #tpu.memory_space<vmem_shared>>
    tpu.wait_indirect_dma semaphore(%arg44 : memref<!tpu.dma_semaphore, #tpu.memory_space<semaphore_mem>>) src(%arg35 : memref<2736xf32, #tpu.memory_space<vmem>>) dst(%dma_wait3A_678 : memref<100096xf32, #tpu.memory_space<vmem_shared>>)
    %dma_wait3A_679 = arith.constant 0 : i32
    %dma_wait3A_680 = tpu.memref_slice %arg14[%dma_wait3A_679] : memref<100096xf32, #tpu.memory_space<vmem_shared>> -> memref<100096xf32, #tpu.memory_space<vmem_shared>>
    tpu.wait_indirect_dma semaphore(%arg44 : memref<!tpu.dma_semaphore, #tpu.memory_space<semaphore_mem>>) src(%arg36 : memref<2736xf32, #tpu.memory_space<vmem>>) dst(%dma_wait3A_680 : memref<100096xf32, #tpu.memory_space<vmem_shared>>)
    %dma_wait3A_681 = arith.constant 0 : i32
    %dma_wait3A_682 = tpu.memref_slice %arg15[%dma_wait3A_681] : memref<100096xf32, #tpu.memory_space<vmem_shared>> -> memref<100096xf32, #tpu.memory_space<vmem_shared>>
    tpu.wait_indirect_dma semaphore(%arg44 : memref<!tpu.dma_semaphore, #tpu.memory_space<semaphore_mem>>) src(%arg37 : memref<2736xf32, #tpu.memory_space<vmem>>) dst(%dma_wait3A_682 : memref<100096xf32, #tpu.memory_space<vmem_shared>>)
    %dma_start3A_683 = tpu.memref_slice %arg6[%add3A_116] : memref<1400000xi32, #tpu.memory_space<hbm>> -> memref<2736xi32, #tpu.memory_space<hbm>>
    %dma_start3A_684 = tpu.memref_slice %arg6[%add3A_116] : memref<1400000xi32, #tpu.memory_space<hbm>> -> memref<2736xi32, #tpu.memory_space<hbm>>
    tpu.enqueue_dma source(%dma_start3A_684 : memref<2736xi32, #tpu.memory_space<hbm>>) target(%arg24 : memref<2736xi32, #tpu.memory_space<vmem>>) target_semaphore(%arg42 : memref<!tpu.dma_semaphore, #tpu.memory_space<semaphore_mem>>)
    %add3A_685 = arith.constant 700000 : i32
    %add3A_686 = arith.addi %add3A_685, %add3A_116 : i32
    %dma_start3A_687 = tpu.memref_slice %arg6[%add3A_686] : memref<1400000xi32, #tpu.memory_space<hbm>> -> memref<2736xi32, #tpu.memory_space<hbm>>
    %dma_start3A_688 = tpu.memref_slice %arg6[%add3A_686] : memref<1400000xi32, #tpu.memory_space<hbm>> -> memref<2736xi32, #tpu.memory_space<hbm>>
    tpu.enqueue_dma source(%dma_start3A_688 : memref<2736xi32, #tpu.memory_space<hbm>>) target(%arg23 : memref<2736xi32, #tpu.memory_space<vmem>>) target_semaphore(%arg42 : memref<!tpu.dma_semaphore, #tpu.memory_space<semaphore_mem>>)
    %dma_start3A_689 = tpu.memref_slice %arg7[%add3A_116] : memref<700000xf32, #tpu.memory_space<hbm>> -> memref<2736xf32, #tpu.memory_space<hbm>>
    %dma_start3A_690 = tpu.memref_slice %arg7[%add3A_116] : memref<700000xf32, #tpu.memory_space<hbm>> -> memref<2736xf32, #tpu.memory_space<hbm>>
    tpu.enqueue_dma source(%dma_start3A_690 : memref<2736xf32, #tpu.memory_space<hbm>>) target(%arg25 : memref<2736xf32, #tpu.memory_space<vmem>>) target_semaphore(%arg42 : memref<!tpu.dma_semaphore, #tpu.memory_space<semaphore_mem>>)
    %dma_wait3A_691 = arith.constant 0 : i32
    %dma_wait3A_692 = tpu.memref_slice %arg16[%dma_wait3A_691] : memref<300288xf32, #tpu.memory_space<vmem_shared>> -> memref<300288xf32, #tpu.memory_space<vmem_shared>>
    tpu.wait_indirect_dma semaphore(%arg38 : memref<!tpu.dma_semaphore, #tpu.memory_space<semaphore_mem>>) src(%dma_wait3A_692 : memref<300288xf32, #tpu.memory_space<vmem_shared>>) dst(%arg32 : memref<2736xf32, #tpu.memory_space<vmem>>)
    %dma_wait3A_693 = arith.constant 0 : i32
    %dma_wait3A_694 = tpu.memref_slice %arg16[%dma_wait3A_693] : memref<300288xf32, #tpu.memory_space<vmem_shared>> -> memref<300288xf32, #tpu.memory_space<vmem_shared>>
    tpu.wait_indirect_dma semaphore(%arg39 : memref<!tpu.dma_semaphore, #tpu.memory_space<semaphore_mem>>) src(%dma_wait3A_694 : memref<300288xf32, #tpu.memory_space<vmem_shared>>) dst(%arg33 : memref<2736xf32, #tpu.memory_space<vmem>>)
    %dma_wait3A_695 = arith.constant 0 : i32
    %dma_wait3A_696 = tpu.memref_slice %arg16[%dma_wait3A_695] : memref<300288xf32, #tpu.memory_space<vmem_shared>> -> memref<300288xf32, #tpu.memory_space<vmem_shared>>
    tpu.wait_indirect_dma semaphore(%arg40 : memref<!tpu.dma_semaphore, #tpu.memory_space<semaphore_mem>>) src(%dma_wait3A_696 : memref<300288xf32, #tpu.memory_space<vmem_shared>>) dst(%arg34 : memref<2736xf32, #tpu.memory_space<vmem>>)
    %scan3A_697 = arith.constant 0 : i32
    %scan3A_698 = arith.constant 0 : i32
    %scan3A_699 = arith.constant 171 : i32
    %scan3A_700 = arith.addi %scan3A_698, %scan3A_699 : i32
    %scan3A_701 = arith.constant 1 : i32
    %scan3A_702 = scf.for %scan3A_1038 = %scan3A_698 to %scan3A_700 step %scan3A_701 iter_args(%scan3A_1039 = %scan3A_697) -> (i32)  : i32 {
      %mul3A_1040 = arith.constant 16 : i32
      %mul3A_1041 = arith.muli %scan3A_1038, %mul3A_1040 : i32
      %get3A_1042 = arith.index_cast %mul3A_1041 : i32 to index
      %get3A_1043 = tpu.vector_load %arg22[%get3A_1042] {strides = array<i32>} : memref<2736xf32, #tpu.memory_space<vmem>>, vector<16xf32>,
      %get3A_1044 = vector.shape_cast %get3A_1043 : vector<16xf32> to vector<16xf32>
      %get3A_1045 = arith.index_cast %mul3A_1041 : i32 to index
      %get3A_1046 = tpu.vector_load %arg32[%get3A_1045] {strides = array<i32>} : memref<2736xf32, #tpu.memory_space<vmem>>, vector<16xf32>,
      %get3A_1047 = vector.shape_cast %get3A_1046 : vector<16xf32> to vector<16xf32>
      %mul3A_1048 = arith.mulf %get3A_1047, %get3A_1044 : vector<16xf32>
      %swap3A = arith.index_cast %mul3A_1041 : i32 to index
      %swap3A_1049 = tpu.vector_load %arg32[%swap3A] {strides = array<i32>} : memref<2736xf32, #tpu.memory_space<vmem>>, vector<16xf32>,
      %swap3A_1050 = vector.shape_cast %swap3A_1049 : vector<16xf32> to vector<16xf32>
      %swap3A_1051 = vector.shape_cast %mul3A_1048 : vector<16xf32> to vector<16xf32>
      tpu.vector_store %arg32[%swap3A], %swap3A_1051 {strides = array<i32>} : memref<2736xf32, #tpu.memory_space<vmem>>, vector<16xf32>,
      %get3A_1052 = arith.index_cast %mul3A_1041 : i32 to index
      %get3A_1053 = tpu.vector_load %arg33[%get3A_1052] {strides = array<i32>} : memref<2736xf32, #tpu.memory_space<vmem>>, vector<16xf32>,
      %get3A_1054 = vector.shape_cast %get3A_1053 : vector<16xf32> to vector<16xf32>
      %mul3A_1055 = arith.mulf %get3A_1054, %get3A_1044 : vector<16xf32>
      %swap3A_1056 = arith.index_cast %mul3A_1041 : i32 to index
      %swap3A_1057 = tpu.vector_load %arg33[%swap3A_1056] {strides = array<i32>} : memref<2736xf32, #tpu.memory_space<vmem>>, vector<16xf32>,
      %swap3A_1058 = vector.shape_cast %swap3A_1057 : vector<16xf32> to vector<16xf32>
      %swap3A_1059 = vector.shape_cast %mul3A_1055 : vector<16xf32> to vector<16xf32>
      tpu.vector_store %arg33[%swap3A_1056], %swap3A_1059 {strides = array<i32>} : memref<2736xf32, #tpu.memory_space<vmem>>, vector<16xf32>,
      %get3A_1060 = arith.index_cast %mul3A_1041 : i32 to index
      %get3A_1061 = tpu.vector_load %arg34[%get3A_1060] {strides = array<i32>} : memref<2736xf32, #tpu.memory_space<vmem>>, vector<16xf32>,
      %get3A_1062 = vector.shape_cast %get3A_1061 : vector<16xf32> to vector<16xf32>
      %mul3A_1063 = arith.mulf %get3A_1062, %get3A_1044 : vector<16xf32>
      %swap3A_1064 = arith.index_cast %mul3A_1041 : i32 to index
      %swap3A_1065 = tpu.vector_load %arg34[%swap3A_1064] {strides = array<i32>} : memref<2736xf32, #tpu.memory_space<vmem>>, vector<16xf32>,
      %swap3A_1066 = vector.shape_cast %swap3A_1065 : vector<16xf32> to vector<16xf32>
      %swap3A_1067 = vector.shape_cast %mul3A_1063 : vector<16xf32> to vector<16xf32>
      tpu.vector_store %arg34[%swap3A_1064], %swap3A_1067 {strides = array<i32>} : memref<2736xf32, #tpu.memory_space<vmem>>, vector<16xf32>,
      %scan3A_1068 = arith.constant 0 : i32
      scf.yield %scan3A_1068 : i32
    }
    %scan3A_703 = arith.constant 171 : i32
    %dma_start3A_704 = arith.constant 0 : i32
    %dma_start3A_705 = tpu.memref_slice %arg13[%dma_start3A_704] : memref<100096xf32, #tpu.memory_space<vmem_shared>> -> memref<100096xf32, #tpu.memory_space<vmem_shared>>
    tpu.enqueue_indirect_dma source(%arg32 : memref<2736xf32, #tpu.memory_space<vmem>>) target(%dma_start3A_705 : memref<100096xf32, #tpu.memory_space<vmem_shared>>) offsets(%arg21 : memref<2736xi32, #tpu.memory_space<vmem>>) semaphore(%arg43 : memref<!tpu.dma_semaphore, #tpu.memory_space<semaphore_mem>>) {add = true}
    %dma_start3A_706 = arith.constant 0 : i32
    %dma_start3A_707 = tpu.memref_slice %arg14[%dma_start3A_706] : memref<100096xf32, #tpu.memory_space<vmem_shared>> -> memref<100096xf32, #tpu.memory_space<vmem_shared>>
    tpu.enqueue_indirect_dma source(%arg33 : memref<2736xf32, #tpu.memory_space<vmem>>) target(%dma_start3A_707 : memref<100096xf32, #tpu.memory_space<vmem_shared>>) offsets(%arg21 : memref<2736xi32, #tpu.memory_space<vmem>>) semaphore(%arg43 : memref<!tpu.dma_semaphore, #tpu.memory_space<semaphore_mem>>) {add = true}
    %dma_start3A_708 = arith.constant 0 : i32
    %dma_start3A_709 = tpu.memref_slice %arg15[%dma_start3A_708] : memref<100096xf32, #tpu.memory_space<vmem_shared>> -> memref<100096xf32, #tpu.memory_space<vmem_shared>>
    tpu.enqueue_indirect_dma source(%arg34 : memref<2736xf32, #tpu.memory_space<vmem>>) target(%dma_start3A_709 : memref<100096xf32, #tpu.memory_space<vmem_shared>>) offsets(%arg21 : memref<2736xi32, #tpu.memory_space<vmem>>) semaphore(%arg43 : memref<!tpu.dma_semaphore, #tpu.memory_space<semaphore_mem>>) {add = true}
    %dma_wait3A_710 = tpu.memref_slice %arg6[%add3A_116] : memref<1400000xi32, #tpu.memory_space<hbm>> -> memref<2736xi32, #tpu.memory_space<hbm>>
    %dma_wait3A_711 = tpu.memref_slice %arg6[%add3A_116] : memref<1400000xi32, #tpu.memory_space<hbm>> -> memref<2736xi32, #tpu.memory_space<hbm>>
    tpu.wait_dma2 semaphore(%arg42 : memref<!tpu.dma_semaphore, #tpu.memory_space<semaphore_mem>>) src(%dma_wait3A_711 : memref<2736xi32, #tpu.memory_space<hbm>>) dst(%arg24 : memref<2736xi32, #tpu.memory_space<vmem>>)
    %dma_wait3A_712 = tpu.memref_slice %arg6[%add3A_686] : memref<1400000xi32, #tpu.memory_space<hbm>> -> memref<2736xi32, #tpu.memory_space<hbm>>
    %dma_wait3A_713 = tpu.memref_slice %arg6[%add3A_686] : memref<1400000xi32, #tpu.memory_space<hbm>> -> memref<2736xi32, #tpu.memory_space<hbm>>
    tpu.wait_dma2 semaphore(%arg42 : memref<!tpu.dma_semaphore, #tpu.memory_space<semaphore_mem>>) src(%dma_wait3A_713 : memref<2736xi32, #tpu.memory_space<hbm>>) dst(%arg23 : memref<2736xi32, #tpu.memory_space<vmem>>)
    %dma_wait3A_714 = tpu.memref_slice %arg7[%add3A_116] : memref<700000xf32, #tpu.memory_space<hbm>> -> memref<2736xf32, #tpu.memory_space<hbm>>
    %dma_wait3A_715 = tpu.memref_slice %arg7[%add3A_116] : memref<700000xf32, #tpu.memory_space<hbm>> -> memref<2736xf32, #tpu.memory_space<hbm>>
    tpu.wait_dma2 semaphore(%arg42 : memref<!tpu.dma_semaphore, #tpu.memory_space<semaphore_mem>>) src(%dma_wait3A_715 : memref<2736xf32, #tpu.memory_space<hbm>>) dst(%arg25 : memref<2736xf32, #tpu.memory_space<vmem>>)
    %scan3A_716 = arith.constant 0 : i32
    %scan3A_717 = arith.constant 0 : i32
    %scan3A_718 = arith.constant 171 : i32
    %scan3A_719 = arith.addi %scan3A_717, %scan3A_718 : i32
    %scan3A_720 = arith.constant 1 : i32
    %scan3A_721 = scf.for %scan3A_1038 = %scan3A_717 to %scan3A_719 step %scan3A_720 iter_args(%scan3A_1039 = %scan3A_716) -> (i32)  : i32 {
      %mul3A_1040 = arith.constant 16 : i32
      %mul3A_1041 = arith.muli %scan3A_1038, %mul3A_1040 : i32
      %get3A_1042 = arith.index_cast %mul3A_1041 : i32 to index
      %get3A_1043 = tpu.vector_load %arg23[%get3A_1042] {strides = array<i32>} : memref<2736xi32, #tpu.memory_space<vmem>>, vector<16xi32>,
      %get3A_1044 = vector.shape_cast %get3A_1043 : vector<16xi32> to vector<16xi32>
      %mul3A_1045 = arith.constant 3 : i32
      %mul3A_1046 = vector.broadcast %mul3A_1045 : i32 to vector<16xi32>
      %mul3A_1047 = arith.muli %get3A_1044, %mul3A_1046 : vector<16xi32>
      %swap3A = arith.index_cast %mul3A_1041 : i32 to index
      %swap3A_1048 = tpu.vector_load %arg29[%swap3A] {strides = array<i32>} : memref<2736xi32, #tpu.memory_space<vmem>>, vector<16xi32>,
      %swap3A_1049 = vector.shape_cast %swap3A_1048 : vector<16xi32> to vector<16xi32>
      %swap3A_1050 = vector.shape_cast %mul3A_1047 : vector<16xi32> to vector<16xi32>
      tpu.vector_store %arg29[%swap3A], %swap3A_1050 {strides = array<i32>} : memref<2736xi32, #tpu.memory_space<vmem>>, vector<16xi32>,
      %add3A_1051 = arith.constant 1 : i32
      %add3A_1052 = vector.broadcast %add3A_1051 : i32 to vector<16xi32>
      %add3A_1053 = arith.addi %mul3A_1047, %add3A_1052 : vector<16xi32>
      %swap3A_1054 = arith.index_cast %mul3A_1041 : i32 to index
      %swap3A_1055 = tpu.vector_load %arg30[%swap3A_1054] {strides = array<i32>} : memref<2736xi32, #tpu.memory_space<vmem>>, vector<16xi32>,
      %swap3A_1056 = vector.shape_cast %swap3A_1055 : vector<16xi32> to vector<16xi32>
      %swap3A_1057 = vector.shape_cast %add3A_1053 : vector<16xi32> to vector<16xi32>
      tpu.vector_store %arg30[%swap3A_1054], %swap3A_1057 {strides = array<i32>} : memref<2736xi32, #tpu.memory_space<vmem>>, vector<16xi32>,
      %add3A_1058 = arith.constant 2 : i32
      %add3A_1059 = vector.broadcast %add3A_1058 : i32 to vector<16xi32>
      %add3A_1060 = arith.addi %mul3A_1047, %add3A_1059 : vector<16xi32>
      %swap3A_1061 = arith.index_cast %mul3A_1041 : i32 to index
      %swap3A_1062 = tpu.vector_load %arg31[%swap3A_1061] {strides = array<i32>} : memref<2736xi32, #tpu.memory_space<vmem>>, vector<16xi32>,
      %swap3A_1063 = vector.shape_cast %swap3A_1062 : vector<16xi32> to vector<16xi32>
      %swap3A_1064 = vector.shape_cast %add3A_1060 : vector<16xi32> to vector<16xi32>
      tpu.vector_store %arg31[%swap3A_1061], %swap3A_1064 {strides = array<i32>} : memref<2736xi32, #tpu.memory_space<vmem>>, vector<16xi32>,
      %scan3A_1065 = arith.constant 0 : i32
      scf.yield %scan3A_1065 : i32
    }
    %scan3A_722 = arith.constant 171 : i32
    %dma_start3A_723 = arith.constant 0 : i32
    %dma_start3A_724 = tpu.memref_slice %arg16[%dma_start3A_723] : memref<300288xf32, #tpu.memory_space<vmem_shared>> -> memref<300288xf32, #tpu.memory_space<vmem_shared>>
    tpu.enqueue_indirect_dma source(%dma_start3A_724 : memref<300288xf32, #tpu.memory_space<vmem_shared>>) target(%arg35 : memref<2736xf32, #tpu.memory_space<vmem>>) offsets(%arg29 : memref<2736xi32, #tpu.memory_space<vmem>>) semaphore(%arg38 : memref<!tpu.dma_semaphore, #tpu.memory_space<semaphore_mem>>)
    %dma_start3A_725 = arith.constant 0 : i32
    %dma_start3A_726 = tpu.memref_slice %arg16[%dma_start3A_725] : memref<300288xf32, #tpu.memory_space<vmem_shared>> -> memref<300288xf32, #tpu.memory_space<vmem_shared>>
    tpu.enqueue_indirect_dma source(%dma_start3A_726 : memref<300288xf32, #tpu.memory_space<vmem_shared>>) target(%arg36 : memref<2736xf32, #tpu.memory_space<vmem>>) offsets(%arg30 : memref<2736xi32, #tpu.memory_space<vmem>>) semaphore(%arg39 : memref<!tpu.dma_semaphore, #tpu.memory_space<semaphore_mem>>)
    %dma_start3A_727 = arith.constant 0 : i32
    %dma_start3A_728 = tpu.memref_slice %arg16[%dma_start3A_727] : memref<300288xf32, #tpu.memory_space<vmem_shared>> -> memref<300288xf32, #tpu.memory_space<vmem_shared>>
    tpu.enqueue_indirect_dma source(%dma_start3A_728 : memref<300288xf32, #tpu.memory_space<vmem_shared>>) target(%arg37 : memref<2736xf32, #tpu.memory_space<vmem>>) offsets(%arg31 : memref<2736xi32, #tpu.memory_space<vmem>>) semaphore(%arg40 : memref<!tpu.dma_semaphore, #tpu.memory_space<semaphore_mem>>)
    %dma_wait3A_729 = arith.constant 0 : i32
    %dma_wait3A_730 = tpu.memref_slice %arg13[%dma_wait3A_729] : memref<100096xf32, #tpu.memory_space<vmem_shared>> -> memref<100096xf32, #tpu.memory_space<vmem_shared>>
    tpu.wait_indirect_dma semaphore(%arg43 : memref<!tpu.dma_semaphore, #tpu.memory_space<semaphore_mem>>) src(%arg32 : memref<2736xf32, #tpu.memory_space<vmem>>) dst(%dma_wait3A_730 : memref<100096xf32, #tpu.memory_space<vmem_shared>>)
    %dma_wait3A_731 = arith.constant 0 : i32
    %dma_wait3A_732 = tpu.memref_slice %arg14[%dma_wait3A_731] : memref<100096xf32, #tpu.memory_space<vmem_shared>> -> memref<100096xf32, #tpu.memory_space<vmem_shared>>
    tpu.wait_indirect_dma semaphore(%arg43 : memref<!tpu.dma_semaphore, #tpu.memory_space<semaphore_mem>>) src(%arg33 : memref<2736xf32, #tpu.memory_space<vmem>>) dst(%dma_wait3A_732 : memref<100096xf32, #tpu.memory_space<vmem_shared>>)
    %dma_wait3A_733 = arith.constant 0 : i32
    %dma_wait3A_734 = tpu.memref_slice %arg15[%dma_wait3A_733] : memref<100096xf32, #tpu.memory_space<vmem_shared>> -> memref<100096xf32, #tpu.memory_space<vmem_shared>>
    tpu.wait_indirect_dma semaphore(%arg43 : memref<!tpu.dma_semaphore, #tpu.memory_space<semaphore_mem>>) src(%arg34 : memref<2736xf32, #tpu.memory_space<vmem>>) dst(%dma_wait3A_734 : memref<100096xf32, #tpu.memory_space<vmem_shared>>)
    %dma_start3A_735 = tpu.memref_slice %arg6[%add3A_120] : memref<1400000xi32, #tpu.memory_space<hbm>> -> memref<2736xi32, #tpu.memory_space<hbm>>
    %dma_start3A_736 = tpu.memref_slice %arg6[%add3A_120] : memref<1400000xi32, #tpu.memory_space<hbm>> -> memref<2736xi32, #tpu.memory_space<hbm>>
    tpu.enqueue_dma source(%dma_start3A_736 : memref<2736xi32, #tpu.memory_space<hbm>>) target(%arg21 : memref<2736xi32, #tpu.memory_space<vmem>>) target_semaphore(%arg41 : memref<!tpu.dma_semaphore, #tpu.memory_space<semaphore_mem>>)
    %add3A_737 = arith.constant 700000 : i32
    %add3A_738 = arith.addi %add3A_737, %add3A_120 : i32
    %dma_start3A_739 = tpu.memref_slice %arg6[%add3A_738] : memref<1400000xi32, #tpu.memory_space<hbm>> -> memref<2736xi32, #tpu.memory_space<hbm>>
    %dma_start3A_740 = tpu.memref_slice %arg6[%add3A_738] : memref<1400000xi32, #tpu.memory_space<hbm>> -> memref<2736xi32, #tpu.memory_space<hbm>>
    tpu.enqueue_dma source(%dma_start3A_740 : memref<2736xi32, #tpu.memory_space<hbm>>) target(%arg20 : memref<2736xi32, #tpu.memory_space<vmem>>) target_semaphore(%arg41 : memref<!tpu.dma_semaphore, #tpu.memory_space<semaphore_mem>>)
    %dma_start3A_741 = tpu.memref_slice %arg7[%add3A_120] : memref<700000xf32, #tpu.memory_space<hbm>> -> memref<2736xf32, #tpu.memory_space<hbm>>
    %dma_start3A_742 = tpu.memref_slice %arg7[%add3A_120] : memref<700000xf32, #tpu.memory_space<hbm>> -> memref<2736xf32, #tpu.memory_space<hbm>>
    tpu.enqueue_dma source(%dma_start3A_742 : memref<2736xf32, #tpu.memory_space<hbm>>) target(%arg22 : memref<2736xf32, #tpu.memory_space<vmem>>) target_semaphore(%arg41 : memref<!tpu.dma_semaphore, #tpu.memory_space<semaphore_mem>>)
    %dma_wait3A_743 = arith.constant 0 : i32
    %dma_wait3A_744 = tpu.memref_slice %arg16[%dma_wait3A_743] : memref<300288xf32, #tpu.memory_space<vmem_shared>> -> memref<300288xf32, #tpu.memory_space<vmem_shared>>
    tpu.wait_indirect_dma semaphore(%arg38 : memref<!tpu.dma_semaphore, #tpu.memory_space<semaphore_mem>>) src(%dma_wait3A_744 : memref<300288xf32, #tpu.memory_space<vmem_shared>>) dst(%arg35 : memref<2736xf32, #tpu.memory_space<vmem>>)
    %dma_wait3A_745 = arith.constant 0 : i32
    %dma_wait3A_746 = tpu.memref_slice %arg16[%dma_wait3A_745] : memref<300288xf32, #tpu.memory_space<vmem_shared>> -> memref<300288xf32, #tpu.memory_space<vmem_shared>>
    tpu.wait_indirect_dma semaphore(%arg39 : memref<!tpu.dma_semaphore, #tpu.memory_space<semaphore_mem>>) src(%dma_wait3A_746 : memref<300288xf32, #tpu.memory_space<vmem_shared>>) dst(%arg36 : memref<2736xf32, #tpu.memory_space<vmem>>)
    %dma_wait3A_747 = arith.constant 0 : i32
    %dma_wait3A_748 = tpu.memref_slice %arg16[%dma_wait3A_747] : memref<300288xf32, #tpu.memory_space<vmem_shared>> -> memref<300288xf32, #tpu.memory_space<vmem_shared>>
    tpu.wait_indirect_dma semaphore(%arg40 : memref<!tpu.dma_semaphore, #tpu.memory_space<semaphore_mem>>) src(%dma_wait3A_748 : memref<300288xf32, #tpu.memory_space<vmem_shared>>) dst(%arg37 : memref<2736xf32, #tpu.memory_space<vmem>>)
    %scan3A_749 = arith.constant 0 : i32
    %scan3A_750 = arith.constant 0 : i32
    %scan3A_751 = arith.constant 171 : i32
    %scan3A_752 = arith.addi %scan3A_750, %scan3A_751 : i32
    %scan3A_753 = arith.constant 1 : i32
    %scan3A_754 = scf.for %scan3A_1038 = %scan3A_750 to %scan3A_752 step %scan3A_753 iter_args(%scan3A_1039 = %scan3A_749) -> (i32)  : i32 {
      %mul3A_1040 = arith.constant 16 : i32
      %mul3A_1041 = arith.muli %scan3A_1038, %mul3A_1040 : i32
      %get3A_1042 = arith.index_cast %mul3A_1041 : i32 to index
      %get3A_1043 = tpu.vector_load %arg25[%get3A_1042] {strides = array<i32>} : memref<2736xf32, #tpu.memory_space<vmem>>, vector<16xf32>,
      %get3A_1044 = vector.shape_cast %get3A_1043 : vector<16xf32> to vector<16xf32>
      %get3A_1045 = arith.index_cast %mul3A_1041 : i32 to index
      %get3A_1046 = tpu.vector_load %arg35[%get3A_1045] {strides = array<i32>} : memref<2736xf32, #tpu.memory_space<vmem>>, vector<16xf32>,
      %get3A_1047 = vector.shape_cast %get3A_1046 : vector<16xf32> to vector<16xf32>
      %mul3A_1048 = arith.mulf %get3A_1047, %get3A_1044 : vector<16xf32>
      %swap3A = arith.index_cast %mul3A_1041 : i32 to index
      %swap3A_1049 = tpu.vector_load %arg35[%swap3A] {strides = array<i32>} : memref<2736xf32, #tpu.memory_space<vmem>>, vector<16xf32>,
      %swap3A_1050 = vector.shape_cast %swap3A_1049 : vector<16xf32> to vector<16xf32>
      %swap3A_1051 = vector.shape_cast %mul3A_1048 : vector<16xf32> to vector<16xf32>
      tpu.vector_store %arg35[%swap3A], %swap3A_1051 {strides = array<i32>} : memref<2736xf32, #tpu.memory_space<vmem>>, vector<16xf32>,
      %get3A_1052 = arith.index_cast %mul3A_1041 : i32 to index
      %get3A_1053 = tpu.vector_load %arg36[%get3A_1052] {strides = array<i32>} : memref<2736xf32, #tpu.memory_space<vmem>>, vector<16xf32>,
      %get3A_1054 = vector.shape_cast %get3A_1053 : vector<16xf32> to vector<16xf32>
      %mul3A_1055 = arith.mulf %get3A_1054, %get3A_1044 : vector<16xf32>
      %swap3A_1056 = arith.index_cast %mul3A_1041 : i32 to index
      %swap3A_1057 = tpu.vector_load %arg36[%swap3A_1056] {strides = array<i32>} : memref<2736xf32, #tpu.memory_space<vmem>>, vector<16xf32>,
      %swap3A_1058 = vector.shape_cast %swap3A_1057 : vector<16xf32> to vector<16xf32>
      %swap3A_1059 = vector.shape_cast %mul3A_1055 : vector<16xf32> to vector<16xf32>
      tpu.vector_store %arg36[%swap3A_1056], %swap3A_1059 {strides = array<i32>} : memref<2736xf32, #tpu.memory_space<vmem>>, vector<16xf32>,
      %get3A_1060 = arith.index_cast %mul3A_1041 : i32 to index
      %get3A_1061 = tpu.vector_load %arg37[%get3A_1060] {strides = array<i32>} : memref<2736xf32, #tpu.memory_space<vmem>>, vector<16xf32>,
      %get3A_1062 = vector.shape_cast %get3A_1061 : vector<16xf32> to vector<16xf32>
      %mul3A_1063 = arith.mulf %get3A_1062, %get3A_1044 : vector<16xf32>
      %swap3A_1064 = arith.index_cast %mul3A_1041 : i32 to index
      %swap3A_1065 = tpu.vector_load %arg37[%swap3A_1064] {strides = array<i32>} : memref<2736xf32, #tpu.memory_space<vmem>>, vector<16xf32>,
      %swap3A_1066 = vector.shape_cast %swap3A_1065 : vector<16xf32> to vector<16xf32>
      %swap3A_1067 = vector.shape_cast %mul3A_1063 : vector<16xf32> to vector<16xf32>
      tpu.vector_store %arg37[%swap3A_1064], %swap3A_1067 {strides = array<i32>} : memref<2736xf32, #tpu.memory_space<vmem>>, vector<16xf32>,
      %scan3A_1068 = arith.constant 0 : i32
      scf.yield %scan3A_1068 : i32
    }
    %scan3A_755 = arith.constant 171 : i32
    %dma_start3A_756 = arith.constant 0 : i32
    %dma_start3A_757 = tpu.memref_slice %arg13[%dma_start3A_756] : memref<100096xf32, #tpu.memory_space<vmem_shared>> -> memref<100096xf32, #tpu.memory_space<vmem_shared>>
    tpu.enqueue_indirect_dma source(%arg35 : memref<2736xf32, #tpu.memory_space<vmem>>) target(%dma_start3A_757 : memref<100096xf32, #tpu.memory_space<vmem_shared>>) offsets(%arg24 : memref<2736xi32, #tpu.memory_space<vmem>>) semaphore(%arg44 : memref<!tpu.dma_semaphore, #tpu.memory_space<semaphore_mem>>) {add = true}
    %dma_start3A_758 = arith.constant 0 : i32
    %dma_start3A_759 = tpu.memref_slice %arg14[%dma_start3A_758] : memref<100096xf32, #tpu.memory_space<vmem_shared>> -> memref<100096xf32, #tpu.memory_space<vmem_shared>>
    tpu.enqueue_indirect_dma source(%arg36 : memref<2736xf32, #tpu.memory_space<vmem>>) target(%dma_start3A_759 : memref<100096xf32, #tpu.memory_space<vmem_shared>>) offsets(%arg24 : memref<2736xi32, #tpu.memory_space<vmem>>) semaphore(%arg44 : memref<!tpu.dma_semaphore, #tpu.memory_space<semaphore_mem>>) {add = true}
    %dma_start3A_760 = arith.constant 0 : i32
    %dma_start3A_761 = tpu.memref_slice %arg15[%dma_start3A_760] : memref<100096xf32, #tpu.memory_space<vmem_shared>> -> memref<100096xf32, #tpu.memory_space<vmem_shared>>
    tpu.enqueue_indirect_dma source(%arg37 : memref<2736xf32, #tpu.memory_space<vmem>>) target(%dma_start3A_761 : memref<100096xf32, #tpu.memory_space<vmem_shared>>) offsets(%arg24 : memref<2736xi32, #tpu.memory_space<vmem>>) semaphore(%arg44 : memref<!tpu.dma_semaphore, #tpu.memory_space<semaphore_mem>>) {add = true}
    %dma_wait3A_762 = tpu.memref_slice %arg6[%add3A_120] : memref<1400000xi32, #tpu.memory_space<hbm>> -> memref<2736xi32, #tpu.memory_space<hbm>>
    %dma_wait3A_763 = tpu.memref_slice %arg6[%add3A_120] : memref<1400000xi32, #tpu.memory_space<hbm>> -> memref<2736xi32, #tpu.memory_space<hbm>>
    tpu.wait_dma2 semaphore(%arg41 : memref<!tpu.dma_semaphore, #tpu.memory_space<semaphore_mem>>) src(%dma_wait3A_763 : memref<2736xi32, #tpu.memory_space<hbm>>) dst(%arg21 : memref<2736xi32, #tpu.memory_space<vmem>>)
    %dma_wait3A_764 = tpu.memref_slice %arg6[%add3A_738] : memref<1400000xi32, #tpu.memory_space<hbm>> -> memref<2736xi32, #tpu.memory_space<hbm>>
    %dma_wait3A_765 = tpu.memref_slice %arg6[%add3A_738] : memref<1400000xi32, #tpu.memory_space<hbm>> -> memref<2736xi32, #tpu.memory_space<hbm>>
    tpu.wait_dma2 semaphore(%arg41 : memref<!tpu.dma_semaphore, #tpu.memory_space<semaphore_mem>>) src(%dma_wait3A_765 : memref<2736xi32, #tpu.memory_space<hbm>>) dst(%arg20 : memref<2736xi32, #tpu.memory_space<vmem>>)
    %dma_wait3A_766 = tpu.memref_slice %arg7[%add3A_120] : memref<700000xf32, #tpu.memory_space<hbm>> -> memref<2736xf32, #tpu.memory_space<hbm>>
    %dma_wait3A_767 = tpu.memref_slice %arg7[%add3A_120] : memref<700000xf32, #tpu.memory_space<hbm>> -> memref<2736xf32, #tpu.memory_space<hbm>>
    tpu.wait_dma2 semaphore(%arg41 : memref<!tpu.dma_semaphore, #tpu.memory_space<semaphore_mem>>) src(%dma_wait3A_767 : memref<2736xf32, #tpu.memory_space<hbm>>) dst(%arg22 : memref<2736xf32, #tpu.memory_space<vmem>>)
    %scan3A_768 = arith.constant 0 : i32
    %scan3A_769 = arith.constant 0 : i32
    %scan3A_770 = arith.constant 171 : i32
    %scan3A_771 = arith.addi %scan3A_769, %scan3A_770 : i32
    %scan3A_772 = arith.constant 1 : i32
    %scan3A_773 = scf.for %scan3A_1038 = %scan3A_769 to %scan3A_771 step %scan3A_772 iter_args(%scan3A_1039 = %scan3A_768) -> (i32)  : i32 {
      %mul3A_1040 = arith.constant 16 : i32
      %mul3A_1041 = arith.muli %scan3A_1038, %mul3A_1040 : i32
      %get3A_1042 = arith.index_cast %mul3A_1041 : i32 to index
      %get3A_1043 = tpu.vector_load %arg20[%get3A_1042] {strides = array<i32>} : memref<2736xi32, #tpu.memory_space<vmem>>, vector<16xi32>,
      %get3A_1044 = vector.shape_cast %get3A_1043 : vector<16xi32> to vector<16xi32>
      %mul3A_1045 = arith.constant 3 : i32
      %mul3A_1046 = vector.broadcast %mul3A_1045 : i32 to vector<16xi32>
      %mul3A_1047 = arith.muli %get3A_1044, %mul3A_1046 : vector<16xi32>
      %swap3A = arith.index_cast %mul3A_1041 : i32 to index
      %swap3A_1048 = tpu.vector_load %arg26[%swap3A] {strides = array<i32>} : memref<2736xi32, #tpu.memory_space<vmem>>, vector<16xi32>,
      %swap3A_1049 = vector.shape_cast %swap3A_1048 : vector<16xi32> to vector<16xi32>
      %swap3A_1050 = vector.shape_cast %mul3A_1047 : vector<16xi32> to vector<16xi32>
      tpu.vector_store %arg26[%swap3A], %swap3A_1050 {strides = array<i32>} : memref<2736xi32, #tpu.memory_space<vmem>>, vector<16xi32>,
      %add3A_1051 = arith.constant 1 : i32
      %add3A_1052 = vector.broadcast %add3A_1051 : i32 to vector<16xi32>
      %add3A_1053 = arith.addi %mul3A_1047, %add3A_1052 : vector<16xi32>
      %swap3A_1054 = arith.index_cast %mul3A_1041 : i32 to index
      %swap3A_1055 = tpu.vector_load %arg27[%swap3A_1054] {strides = array<i32>} : memref<2736xi32, #tpu.memory_space<vmem>>, vector<16xi32>,
      %swap3A_1056 = vector.shape_cast %swap3A_1055 : vector<16xi32> to vector<16xi32>
      %swap3A_1057 = vector.shape_cast %add3A_1053 : vector<16xi32> to vector<16xi32>
      tpu.vector_store %arg27[%swap3A_1054], %swap3A_1057 {strides = array<i32>} : memref<2736xi32, #tpu.memory_space<vmem>>, vector<16xi32>,
      %add3A_1058 = arith.constant 2 : i32
      %add3A_1059 = vector.broadcast %add3A_1058 : i32 to vector<16xi32>
      %add3A_1060 = arith.addi %mul3A_1047, %add3A_1059 : vector<16xi32>
      %swap3A_1061 = arith.index_cast %mul3A_1041 : i32 to index
      %swap3A_1062 = tpu.vector_load %arg28[%swap3A_1061] {strides = array<i32>} : memref<2736xi32, #tpu.memory_space<vmem>>, vector<16xi32>,
      %swap3A_1063 = vector.shape_cast %swap3A_1062 : vector<16xi32> to vector<16xi32>
      %swap3A_1064 = vector.shape_cast %add3A_1060 : vector<16xi32> to vector<16xi32>
      tpu.vector_store %arg28[%swap3A_1061], %swap3A_1064 {strides = array<i32>} : memref<2736xi32, #tpu.memory_space<vmem>>, vector<16xi32>,
      %scan3A_1065 = arith.constant 0 : i32
      scf.yield %scan3A_1065 : i32
    }
    %scan3A_774 = arith.constant 171 : i32
    %dma_start3A_775 = arith.constant 0 : i32
    %dma_start3A_776 = tpu.memref_slice %arg16[%dma_start3A_775] : memref<300288xf32, #tpu.memory_space<vmem_shared>> -> memref<300288xf32, #tpu.memory_space<vmem_shared>>
    tpu.enqueue_indirect_dma source(%dma_start3A_776 : memref<300288xf32, #tpu.memory_space<vmem_shared>>) target(%arg32 : memref<2736xf32, #tpu.memory_space<vmem>>) offsets(%arg26 : memref<2736xi32, #tpu.memory_space<vmem>>) semaphore(%arg38 : memref<!tpu.dma_semaphore, #tpu.memory_space<semaphore_mem>>)
    %dma_start3A_777 = arith.constant 0 : i32
    %dma_start3A_778 = tpu.memref_slice %arg16[%dma_start3A_777] : memref<300288xf32, #tpu.memory_space<vmem_shared>> -> memref<300288xf32, #tpu.memory_space<vmem_shared>>
    tpu.enqueue_indirect_dma source(%dma_start3A_778 : memref<300288xf32, #tpu.memory_space<vmem_shared>>) target(%arg33 : memref<2736xf32, #tpu.memory_space<vmem>>) offsets(%arg27 : memref<2736xi32, #tpu.memory_space<vmem>>) semaphore(%arg39 : memref<!tpu.dma_semaphore, #tpu.memory_space<semaphore_mem>>)
    %dma_start3A_779 = arith.constant 0 : i32
    %dma_start3A_780 = tpu.memref_slice %arg16[%dma_start3A_779] : memref<300288xf32, #tpu.memory_space<vmem_shared>> -> memref<300288xf32, #tpu.memory_space<vmem_shared>>
    tpu.enqueue_indirect_dma source(%dma_start3A_780 : memref<300288xf32, #tpu.memory_space<vmem_shared>>) target(%arg34 : memref<2736xf32, #tpu.memory_space<vmem>>) offsets(%arg28 : memref<2736xi32, #tpu.memory_space<vmem>>) semaphore(%arg40 : memref<!tpu.dma_semaphore, #tpu.memory_space<semaphore_mem>>)
    %dma_wait3A_781 = arith.constant 0 : i32
    %dma_wait3A_782 = tpu.memref_slice %arg13[%dma_wait3A_781] : memref<100096xf32, #tpu.memory_space<vmem_shared>> -> memref<100096xf32, #tpu.memory_space<vmem_shared>>
    tpu.wait_indirect_dma semaphore(%arg44 : memref<!tpu.dma_semaphore, #tpu.memory_space<semaphore_mem>>) src(%arg35 : memref<2736xf32, #tpu.memory_space<vmem>>) dst(%dma_wait3A_782 : memref<100096xf32, #tpu.memory_space<vmem_shared>>)
    %dma_wait3A_783 = arith.constant 0 : i32
    %dma_wait3A_784 = tpu.memref_slice %arg14[%dma_wait3A_783] : memref<100096xf32, #tpu.memory_space<vmem_shared>> -> memref<100096xf32, #tpu.memory_space<vmem_shared>>
    tpu.wait_indirect_dma semaphore(%arg44 : memref<!tpu.dma_semaphore, #tpu.memory_space<semaphore_mem>>) src(%arg36 : memref<2736xf32, #tpu.memory_space<vmem>>) dst(%dma_wait3A_784 : memref<100096xf32, #tpu.memory_space<vmem_shared>>)
    %dma_wait3A_785 = arith.constant 0 : i32
    %dma_wait3A_786 = tpu.memref_slice %arg15[%dma_wait3A_785] : memref<100096xf32, #tpu.memory_space<vmem_shared>> -> memref<100096xf32, #tpu.memory_space<vmem_shared>>
    tpu.wait_indirect_dma semaphore(%arg44 : memref<!tpu.dma_semaphore, #tpu.memory_space<semaphore_mem>>) src(%arg37 : memref<2736xf32, #tpu.memory_space<vmem>>) dst(%dma_wait3A_786 : memref<100096xf32, #tpu.memory_space<vmem_shared>>)
    %dma_start3A_787 = tpu.memref_slice %arg6[%add3A_124] : memref<1400000xi32, #tpu.memory_space<hbm>> -> memref<2736xi32, #tpu.memory_space<hbm>>
    %dma_start3A_788 = tpu.memref_slice %arg6[%add3A_124] : memref<1400000xi32, #tpu.memory_space<hbm>> -> memref<2736xi32, #tpu.memory_space<hbm>>
    tpu.enqueue_dma source(%dma_start3A_788 : memref<2736xi32, #tpu.memory_space<hbm>>) target(%arg24 : memref<2736xi32, #tpu.memory_space<vmem>>) target_semaphore(%arg42 : memref<!tpu.dma_semaphore, #tpu.memory_space<semaphore_mem>>)
    %add3A_789 = arith.constant 700000 : i32
    %add3A_790 = arith.addi %add3A_789, %add3A_124 : i32
    %dma_start3A_791 = tpu.memref_slice %arg6[%add3A_790] : memref<1400000xi32, #tpu.memory_space<hbm>> -> memref<2736xi32, #tpu.memory_space<hbm>>
    %dma_start3A_792 = tpu.memref_slice %arg6[%add3A_790] : memref<1400000xi32, #tpu.memory_space<hbm>> -> memref<2736xi32, #tpu.memory_space<hbm>>
    tpu.enqueue_dma source(%dma_start3A_792 : memref<2736xi32, #tpu.memory_space<hbm>>) target(%arg23 : memref<2736xi32, #tpu.memory_space<vmem>>) target_semaphore(%arg42 : memref<!tpu.dma_semaphore, #tpu.memory_space<semaphore_mem>>)
    %dma_start3A_793 = tpu.memref_slice %arg7[%add3A_124] : memref<700000xf32, #tpu.memory_space<hbm>> -> memref<2736xf32, #tpu.memory_space<hbm>>
    %dma_start3A_794 = tpu.memref_slice %arg7[%add3A_124] : memref<700000xf32, #tpu.memory_space<hbm>> -> memref<2736xf32, #tpu.memory_space<hbm>>
    tpu.enqueue_dma source(%dma_start3A_794 : memref<2736xf32, #tpu.memory_space<hbm>>) target(%arg25 : memref<2736xf32, #tpu.memory_space<vmem>>) target_semaphore(%arg42 : memref<!tpu.dma_semaphore, #tpu.memory_space<semaphore_mem>>)
    %dma_wait3A_795 = arith.constant 0 : i32
    %dma_wait3A_796 = tpu.memref_slice %arg16[%dma_wait3A_795] : memref<300288xf32, #tpu.memory_space<vmem_shared>> -> memref<300288xf32, #tpu.memory_space<vmem_shared>>
    tpu.wait_indirect_dma semaphore(%arg38 : memref<!tpu.dma_semaphore, #tpu.memory_space<semaphore_mem>>) src(%dma_wait3A_796 : memref<300288xf32, #tpu.memory_space<vmem_shared>>) dst(%arg32 : memref<2736xf32, #tpu.memory_space<vmem>>)
    %dma_wait3A_797 = arith.constant 0 : i32
    %dma_wait3A_798 = tpu.memref_slice %arg16[%dma_wait3A_797] : memref<300288xf32, #tpu.memory_space<vmem_shared>> -> memref<300288xf32, #tpu.memory_space<vmem_shared>>
    tpu.wait_indirect_dma semaphore(%arg39 : memref<!tpu.dma_semaphore, #tpu.memory_space<semaphore_mem>>) src(%dma_wait3A_798 : memref<300288xf32, #tpu.memory_space<vmem_shared>>) dst(%arg33 : memref<2736xf32, #tpu.memory_space<vmem>>)
    %dma_wait3A_799 = arith.constant 0 : i32
    %dma_wait3A_800 = tpu.memref_slice %arg16[%dma_wait3A_799] : memref<300288xf32, #tpu.memory_space<vmem_shared>> -> memref<300288xf32, #tpu.memory_space<vmem_shared>>
    tpu.wait_indirect_dma semaphore(%arg40 : memref<!tpu.dma_semaphore, #tpu.memory_space<semaphore_mem>>) src(%dma_wait3A_800 : memref<300288xf32, #tpu.memory_space<vmem_shared>>) dst(%arg34 : memref<2736xf32, #tpu.memory_space<vmem>>)
    %scan3A_801 = arith.constant 0 : i32
    %scan3A_802 = arith.constant 0 : i32
    %scan3A_803 = arith.constant 171 : i32
    %scan3A_804 = arith.addi %scan3A_802, %scan3A_803 : i32
    %scan3A_805 = arith.constant 1 : i32
    %scan3A_806 = scf.for %scan3A_1038 = %scan3A_802 to %scan3A_804 step %scan3A_805 iter_args(%scan3A_1039 = %scan3A_801) -> (i32)  : i32 {
      %mul3A_1040 = arith.constant 16 : i32
      %mul3A_1041 = arith.muli %scan3A_1038, %mul3A_1040 : i32
      %get3A_1042 = arith.index_cast %mul3A_1041 : i32 to index
      %get3A_1043 = tpu.vector_load %arg22[%get3A_1042] {strides = array<i32>} : memref<2736xf32, #tpu.memory_space<vmem>>, vector<16xf32>,
      %get3A_1044 = vector.shape_cast %get3A_1043 : vector<16xf32> to vector<16xf32>
      %get3A_1045 = arith.index_cast %mul3A_1041 : i32 to index
      %get3A_1046 = tpu.vector_load %arg32[%get3A_1045] {strides = array<i32>} : memref<2736xf32, #tpu.memory_space<vmem>>, vector<16xf32>,
      %get3A_1047 = vector.shape_cast %get3A_1046 : vector<16xf32> to vector<16xf32>
      %mul3A_1048 = arith.mulf %get3A_1047, %get3A_1044 : vector<16xf32>
      %swap3A = arith.index_cast %mul3A_1041 : i32 to index
      %swap3A_1049 = tpu.vector_load %arg32[%swap3A] {strides = array<i32>} : memref<2736xf32, #tpu.memory_space<vmem>>, vector<16xf32>,
      %swap3A_1050 = vector.shape_cast %swap3A_1049 : vector<16xf32> to vector<16xf32>
      %swap3A_1051 = vector.shape_cast %mul3A_1048 : vector<16xf32> to vector<16xf32>
      tpu.vector_store %arg32[%swap3A], %swap3A_1051 {strides = array<i32>} : memref<2736xf32, #tpu.memory_space<vmem>>, vector<16xf32>,
      %get3A_1052 = arith.index_cast %mul3A_1041 : i32 to index
      %get3A_1053 = tpu.vector_load %arg33[%get3A_1052] {strides = array<i32>} : memref<2736xf32, #tpu.memory_space<vmem>>, vector<16xf32>,
      %get3A_1054 = vector.shape_cast %get3A_1053 : vector<16xf32> to vector<16xf32>
      %mul3A_1055 = arith.mulf %get3A_1054, %get3A_1044 : vector<16xf32>
      %swap3A_1056 = arith.index_cast %mul3A_1041 : i32 to index
      %swap3A_1057 = tpu.vector_load %arg33[%swap3A_1056] {strides = array<i32>} : memref<2736xf32, #tpu.memory_space<vmem>>, vector<16xf32>,
      %swap3A_1058 = vector.shape_cast %swap3A_1057 : vector<16xf32> to vector<16xf32>
      %swap3A_1059 = vector.shape_cast %mul3A_1055 : vector<16xf32> to vector<16xf32>
      tpu.vector_store %arg33[%swap3A_1056], %swap3A_1059 {strides = array<i32>} : memref<2736xf32, #tpu.memory_space<vmem>>, vector<16xf32>,
      %get3A_1060 = arith.index_cast %mul3A_1041 : i32 to index
      %get3A_1061 = tpu.vector_load %arg34[%get3A_1060] {strides = array<i32>} : memref<2736xf32, #tpu.memory_space<vmem>>, vector<16xf32>,
      %get3A_1062 = vector.shape_cast %get3A_1061 : vector<16xf32> to vector<16xf32>
      %mul3A_1063 = arith.mulf %get3A_1062, %get3A_1044 : vector<16xf32>
      %swap3A_1064 = arith.index_cast %mul3A_1041 : i32 to index
      %swap3A_1065 = tpu.vector_load %arg34[%swap3A_1064] {strides = array<i32>} : memref<2736xf32, #tpu.memory_space<vmem>>, vector<16xf32>,
      %swap3A_1066 = vector.shape_cast %swap3A_1065 : vector<16xf32> to vector<16xf32>
      %swap3A_1067 = vector.shape_cast %mul3A_1063 : vector<16xf32> to vector<16xf32>
      tpu.vector_store %arg34[%swap3A_1064], %swap3A_1067 {strides = array<i32>} : memref<2736xf32, #tpu.memory_space<vmem>>, vector<16xf32>,
      %scan3A_1068 = arith.constant 0 : i32
      scf.yield %scan3A_1068 : i32
    }
    %scan3A_807 = arith.constant 171 : i32
    %dma_start3A_808 = arith.constant 0 : i32
    %dma_start3A_809 = tpu.memref_slice %arg13[%dma_start3A_808] : memref<100096xf32, #tpu.memory_space<vmem_shared>> -> memref<100096xf32, #tpu.memory_space<vmem_shared>>
    tpu.enqueue_indirect_dma source(%arg32 : memref<2736xf32, #tpu.memory_space<vmem>>) target(%dma_start3A_809 : memref<100096xf32, #tpu.memory_space<vmem_shared>>) offsets(%arg21 : memref<2736xi32, #tpu.memory_space<vmem>>) semaphore(%arg43 : memref<!tpu.dma_semaphore, #tpu.memory_space<semaphore_mem>>) {add = true}
    %dma_start3A_810 = arith.constant 0 : i32
    %dma_start3A_811 = tpu.memref_slice %arg14[%dma_start3A_810] : memref<100096xf32, #tpu.memory_space<vmem_shared>> -> memref<100096xf32, #tpu.memory_space<vmem_shared>>
    tpu.enqueue_indirect_dma source(%arg33 : memref<2736xf32, #tpu.memory_space<vmem>>) target(%dma_start3A_811 : memref<100096xf32, #tpu.memory_space<vmem_shared>>) offsets(%arg21 : memref<2736xi32, #tpu.memory_space<vmem>>) semaphore(%arg43 : memref<!tpu.dma_semaphore, #tpu.memory_space<semaphore_mem>>) {add = true}
    %dma_start3A_812 = arith.constant 0 : i32
    %dma_start3A_813 = tpu.memref_slice %arg15[%dma_start3A_812] : memref<100096xf32, #tpu.memory_space<vmem_shared>> -> memref<100096xf32, #tpu.memory_space<vmem_shared>>
    tpu.enqueue_indirect_dma source(%arg34 : memref<2736xf32, #tpu.memory_space<vmem>>) target(%dma_start3A_813 : memref<100096xf32, #tpu.memory_space<vmem_shared>>) offsets(%arg21 : memref<2736xi32, #tpu.memory_space<vmem>>) semaphore(%arg43 : memref<!tpu.dma_semaphore, #tpu.memory_space<semaphore_mem>>) {add = true}
    %dma_wait3A_814 = tpu.memref_slice %arg6[%add3A_124] : memref<1400000xi32, #tpu.memory_space<hbm>> -> memref<2736xi32, #tpu.memory_space<hbm>>
    %dma_wait3A_815 = tpu.memref_slice %arg6[%add3A_124] : memref<1400000xi32, #tpu.memory_space<hbm>> -> memref<2736xi32, #tpu.memory_space<hbm>>
    tpu.wait_dma2 semaphore(%arg42 : memref<!tpu.dma_semaphore, #tpu.memory_space<semaphore_mem>>) src(%dma_wait3A_815 : memref<2736xi32, #tpu.memory_space<hbm>>) dst(%arg24 : memref<2736xi32, #tpu.memory_space<vmem>>)
    %dma_wait3A_816 = tpu.memref_slice %arg6[%add3A_790] : memref<1400000xi32, #tpu.memory_space<hbm>> -> memref<2736xi32, #tpu.memory_space<hbm>>
    %dma_wait3A_817 = tpu.memref_slice %arg6[%add3A_790] : memref<1400000xi32, #tpu.memory_space<hbm>> -> memref<2736xi32, #tpu.memory_space<hbm>>
    tpu.wait_dma2 semaphore(%arg42 : memref<!tpu.dma_semaphore, #tpu.memory_space<semaphore_mem>>) src(%dma_wait3A_817 : memref<2736xi32, #tpu.memory_space<hbm>>) dst(%arg23 : memref<2736xi32, #tpu.memory_space<vmem>>)
    %dma_wait3A_818 = tpu.memref_slice %arg7[%add3A_124] : memref<700000xf32, #tpu.memory_space<hbm>> -> memref<2736xf32, #tpu.memory_space<hbm>>
    %dma_wait3A_819 = tpu.memref_slice %arg7[%add3A_124] : memref<700000xf32, #tpu.memory_space<hbm>> -> memref<2736xf32, #tpu.memory_space<hbm>>
    tpu.wait_dma2 semaphore(%arg42 : memref<!tpu.dma_semaphore, #tpu.memory_space<semaphore_mem>>) src(%dma_wait3A_819 : memref<2736xf32, #tpu.memory_space<hbm>>) dst(%arg25 : memref<2736xf32, #tpu.memory_space<vmem>>)
    %scan3A_820 = arith.constant 0 : i32
    %scan3A_821 = arith.constant 0 : i32
    %scan3A_822 = arith.constant 171 : i32
    %scan3A_823 = arith.addi %scan3A_821, %scan3A_822 : i32
    %scan3A_824 = arith.constant 1 : i32
    %scan3A_825 = scf.for %scan3A_1038 = %scan3A_821 to %scan3A_823 step %scan3A_824 iter_args(%scan3A_1039 = %scan3A_820) -> (i32)  : i32 {
      %mul3A_1040 = arith.constant 16 : i32
      %mul3A_1041 = arith.muli %scan3A_1038, %mul3A_1040 : i32
      %get3A_1042 = arith.index_cast %mul3A_1041 : i32 to index
      %get3A_1043 = tpu.vector_load %arg23[%get3A_1042] {strides = array<i32>} : memref<2736xi32, #tpu.memory_space<vmem>>, vector<16xi32>,
      %get3A_1044 = vector.shape_cast %get3A_1043 : vector<16xi32> to vector<16xi32>
      %mul3A_1045 = arith.constant 3 : i32
      %mul3A_1046 = vector.broadcast %mul3A_1045 : i32 to vector<16xi32>
      %mul3A_1047 = arith.muli %get3A_1044, %mul3A_1046 : vector<16xi32>
      %swap3A = arith.index_cast %mul3A_1041 : i32 to index
      %swap3A_1048 = tpu.vector_load %arg29[%swap3A] {strides = array<i32>} : memref<2736xi32, #tpu.memory_space<vmem>>, vector<16xi32>,
      %swap3A_1049 = vector.shape_cast %swap3A_1048 : vector<16xi32> to vector<16xi32>
      %swap3A_1050 = vector.shape_cast %mul3A_1047 : vector<16xi32> to vector<16xi32>
      tpu.vector_store %arg29[%swap3A], %swap3A_1050 {strides = array<i32>} : memref<2736xi32, #tpu.memory_space<vmem>>, vector<16xi32>,
      %add3A_1051 = arith.constant 1 : i32
      %add3A_1052 = vector.broadcast %add3A_1051 : i32 to vector<16xi32>
      %add3A_1053 = arith.addi %mul3A_1047, %add3A_1052 : vector<16xi32>
      %swap3A_1054 = arith.index_cast %mul3A_1041 : i32 to index
      %swap3A_1055 = tpu.vector_load %arg30[%swap3A_1054] {strides = array<i32>} : memref<2736xi32, #tpu.memory_space<vmem>>, vector<16xi32>,
      %swap3A_1056 = vector.shape_cast %swap3A_1055 : vector<16xi32> to vector<16xi32>
      %swap3A_1057 = vector.shape_cast %add3A_1053 : vector<16xi32> to vector<16xi32>
      tpu.vector_store %arg30[%swap3A_1054], %swap3A_1057 {strides = array<i32>} : memref<2736xi32, #tpu.memory_space<vmem>>, vector<16xi32>,
      %add3A_1058 = arith.constant 2 : i32
      %add3A_1059 = vector.broadcast %add3A_1058 : i32 to vector<16xi32>
      %add3A_1060 = arith.addi %mul3A_1047, %add3A_1059 : vector<16xi32>
      %swap3A_1061 = arith.index_cast %mul3A_1041 : i32 to index
      %swap3A_1062 = tpu.vector_load %arg31[%swap3A_1061] {strides = array<i32>} : memref<2736xi32, #tpu.memory_space<vmem>>, vector<16xi32>,
      %swap3A_1063 = vector.shape_cast %swap3A_1062 : vector<16xi32> to vector<16xi32>
      %swap3A_1064 = vector.shape_cast %add3A_1060 : vector<16xi32> to vector<16xi32>
      tpu.vector_store %arg31[%swap3A_1061], %swap3A_1064 {strides = array<i32>} : memref<2736xi32, #tpu.memory_space<vmem>>, vector<16xi32>,
      %scan3A_1065 = arith.constant 0 : i32
      scf.yield %scan3A_1065 : i32
    }
    %scan3A_826 = arith.constant 171 : i32
    %dma_start3A_827 = arith.constant 0 : i32
    %dma_start3A_828 = tpu.memref_slice %arg16[%dma_start3A_827] : memref<300288xf32, #tpu.memory_space<vmem_shared>> -> memref<300288xf32, #tpu.memory_space<vmem_shared>>
    tpu.enqueue_indirect_dma source(%dma_start3A_828 : memref<300288xf32, #tpu.memory_space<vmem_shared>>) target(%arg35 : memref<2736xf32, #tpu.memory_space<vmem>>) offsets(%arg29 : memref<2736xi32, #tpu.memory_space<vmem>>) semaphore(%arg38 : memref<!tpu.dma_semaphore, #tpu.memory_space<semaphore_mem>>)
    %dma_start3A_829 = arith.constant 0 : i32
    %dma_start3A_830 = tpu.memref_slice %arg16[%dma_start3A_829] : memref<300288xf32, #tpu.memory_space<vmem_shared>> -> memref<300288xf32, #tpu.memory_space<vmem_shared>>
    tpu.enqueue_indirect_dma source(%dma_start3A_830 : memref<300288xf32, #tpu.memory_space<vmem_shared>>) target(%arg36 : memref<2736xf32, #tpu.memory_space<vmem>>) offsets(%arg30 : memref<2736xi32, #tpu.memory_space<vmem>>) semaphore(%arg39 : memref<!tpu.dma_semaphore, #tpu.memory_space<semaphore_mem>>)
    %dma_start3A_831 = arith.constant 0 : i32
    %dma_start3A_832 = tpu.memref_slice %arg16[%dma_start3A_831] : memref<300288xf32, #tpu.memory_space<vmem_shared>> -> memref<300288xf32, #tpu.memory_space<vmem_shared>>
    tpu.enqueue_indirect_dma source(%dma_start3A_832 : memref<300288xf32, #tpu.memory_space<vmem_shared>>) target(%arg37 : memref<2736xf32, #tpu.memory_space<vmem>>) offsets(%arg31 : memref<2736xi32, #tpu.memory_space<vmem>>) semaphore(%arg40 : memref<!tpu.dma_semaphore, #tpu.memory_space<semaphore_mem>>)
    %dma_wait3A_833 = arith.constant 0 : i32
    %dma_wait3A_834 = tpu.memref_slice %arg13[%dma_wait3A_833] : memref<100096xf32, #tpu.memory_space<vmem_shared>> -> memref<100096xf32, #tpu.memory_space<vmem_shared>>
    tpu.wait_indirect_dma semaphore(%arg43 : memref<!tpu.dma_semaphore, #tpu.memory_space<semaphore_mem>>) src(%arg32 : memref<2736xf32, #tpu.memory_space<vmem>>) dst(%dma_wait3A_834 : memref<100096xf32, #tpu.memory_space<vmem_shared>>)
    %dma_wait3A_835 = arith.constant 0 : i32
    %dma_wait3A_836 = tpu.memref_slice %arg14[%dma_wait3A_835] : memref<100096xf32, #tpu.memory_space<vmem_shared>> -> memref<100096xf32, #tpu.memory_space<vmem_shared>>
    tpu.wait_indirect_dma semaphore(%arg43 : memref<!tpu.dma_semaphore, #tpu.memory_space<semaphore_mem>>) src(%arg33 : memref<2736xf32, #tpu.memory_space<vmem>>) dst(%dma_wait3A_836 : memref<100096xf32, #tpu.memory_space<vmem_shared>>)
    %dma_wait3A_837 = arith.constant 0 : i32
    %dma_wait3A_838 = tpu.memref_slice %arg15[%dma_wait3A_837] : memref<100096xf32, #tpu.memory_space<vmem_shared>> -> memref<100096xf32, #tpu.memory_space<vmem_shared>>
    tpu.wait_indirect_dma semaphore(%arg43 : memref<!tpu.dma_semaphore, #tpu.memory_space<semaphore_mem>>) src(%arg34 : memref<2736xf32, #tpu.memory_space<vmem>>) dst(%dma_wait3A_838 : memref<100096xf32, #tpu.memory_space<vmem_shared>>)
    %dma_start3A_839 = tpu.memref_slice %arg6[%add3A_128] : memref<1400000xi32, #tpu.memory_space<hbm>> -> memref<2736xi32, #tpu.memory_space<hbm>>
    %dma_start3A_840 = tpu.memref_slice %arg6[%add3A_128] : memref<1400000xi32, #tpu.memory_space<hbm>> -> memref<2736xi32, #tpu.memory_space<hbm>>
    tpu.enqueue_dma source(%dma_start3A_840 : memref<2736xi32, #tpu.memory_space<hbm>>) target(%arg21 : memref<2736xi32, #tpu.memory_space<vmem>>) target_semaphore(%arg41 : memref<!tpu.dma_semaphore, #tpu.memory_space<semaphore_mem>>)
    %add3A_841 = arith.constant 700000 : i32
    %add3A_842 = arith.addi %add3A_841, %add3A_128 : i32
    %dma_start3A_843 = tpu.memref_slice %arg6[%add3A_842] : memref<1400000xi32, #tpu.memory_space<hbm>> -> memref<2736xi32, #tpu.memory_space<hbm>>
    %dma_start3A_844 = tpu.memref_slice %arg6[%add3A_842] : memref<1400000xi32, #tpu.memory_space<hbm>> -> memref<2736xi32, #tpu.memory_space<hbm>>
    tpu.enqueue_dma source(%dma_start3A_844 : memref<2736xi32, #tpu.memory_space<hbm>>) target(%arg20 : memref<2736xi32, #tpu.memory_space<vmem>>) target_semaphore(%arg41 : memref<!tpu.dma_semaphore, #tpu.memory_space<semaphore_mem>>)
    %dma_start3A_845 = tpu.memref_slice %arg7[%add3A_128] : memref<700000xf32, #tpu.memory_space<hbm>> -> memref<2736xf32, #tpu.memory_space<hbm>>
    %dma_start3A_846 = tpu.memref_slice %arg7[%add3A_128] : memref<700000xf32, #tpu.memory_space<hbm>> -> memref<2736xf32, #tpu.memory_space<hbm>>
    tpu.enqueue_dma source(%dma_start3A_846 : memref<2736xf32, #tpu.memory_space<hbm>>) target(%arg22 : memref<2736xf32, #tpu.memory_space<vmem>>) target_semaphore(%arg41 : memref<!tpu.dma_semaphore, #tpu.memory_space<semaphore_mem>>)
    %dma_wait3A_847 = arith.constant 0 : i32
    %dma_wait3A_848 = tpu.memref_slice %arg16[%dma_wait3A_847] : memref<300288xf32, #tpu.memory_space<vmem_shared>> -> memref<300288xf32, #tpu.memory_space<vmem_shared>>
    tpu.wait_indirect_dma semaphore(%arg38 : memref<!tpu.dma_semaphore, #tpu.memory_space<semaphore_mem>>) src(%dma_wait3A_848 : memref<300288xf32, #tpu.memory_space<vmem_shared>>) dst(%arg35 : memref<2736xf32, #tpu.memory_space<vmem>>)
    %dma_wait3A_849 = arith.constant 0 : i32
    %dma_wait3A_850 = tpu.memref_slice %arg16[%dma_wait3A_849] : memref<300288xf32, #tpu.memory_space<vmem_shared>> -> memref<300288xf32, #tpu.memory_space<vmem_shared>>
    tpu.wait_indirect_dma semaphore(%arg39 : memref<!tpu.dma_semaphore, #tpu.memory_space<semaphore_mem>>) src(%dma_wait3A_850 : memref<300288xf32, #tpu.memory_space<vmem_shared>>) dst(%arg36 : memref<2736xf32, #tpu.memory_space<vmem>>)
    %dma_wait3A_851 = arith.constant 0 : i32
    %dma_wait3A_852 = tpu.memref_slice %arg16[%dma_wait3A_851] : memref<300288xf32, #tpu.memory_space<vmem_shared>> -> memref<300288xf32, #tpu.memory_space<vmem_shared>>
    tpu.wait_indirect_dma semaphore(%arg40 : memref<!tpu.dma_semaphore, #tpu.memory_space<semaphore_mem>>) src(%dma_wait3A_852 : memref<300288xf32, #tpu.memory_space<vmem_shared>>) dst(%arg37 : memref<2736xf32, #tpu.memory_space<vmem>>)
    %scan3A_853 = arith.constant 0 : i32
    %scan3A_854 = arith.constant 0 : i32
    %scan3A_855 = arith.constant 171 : i32
    %scan3A_856 = arith.addi %scan3A_854, %scan3A_855 : i32
    %scan3A_857 = arith.constant 1 : i32
    %scan3A_858 = scf.for %scan3A_1038 = %scan3A_854 to %scan3A_856 step %scan3A_857 iter_args(%scan3A_1039 = %scan3A_853) -> (i32)  : i32 {
      %mul3A_1040 = arith.constant 16 : i32
      %mul3A_1041 = arith.muli %scan3A_1038, %mul3A_1040 : i32
      %get3A_1042 = arith.index_cast %mul3A_1041 : i32 to index
      %get3A_1043 = tpu.vector_load %arg25[%get3A_1042] {strides = array<i32>} : memref<2736xf32, #tpu.memory_space<vmem>>, vector<16xf32>,
      %get3A_1044 = vector.shape_cast %get3A_1043 : vector<16xf32> to vector<16xf32>
      %get3A_1045 = arith.index_cast %mul3A_1041 : i32 to index
      %get3A_1046 = tpu.vector_load %arg35[%get3A_1045] {strides = array<i32>} : memref<2736xf32, #tpu.memory_space<vmem>>, vector<16xf32>,
      %get3A_1047 = vector.shape_cast %get3A_1046 : vector<16xf32> to vector<16xf32>
      %mul3A_1048 = arith.mulf %get3A_1047, %get3A_1044 : vector<16xf32>
      %swap3A = arith.index_cast %mul3A_1041 : i32 to index
      %swap3A_1049 = tpu.vector_load %arg35[%swap3A] {strides = array<i32>} : memref<2736xf32, #tpu.memory_space<vmem>>, vector<16xf32>,
      %swap3A_1050 = vector.shape_cast %swap3A_1049 : vector<16xf32> to vector<16xf32>
      %swap3A_1051 = vector.shape_cast %mul3A_1048 : vector<16xf32> to vector<16xf32>
      tpu.vector_store %arg35[%swap3A], %swap3A_1051 {strides = array<i32>} : memref<2736xf32, #tpu.memory_space<vmem>>, vector<16xf32>,
      %get3A_1052 = arith.index_cast %mul3A_1041 : i32 to index
      %get3A_1053 = tpu.vector_load %arg36[%get3A_1052] {strides = array<i32>} : memref<2736xf32, #tpu.memory_space<vmem>>, vector<16xf32>,
      %get3A_1054 = vector.shape_cast %get3A_1053 : vector<16xf32> to vector<16xf32>
      %mul3A_1055 = arith.mulf %get3A_1054, %get3A_1044 : vector<16xf32>
      %swap3A_1056 = arith.index_cast %mul3A_1041 : i32 to index
      %swap3A_1057 = tpu.vector_load %arg36[%swap3A_1056] {strides = array<i32>} : memref<2736xf32, #tpu.memory_space<vmem>>, vector<16xf32>,
      %swap3A_1058 = vector.shape_cast %swap3A_1057 : vector<16xf32> to vector<16xf32>
      %swap3A_1059 = vector.shape_cast %mul3A_1055 : vector<16xf32> to vector<16xf32>
      tpu.vector_store %arg36[%swap3A_1056], %swap3A_1059 {strides = array<i32>} : memref<2736xf32, #tpu.memory_space<vmem>>, vector<16xf32>,
      %get3A_1060 = arith.index_cast %mul3A_1041 : i32 to index
      %get3A_1061 = tpu.vector_load %arg37[%get3A_1060] {strides = array<i32>} : memref<2736xf32, #tpu.memory_space<vmem>>, vector<16xf32>,
      %get3A_1062 = vector.shape_cast %get3A_1061 : vector<16xf32> to vector<16xf32>
      %mul3A_1063 = arith.mulf %get3A_1062, %get3A_1044 : vector<16xf32>
      %swap3A_1064 = arith.index_cast %mul3A_1041 : i32 to index
      %swap3A_1065 = tpu.vector_load %arg37[%swap3A_1064] {strides = array<i32>} : memref<2736xf32, #tpu.memory_space<vmem>>, vector<16xf32>,
      %swap3A_1066 = vector.shape_cast %swap3A_1065 : vector<16xf32> to vector<16xf32>
      %swap3A_1067 = vector.shape_cast %mul3A_1063 : vector<16xf32> to vector<16xf32>
      tpu.vector_store %arg37[%swap3A_1064], %swap3A_1067 {strides = array<i32>} : memref<2736xf32, #tpu.memory_space<vmem>>, vector<16xf32>,
      %scan3A_1068 = arith.constant 0 : i32
      scf.yield %scan3A_1068 : i32
    }
    %scan3A_859 = arith.constant 171 : i32
    %dma_start3A_860 = arith.constant 0 : i32
    %dma_start3A_861 = tpu.memref_slice %arg13[%dma_start3A_860] : memref<100096xf32, #tpu.memory_space<vmem_shared>> -> memref<100096xf32, #tpu.memory_space<vmem_shared>>
    tpu.enqueue_indirect_dma source(%arg35 : memref<2736xf32, #tpu.memory_space<vmem>>) target(%dma_start3A_861 : memref<100096xf32, #tpu.memory_space<vmem_shared>>) offsets(%arg24 : memref<2736xi32, #tpu.memory_space<vmem>>) semaphore(%arg44 : memref<!tpu.dma_semaphore, #tpu.memory_space<semaphore_mem>>) {add = true}
    %dma_start3A_862 = arith.constant 0 : i32
    %dma_start3A_863 = tpu.memref_slice %arg14[%dma_start3A_862] : memref<100096xf32, #tpu.memory_space<vmem_shared>> -> memref<100096xf32, #tpu.memory_space<vmem_shared>>
    tpu.enqueue_indirect_dma source(%arg36 : memref<2736xf32, #tpu.memory_space<vmem>>) target(%dma_start3A_863 : memref<100096xf32, #tpu.memory_space<vmem_shared>>) offsets(%arg24 : memref<2736xi32, #tpu.memory_space<vmem>>) semaphore(%arg44 : memref<!tpu.dma_semaphore, #tpu.memory_space<semaphore_mem>>) {add = true}
    %dma_start3A_864 = arith.constant 0 : i32
    %dma_start3A_865 = tpu.memref_slice %arg15[%dma_start3A_864] : memref<100096xf32, #tpu.memory_space<vmem_shared>> -> memref<100096xf32, #tpu.memory_space<vmem_shared>>
    tpu.enqueue_indirect_dma source(%arg37 : memref<2736xf32, #tpu.memory_space<vmem>>) target(%dma_start3A_865 : memref<100096xf32, #tpu.memory_space<vmem_shared>>) offsets(%arg24 : memref<2736xi32, #tpu.memory_space<vmem>>) semaphore(%arg44 : memref<!tpu.dma_semaphore, #tpu.memory_space<semaphore_mem>>) {add = true}
    %dma_wait3A_866 = tpu.memref_slice %arg6[%add3A_128] : memref<1400000xi32, #tpu.memory_space<hbm>> -> memref<2736xi32, #tpu.memory_space<hbm>>
    %dma_wait3A_867 = tpu.memref_slice %arg6[%add3A_128] : memref<1400000xi32, #tpu.memory_space<hbm>> -> memref<2736xi32, #tpu.memory_space<hbm>>
    tpu.wait_dma2 semaphore(%arg41 : memref<!tpu.dma_semaphore, #tpu.memory_space<semaphore_mem>>) src(%dma_wait3A_867 : memref<2736xi32, #tpu.memory_space<hbm>>) dst(%arg21 : memref<2736xi32, #tpu.memory_space<vmem>>)
    %dma_wait3A_868 = tpu.memref_slice %arg6[%add3A_842] : memref<1400000xi32, #tpu.memory_space<hbm>> -> memref<2736xi32, #tpu.memory_space<hbm>>
    %dma_wait3A_869 = tpu.memref_slice %arg6[%add3A_842] : memref<1400000xi32, #tpu.memory_space<hbm>> -> memref<2736xi32, #tpu.memory_space<hbm>>
    tpu.wait_dma2 semaphore(%arg41 : memref<!tpu.dma_semaphore, #tpu.memory_space<semaphore_mem>>) src(%dma_wait3A_869 : memref<2736xi32, #tpu.memory_space<hbm>>) dst(%arg20 : memref<2736xi32, #tpu.memory_space<vmem>>)
    %dma_wait3A_870 = tpu.memref_slice %arg7[%add3A_128] : memref<700000xf32, #tpu.memory_space<hbm>> -> memref<2736xf32, #tpu.memory_space<hbm>>
    %dma_wait3A_871 = tpu.memref_slice %arg7[%add3A_128] : memref<700000xf32, #tpu.memory_space<hbm>> -> memref<2736xf32, #tpu.memory_space<hbm>>
    tpu.wait_dma2 semaphore(%arg41 : memref<!tpu.dma_semaphore, #tpu.memory_space<semaphore_mem>>) src(%dma_wait3A_871 : memref<2736xf32, #tpu.memory_space<hbm>>) dst(%arg22 : memref<2736xf32, #tpu.memory_space<vmem>>)
    %scan3A_872 = arith.constant 0 : i32
    %scan3A_873 = arith.constant 0 : i32
    %scan3A_874 = arith.constant 171 : i32
    %scan3A_875 = arith.addi %scan3A_873, %scan3A_874 : i32
    %scan3A_876 = arith.constant 1 : i32
    %scan3A_877 = scf.for %scan3A_1038 = %scan3A_873 to %scan3A_875 step %scan3A_876 iter_args(%scan3A_1039 = %scan3A_872) -> (i32)  : i32 {
      %mul3A_1040 = arith.constant 16 : i32
      %mul3A_1041 = arith.muli %scan3A_1038, %mul3A_1040 : i32
      %get3A_1042 = arith.index_cast %mul3A_1041 : i32 to index
      %get3A_1043 = tpu.vector_load %arg20[%get3A_1042] {strides = array<i32>} : memref<2736xi32, #tpu.memory_space<vmem>>, vector<16xi32>,
      %get3A_1044 = vector.shape_cast %get3A_1043 : vector<16xi32> to vector<16xi32>
      %mul3A_1045 = arith.constant 3 : i32
      %mul3A_1046 = vector.broadcast %mul3A_1045 : i32 to vector<16xi32>
      %mul3A_1047 = arith.muli %get3A_1044, %mul3A_1046 : vector<16xi32>
      %swap3A = arith.index_cast %mul3A_1041 : i32 to index
      %swap3A_1048 = tpu.vector_load %arg26[%swap3A] {strides = array<i32>} : memref<2736xi32, #tpu.memory_space<vmem>>, vector<16xi32>,
      %swap3A_1049 = vector.shape_cast %swap3A_1048 : vector<16xi32> to vector<16xi32>
      %swap3A_1050 = vector.shape_cast %mul3A_1047 : vector<16xi32> to vector<16xi32>
      tpu.vector_store %arg26[%swap3A], %swap3A_1050 {strides = array<i32>} : memref<2736xi32, #tpu.memory_space<vmem>>, vector<16xi32>,
      %add3A_1051 = arith.constant 1 : i32
      %add3A_1052 = vector.broadcast %add3A_1051 : i32 to vector<16xi32>
      %add3A_1053 = arith.addi %mul3A_1047, %add3A_1052 : vector<16xi32>
      %swap3A_1054 = arith.index_cast %mul3A_1041 : i32 to index
      %swap3A_1055 = tpu.vector_load %arg27[%swap3A_1054] {strides = array<i32>} : memref<2736xi32, #tpu.memory_space<vmem>>, vector<16xi32>,
      %swap3A_1056 = vector.shape_cast %swap3A_1055 : vector<16xi32> to vector<16xi32>
      %swap3A_1057 = vector.shape_cast %add3A_1053 : vector<16xi32> to vector<16xi32>
      tpu.vector_store %arg27[%swap3A_1054], %swap3A_1057 {strides = array<i32>} : memref<2736xi32, #tpu.memory_space<vmem>>, vector<16xi32>,
      %add3A_1058 = arith.constant 2 : i32
      %add3A_1059 = vector.broadcast %add3A_1058 : i32 to vector<16xi32>
      %add3A_1060 = arith.addi %mul3A_1047, %add3A_1059 : vector<16xi32>
      %swap3A_1061 = arith.index_cast %mul3A_1041 : i32 to index
      %swap3A_1062 = tpu.vector_load %arg28[%swap3A_1061] {strides = array<i32>} : memref<2736xi32, #tpu.memory_space<vmem>>, vector<16xi32>,
      %swap3A_1063 = vector.shape_cast %swap3A_1062 : vector<16xi32> to vector<16xi32>
      %swap3A_1064 = vector.shape_cast %add3A_1060 : vector<16xi32> to vector<16xi32>
      tpu.vector_store %arg28[%swap3A_1061], %swap3A_1064 {strides = array<i32>} : memref<2736xi32, #tpu.memory_space<vmem>>, vector<16xi32>,
      %scan3A_1065 = arith.constant 0 : i32
      scf.yield %scan3A_1065 : i32
    }
    %scan3A_878 = arith.constant 171 : i32
    %dma_start3A_879 = arith.constant 0 : i32
    %dma_start3A_880 = tpu.memref_slice %arg16[%dma_start3A_879] : memref<300288xf32, #tpu.memory_space<vmem_shared>> -> memref<300288xf32, #tpu.memory_space<vmem_shared>>
    tpu.enqueue_indirect_dma source(%dma_start3A_880 : memref<300288xf32, #tpu.memory_space<vmem_shared>>) target(%arg32 : memref<2736xf32, #tpu.memory_space<vmem>>) offsets(%arg26 : memref<2736xi32, #tpu.memory_space<vmem>>) semaphore(%arg38 : memref<!tpu.dma_semaphore, #tpu.memory_space<semaphore_mem>>)
    %dma_start3A_881 = arith.constant 0 : i32
    %dma_start3A_882 = tpu.memref_slice %arg16[%dma_start3A_881] : memref<300288xf32, #tpu.memory_space<vmem_shared>> -> memref<300288xf32, #tpu.memory_space<vmem_shared>>
    tpu.enqueue_indirect_dma source(%dma_start3A_882 : memref<300288xf32, #tpu.memory_space<vmem_shared>>) target(%arg33 : memref<2736xf32, #tpu.memory_space<vmem>>) offsets(%arg27 : memref<2736xi32, #tpu.memory_space<vmem>>) semaphore(%arg39 : memref<!tpu.dma_semaphore, #tpu.memory_space<semaphore_mem>>)
    %dma_start3A_883 = arith.constant 0 : i32
    %dma_start3A_884 = tpu.memref_slice %arg16[%dma_start3A_883] : memref<300288xf32, #tpu.memory_space<vmem_shared>> -> memref<300288xf32, #tpu.memory_space<vmem_shared>>
    tpu.enqueue_indirect_dma source(%dma_start3A_884 : memref<300288xf32, #tpu.memory_space<vmem_shared>>) target(%arg34 : memref<2736xf32, #tpu.memory_space<vmem>>) offsets(%arg28 : memref<2736xi32, #tpu.memory_space<vmem>>) semaphore(%arg40 : memref<!tpu.dma_semaphore, #tpu.memory_space<semaphore_mem>>)
    %dma_wait3A_885 = arith.constant 0 : i32
    %dma_wait3A_886 = tpu.memref_slice %arg13[%dma_wait3A_885] : memref<100096xf32, #tpu.memory_space<vmem_shared>> -> memref<100096xf32, #tpu.memory_space<vmem_shared>>
    tpu.wait_indirect_dma semaphore(%arg44 : memref<!tpu.dma_semaphore, #tpu.memory_space<semaphore_mem>>) src(%arg35 : memref<2736xf32, #tpu.memory_space<vmem>>) dst(%dma_wait3A_886 : memref<100096xf32, #tpu.memory_space<vmem_shared>>)
    %dma_wait3A_887 = arith.constant 0 : i32
    %dma_wait3A_888 = tpu.memref_slice %arg14[%dma_wait3A_887] : memref<100096xf32, #tpu.memory_space<vmem_shared>> -> memref<100096xf32, #tpu.memory_space<vmem_shared>>
    tpu.wait_indirect_dma semaphore(%arg44 : memref<!tpu.dma_semaphore, #tpu.memory_space<semaphore_mem>>) src(%arg36 : memref<2736xf32, #tpu.memory_space<vmem>>) dst(%dma_wait3A_888 : memref<100096xf32, #tpu.memory_space<vmem_shared>>)
    %dma_wait3A_889 = arith.constant 0 : i32
    %dma_wait3A_890 = tpu.memref_slice %arg15[%dma_wait3A_889] : memref<100096xf32, #tpu.memory_space<vmem_shared>> -> memref<100096xf32, #tpu.memory_space<vmem_shared>>
    tpu.wait_indirect_dma semaphore(%arg44 : memref<!tpu.dma_semaphore, #tpu.memory_space<semaphore_mem>>) src(%arg37 : memref<2736xf32, #tpu.memory_space<vmem>>) dst(%dma_wait3A_890 : memref<100096xf32, #tpu.memory_space<vmem_shared>>)
    %dma_start3A_891 = tpu.memref_slice %arg6[%select_n3A_134] : memref<1400000xi32, #tpu.memory_space<hbm>> -> memref<2736xi32, #tpu.memory_space<hbm>>
    %dma_start3A_892 = tpu.memref_slice %arg6[%select_n3A_134] : memref<1400000xi32, #tpu.memory_space<hbm>> -> memref<2736xi32, #tpu.memory_space<hbm>>
    tpu.enqueue_dma source(%dma_start3A_892 : memref<2736xi32, #tpu.memory_space<hbm>>) target(%arg24 : memref<2736xi32, #tpu.memory_space<vmem>>) target_semaphore(%arg42 : memref<!tpu.dma_semaphore, #tpu.memory_space<semaphore_mem>>)
    %add3A_893 = arith.constant 700000 : i32
    %add3A_894 = arith.addi %add3A_893, %select_n3A_134 : i32
    %dma_start3A_895 = tpu.memref_slice %arg6[%add3A_894] : memref<1400000xi32, #tpu.memory_space<hbm>> -> memref<2736xi32, #tpu.memory_space<hbm>>
    %dma_start3A_896 = tpu.memref_slice %arg6[%add3A_894] : memref<1400000xi32, #tpu.memory_space<hbm>> -> memref<2736xi32, #tpu.memory_space<hbm>>
    tpu.enqueue_dma source(%dma_start3A_896 : memref<2736xi32, #tpu.memory_space<hbm>>) target(%arg23 : memref<2736xi32, #tpu.memory_space<vmem>>) target_semaphore(%arg42 : memref<!tpu.dma_semaphore, #tpu.memory_space<semaphore_mem>>)
    %dma_start3A_897 = tpu.memref_slice %arg7[%select_n3A_134] : memref<700000xf32, #tpu.memory_space<hbm>> -> memref<2736xf32, #tpu.memory_space<hbm>>
    %dma_start3A_898 = tpu.memref_slice %arg7[%select_n3A_134] : memref<700000xf32, #tpu.memory_space<hbm>> -> memref<2736xf32, #tpu.memory_space<hbm>>
    tpu.enqueue_dma source(%dma_start3A_898 : memref<2736xf32, #tpu.memory_space<hbm>>) target(%arg25 : memref<2736xf32, #tpu.memory_space<vmem>>) target_semaphore(%arg42 : memref<!tpu.dma_semaphore, #tpu.memory_space<semaphore_mem>>)
    %dma_wait3A_899 = arith.constant 0 : i32
    %dma_wait3A_900 = tpu.memref_slice %arg16[%dma_wait3A_899] : memref<300288xf32, #tpu.memory_space<vmem_shared>> -> memref<300288xf32, #tpu.memory_space<vmem_shared>>
    tpu.wait_indirect_dma semaphore(%arg38 : memref<!tpu.dma_semaphore, #tpu.memory_space<semaphore_mem>>) src(%dma_wait3A_900 : memref<300288xf32, #tpu.memory_space<vmem_shared>>) dst(%arg32 : memref<2736xf32, #tpu.memory_space<vmem>>)
    %dma_wait3A_901 = arith.constant 0 : i32
    %dma_wait3A_902 = tpu.memref_slice %arg16[%dma_wait3A_901] : memref<300288xf32, #tpu.memory_space<vmem_shared>> -> memref<300288xf32, #tpu.memory_space<vmem_shared>>
    tpu.wait_indirect_dma semaphore(%arg39 : memref<!tpu.dma_semaphore, #tpu.memory_space<semaphore_mem>>) src(%dma_wait3A_902 : memref<300288xf32, #tpu.memory_space<vmem_shared>>) dst(%arg33 : memref<2736xf32, #tpu.memory_space<vmem>>)
    %dma_wait3A_903 = arith.constant 0 : i32
    %dma_wait3A_904 = tpu.memref_slice %arg16[%dma_wait3A_903] : memref<300288xf32, #tpu.memory_space<vmem_shared>> -> memref<300288xf32, #tpu.memory_space<vmem_shared>>
    tpu.wait_indirect_dma semaphore(%arg40 : memref<!tpu.dma_semaphore, #tpu.memory_space<semaphore_mem>>) src(%dma_wait3A_904 : memref<300288xf32, #tpu.memory_space<vmem_shared>>) dst(%arg34 : memref<2736xf32, #tpu.memory_space<vmem>>)
    %scan3A_905 = arith.constant 0 : i32
    %scan3A_906 = arith.constant 0 : i32
    %scan3A_907 = arith.constant 171 : i32
    %scan3A_908 = arith.addi %scan3A_906, %scan3A_907 : i32
    %scan3A_909 = arith.constant 1 : i32
    %scan3A_910 = scf.for %scan3A_1038 = %scan3A_906 to %scan3A_908 step %scan3A_909 iter_args(%scan3A_1039 = %scan3A_905) -> (i32)  : i32 {
      %mul3A_1040 = arith.constant 16 : i32
      %mul3A_1041 = arith.muli %scan3A_1038, %mul3A_1040 : i32
      %get3A_1042 = arith.index_cast %mul3A_1041 : i32 to index
      %get3A_1043 = tpu.vector_load %arg22[%get3A_1042] {strides = array<i32>} : memref<2736xf32, #tpu.memory_space<vmem>>, vector<16xf32>,
      %get3A_1044 = vector.shape_cast %get3A_1043 : vector<16xf32> to vector<16xf32>
      %get3A_1045 = arith.index_cast %mul3A_1041 : i32 to index
      %get3A_1046 = tpu.vector_load %arg32[%get3A_1045] {strides = array<i32>} : memref<2736xf32, #tpu.memory_space<vmem>>, vector<16xf32>,
      %get3A_1047 = vector.shape_cast %get3A_1046 : vector<16xf32> to vector<16xf32>
      %mul3A_1048 = arith.mulf %get3A_1047, %get3A_1044 : vector<16xf32>
      %swap3A = arith.index_cast %mul3A_1041 : i32 to index
      %swap3A_1049 = tpu.vector_load %arg32[%swap3A] {strides = array<i32>} : memref<2736xf32, #tpu.memory_space<vmem>>, vector<16xf32>,
      %swap3A_1050 = vector.shape_cast %swap3A_1049 : vector<16xf32> to vector<16xf32>
      %swap3A_1051 = vector.shape_cast %mul3A_1048 : vector<16xf32> to vector<16xf32>
      tpu.vector_store %arg32[%swap3A], %swap3A_1051 {strides = array<i32>} : memref<2736xf32, #tpu.memory_space<vmem>>, vector<16xf32>,
      %get3A_1052 = arith.index_cast %mul3A_1041 : i32 to index
      %get3A_1053 = tpu.vector_load %arg33[%get3A_1052] {strides = array<i32>} : memref<2736xf32, #tpu.memory_space<vmem>>, vector<16xf32>,
      %get3A_1054 = vector.shape_cast %get3A_1053 : vector<16xf32> to vector<16xf32>
      %mul3A_1055 = arith.mulf %get3A_1054, %get3A_1044 : vector<16xf32>
      %swap3A_1056 = arith.index_cast %mul3A_1041 : i32 to index
      %swap3A_1057 = tpu.vector_load %arg33[%swap3A_1056] {strides = array<i32>} : memref<2736xf32, #tpu.memory_space<vmem>>, vector<16xf32>,
      %swap3A_1058 = vector.shape_cast %swap3A_1057 : vector<16xf32> to vector<16xf32>
      %swap3A_1059 = vector.shape_cast %mul3A_1055 : vector<16xf32> to vector<16xf32>
      tpu.vector_store %arg33[%swap3A_1056], %swap3A_1059 {strides = array<i32>} : memref<2736xf32, #tpu.memory_space<vmem>>, vector<16xf32>,
      %get3A_1060 = arith.index_cast %mul3A_1041 : i32 to index
      %get3A_1061 = tpu.vector_load %arg34[%get3A_1060] {strides = array<i32>} : memref<2736xf32, #tpu.memory_space<vmem>>, vector<16xf32>,
      %get3A_1062 = vector.shape_cast %get3A_1061 : vector<16xf32> to vector<16xf32>
      %mul3A_1063 = arith.mulf %get3A_1062, %get3A_1044 : vector<16xf32>
      %swap3A_1064 = arith.index_cast %mul3A_1041 : i32 to index
      %swap3A_1065 = tpu.vector_load %arg34[%swap3A_1064] {strides = array<i32>} : memref<2736xf32, #tpu.memory_space<vmem>>, vector<16xf32>,
      %swap3A_1066 = vector.shape_cast %swap3A_1065 : vector<16xf32> to vector<16xf32>
      %swap3A_1067 = vector.shape_cast %mul3A_1063 : vector<16xf32> to vector<16xf32>
      tpu.vector_store %arg34[%swap3A_1064], %swap3A_1067 {strides = array<i32>} : memref<2736xf32, #tpu.memory_space<vmem>>, vector<16xf32>,
      %scan3A_1068 = arith.constant 0 : i32
      scf.yield %scan3A_1068 : i32
    }
    %scan3A_911 = arith.constant 171 : i32
    %dma_start3A_912 = arith.constant 0 : i32
    %dma_start3A_913 = tpu.memref_slice %arg13[%dma_start3A_912] : memref<100096xf32, #tpu.memory_space<vmem_shared>> -> memref<100096xf32, #tpu.memory_space<vmem_shared>>
    tpu.enqueue_indirect_dma source(%arg32 : memref<2736xf32, #tpu.memory_space<vmem>>) target(%dma_start3A_913 : memref<100096xf32, #tpu.memory_space<vmem_shared>>) offsets(%arg21 : memref<2736xi32, #tpu.memory_space<vmem>>) semaphore(%arg43 : memref<!tpu.dma_semaphore, #tpu.memory_space<semaphore_mem>>) {add = true}
    %dma_start3A_914 = arith.constant 0 : i32
    %dma_start3A_915 = tpu.memref_slice %arg14[%dma_start3A_914] : memref<100096xf32, #tpu.memory_space<vmem_shared>> -> memref<100096xf32, #tpu.memory_space<vmem_shared>>
    tpu.enqueue_indirect_dma source(%arg33 : memref<2736xf32, #tpu.memory_space<vmem>>) target(%dma_start3A_915 : memref<100096xf32, #tpu.memory_space<vmem_shared>>) offsets(%arg21 : memref<2736xi32, #tpu.memory_space<vmem>>) semaphore(%arg43 : memref<!tpu.dma_semaphore, #tpu.memory_space<semaphore_mem>>) {add = true}
    %dma_start3A_916 = arith.constant 0 : i32
    %dma_start3A_917 = tpu.memref_slice %arg15[%dma_start3A_916] : memref<100096xf32, #tpu.memory_space<vmem_shared>> -> memref<100096xf32, #tpu.memory_space<vmem_shared>>
    tpu.enqueue_indirect_dma source(%arg34 : memref<2736xf32, #tpu.memory_space<vmem>>) target(%dma_start3A_917 : memref<100096xf32, #tpu.memory_space<vmem_shared>>) offsets(%arg21 : memref<2736xi32, #tpu.memory_space<vmem>>) semaphore(%arg43 : memref<!tpu.dma_semaphore, #tpu.memory_space<semaphore_mem>>) {add = true}
    %dma_wait3A_918 = tpu.memref_slice %arg6[%select_n3A_134] : memref<1400000xi32, #tpu.memory_space<hbm>> -> memref<2736xi32, #tpu.memory_space<hbm>>
    %dma_wait3A_919 = tpu.memref_slice %arg6[%select_n3A_134] : memref<1400000xi32, #tpu.memory_space<hbm>> -> memref<2736xi32, #tpu.memory_space<hbm>>
    tpu.wait_dma2 semaphore(%arg42 : memref<!tpu.dma_semaphore, #tpu.memory_space<semaphore_mem>>) src(%dma_wait3A_919 : memref<2736xi32, #tpu.memory_space<hbm>>) dst(%arg24 : memref<2736xi32, #tpu.memory_space<vmem>>)
    %dma_wait3A_920 = tpu.memref_slice %arg6[%add3A_894] : memref<1400000xi32, #tpu.memory_space<hbm>> -> memref<2736xi32, #tpu.memory_space<hbm>>
    %dma_wait3A_921 = tpu.memref_slice %arg6[%add3A_894] : memref<1400000xi32, #tpu.memory_space<hbm>> -> memref<2736xi32, #tpu.memory_space<hbm>>
    tpu.wait_dma2 semaphore(%arg42 : memref<!tpu.dma_semaphore, #tpu.memory_space<semaphore_mem>>) src(%dma_wait3A_921 : memref<2736xi32, #tpu.memory_space<hbm>>) dst(%arg23 : memref<2736xi32, #tpu.memory_space<vmem>>)
    %dma_wait3A_922 = tpu.memref_slice %arg7[%select_n3A_134] : memref<700000xf32, #tpu.memory_space<hbm>> -> memref<2736xf32, #tpu.memory_space<hbm>>
    %dma_wait3A_923 = tpu.memref_slice %arg7[%select_n3A_134] : memref<700000xf32, #tpu.memory_space<hbm>> -> memref<2736xf32, #tpu.memory_space<hbm>>
    tpu.wait_dma2 semaphore(%arg42 : memref<!tpu.dma_semaphore, #tpu.memory_space<semaphore_mem>>) src(%dma_wait3A_923 : memref<2736xf32, #tpu.memory_space<hbm>>) dst(%arg25 : memref<2736xf32, #tpu.memory_space<vmem>>)
    %convert_element_type3A_924 = arith.extui %eq3A_68 : i1 to i32
    %cond3A_925 = arith.constant 0 : i32
    %cond3A_926 = arith.cmpi ne, %convert_element_type3A_924, %cond3A_925 : i32
    scf.if %cond3A_926 {
      %scan3A_1038 = arith.constant 0 : i32
      %scan3A_1039 = arith.constant 0 : i32
      %scan3A_1040 = arith.constant 26 : i32
      %scan3A_1041 = arith.addi %scan3A_1039, %scan3A_1040 : i32
      %scan3A_1042 = arith.constant 1 : i32
      %scan3A_1043 = scf.for %scan3A_1045 = %scan3A_1039 to %scan3A_1041 step %scan3A_1042 iter_args(%scan3A_1046 = %scan3A_1038) -> (i32)  : i32 {
        %broadcast_in_dim3A = arith.constant 0.000000e+00 : f32
        %broadcast_in_dim3A_1047 = vector.broadcast %broadcast_in_dim3A : f32 to vector<16xf32>
        %mul3A_1048 = arith.constant 16 : i32
        %mul3A_1049 = arith.muli %scan3A_1045, %mul3A_1048 : i32
        %swap3A = arith.index_cast %mul3A_1049 : i32 to index
        %swap3A_1050 = tpu.vector_load %arg25[%swap3A] {strides = array<i32>} : memref<2736xf32, #tpu.memory_space<vmem>>, vector<16xf32>,
        %swap3A_1051 = vector.shape_cast %swap3A_1050 : vector<16xf32> to vector<16xf32>
        %swap3A_1052 = vector.shape_cast %broadcast_in_dim3A_1047 : vector<16xf32> to vector<16xf32>
        tpu.vector_store %arg25[%swap3A], %swap3A_1052 {strides = array<i32>} : memref<2736xf32, #tpu.memory_space<vmem>>, vector<16xf32>,
        %scan3A_1053 = arith.constant 0 : i32
        scf.yield %scan3A_1053 : i32
      }
      %scan3A_1044 = arith.constant 26 : i32
    } else {
    }
    %scan3A_927 = arith.constant 0 : i32
    %scan3A_928 = arith.constant 0 : i32
    %scan3A_929 = arith.constant 171 : i32
    %scan3A_930 = arith.addi %scan3A_928, %scan3A_929 : i32
    %scan3A_931 = arith.constant 1 : i32
    %scan3A_932 = scf.for %scan3A_1038 = %scan3A_928 to %scan3A_930 step %scan3A_931 iter_args(%scan3A_1039 = %scan3A_927) -> (i32)  : i32 {
      %mul3A_1040 = arith.constant 16 : i32
      %mul3A_1041 = arith.muli %scan3A_1038, %mul3A_1040 : i32
      %get3A_1042 = arith.index_cast %mul3A_1041 : i32 to index
      %get3A_1043 = tpu.vector_load %arg23[%get3A_1042] {strides = array<i32>} : memref<2736xi32, #tpu.memory_space<vmem>>, vector<16xi32>,
      %get3A_1044 = vector.shape_cast %get3A_1043 : vector<16xi32> to vector<16xi32>
      %mul3A_1045 = arith.constant 3 : i32
      %mul3A_1046 = vector.broadcast %mul3A_1045 : i32 to vector<16xi32>
      %mul3A_1047 = arith.muli %get3A_1044, %mul3A_1046 : vector<16xi32>
      %swap3A = arith.index_cast %mul3A_1041 : i32 to index
      %swap3A_1048 = tpu.vector_load %arg29[%swap3A] {strides = array<i32>} : memref<2736xi32, #tpu.memory_space<vmem>>, vector<16xi32>,
      %swap3A_1049 = vector.shape_cast %swap3A_1048 : vector<16xi32> to vector<16xi32>
      %swap3A_1050 = vector.shape_cast %mul3A_1047 : vector<16xi32> to vector<16xi32>
      tpu.vector_store %arg29[%swap3A], %swap3A_1050 {strides = array<i32>} : memref<2736xi32, #tpu.memory_space<vmem>>, vector<16xi32>,
      %add3A_1051 = arith.constant 1 : i32
      %add3A_1052 = vector.broadcast %add3A_1051 : i32 to vector<16xi32>
      %add3A_1053 = arith.addi %mul3A_1047, %add3A_1052 : vector<16xi32>
      %swap3A_1054 = arith.index_cast %mul3A_1041 : i32 to index
      %swap3A_1055 = tpu.vector_load %arg30[%swap3A_1054] {strides = array<i32>} : memref<2736xi32, #tpu.memory_space<vmem>>, vector<16xi32>,
      %swap3A_1056 = vector.shape_cast %swap3A_1055 : vector<16xi32> to vector<16xi32>
      %swap3A_1057 = vector.shape_cast %add3A_1053 : vector<16xi32> to vector<16xi32>
      tpu.vector_store %arg30[%swap3A_1054], %swap3A_1057 {strides = array<i32>} : memref<2736xi32, #tpu.memory_space<vmem>>, vector<16xi32>,
      %add3A_1058 = arith.constant 2 : i32
      %add3A_1059 = vector.broadcast %add3A_1058 : i32 to vector<16xi32>
      %add3A_1060 = arith.addi %mul3A_1047, %add3A_1059 : vector<16xi32>
      %swap3A_1061 = arith.index_cast %mul3A_1041 : i32 to index
      %swap3A_1062 = tpu.vector_load %arg31[%swap3A_1061] {strides = array<i32>} : memref<2736xi32, #tpu.memory_space<vmem>>, vector<16xi32>,
      %swap3A_1063 = vector.shape_cast %swap3A_1062 : vector<16xi32> to vector<16xi32>
      %swap3A_1064 = vector.shape_cast %add3A_1060 : vector<16xi32> to vector<16xi32>
      tpu.vector_store %arg31[%swap3A_1061], %swap3A_1064 {strides = array<i32>} : memref<2736xi32, #tpu.memory_space<vmem>>, vector<16xi32>,
      %scan3A_1065 = arith.constant 0 : i32
      scf.yield %scan3A_1065 : i32
    }
    %scan3A_933 = arith.constant 171 : i32
    %dma_start3A_934 = arith.constant 0 : i32
    %dma_start3A_935 = tpu.memref_slice %arg16[%dma_start3A_934] : memref<300288xf32, #tpu.memory_space<vmem_shared>> -> memref<300288xf32, #tpu.memory_space<vmem_shared>>
    tpu.enqueue_indirect_dma source(%dma_start3A_935 : memref<300288xf32, #tpu.memory_space<vmem_shared>>) target(%arg35 : memref<2736xf32, #tpu.memory_space<vmem>>) offsets(%arg29 : memref<2736xi32, #tpu.memory_space<vmem>>) semaphore(%arg38 : memref<!tpu.dma_semaphore, #tpu.memory_space<semaphore_mem>>)
    %dma_start3A_936 = arith.constant 0 : i32
    %dma_start3A_937 = tpu.memref_slice %arg16[%dma_start3A_936] : memref<300288xf32, #tpu.memory_space<vmem_shared>> -> memref<300288xf32, #tpu.memory_space<vmem_shared>>
    tpu.enqueue_indirect_dma source(%dma_start3A_937 : memref<300288xf32, #tpu.memory_space<vmem_shared>>) target(%arg36 : memref<2736xf32, #tpu.memory_space<vmem>>) offsets(%arg30 : memref<2736xi32, #tpu.memory_space<vmem>>) semaphore(%arg39 : memref<!tpu.dma_semaphore, #tpu.memory_space<semaphore_mem>>)
    %dma_start3A_938 = arith.constant 0 : i32
    %dma_start3A_939 = tpu.memref_slice %arg16[%dma_start3A_938] : memref<300288xf32, #tpu.memory_space<vmem_shared>> -> memref<300288xf32, #tpu.memory_space<vmem_shared>>
    tpu.enqueue_indirect_dma source(%dma_start3A_939 : memref<300288xf32, #tpu.memory_space<vmem_shared>>) target(%arg37 : memref<2736xf32, #tpu.memory_space<vmem>>) offsets(%arg31 : memref<2736xi32, #tpu.memory_space<vmem>>) semaphore(%arg40 : memref<!tpu.dma_semaphore, #tpu.memory_space<semaphore_mem>>)
    %dma_wait3A_940 = arith.constant 0 : i32
    %dma_wait3A_941 = tpu.memref_slice %arg16[%dma_wait3A_940] : memref<300288xf32, #tpu.memory_space<vmem_shared>> -> memref<300288xf32, #tpu.memory_space<vmem_shared>>
    tpu.wait_indirect_dma semaphore(%arg38 : memref<!tpu.dma_semaphore, #tpu.memory_space<semaphore_mem>>) src(%dma_wait3A_941 : memref<300288xf32, #tpu.memory_space<vmem_shared>>) dst(%arg35 : memref<2736xf32, #tpu.memory_space<vmem>>)
    %dma_wait3A_942 = arith.constant 0 : i32
    %dma_wait3A_943 = tpu.memref_slice %arg16[%dma_wait3A_942] : memref<300288xf32, #tpu.memory_space<vmem_shared>> -> memref<300288xf32, #tpu.memory_space<vmem_shared>>
    tpu.wait_indirect_dma semaphore(%arg39 : memref<!tpu.dma_semaphore, #tpu.memory_space<semaphore_mem>>) src(%dma_wait3A_943 : memref<300288xf32, #tpu.memory_space<vmem_shared>>) dst(%arg36 : memref<2736xf32, #tpu.memory_space<vmem>>)
    %dma_wait3A_944 = arith.constant 0 : i32
    %dma_wait3A_945 = tpu.memref_slice %arg16[%dma_wait3A_944] : memref<300288xf32, #tpu.memory_space<vmem_shared>> -> memref<300288xf32, #tpu.memory_space<vmem_shared>>
    tpu.wait_indirect_dma semaphore(%arg40 : memref<!tpu.dma_semaphore, #tpu.memory_space<semaphore_mem>>) src(%dma_wait3A_945 : memref<300288xf32, #tpu.memory_space<vmem_shared>>) dst(%arg37 : memref<2736xf32, #tpu.memory_space<vmem>>)
    %scan3A_946 = arith.constant 0 : i32
    %scan3A_947 = arith.constant 0 : i32
    %scan3A_948 = arith.constant 171 : i32
    %scan3A_949 = arith.addi %scan3A_947, %scan3A_948 : i32
    %scan3A_950 = arith.constant 1 : i32
    %scan3A_951 = scf.for %scan3A_1038 = %scan3A_947 to %scan3A_949 step %scan3A_950 iter_args(%scan3A_1039 = %scan3A_946) -> (i32)  : i32 {
      %mul3A_1040 = arith.constant 16 : i32
      %mul3A_1041 = arith.muli %scan3A_1038, %mul3A_1040 : i32
      %get3A_1042 = arith.index_cast %mul3A_1041 : i32 to index
      %get3A_1043 = tpu.vector_load %arg25[%get3A_1042] {strides = array<i32>} : memref<2736xf32, #tpu.memory_space<vmem>>, vector<16xf32>,
      %get3A_1044 = vector.shape_cast %get3A_1043 : vector<16xf32> to vector<16xf32>
      %get3A_1045 = arith.index_cast %mul3A_1041 : i32 to index
      %get3A_1046 = tpu.vector_load %arg35[%get3A_1045] {strides = array<i32>} : memref<2736xf32, #tpu.memory_space<vmem>>, vector<16xf32>,
      %get3A_1047 = vector.shape_cast %get3A_1046 : vector<16xf32> to vector<16xf32>
      %mul3A_1048 = arith.mulf %get3A_1047, %get3A_1044 : vector<16xf32>
      %swap3A = arith.index_cast %mul3A_1041 : i32 to index
      %swap3A_1049 = tpu.vector_load %arg35[%swap3A] {strides = array<i32>} : memref<2736xf32, #tpu.memory_space<vmem>>, vector<16xf32>,
      %swap3A_1050 = vector.shape_cast %swap3A_1049 : vector<16xf32> to vector<16xf32>
      %swap3A_1051 = vector.shape_cast %mul3A_1048 : vector<16xf32> to vector<16xf32>
      tpu.vector_store %arg35[%swap3A], %swap3A_1051 {strides = array<i32>} : memref<2736xf32, #tpu.memory_space<vmem>>, vector<16xf32>,
      %get3A_1052 = arith.index_cast %mul3A_1041 : i32 to index
      %get3A_1053 = tpu.vector_load %arg36[%get3A_1052] {strides = array<i32>} : memref<2736xf32, #tpu.memory_space<vmem>>, vector<16xf32>,
      %get3A_1054 = vector.shape_cast %get3A_1053 : vector<16xf32> to vector<16xf32>
      %mul3A_1055 = arith.mulf %get3A_1054, %get3A_1044 : vector<16xf32>
      %swap3A_1056 = arith.index_cast %mul3A_1041 : i32 to index
      %swap3A_1057 = tpu.vector_load %arg36[%swap3A_1056] {strides = array<i32>} : memref<2736xf32, #tpu.memory_space<vmem>>, vector<16xf32>,
      %swap3A_1058 = vector.shape_cast %swap3A_1057 : vector<16xf32> to vector<16xf32>
      %swap3A_1059 = vector.shape_cast %mul3A_1055 : vector<16xf32> to vector<16xf32>
      tpu.vector_store %arg36[%swap3A_1056], %swap3A_1059 {strides = array<i32>} : memref<2736xf32, #tpu.memory_space<vmem>>, vector<16xf32>,
      %get3A_1060 = arith.index_cast %mul3A_1041 : i32 to index
      %get3A_1061 = tpu.vector_load %arg37[%get3A_1060] {strides = array<i32>} : memref<2736xf32, #tpu.memory_space<vmem>>, vector<16xf32>,
      %get3A_1062 = vector.shape_cast %get3A_1061 : vector<16xf32> to vector<16xf32>
      %mul3A_1063 = arith.mulf %get3A_1062, %get3A_1044 : vector<16xf32>
      %swap3A_1064 = arith.index_cast %mul3A_1041 : i32 to index
      %swap3A_1065 = tpu.vector_load %arg37[%swap3A_1064] {strides = array<i32>} : memref<2736xf32, #tpu.memory_space<vmem>>, vector<16xf32>,
      %swap3A_1066 = vector.shape_cast %swap3A_1065 : vector<16xf32> to vector<16xf32>
      %swap3A_1067 = vector.shape_cast %mul3A_1063 : vector<16xf32> to vector<16xf32>
      tpu.vector_store %arg37[%swap3A_1064], %swap3A_1067 {strides = array<i32>} : memref<2736xf32, #tpu.memory_space<vmem>>, vector<16xf32>,
      %scan3A_1068 = arith.constant 0 : i32
      scf.yield %scan3A_1068 : i32
    }
    %scan3A_952 = arith.constant 171 : i32
    %dma_start3A_953 = arith.constant 0 : i32
    %dma_start3A_954 = tpu.memref_slice %arg13[%dma_start3A_953] : memref<100096xf32, #tpu.memory_space<vmem_shared>> -> memref<100096xf32, #tpu.memory_space<vmem_shared>>
    tpu.enqueue_indirect_dma source(%arg35 : memref<2736xf32, #tpu.memory_space<vmem>>) target(%dma_start3A_954 : memref<100096xf32, #tpu.memory_space<vmem_shared>>) offsets(%arg24 : memref<2736xi32, #tpu.memory_space<vmem>>) semaphore(%arg44 : memref<!tpu.dma_semaphore, #tpu.memory_space<semaphore_mem>>) {add = true}
    %dma_start3A_955 = arith.constant 0 : i32
    %dma_start3A_956 = tpu.memref_slice %arg14[%dma_start3A_955] : memref<100096xf32, #tpu.memory_space<vmem_shared>> -> memref<100096xf32, #tpu.memory_space<vmem_shared>>
    tpu.enqueue_indirect_dma source(%arg36 : memref<2736xf32, #tpu.memory_space<vmem>>) target(%dma_start3A_956 : memref<100096xf32, #tpu.memory_space<vmem_shared>>) offsets(%arg24 : memref<2736xi32, #tpu.memory_space<vmem>>) semaphore(%arg44 : memref<!tpu.dma_semaphore, #tpu.memory_space<semaphore_mem>>) {add = true}
    %dma_start3A_957 = arith.constant 0 : i32
    %dma_start3A_958 = tpu.memref_slice %arg15[%dma_start3A_957] : memref<100096xf32, #tpu.memory_space<vmem_shared>> -> memref<100096xf32, #tpu.memory_space<vmem_shared>>
    tpu.enqueue_indirect_dma source(%arg37 : memref<2736xf32, #tpu.memory_space<vmem>>) target(%dma_start3A_958 : memref<100096xf32, #tpu.memory_space<vmem_shared>>) offsets(%arg24 : memref<2736xi32, #tpu.memory_space<vmem>>) semaphore(%arg44 : memref<!tpu.dma_semaphore, #tpu.memory_space<semaphore_mem>>) {add = true}
    %dma_wait3A_959 = arith.constant 0 : i32
    %dma_wait3A_960 = tpu.memref_slice %arg13[%dma_wait3A_959] : memref<100096xf32, #tpu.memory_space<vmem_shared>> -> memref<100096xf32, #tpu.memory_space<vmem_shared>>
    tpu.wait_indirect_dma semaphore(%arg43 : memref<!tpu.dma_semaphore, #tpu.memory_space<semaphore_mem>>) src(%arg32 : memref<2736xf32, #tpu.memory_space<vmem>>) dst(%dma_wait3A_960 : memref<100096xf32, #tpu.memory_space<vmem_shared>>)
    %dma_wait3A_961 = arith.constant 0 : i32
    %dma_wait3A_962 = tpu.memref_slice %arg14[%dma_wait3A_961] : memref<100096xf32, #tpu.memory_space<vmem_shared>> -> memref<100096xf32, #tpu.memory_space<vmem_shared>>
    tpu.wait_indirect_dma semaphore(%arg43 : memref<!tpu.dma_semaphore, #tpu.memory_space<semaphore_mem>>) src(%arg33 : memref<2736xf32, #tpu.memory_space<vmem>>) dst(%dma_wait3A_962 : memref<100096xf32, #tpu.memory_space<vmem_shared>>)
    %dma_wait3A_963 = arith.constant 0 : i32
    %dma_wait3A_964 = tpu.memref_slice %arg15[%dma_wait3A_963] : memref<100096xf32, #tpu.memory_space<vmem_shared>> -> memref<100096xf32, #tpu.memory_space<vmem_shared>>
    tpu.wait_indirect_dma semaphore(%arg43 : memref<!tpu.dma_semaphore, #tpu.memory_space<semaphore_mem>>) src(%arg34 : memref<2736xf32, #tpu.memory_space<vmem>>) dst(%dma_wait3A_964 : memref<100096xf32, #tpu.memory_space<vmem_shared>>)
    %dma_wait3A_965 = arith.constant 0 : i32
    %dma_wait3A_966 = tpu.memref_slice %arg13[%dma_wait3A_965] : memref<100096xf32, #tpu.memory_space<vmem_shared>> -> memref<100096xf32, #tpu.memory_space<vmem_shared>>
    tpu.wait_indirect_dma semaphore(%arg44 : memref<!tpu.dma_semaphore, #tpu.memory_space<semaphore_mem>>) src(%arg35 : memref<2736xf32, #tpu.memory_space<vmem>>) dst(%dma_wait3A_966 : memref<100096xf32, #tpu.memory_space<vmem_shared>>)
    %dma_wait3A_967 = arith.constant 0 : i32
    %dma_wait3A_968 = tpu.memref_slice %arg14[%dma_wait3A_967] : memref<100096xf32, #tpu.memory_space<vmem_shared>> -> memref<100096xf32, #tpu.memory_space<vmem_shared>>
    tpu.wait_indirect_dma semaphore(%arg44 : memref<!tpu.dma_semaphore, #tpu.memory_space<semaphore_mem>>) src(%arg36 : memref<2736xf32, #tpu.memory_space<vmem>>) dst(%dma_wait3A_968 : memref<100096xf32, #tpu.memory_space<vmem_shared>>)
    %dma_wait3A_969 = arith.constant 0 : i32
    %dma_wait3A_970 = tpu.memref_slice %arg15[%dma_wait3A_969] : memref<100096xf32, #tpu.memory_space<vmem_shared>> -> memref<100096xf32, #tpu.memory_space<vmem_shared>>
    tpu.wait_indirect_dma semaphore(%arg44 : memref<!tpu.dma_semaphore, #tpu.memory_space<semaphore_mem>>) src(%arg37 : memref<2736xf32, #tpu.memory_space<vmem>>) dst(%dma_wait3A_970 : memref<100096xf32, #tpu.memory_space<vmem_shared>>)
    %barrier3A_971 = arith.constant 0 : index
    tpu.barrier barrier_id(%barrier3A_971)
    %mul3A_972 = arith.constant 6 : i32
    %mul3A_973 = arith.muli %arg0, %mul3A_972 : i32
    %add3A_974 = arith.constant 0 : i32
    %add3A_975 = arith.addi %mul3A_973, %add3A_974 : i32
    %mul3A_976 = arith.constant 100096 : i32
    %mul3A_977 = arith.muli %add3A_975, %mul3A_976 : i32
    %mul3A_978 = arith.constant 6256 : i32
    %mul3A_979 = arith.muli %arg1, %mul3A_978 : i32
    %add3A_980 = arith.addi %mul3A_977, %mul3A_979 : i32
    %mul3A_981 = arith.constant 6256 : i32
    %mul3A_982 = arith.muli %arg1, %mul3A_981 : i32
    "tpu.region"() ({
      %run_scoped3A = tpu.sem_alloc : memref<!tpu.dma_semaphore, #tpu.memory_space<semaphore_mem>>
      %dma_start3A_1038 = tpu.memref_slice %arg10[%mul3A_982] : memref<100096xf32, #tpu.memory_space<vmem_shared>> -> memref<6256xf32, #tpu.memory_space<vmem_shared>>
      %dma_start3A_1039 = tpu.memref_slice %arg10[%mul3A_982] : memref<100096xf32, #tpu.memory_space<vmem_shared>> -> memref<6256xf32, #tpu.memory_space<vmem_shared>>
      tpu.enqueue_dma source(%dma_start3A_1039 : memref<6256xf32, #tpu.memory_space<vmem_shared>>) target(%arg18 : memref<6256xf32, #tpu.memory_space<vmem>>) target_semaphore(%run_scoped3A : memref<!tpu.dma_semaphore, #tpu.memory_space<semaphore_mem>>)
      %dma_wait3A_1040 = tpu.memref_slice %arg10[%mul3A_982] : memref<100096xf32, #tpu.memory_space<vmem_shared>> -> memref<6256xf32, #tpu.memory_space<vmem_shared>>
      %dma_wait3A_1041 = tpu.memref_slice %arg10[%mul3A_982] : memref<100096xf32, #tpu.memory_space<vmem_shared>> -> memref<6256xf32, #tpu.memory_space<vmem_shared>>
      tpu.wait_dma2 semaphore(%run_scoped3A : memref<!tpu.dma_semaphore, #tpu.memory_space<semaphore_mem>>) src(%dma_wait3A_1041 : memref<6256xf32, #tpu.memory_space<vmem_shared>>) dst(%arg18 : memref<6256xf32, #tpu.memory_space<vmem>>)
      tpu.yield
    }) : () -> ()
    "tpu.region"() ({
      %run_scoped3A = tpu.sem_alloc : memref<!tpu.dma_semaphore, #tpu.memory_space<semaphore_mem>>
      %dma_start3A_1038 = tpu.memref_slice %arg8[%add3A_980] : memref<1201152xf32, #tpu.memory_space<hbm>> -> memref<6256xf32, #tpu.memory_space<hbm>>
      %dma_start3A_1039 = tpu.memref_slice %arg8[%add3A_980] : memref<1201152xf32, #tpu.memory_space<hbm>> -> memref<6256xf32, #tpu.memory_space<hbm>>
      tpu.enqueue_dma source(%arg18 : memref<6256xf32, #tpu.memory_space<vmem>>) target(%dma_start3A_1039 : memref<6256xf32, #tpu.memory_space<hbm>>) target_semaphore(%run_scoped3A : memref<!tpu.dma_semaphore, #tpu.memory_space<semaphore_mem>>)
      %dma_wait3A_1040 = tpu.memref_slice %arg8[%add3A_980] : memref<1201152xf32, #tpu.memory_space<hbm>> -> memref<6256xf32, #tpu.memory_space<hbm>>
      %dma_wait3A_1041 = tpu.memref_slice %arg8[%add3A_980] : memref<1201152xf32, #tpu.memory_space<hbm>> -> memref<6256xf32, #tpu.memory_space<hbm>>
      tpu.wait_dma2 semaphore(%run_scoped3A : memref<!tpu.dma_semaphore, #tpu.memory_space<semaphore_mem>>) src(%arg18 : memref<6256xf32, #tpu.memory_space<vmem>>) dst(%dma_wait3A_1041 : memref<6256xf32, #tpu.memory_space<hbm>>)
      tpu.yield
    }) : () -> ()
    %mul3A_983 = arith.constant 6 : i32
    %mul3A_984 = arith.muli %arg0, %mul3A_983 : i32
    %add3A_985 = arith.constant 1 : i32
    %add3A_986 = arith.addi %mul3A_984, %add3A_985 : i32
    %mul3A_987 = arith.constant 100096 : i32
    %mul3A_988 = arith.muli %add3A_986, %mul3A_987 : i32
    %mul3A_989 = arith.constant 6256 : i32
    %mul3A_990 = arith.muli %arg1, %mul3A_989 : i32
    %add3A_991 = arith.addi %mul3A_988, %mul3A_990 : i32
    %mul3A_992 = arith.constant 6256 : i32
    %mul3A_993 = arith.muli %arg1, %mul3A_992 : i32
    "tpu.region"() ({
      %run_scoped3A = tpu.sem_alloc : memref<!tpu.dma_semaphore, #tpu.memory_space<semaphore_mem>>
      %dma_start3A_1038 = tpu.memref_slice %arg11[%mul3A_993] : memref<100096xf32, #tpu.memory_space<vmem_shared>> -> memref<6256xf32, #tpu.memory_space<vmem_shared>>
      %dma_start3A_1039 = tpu.memref_slice %arg11[%mul3A_993] : memref<100096xf32, #tpu.memory_space<vmem_shared>> -> memref<6256xf32, #tpu.memory_space<vmem_shared>>
      tpu.enqueue_dma source(%dma_start3A_1039 : memref<6256xf32, #tpu.memory_space<vmem_shared>>) target(%arg18 : memref<6256xf32, #tpu.memory_space<vmem>>) target_semaphore(%run_scoped3A : memref<!tpu.dma_semaphore, #tpu.memory_space<semaphore_mem>>)
      %dma_wait3A_1040 = tpu.memref_slice %arg11[%mul3A_993] : memref<100096xf32, #tpu.memory_space<vmem_shared>> -> memref<6256xf32, #tpu.memory_space<vmem_shared>>
      %dma_wait3A_1041 = tpu.memref_slice %arg11[%mul3A_993] : memref<100096xf32, #tpu.memory_space<vmem_shared>> -> memref<6256xf32, #tpu.memory_space<vmem_shared>>
      tpu.wait_dma2 semaphore(%run_scoped3A : memref<!tpu.dma_semaphore, #tpu.memory_space<semaphore_mem>>) src(%dma_wait3A_1041 : memref<6256xf32, #tpu.memory_space<vmem_shared>>) dst(%arg18 : memref<6256xf32, #tpu.memory_space<vmem>>)
      tpu.yield
    }) : () -> ()
    "tpu.region"() ({
      %run_scoped3A = tpu.sem_alloc : memref<!tpu.dma_semaphore, #tpu.memory_space<semaphore_mem>>
      %dma_start3A_1038 = tpu.memref_slice %arg8[%add3A_991] : memref<1201152xf32, #tpu.memory_space<hbm>> -> memref<6256xf32, #tpu.memory_space<hbm>>
      %dma_start3A_1039 = tpu.memref_slice %arg8[%add3A_991] : memref<1201152xf32, #tpu.memory_space<hbm>> -> memref<6256xf32, #tpu.memory_space<hbm>>
      tpu.enqueue_dma source(%arg18 : memref<6256xf32, #tpu.memory_space<vmem>>) target(%dma_start3A_1039 : memref<6256xf32, #tpu.memory_space<hbm>>) target_semaphore(%run_scoped3A : memref<!tpu.dma_semaphore, #tpu.memory_space<semaphore_mem>>)
      %dma_wait3A_1040 = tpu.memref_slice %arg8[%add3A_991] : memref<1201152xf32, #tpu.memory_space<hbm>> -> memref<6256xf32, #tpu.memory_space<hbm>>
      %dma_wait3A_1041 = tpu.memref_slice %arg8[%add3A_991] : memref<1201152xf32, #tpu.memory_space<hbm>> -> memref<6256xf32, #tpu.memory_space<hbm>>
      tpu.wait_dma2 semaphore(%run_scoped3A : memref<!tpu.dma_semaphore, #tpu.memory_space<semaphore_mem>>) src(%arg18 : memref<6256xf32, #tpu.memory_space<vmem>>) dst(%dma_wait3A_1041 : memref<6256xf32, #tpu.memory_space<hbm>>)
      tpu.yield
    }) : () -> ()
    %mul3A_994 = arith.constant 6 : i32
    %mul3A_995 = arith.muli %arg0, %mul3A_994 : i32
    %add3A_996 = arith.constant 2 : i32
    %add3A_997 = arith.addi %mul3A_995, %add3A_996 : i32
    %mul3A_998 = arith.constant 100096 : i32
    %mul3A_999 = arith.muli %add3A_997, %mul3A_998 : i32
    %mul3A_1000 = arith.constant 6256 : i32
    %mul3A_1001 = arith.muli %arg1, %mul3A_1000 : i32
    %add3A_1002 = arith.addi %mul3A_999, %mul3A_1001 : i32
    %mul3A_1003 = arith.constant 6256 : i32
    %mul3A_1004 = arith.muli %arg1, %mul3A_1003 : i32
    "tpu.region"() ({
      %run_scoped3A = tpu.sem_alloc : memref<!tpu.dma_semaphore, #tpu.memory_space<semaphore_mem>>
      %dma_start3A_1038 = tpu.memref_slice %arg12[%mul3A_1004] : memref<100096xf32, #tpu.memory_space<vmem_shared>> -> memref<6256xf32, #tpu.memory_space<vmem_shared>>
      %dma_start3A_1039 = tpu.memref_slice %arg12[%mul3A_1004] : memref<100096xf32, #tpu.memory_space<vmem_shared>> -> memref<6256xf32, #tpu.memory_space<vmem_shared>>
      tpu.enqueue_dma source(%dma_start3A_1039 : memref<6256xf32, #tpu.memory_space<vmem_shared>>) target(%arg18 : memref<6256xf32, #tpu.memory_space<vmem>>) target_semaphore(%run_scoped3A : memref<!tpu.dma_semaphore, #tpu.memory_space<semaphore_mem>>)
      %dma_wait3A_1040 = tpu.memref_slice %arg12[%mul3A_1004] : memref<100096xf32, #tpu.memory_space<vmem_shared>> -> memref<6256xf32, #tpu.memory_space<vmem_shared>>
      %dma_wait3A_1041 = tpu.memref_slice %arg12[%mul3A_1004] : memref<100096xf32, #tpu.memory_space<vmem_shared>> -> memref<6256xf32, #tpu.memory_space<vmem_shared>>
      tpu.wait_dma2 semaphore(%run_scoped3A : memref<!tpu.dma_semaphore, #tpu.memory_space<semaphore_mem>>) src(%dma_wait3A_1041 : memref<6256xf32, #tpu.memory_space<vmem_shared>>) dst(%arg18 : memref<6256xf32, #tpu.memory_space<vmem>>)
      tpu.yield
    }) : () -> ()
    "tpu.region"() ({
      %run_scoped3A = tpu.sem_alloc : memref<!tpu.dma_semaphore, #tpu.memory_space<semaphore_mem>>
      %dma_start3A_1038 = tpu.memref_slice %arg8[%add3A_1002] : memref<1201152xf32, #tpu.memory_space<hbm>> -> memref<6256xf32, #tpu.memory_space<hbm>>
      %dma_start3A_1039 = tpu.memref_slice %arg8[%add3A_1002] : memref<1201152xf32, #tpu.memory_space<hbm>> -> memref<6256xf32, #tpu.memory_space<hbm>>
      tpu.enqueue_dma source(%arg18 : memref<6256xf32, #tpu.memory_space<vmem>>) target(%dma_start3A_1039 : memref<6256xf32, #tpu.memory_space<hbm>>) target_semaphore(%run_scoped3A : memref<!tpu.dma_semaphore, #tpu.memory_space<semaphore_mem>>)
      %dma_wait3A_1040 = tpu.memref_slice %arg8[%add3A_1002] : memref<1201152xf32, #tpu.memory_space<hbm>> -> memref<6256xf32, #tpu.memory_space<hbm>>
      %dma_wait3A_1041 = tpu.memref_slice %arg8[%add3A_1002] : memref<1201152xf32, #tpu.memory_space<hbm>> -> memref<6256xf32, #tpu.memory_space<hbm>>
      tpu.wait_dma2 semaphore(%run_scoped3A : memref<!tpu.dma_semaphore, #tpu.memory_space<semaphore_mem>>) src(%arg18 : memref<6256xf32, #tpu.memory_space<vmem>>) dst(%dma_wait3A_1041 : memref<6256xf32, #tpu.memory_space<hbm>>)
      tpu.yield
    }) : () -> ()
    %mul3A_1005 = arith.constant 6 : i32
    %mul3A_1006 = arith.muli %arg0, %mul3A_1005 : i32
    %add3A_1007 = arith.constant 3 : i32
    %add3A_1008 = arith.addi %mul3A_1006, %add3A_1007 : i32
    %mul3A_1009 = arith.constant 100096 : i32
    %mul3A_1010 = arith.muli %add3A_1008, %mul3A_1009 : i32
    %mul3A_1011 = arith.constant 6256 : i32
    %mul3A_1012 = arith.muli %arg1, %mul3A_1011 : i32
    %add3A_1013 = arith.addi %mul3A_1010, %mul3A_1012 : i32
    %mul3A_1014 = arith.constant 6256 : i32
    %mul3A_1015 = arith.muli %arg1, %mul3A_1014 : i32
    "tpu.region"() ({
      %run_scoped3A = tpu.sem_alloc : memref<!tpu.dma_semaphore, #tpu.memory_space<semaphore_mem>>
      %dma_start3A_1038 = tpu.memref_slice %arg13[%mul3A_1015] : memref<100096xf32, #tpu.memory_space<vmem_shared>> -> memref<6256xf32, #tpu.memory_space<vmem_shared>>
      %dma_start3A_1039 = tpu.memref_slice %arg13[%mul3A_1015] : memref<100096xf32, #tpu.memory_space<vmem_shared>> -> memref<6256xf32, #tpu.memory_space<vmem_shared>>
      tpu.enqueue_dma source(%dma_start3A_1039 : memref<6256xf32, #tpu.memory_space<vmem_shared>>) target(%arg18 : memref<6256xf32, #tpu.memory_space<vmem>>) target_semaphore(%run_scoped3A : memref<!tpu.dma_semaphore, #tpu.memory_space<semaphore_mem>>)
      %dma_wait3A_1040 = tpu.memref_slice %arg13[%mul3A_1015] : memref<100096xf32, #tpu.memory_space<vmem_shared>> -> memref<6256xf32, #tpu.memory_space<vmem_shared>>
      %dma_wait3A_1041 = tpu.memref_slice %arg13[%mul3A_1015] : memref<100096xf32, #tpu.memory_space<vmem_shared>> -> memref<6256xf32, #tpu.memory_space<vmem_shared>>
      tpu.wait_dma2 semaphore(%run_scoped3A : memref<!tpu.dma_semaphore, #tpu.memory_space<semaphore_mem>>) src(%dma_wait3A_1041 : memref<6256xf32, #tpu.memory_space<vmem_shared>>) dst(%arg18 : memref<6256xf32, #tpu.memory_space<vmem>>)
      tpu.yield
    }) : () -> ()
    "tpu.region"() ({
      %run_scoped3A = tpu.sem_alloc : memref<!tpu.dma_semaphore, #tpu.memory_space<semaphore_mem>>
      %dma_start3A_1038 = tpu.memref_slice %arg8[%add3A_1013] : memref<1201152xf32, #tpu.memory_space<hbm>> -> memref<6256xf32, #tpu.memory_space<hbm>>
      %dma_start3A_1039 = tpu.memref_slice %arg8[%add3A_1013] : memref<1201152xf32, #tpu.memory_space<hbm>> -> memref<6256xf32, #tpu.memory_space<hbm>>
      tpu.enqueue_dma source(%arg18 : memref<6256xf32, #tpu.memory_space<vmem>>) target(%dma_start3A_1039 : memref<6256xf32, #tpu.memory_space<hbm>>) target_semaphore(%run_scoped3A : memref<!tpu.dma_semaphore, #tpu.memory_space<semaphore_mem>>)
      %dma_wait3A_1040 = tpu.memref_slice %arg8[%add3A_1013] : memref<1201152xf32, #tpu.memory_space<hbm>> -> memref<6256xf32, #tpu.memory_space<hbm>>
      %dma_wait3A_1041 = tpu.memref_slice %arg8[%add3A_1013] : memref<1201152xf32, #tpu.memory_space<hbm>> -> memref<6256xf32, #tpu.memory_space<hbm>>
      tpu.wait_dma2 semaphore(%run_scoped3A : memref<!tpu.dma_semaphore, #tpu.memory_space<semaphore_mem>>) src(%arg18 : memref<6256xf32, #tpu.memory_space<vmem>>) dst(%dma_wait3A_1041 : memref<6256xf32, #tpu.memory_space<hbm>>)
      tpu.yield
    }) : () -> ()
    %mul3A_1016 = arith.constant 6 : i32
    %mul3A_1017 = arith.muli %arg0, %mul3A_1016 : i32
    %add3A_1018 = arith.constant 4 : i32
    %add3A_1019 = arith.addi %mul3A_1017, %add3A_1018 : i32
    %mul3A_1020 = arith.constant 100096 : i32
    %mul3A_1021 = arith.muli %add3A_1019, %mul3A_1020 : i32
    %mul3A_1022 = arith.constant 6256 : i32
    %mul3A_1023 = arith.muli %arg1, %mul3A_1022 : i32
    %add3A_1024 = arith.addi %mul3A_1021, %mul3A_1023 : i32
    %mul3A_1025 = arith.constant 6256 : i32
    %mul3A_1026 = arith.muli %arg1, %mul3A_1025 : i32
    "tpu.region"() ({
      %run_scoped3A = tpu.sem_alloc : memref<!tpu.dma_semaphore, #tpu.memory_space<semaphore_mem>>
      %dma_start3A_1038 = tpu.memref_slice %arg14[%mul3A_1026] : memref<100096xf32, #tpu.memory_space<vmem_shared>> -> memref<6256xf32, #tpu.memory_space<vmem_shared>>
      %dma_start3A_1039 = tpu.memref_slice %arg14[%mul3A_1026] : memref<100096xf32, #tpu.memory_space<vmem_shared>> -> memref<6256xf32, #tpu.memory_space<vmem_shared>>
      tpu.enqueue_dma source(%dma_start3A_1039 : memref<6256xf32, #tpu.memory_space<vmem_shared>>) target(%arg18 : memref<6256xf32, #tpu.memory_space<vmem>>) target_semaphore(%run_scoped3A : memref<!tpu.dma_semaphore, #tpu.memory_space<semaphore_mem>>)
      %dma_wait3A_1040 = tpu.memref_slice %arg14[%mul3A_1026] : memref<100096xf32, #tpu.memory_space<vmem_shared>> -> memref<6256xf32, #tpu.memory_space<vmem_shared>>
      %dma_wait3A_1041 = tpu.memref_slice %arg14[%mul3A_1026] : memref<100096xf32, #tpu.memory_space<vmem_shared>> -> memref<6256xf32, #tpu.memory_space<vmem_shared>>
      tpu.wait_dma2 semaphore(%run_scoped3A : memref<!tpu.dma_semaphore, #tpu.memory_space<semaphore_mem>>) src(%dma_wait3A_1041 : memref<6256xf32, #tpu.memory_space<vmem_shared>>) dst(%arg18 : memref<6256xf32, #tpu.memory_space<vmem>>)
      tpu.yield
    }) : () -> ()
    "tpu.region"() ({
      %run_scoped3A = tpu.sem_alloc : memref<!tpu.dma_semaphore, #tpu.memory_space<semaphore_mem>>
      %dma_start3A_1038 = tpu.memref_slice %arg8[%add3A_1024] : memref<1201152xf32, #tpu.memory_space<hbm>> -> memref<6256xf32, #tpu.memory_space<hbm>>
      %dma_start3A_1039 = tpu.memref_slice %arg8[%add3A_1024] : memref<1201152xf32, #tpu.memory_space<hbm>> -> memref<6256xf32, #tpu.memory_space<hbm>>
      tpu.enqueue_dma source(%arg18 : memref<6256xf32, #tpu.memory_space<vmem>>) target(%dma_start3A_1039 : memref<6256xf32, #tpu.memory_space<hbm>>) target_semaphore(%run_scoped3A : memref<!tpu.dma_semaphore, #tpu.memory_space<semaphore_mem>>)
      %dma_wait3A_1040 = tpu.memref_slice %arg8[%add3A_1024] : memref<1201152xf32, #tpu.memory_space<hbm>> -> memref<6256xf32, #tpu.memory_space<hbm>>
      %dma_wait3A_1041 = tpu.memref_slice %arg8[%add3A_1024] : memref<1201152xf32, #tpu.memory_space<hbm>> -> memref<6256xf32, #tpu.memory_space<hbm>>
      tpu.wait_dma2 semaphore(%run_scoped3A : memref<!tpu.dma_semaphore, #tpu.memory_space<semaphore_mem>>) src(%arg18 : memref<6256xf32, #tpu.memory_space<vmem>>) dst(%dma_wait3A_1041 : memref<6256xf32, #tpu.memory_space<hbm>>)
      tpu.yield
    }) : () -> ()
    %mul3A_1027 = arith.constant 6 : i32
    %mul3A_1028 = arith.muli %arg0, %mul3A_1027 : i32
    %add3A_1029 = arith.constant 5 : i32
    %add3A_1030 = arith.addi %mul3A_1028, %add3A_1029 : i32
    %mul3A_1031 = arith.constant 100096 : i32
    %mul3A_1032 = arith.muli %add3A_1030, %mul3A_1031 : i32
    %mul3A_1033 = arith.constant 6256 : i32
    %mul3A_1034 = arith.muli %arg1, %mul3A_1033 : i32
    %add3A_1035 = arith.addi %mul3A_1032, %mul3A_1034 : i32
    %mul3A_1036 = arith.constant 6256 : i32
    %mul3A_1037 = arith.muli %arg1, %mul3A_1036 : i32
    "tpu.region"() ({
      %run_scoped3A = tpu.sem_alloc : memref<!tpu.dma_semaphore, #tpu.memory_space<semaphore_mem>>
      %dma_start3A_1038 = tpu.memref_slice %arg15[%mul3A_1037] : memref<100096xf32, #tpu.memory_space<vmem_shared>> -> memref<6256xf32, #tpu.memory_space<vmem_shared>>
      %dma_start3A_1039 = tpu.memref_slice %arg15[%mul3A_1037] : memref<100096xf32, #tpu.memory_space<vmem_shared>> -> memref<6256xf32, #tpu.memory_space<vmem_shared>>
      tpu.enqueue_dma source(%dma_start3A_1039 : memref<6256xf32, #tpu.memory_space<vmem_shared>>) target(%arg18 : memref<6256xf32, #tpu.memory_space<vmem>>) target_semaphore(%run_scoped3A : memref<!tpu.dma_semaphore, #tpu.memory_space<semaphore_mem>>)
      %dma_wait3A_1040 = tpu.memref_slice %arg15[%mul3A_1037] : memref<100096xf32, #tpu.memory_space<vmem_shared>> -> memref<6256xf32, #tpu.memory_space<vmem_shared>>
      %dma_wait3A_1041 = tpu.memref_slice %arg15[%mul3A_1037] : memref<100096xf32, #tpu.memory_space<vmem_shared>> -> memref<6256xf32, #tpu.memory_space<vmem_shared>>
      tpu.wait_dma2 semaphore(%run_scoped3A : memref<!tpu.dma_semaphore, #tpu.memory_space<semaphore_mem>>) src(%dma_wait3A_1041 : memref<6256xf32, #tpu.memory_space<vmem_shared>>) dst(%arg18 : memref<6256xf32, #tpu.memory_space<vmem>>)
      tpu.yield
    }) : () -> ()
    "tpu.region"() ({
      %run_scoped3A = tpu.sem_alloc : memref<!tpu.dma_semaphore, #tpu.memory_space<semaphore_mem>>
      %dma_start3A_1038 = tpu.memref_slice %arg8[%add3A_1035] : memref<1201152xf32, #tpu.memory_space<hbm>> -> memref<6256xf32, #tpu.memory_space<hbm>>
      %dma_start3A_1039 = tpu.memref_slice %arg8[%add3A_1035] : memref<1201152xf32, #tpu.memory_space<hbm>> -> memref<6256xf32, #tpu.memory_space<hbm>>
      tpu.enqueue_dma source(%arg18 : memref<6256xf32, #tpu.memory_space<vmem>>) target(%dma_start3A_1039 : memref<6256xf32, #tpu.memory_space<hbm>>) target_semaphore(%run_scoped3A : memref<!tpu.dma_semaphore, #tpu.memory_space<semaphore_mem>>)
      %dma_wait3A_1040 = tpu.memref_slice %arg8[%add3A_1035] : memref<1201152xf32, #tpu.memory_space<hbm>> -> memref<6256xf32, #tpu.memory_space<hbm>>
      %dma_wait3A_1041 = tpu.memref_slice %arg8[%add3A_1035] : memref<1201152xf32, #tpu.memory_space<hbm>> -> memref<6256xf32, #tpu.memory_space<hbm>>
      tpu.wait_dma2 semaphore(%run_scoped3A : memref<!tpu.dma_semaphore, #tpu.memory_space<semaphore_mem>>) src(%arg18 : memref<6256xf32, #tpu.memory_space<vmem>>) dst(%dma_wait3A_1041 : memref<6256xf32, #tpu.memory_space<hbm>>)
      tpu.yield
    }) : () -> ()
    return
  }
}

module attributes {stable_mosaic.version = 14 : i64} {
  func.func @body(%arg0: memref<1201152xf32, #tpu.memory_space<vmem>>, %arg1: memref<1x2xf32, #tpu.memory_space<smem>>) attributes {dimension_semantics = [], scalar_prefetch = 0 : i64, scratch_operands = 0 : i64, tpu.core_type = #tpu.core_type<tc>} {
    %get3A = arith.constant 0 : index
    %get3A_0 = vector.load %arg0[%get3A] : memref<1201152xf32, #tpu.memory_space<vmem>>, vector<100096xf32>
    %get3A_1 = arith.constant 600576 : index
    %get3A_2 = vector.load %arg0[%get3A_1] : memref<1201152xf32, #tpu.memory_space<vmem>>, vector<100096xf32>
    %add3A = arith.addf %get3A_0, %get3A_2 : vector<100096xf32>
    %add3A_3 = arith.constant 9.99999996E-13 : f32
    %add3A_4 = vector.broadcast %add3A_3 : f32 to vector<100096xf32>
    %add3A_5 = arith.addf %add3A, %add3A_4 : vector<100096xf32>
    %get3A_6 = arith.constant 100096 : index
    %get3A_7 = vector.load %arg0[%get3A_6] : memref<1201152xf32, #tpu.memory_space<vmem>>, vector<100096xf32>
    %get3A_8 = arith.constant 700672 : index
    %get3A_9 = vector.load %arg0[%get3A_8] : memref<1201152xf32, #tpu.memory_space<vmem>>, vector<100096xf32>
    %add3A_10 = arith.addf %get3A_7, %get3A_9 : vector<100096xf32>
    %add3A_11 = arith.constant 9.99999996E-13 : f32
    %add3A_12 = vector.broadcast %add3A_11 : f32 to vector<100096xf32>
    %add3A_13 = arith.addf %add3A_10, %add3A_12 : vector<100096xf32>
    %get3A_14 = arith.constant 200192 : index
    %get3A_15 = vector.load %arg0[%get3A_14] : memref<1201152xf32, #tpu.memory_space<vmem>>, vector<100096xf32>
    %get3A_16 = arith.constant 800768 : index
    %get3A_17 = vector.load %arg0[%get3A_16] : memref<1201152xf32, #tpu.memory_space<vmem>>, vector<100096xf32>
    %add3A_18 = arith.addf %get3A_15, %get3A_17 : vector<100096xf32>
    %add3A_19 = arith.constant 9.99999996E-13 : f32
    %add3A_20 = vector.broadcast %add3A_19 : f32 to vector<100096xf32>
    %add3A_21 = arith.addf %add3A_18, %add3A_20 : vector<100096xf32>
    %mul3A = arith.mulf %add3A_5, %add3A_5 : vector<100096xf32>
    %mul3A_22 = arith.mulf %add3A_13, %add3A_13 : vector<100096xf32>
    %add3A_23 = arith.addf %mul3A, %mul3A_22 : vector<100096xf32>
    %mul3A_24 = arith.mulf %add3A_21, %add3A_21 : vector<100096xf32>
    %add3A_25 = arith.addf %add3A_23, %mul3A_24 : vector<100096xf32>
    %sqrt3A = math.sqrt %add3A_25 : vector<100096xf32>
    %get3A_26 = arith.constant 300288 : index
    %get3A_27 = vector.load %arg0[%get3A_26] : memref<1201152xf32, #tpu.memory_space<vmem>>, vector<100096xf32>
    %get3A_28 = arith.constant 900864 : index
    %get3A_29 = vector.load %arg0[%get3A_28] : memref<1201152xf32, #tpu.memory_space<vmem>>, vector<100096xf32>
    %add3A_30 = arith.addf %get3A_27, %get3A_29 : vector<100096xf32>
    %get3A_31 = arith.constant 400384 : index
    %get3A_32 = vector.load %arg0[%get3A_31] : memref<1201152xf32, #tpu.memory_space<vmem>>, vector<100096xf32>
    %get3A_33 = arith.constant 1000960 : index
    %get3A_34 = vector.load %arg0[%get3A_33] : memref<1201152xf32, #tpu.memory_space<vmem>>, vector<100096xf32>
    %add3A_35 = arith.addf %get3A_32, %get3A_34 : vector<100096xf32>
    %get3A_36 = arith.constant 500480 : index
    %get3A_37 = vector.load %arg0[%get3A_36] : memref<1201152xf32, #tpu.memory_space<vmem>>, vector<100096xf32>
    %get3A_38 = arith.constant 1101056 : index
    %get3A_39 = vector.load %arg0[%get3A_38] : memref<1201152xf32, #tpu.memory_space<vmem>>, vector<100096xf32>
    %add3A_40 = arith.addf %get3A_37, %get3A_39 : vector<100096xf32>
    %mul3A_41 = arith.mulf %add3A_30, %add3A_30 : vector<100096xf32>
    %mul3A_42 = arith.mulf %add3A_35, %add3A_35 : vector<100096xf32>
    %add3A_43 = arith.addf %mul3A_41, %mul3A_42 : vector<100096xf32>
    %mul3A_44 = arith.mulf %add3A_40, %add3A_40 : vector<100096xf32>
    %add3A_45 = arith.addf %add3A_43, %mul3A_44 : vector<100096xf32>
    %reduce_sum3A = vector.shape_cast %sqrt3A : vector<100096xf32> to vector<1x100096xf32>
    %reduce_sum3A_46 = arith.constant dense<0.000000e+00> : vector<1xf32>
    %reduce_sum3A_47 = vector.multi_reduction <add>, %reduce_sum3A, %reduce_sum3A_46 [1] : vector<1x100096xf32> to vector<1xf32>
    %reduce_sum3A_48 = vector.shape_cast %reduce_sum3A_47 : vector<1xf32> to vector<1x1xf32>
    %reduce_sum3A_49 = vector.extract %reduce_sum3A_48[0, 0] : f32 from vector<1x1xf32>
    %div3A = arith.constant 1.000000e+05 : f32
    %div3A_50 = arith.divf %reduce_sum3A_49, %div3A : f32
    %swap3A = arith.constant 0 : index
    %swap3A_51 = arith.constant 0 : index
    %swap3A_52 = memref.load %arg1[%swap3A, %swap3A_51] : memref<1x2xf32, #tpu.memory_space<smem>>
    memref.store %div3A_50, %arg1[%swap3A, %swap3A_51] : memref<1x2xf32, #tpu.memory_space<smem>>
    %reduce_sum3A_53 = vector.shape_cast %add3A_45 : vector<100096xf32> to vector<1x100096xf32>
    %reduce_sum3A_54 = arith.constant dense<0.000000e+00> : vector<1xf32>
    %reduce_sum3A_55 = vector.multi_reduction <add>, %reduce_sum3A_53, %reduce_sum3A_54 [1] : vector<1x100096xf32> to vector<1xf32>
    %reduce_sum3A_56 = vector.shape_cast %reduce_sum3A_55 : vector<1xf32> to vector<1x1xf32>
    %reduce_sum3A_57 = vector.extract %reduce_sum3A_56[0, 0] : f32 from vector<1x1xf32>
    %div3A_58 = arith.constant 1.000000e+05 : f32
    %div3A_59 = arith.divf %reduce_sum3A_57, %div3A_58 : f32
    %swap3A_60 = arith.constant 0 : index
    %swap3A_61 = arith.constant 1 : index
    %swap3A_62 = memref.load %arg1[%swap3A_60, %swap3A_61] : memref<1x2xf32, #tpu.memory_space<smem>>
    memref.store %div3A_59, %arg1[%swap3A_60, %swap3A_61] : memref<1x2xf32, #tpu.memory_space<smem>>
    return
  }
}

</mosaic_0001>

<sc_bundles>
// kernel: kernel.4.cloned.1.call-start
scs
__scs_entry_jumppad:
0x0: {  	(pc) =	sbr.rel $0x88, $3  }
0x1: {  	(tag) =	ssettag $0x0;
	lr =	simm.s32 $0x1  }
0x2: {  	[smem:$0x3F99] =	sst lr;
	_ =	strace $0xD0000000  }
0x3: {  	_ = 	snop  }
0x4: {  	_ = 	snop  }
0x5: {  	_ = 	snop  }
0x6: {  	_ = 	snop  }
0x7: {  	_ = 	snop  }
__scs_overlays_trampoline_lowered:
0x8: {  	[smem:$0x3FA8] =	sst s0  }
0x9: {  	[smem:$0x3FA9] =	sst s1  }
0xa: {  	[smem:$0x3FAA] =	sst s2  }
0xb: {  	[smem:$0x3FAB] =	sst s3  }
0xc: {  	[smem:$0x3FAC] =	sst s4  }
0xd: {  	[smem:$0x3FAD] =	sst s5  }
0xe: {  	[smem:$0x3FAE] =	sst s6  }
0xf: {  	[smem:$0x3FAF] =	sst s7  }
0x10: {  	[smem:$0x3FB0] =	sst s8  }
0x11: {  	[smem:$0x3FB1] =	sst s9;
	s0 =	simm.s32 @!p0 $0x0  }
0x12: {  	s1 =	sld [smem:$0x3F97];
	s0 =	simm.s32 @p0 $0x1  }
0x13: {  	[smem:$0x3FB2] =	sst s0;
	s0 =	simm.s32 @!p1 $0x0  }
0x14: {  	s2 =	sld [smem:$0x3F96];
	s0 =	simm.s32 @p1 $0x1  }
0x15: {  	[smem:$0x3FB3] =	sst s0;
	s0 =	simm.s32 @!p2 $0x0  }
0x16: {  	s3 =	sld [smem:$0x3FDB];
	s0 =	simm.s32 @p2 $0x1  }
0x17: {  	s4 =	simm.s32 $0x1BF5;
	[smem:$0x3FB5] =	sst s0  }
0x18: {  	s0 =	sld [smem:$0x3F98];
	_ =	swait.ge [sflag:s4], $0x0  }
0x19: {  	s7 =	sld [smem:$0x3F99]  }
0x1a: {  	s8 =	sadd.s32 $0xFFFFE003, lr  }
0x1b: {  	s9 =	sadd.s32 $0xFFFFFEF7, lr;
	s5 =	simm.s32 $0xFFFFFFFF;
	p2 =	slt.u32 s8, $0xFFFFF086  }
0x1c: {  	p1 =	slt.u32 s9, $0xF7A;
	s5 =	simm.s32 @!p2 $0x0  }
0x1d: {  	s5 =	simm.s32 @p1 $0x1;
	p0 =	seq.s32 s7, s2  }
0x1e: {  	s7 =	smul.u32 @!p0 $0xF7A, s2;
	p2 =	seq.s32 @!p0 s5, $0x0  }
0x1f: {  	s9 =	smul.u32 $0xF7A, s1;
	s8 =	simm.s32 @!p0 $0x1BF5;
	p2 =	por !p2, p0  }
0x20: {  	[sflag:s8] =	ssyncset.s32 @!p0 $0xFFFFF086;
	s6 =	sadd.s32 @!p0 s3, s7;
	s7 =	simm.s32 @!p0 $0x108  }
0x21: {  	s3 =	sadd.s32 s3, s9;
	s6 =	sadd.s32 @!p0 $0x88, s6;
	s7 =	simm.s32 @p2 $0x1082  }
0x22: {  	[simem:s7], [sflag:s8] =	dma.local @!p0 [hbm:s6], $0xF7A  }
0x23: {  	s9 =	sor.u32 $0xD0000000, s2;
	s6 =	simm.s32 $0x108;
	_ =	swait.ge @!p0 [sflag:s8], $0x0  }
0x24: {  	s3 =	sadd.s32 $0x88, s3;
	s6 =	simm.s32 @!p1 $0x1082;
	[sflag:s4] =	ssyncset.s32 $0xFFFFF086  }
0x25: {  	[simem:s6], [sflag:s4] =	dma.local [hbm:s3], $0xF7A  }
0x26: {  	[smem:$0x3F99] =	sst s1;
	(tag) =	ssettag s2;
	_ =	strace s9  }
0x27: {  	s1 =	sld [smem:$0x3FA9]  }
0x28: {  	s2 =	sld [smem:$0x3FAA]  }
0x29: {  	s4 =	sld [smem:$0x3FAC]  }
0x2a: {  	p0 =	seq.s32 s5, $0x0;
	s5 =	sld [smem:$0x3FAD]  }
0x2b: {  	s6 =	sld [smem:$0x3FAE]  }
0x2c: {  	s7 =	sld [smem:$0x3FAF]  }
0x2d: {  	s3 =	simm.s32 $0x108;
	s8 =	sld [smem:$0x3FB0]  }
0x2e: {  	s3 =	simm.s32 @!p0 $0x1082;
	s9 =	sld [smem:$0x3FB1]  }
0x2f: {  	lr =	sadd.s32 s0, s3;
	s0 =	sld [smem:$0x3FA8]  }
0x30: {  	s3 =	sld [smem:$0x3FAB]  }
0x31: {  	[smem:$0x3FB4] =	sst s10  }
0x32: {  	s10 =	sld [smem:$0x3FB2];
	_ =	sdelay $0x3  }
0x33: {  	p0 =	seq.s32 s10, $0x1;
	s10 =	sld [smem:$0x3FB4];
	_ =	sdelay $0x3  }
0x34: {  	[smem:$0x3FB4] =	sst s10  }
0x35: {  	s10 =	sld [smem:$0x3FB3];
	_ =	sdelay $0x3  }
0x36: {  	p1 =	seq.s32 s10, $0x1;
	s10 =	sld [smem:$0x3FB4];
	_ =	sdelay $0x3  }
0x37: {  	[smem:$0x3FB4] =	sst s10  }
0x38: {  	s10 =	sld [smem:$0x3FB5]  }
0x39: {  	_ = 	snop;
	(pc) =	sbr.ind lr, $3  }
0x3a: {  	_ = 	snop  }
0x3b: {  	_ = 	snop  }
0x3c: {  	p2 =	seq.s32 s10, $0x1;
	s10 =	sld [smem:$0x3FB4]  }
0x3d: {  	_ =	shalt  }
0x3e: {  	_ =	shalt  }
0x3f: {  	_ =	shalt  }
0x40: {  	_ =	shalt  }
0x41: {  	_ =	shalt  }
0x42: {  	_ =	shalt  }
0x43: {  	_ =	shalt  }
0x44: {  	_ =	shalt  }
0x45: {  	_ =	shalt  }
0x46: {  	_ =	shalt  }
0x47: {  	_ =	shalt  }
0x48: {  	_ =	shalt  }
0x49: {  	_ =	shalt  }
0x4a: {  	_ =	shalt  }
0x4b: {  	_ =	shalt  }
0x4c: {  	_ =	shalt  }
0x4d: {  	_ =	shalt  }
0x4e: {  	_ =	shalt  }
0x4f: {  	_ =	shalt  }
0x50: {  	_ =	shalt  }
0x51: {  	_ =	shalt  }
0x52: {  	_ =	shalt  }
0x53: {  	_ =	shalt  }
0x54: {  	_ =	shalt  }
0x55: {  	_ =	shalt  }
0x56: {  	_ =	shalt  }
0x57: {  	_ =	shalt  }
0x58: {  	_ =	shalt  }
0x59: {  	_ =	shalt  }
0x5a: {  	_ =	shalt  }
0x5b: {  	_ =	shalt  }
0x5c: {  	_ =	shalt  }
0x5d: {  	_ =	shalt  }
0x5e: {  	_ =	shalt  }
0x5f: {  	_ =	shalt  }
0x60: {  	_ =	shalt  }
0x61: {  	_ =	shalt  }
0x62: {  	_ =	shalt  }
0x63: {  	_ =	shalt  }
0x64: {  	_ =	shalt  }
0x65: {  	_ =	shalt  }
0x66: {  	_ =	shalt  }
0x67: {  	_ =	shalt  }
0x68: {  	_ =	shalt  }
0x69: {  	_ =	shalt  }
0x6a: {  	_ =	shalt  }
0x6b: {  	_ =	shalt  }
0x6c: {  	_ =	shalt  }
0x6d: {  	_ =	shalt  }
0x6e: {  	_ =	shalt  }
0x6f: {  	_ =	shalt  }
0x70: {  	_ =	shalt  }
0x71: {  	_ =	shalt  }
0x72: {  	_ =	shalt  }
0x73: {  	_ =	shalt  }
0x74: {  	_ =	shalt  }
0x75: {  	_ =	shalt  }
0x76: {  	_ =	shalt  }
0x77: {  	_ =	shalt  }
0x78: {  	_ =	shalt  }
0x79: {  	_ =	shalt  }
0x7a: {  	_ =	shalt  }
0x7b: {  	_ =	shalt  }
0x7c: {  	_ =	shalt  }
0x7d: {  	_ =	shalt  }
0x7e: {  	_ =	shalt  }
0x7f: {  	_ =	shalt  }
0x80: {  	_ =	shalt  }
0x81: {  	_ =	shalt  }
0x82: {  	_ =	shalt  }
0x83: {  	_ =	shalt  }
0x84: {  	_ =	shalt  }
0x85: {  	_ =	shalt  }
0x86: {  	_ =	shalt  }
0x87: {  	_ =	shalt  }
.Lfunc_end0:
.L_simem_size_0:
called_computation_lowered:
.L_overlay_start_0:
0x88: {  	s2 =	sld [smem:$0x3FD9]  }
0x89: {  	s3 =	sld [smem:$0x3FFE];
	_ =	sdelay $0x1  }
0x8a: {  	s1 =	srdreg.scid  }
0x8b: {  	s0 =	sand.u32 $0x1, s1  }
0x8c: {  	s14 =	sshll.u32 s0, $0xA;
	s2 =	sadd.s32 s3, s2  }
0x8d: {  	s2 =	sadd.s32 s2, s14  }
0x8e: {  	[smem:$0x3FC0] =	sst s2  }
0x8f: {  	_ = 	snop  }
0x90: {  	s2 =	sld [smem:$0x3FD0];
	_ =	sdelay $0x1  }
0x91: {  	s15 =	sld [smem:$0x3FC5]  }
0x92: {  	s5 =	simm.s32 $0xA;
	s6 =	simm.s32 $0x10;
	s4 =	sld [smem:$0x3FC3]  }
0x93: {  	[smem:s6], [sflag:s5] =	dma.local [hbm:s2], $0x1  }
0x94: {  	_ =	swait.eq [sflag:s5], $0x1  }
0x95: {  	s16 =	sld [smem:$0x10];
	[sflag:s5] =	ssyncset.done $0x0  }
0x96: {  	s17 =	sld [smem:$0x11];
	[sflag:s5] =	ssyncadd.s32 $0xFFFFFFFF  }
0x97: {  	s18 =	sld [smem:$0x15];
	(tm) =	ssettm $0x1  }
0x98: {  	s7 =	sld [smem:$0x3FFB];
	_ =	sdelay $0x3  }
0x99: {  	_ =	strace s7  }
0x9a: {  	s7 =	sld [smem:$0x3FFC];
	_ =	sdelay $0x3  }
0x9b: {  	_ =	strace s7  }
0x9c: {  	s7 =	sld [smem:$0x3FFD];
	_ =	sdelay $0x3  }
0x9d: {  	_ =	strace s7  }
0x9e: {  	_ =	strace $0x8FFFFFFF  }
0x9f: {  	s19 =	sld [smem:$0x3FDB];
	_ =	sdelay $0x1  }
0xa0: {  	s8 =	simm.s32 $_scs_section_size  }
0xa1: {  	s9 =	simm.s32 $_size__tile_overlayer_lowered;
	s10 =	simm.s32 $_tile_overlayer_lowered  }
0xa2: {  	s22 =	simm.s32 $0x1BFF;
	s21 =	sshll.u32 s10, $0x1;
	s7 =	sadd.s32 s8, s19  }
0xa3: {  	s11 =	simm.s32 $0x0;
	s20 =	sshll.u32 s9, $0x1;
	s9 =	sadd.s32 s21, s7  }
0xa4: {  	[timem:s11], [sflag:s22] =	dma.local [hbm:s9], s20  }
0xa5: {  	_ =	swait.ge [sflag:s22], s20  }
0xa6: {  	s8 =	ssub.s32 $0x0, s20;
	[sflag:s22] =	ssyncset.done $0x0  }
0xa7: {  	[sflag:s22] =	ssyncadd.s32 s8;
	_ =	sdelay $0x1  }
0xa8: {  	s23 =	simm.s32 $0x1B8B  }
0xa9: {  	_ =	swait.ge [sflag:s23], $0x1  }
0xaa: {  	[sflag:s23] =	ssyncset.done $0x0  }
0xab: {  	s25 =	simm.s32 $0x1B8E;
	s24 =	sld [smem:$0x3FFE];
	[sflag:s23] =	ssyncadd.s32 $0xFFFFFFFF  }
0xac: {  	s26 =	simm.s32 $execute0_lowered;
	[smem:$0x3FD2] =	sst s25  }
0xad: {  	s9 =	sshll.u32 s26, $0x1;
	_ =	strace $0x80000046;
	[dreg:$0x1] =	wrdreg $0xFFFFFFFF  }
0xae: {  	s28 =	simm.s32 $_size_execute0_lowered;
	s7 =	sadd.s32 s7, s9;
	[dreg:$0x0] =	wrdreg $0x0  }
0xaf: {  	s9 =	sshll.u32 s28, $0x1;
	[dreg:$0x2] =	wrdreg s7  }
0xb0: {  	[dreg:$0x3] =	wrdreg s9  }
0xb1: {  	[dreg:$0x4] =	wrdreg $0xC0  }
0xb2: {  	_ =	task [dreg:s11], $0x5FFFF  }
0xb3: {  	[dreg:$0x1] =	wrdreg $0xFFFFFFFF  }
0xb4: {  	[dreg:$0x0] =	wrdreg $0x60  }
0xb5: {  	[dreg:$0x2] =	wrdreg s24  }
0xb6: {  	[dreg:$0x3] =	wrdreg s18  }
0xb7: {  	[dreg:$0x4] =	wrdreg s17  }
0xb8: {  	[dreg:$0x5] =	wrdreg s15  }
0xb9: {  	[dreg:$0x6] =	wrdreg s4  }
0xba: {  	[dreg:$0x7] =	wrdreg s16  }
0xbb: {  	[dreg:$0x8] =	wrdreg $0x0  }
0xbc: {  	[dreg:$0x9] =	wrdreg $0x18700  }
0xbd: {  	[dreg:$0xa] =	wrdreg $0x30E00  }
0xbe: {  	[dreg:$0xb] =	wrdreg $0x49500  }
0xbf: {  	[dreg:$0xc] =	wrdreg $0x61C00  }
0xc0: {  	[dreg:$0xd] =	wrdreg $0x7A300  }
0xc1: {  	[dreg:$0xe] =	wrdreg $0x92A00  }
0xc2: {  	[dreg:$0xf] =	wrdreg $0x9  }
0xc3: {  	_ =	task.clear_ibuf [dreg:s11], $0x10FFFF;
	_ =	strace $0x90000046  }
0xc4: {  	s29 =	simm.s32 $0x9;
	_ =	strace $0x80000048  }
0xc5: {  	_ =	swait.ge [sflag:s29], $0x1  }
0xc6: {  	[sflag:s29] =	ssyncadd.s32 $0xFFFFFFFF  }
0xc7: {  	_ =	strace $0x90000048  }
0xc8: {  	_ =	sfence  }
0xc9: {  	s30 =	sld [smem:$0x0];
	_ =	sdelay $0x2  }
0xca: {  	s31 =	sshll.u32 s1, $0xD;
	s1 =	sshrl.u32 s1, $0x2  }
0xcb: {  	s3 =	sand.u32 $0x4000, s31;
	s1 =	sadd.s32 s1, s30  }
0xcc: {  	s0 =	sor.u32 s3, s0;
	s1 =	sshll.u32 s1, $0x11  }
0xcd: {  	s0 =	sor.u32 s1, s0  }
0xce: {  	s0 =	sadd.s32 $0x8F2B, s0  }
0xcf: {  	[sflag:s0] =	ssyncadd.remote.s32 $0x1  }
0xd0: {  	_ =	sfence.sel $0xFFFF  }
0xd1: {  	[dreg:$0x0] =	wrdreg $0xFFFFFFFF;
	(pc) =	sbr.abs _section_cstart, $3  }
0xd2: {  	[dreg:$0x1] =	wrdreg $0xFFFFFFFF  }
0xd3: {  	_ =	task.clear_ibuf [dreg:s11], $0x2FFFF;
	_ =	strace $0x9FFFFFFF  }
0xd4: {  	(tm) =	ssettm $0x7FFFFFFF  }
0xd5: {  	_ =	shalt  }
tec
execute0_lowered:
.L_overlay_start_1:
0x0: {  	(tag) =	ssettag $0x1  }
0x1: {  	s2 =	rddreg [dreg:$0x0]  }
0x2: {  	s9 =	rddreg [dreg:$0x2]  }
0x3: {  	s7 =	rddreg [dreg:$0x3];
	s12 =	stileid.u32  }
0x4: {  	s3 =	simm.s32 $0x0;
	s30 =	rddreg [dreg:$0xc];
	s0 =	smul.u32 $0x1870, s12  }
0x5: {  	s1 =	srdreg.scid;
	[smem:$0x7FF] =	sst s3  }
0x6: {  	s8 =	sadd.s32 $0x188A00, s2;
	s3 =	sand.u32 $0x1, s1;
	s15 =	smin.u32 s0, $0x16E30  }
0x7: {  	s5 =	sadd.s32 $0x2000, s2;
	s4 =	ssub.s32 $0x2, s3;
	s1 =	smul.u32 $0x3, s15  }
0x8: {  	s11 =	sadd.s32 $0x2CC00, s2;
	s10 =	sshll.u32 s3, $0x4;
	s6 =	sshrl.u32 s4, $0x1  }
0x9: {  	s2 =	ssub.s32 s4, s6;
	s6 =	sor.u32 s12, s10;
	s16 =	sshrl.u32 s1, $0x3  }
0xa: {  	s12 =	smul.u32 $0x5580, s6;
	s4 =	sadd.s32 $0x24C0, s1;
	s13 =	sadd.s32 s8, s16  }
0xb: {  	s10 =	sadd.s32 s11, s16;
	s17 =	sshrl.u32 s4, $0x3;
	[dreg:$0xe] =	wrdreg s13  }
0xc: {  	[dreg:$0xf] =	wrdreg s10;
	s8 =	sadd.s32 s8, s17  }
0xd: {  	s18 =	sadd.s32 s11, s17;
	s10 =	sshrl.u32 s12, $0x3;
	[dreg:$0x10] =	wrdreg s8  }
0xe: {  	[dreg:$0x11] =	wrdreg s18;
	s8 =	sadd.s32 $0x4AD0, s12;
	s19 =	sadd.s32 s9, s10  }
0xf: {  	s11 =	sadd.s32 $0x155CC, s10;
	s28 =	sadd.s32 s7, s10;
	[dreg:$0x12] =	wrdreg s19  }
0x10: {  	s12 =	sadd.s32 $0x156, s10;
	s20 =	sadd.s32 s9, s11;
	[smem:$0x7CF] =	sst s28  }
0x11: {  	s13 =	sadd.s32 $0x15722, s10;
	s15 =	sadd.s32 s9, s12;
	[dreg:$0x13] =	wrdreg s20  }
0x12: {  	s14 =	sadd.s32 $0x2AC, s10;
	s21 =	sadd.s32 s9, s13;
	[dreg:$0x14] =	wrdreg s15  }
0x13: {  	s16 =	sadd.s32 $0x402, s10;
	s22 =	sadd.s32 s9, s14;
	[dreg:$0x15] =	wrdreg s21  }
0x14: {  	p0 =	seq.s32 s6, $0x1F;
	s23 =	sadd.s32 s9, s16;
	[dreg:$0x16] =	wrdreg s22  }
0x15: {  	s8 =	simm.s32 @p0 $0xAA3B0;
	s28 =	sadd.s32 s7, s16;
	[dreg:$0x18] =	wrdreg s23  }
0x16: {  	s19 =	sadd.s32 $0x15B24, s10;
	s11 =	sadd.s32 s5, s11;
	[smem:$0x7D2] =	sst s28  }
0x17: {  	s15 =	sadd.s32 $0x15878, s10;
	s24 =	sadd.s32 s9, s19;
	[smem:$0x7D7] =	sst s11  }
0x18: {  	s22 =	sadd.s32 $0x804, s10;
	s17 =	sadd.s32 s9, s15;
	[dreg:$0x1b] =	wrdreg s24  }
0x19: {  	s8 =	sshrl.u32 s8, $0x3;
	s25 =	sadd.s32 s9, s22;
	[dreg:$0x17] =	wrdreg s17  }
0x1a: {  	s26 =	sadd.s32 s9, s8;
	[dreg:$0x1e] =	wrdreg s25  }
0x1b: {  	s28 =	sadd.s32 s7, s22;
	[smem:$0x7CD] =	sst s26  }
0x1c: {  	s25 =	sadd.s32 s7, s12;
	[smem:$0x7D5] =	sst s28  }
0x1d: {  	s26 =	sadd.s32 s7, s14;
	[smem:$0x7D0] =	sst s25  }
0x1e: {  	s17 =	sadd.s32 $0x159CE, s10;
	s28 =	sadd.s32 s5, s13;
	[smem:$0x7D1] =	sst s26  }
0x1f: {  	s18 =	sadd.s32 s9, s17;
	[smem:$0x7DA] =	sst s28  }
0x20: {  	s13 =	sadd.s32 s5, s14;
	[dreg:$0x19] =	wrdreg s18;
	s18 =	sadd.s32 $0x558, s10  }
0x21: {  	[smem:$0x7DE] =	sst s13;
	s20 =	sadd.s32 s9, s18  }
0x22: {  	s25 =	sadd.s32 s7, s18;
	[dreg:$0x1a] =	wrdreg s20  }
0x23: {  	s28 =	sadd.s32 s5, s18;
	[smem:$0x7D3] =	sst s25  }
0x24: {  	[smem:$0x7E4] =	sst s28  }
0x25: {  	s20 =	sadd.s32 $0x6AE, s10;
	s25 =	sadd.s32 s5, s10;
	s28 =	rddreg [dreg:$0xb]  }
0x26: {  	s21 =	sadd.s32 s9, s20;
	[smem:$0x7D8] =	sst s25  }
0x27: {  	s26 =	sadd.s32 s7, s20;
	[dreg:$0x1c] =	wrdreg s21  }
0x28: {  	s7 =	sadd.s32 s7, s8;
	[smem:$0x7D4] =	sst s26  }
0x29: {  	s21 =	sadd.s32 $0x15C7A, s10;
	[smem:$0x7D6] =	sst s7  }
0x2a: {  	s7 =	rddreg [dreg:$0x4];
	s23 =	sadd.s32 s9, s21  }
0x2b: {  	s26 =	sadd.s32 s7, s10;
	[dreg:$0x1d] =	wrdreg s23  }
0x2c: {  	s11 =	sadd.s32 s7, s12;
	[smem:$0x7D9] =	sst s26  }
0x2d: {  	s14 =	sadd.s32 s7, s14;
	[smem:$0x7DC] =	sst s11  }
0x2e: {  	s25 =	sadd.s32 s7, s16;
	[smem:$0x7DF] =	sst s14  }
0x2f: {  	[smem:$0x7E2] =	sst s25  }
0x30: {  	s13 =	sadd.s32 s5, s21;
	s11 =	rddreg [dreg:$0x6]  }
0x31: {  	[smem:$0x7E6] =	sst s13  }
0x32: {  	s14 =	rddreg [dreg:$0x7]  }
0x33: {  	s21 =	sadd.s32 s5, s22;
	s26 =	sadd.s32 s5, s19;
	s19 =	rddreg [dreg:$0x9]  }
0x34: {  	[smem:$0x7EA] =	sst s21  }
0x35: {  	s23 =	sadd.s32 $0x15DD0, s10;
	s10 =	sadd.s32 s5, s12;
	s25 =	rddreg [dreg:$0xa]  }
0x36: {  	s12 =	sadd.s32 s5, s15;
	[smem:$0x7DB] =	sst s10  }
0x37: {  	s15 =	sadd.s32 s5, s17;
	[smem:$0x7DD] =	sst s12  }
0x38: {  	s17 =	sadd.s32 s5, s16;
	[smem:$0x7E0] =	sst s15  }
0x39: {  	[smem:$0x7E1] =	sst s17  }
0x3a: {  	s16 =	sadd.s32 s7, s20;
	[smem:$0x7E3] =	sst s26  }
0x3b: {  	s29 =	simm.s32 $0x4;
	s31 =	simm.s32 $0xAB0;
	[smem:$0x7E8] =	sst s16  }
0x3c: {  	p1 =	sne.s32 s6, $0x1F;
	s24 =	sadd.s32 s9, s23;
	s17 =	rddreg [dreg:$0x8]  }
0x3d: {  	s6 =	simm.s32 $0x1BEF0;
	s12 =	sadd.s32 s7, s18;
	[dreg:$0x1f] =	wrdreg s24  }
0x3e: {  	p0 =	sne.s32 s3, $0x0;
	s15 =	sadd.s32 s5, s20;
	[smem:$0x7E5] =	sst s12  }
0x3f: {  	s21 =	smax.u32 s2, $0x1;
	s18 =	sadd.s32 s5, s23;
	[smem:$0x7E7] =	sst s15  }
0x40: {  	s2 =	simm.s32 $0x1;
	s23 =	sadd.s32 s7, s22;
	[smem:$0x7E9] =	sst s18  }
0x41: {  	s7 =	sadd.s32 s7, s8;
	s24 =	sadd.s32 $0x155CC, s8;
	[smem:$0x7EB] =	sst s23  }
0x42: {  	s20 =	smul.u32 $0x92A00, s3;
	[smem:$0x7EE] =	sst s7;
	s9 =	sadd.s32 s9, s24  }
0x43: {  	s11 =	sadd.s32 s0, s11;
	s16 =	simm.s32 $0x13AF0;
	[smem:$0x7CE] =	sst s9  }
0x44: {  	s3 =	simm.s32 $0x2;
	s26 =	sadd.s32 s5, s24;
	s9 =	rddreg [dreg:$0x5]  }
0x45: {  	s13 =	sadd.s32 s0, s17;
	s5 =	sadd.s32 s5, s8;
	[smem:$0x7EC] =	sst s26  }
0x46: {  	s17 =	sadd.s32 s0, s19;
	s18 =	sadd.s32 s0, s25;
	[smem:$0x7ED] =	sst s5  }
0x47: {  	s19 =	sadd.s32 s1, s30;
	_ =	strace $0x80000047;
	[smem:$0x7EF] =	sst s11  }
0x48: {  	s12 =	simm.s32 $0x171F0;
	s15 =	simm.s32 $0x145F0;
	[smem:$0x7F0] =	sst s13  }
0x49: {  	s7 =	simm.s32 $0x187F0;
	s10 =	sadd.s32 s0, s20;
	[smem:$0x7F1] =	sst s17  }
0x4a: {  	s26 =	sadd.s32 s0, s14;
	s0 =	sadd.s32 s0, s28;
	[smem:$0x7F2] =	sst s18  }
0x4b: {  	s1 =	simm.s32 $0x1C9F0;
	s20 =	sadd.s32 s4, s30;
	[smem:$0x7F3] =	sst s0  }
0x4c: {  	s4 =	simm.s32 $0x5;
	s10 =	sshrl.u32 s10, $0x3;
	[smem:$0x7F4] =	sst s19  }
0x4d: {  	s14 =	simm.s32 $0x1B3F0;
	s5 =	sadd.s32 s9, s10;
	[smem:$0x7F5] =	sst s20  }
0x4e: {  	[smem:$0x7F6] =	sst s21;
	s18 =	simm.s32 $0x100F0;
	s19 =	simm.s32 $0x8  }
0x4f: {  	s9 =	simm.s32 $0x19DF0;
	s10 =	simm.s32 $0x166F0;
	[smem:$0x7FD] =	sst s26  }
0x50: {  	s11 =	simm.s32 $0x1A8F0;
	s22 =	sadd.s32 $0x30E0, s5;
	[smem:$0x7FB] =	sst s5  }
0x51: {  	s0 =	simm.s32 $0x150F0;
	s23 =	sadd.s32 $0x61C0, s5;
	[smem:$0x7F7] =	sst s22  }
0x52: {  	s21 =	simm.s32 $0x3;
	s24 =	sadd.s32 $0x92A0, s5;
	[smem:$0x7F8] =	sst s23  }
0x53: {  	s13 =	simm.s32 $0x192F0;
	s25 =	sadd.s32 $0xC380, s5;
	[smem:$0x7F9] =	sst s24  }
0x54: {  	s17 =	simm.s32 $0x1D4F0;
	s28 =	sadd.s32 $0xF460, s5;
	[smem:$0x7FA] =	sst s25  }
0x55: {  	s20 =	simm.s32 $0x6;
	s5 =	simm.s32 $0x17CF0;
	[smem:$0x7FC] =	sst s28  }
0x56: {  	v0 =	vimm.f32 $0.0e+00;
	s23 =	simm.s32 $0x124F0;
	s22 =	simm.s32 $0x7;
	s25 =	simm.s32 $0x0  }
.LBB2_1:
0x57: {  	s24 =	simm.s32 $0x40;
	s28 =	simm.s32 $0x0  }
.LBB2_2:
0x58: {  	p2 =	sne.s32 s24, $0x6180;
	[tilespmem:s28+$0x100F0] =	vst v0;
	s28 =	smov.u32 s24;
	s24 =	sadd.s32 $0x40, s24  }
.Ltmp0:
0x59: {  	(pc) =	sbr.rel @p2 .LBB2_2-.Ltmp0, $2  }
0x5a: {  	_ =	sdelay $0x2  }
0x5b: {  	s28 =	sshra.s32 s28, $0x2  }
0x5c: {  	s24 =	sld [smem:$0x7EF];
	_ =	sdelay $0x1  }
0x5d: {  	[tilespmem:s28+$0x100F0] =	vst v0  }
0x5e: {  	[spmem:s24] =	stream.linear.scatter [tilespmem:s18], [sflag:$0x8], $0x1870, $0x38;
	[tilespmem:$0x1DFF0] =	vst v63  }
0x5f: {  	_ =	swait.ge [sflag:s19], $0x1870  }
0x60: {  	[sflag:s19] =	ssyncset.done $0x0  }
0x61: {  	[sflag:s19] =	ssyncadd.s32 $0xFFFFE790  }
0x62: {  	[spmem:s26] =	stream.linear.scatter [tilespmem:s18], [sflag:$0x8], $0x1870, $0x38;
	[tilespmem:$0x1DFF0] =	vst v63  }
0x63: {  	_ =	swait.ge [sflag:s19], $0x1870  }
0x64: {  	s8 =	sld [smem:$0x7F0]  }
0x65: {  	[sflag:s19] =	ssyncset.done $0x0  }
0x66: {  	[sflag:s19] =	ssyncadd.s32 $0xFFFFE790  }
0x67: {  	[spmem:s8] =	stream.linear.scatter [tilespmem:s18], [sflag:$0x8], $0x1870, $0x38;
	[tilespmem:$0x1DFF0] =	vst v63  }
0x68: {  	_ =	swait.ge [sflag:s19], $0x1870  }
0x69: {  	s26 =	sld [smem:$0x7F1]  }
0x6a: {  	[sflag:s19] =	ssyncset.done $0x0  }
0x6b: {  	[sflag:s19] =	ssyncadd.s32 $0xFFFFE790  }
0x6c: {  	[spmem:s26] =	stream.linear.scatter [tilespmem:s18], [sflag:$0x8], $0x1870, $0x38;
	[tilespmem:$0x1DFF0] =	vst v63  }
0x6d: {  	_ =	swait.ge [sflag:s19], $0x1870  }
0x6e: {  	s8 =	sld [smem:$0x7F2]  }
0x6f: {  	[sflag:s19] =	ssyncset.done $0x0  }
0x70: {  	[sflag:s19] =	ssyncadd.s32 $0xFFFFE790  }
0x71: {  	[spmem:s8] =	stream.linear.scatter [tilespmem:s18], [sflag:$0x8], $0x1870, $0x38;
	[tilespmem:$0x1DFF0] =	vst v63  }
0x72: {  	_ =	swait.ge [sflag:s19], $0x1870  }
0x73: {  	s26 =	sld [smem:$0x7F3]  }
0x74: {  	[sflag:s19] =	ssyncset.done $0x0  }
0x75: {  	[sflag:s19] =	ssyncadd.s32 $0xFFFFE790  }
0x76: {  	[spmem:s26] =	stream.linear.scatter [tilespmem:s18], [sflag:$0x8], $0x1870, $0x38;
	[tilespmem:$0x1DFF0] =	vst v63  }
0x77: {  	_ =	swait.ge [sflag:s19], $0x1870  }
0x78: {  	[sflag:s19] =	ssyncset.done $0x0  }
0x79: {  	[sflag:s19] =	ssyncadd.s32 $0xFFFFE790  }
0x7a: {  	s28 =	simm.s32 $0x11970;
	s24 =	simm.s32 $0x0;
	s8 =	rddreg [dreg:$0x1]  }
0x7b: {  	[tilespmem:s28], [sflag:$0x8] =	stream.linear.gather [hbm4b:s8+s24], $0x80, $0x38;
	[tilespmem:$0x1DFF0] =	vst v63  }
0x7c: {  	_ =	swait.ge [sflag:s19], $0x80  }
0x7d: {  	[sflag:s19] =	ssyncset.done $0x0  }
0x7e: {  	[sflag:s19] =	ssyncadd.s32 $0xFFFFFF80  }
0x7f: {  	v2 =	vld [tilespmem:$0x11970]  }
0x80: {  	s28 =	simm.s32 $0xDBF0;
	s8 =	rddreg [dreg:$0xe];
	v3 =	vld [tilespmem:$0x11980]  }
0x81: {  	v1 =	vld [tilespmem:$0x11990];
	[tilespmem:s28], [sflag:$0x8] =	stream.linear.gather [hbm4b:s8+s24], $0x24C0, $0x38  }
0x82: {  	_ =	swait.ge [sflag:s19], $0x24C0  }
0x83: {  	[sflag:s19] =	ssyncset.done $0x0  }
0x84: {  	s28 =	simm.s32 $0x0;
	[sflag:s19] =	ssyncadd.s32 $0xFFFFDB40  }
0x85: {  	v4 =	vld [tilespmem:s28+$0xDBF0]  }
0x86: {  	s24 =	simm.s32 $0xC0;
	v5 =	vld [tilespmem:s28+$0xDC00]  }
.LBB2_4:
0x87: {  	p2 =	sne.s32 s24, $0x9240;
	v6 =	vld [tilespmem:s28+$0xDC10];
	_ =	sdelay $0x2  }
.Ltmp1:
0x88: {  	v4 =	vadd.f32 v4, v2;
	(pc) =	sbr.rel @p2 .LBB2_4-.Ltmp1, $4  }
0x89: {  	v5 =	vadd.f32 v5, v3  }
0x8a: {  	s26 =	sshra.s32 s24, $0x2;
	[tilespmem:s28+$0xDBF0] =	vst v4;
	v6 =	vadd.f32 v6, v1  }
0x8b: {  	v4 =	vld [tilespmem:s26+$0xDBF0];
	[tilespmem:s28+$0xDC00] =	vst v5  }
0x8c: {  	s24 =	sadd.s32 $0xC0, s24;
	v5 =	vld [tilespmem:s26+$0xDC00];
	[tilespmem:s28+$0xDC10] =	vst v6;
	s28 =	smov.u32 s26  }
0x8d: {  	v6 =	vld [tilespmem:s28+$0xDC10];
	_ =	sdelay $0x2  }
0x8e: {  	v4 =	vadd.f32 v4, v2  }
0x8f: {  	v5 =	vadd.f32 v5, v3  }
0x90: {  	s24 =	sld [smem:$0x7F4];
	[tilespmem:s28+$0xDBF0] =	vst v4;
	v4 =	vadd.f32 v6, v1  }
0x91: {  	[tilespmem:s28+$0xDC00] =	vst v5  }
0x92: {  	s8 =	simm.s32 $0xDBF0;
	[tilespmem:s28+$0xDC10] =	vst v4  }
0x93: {  	[spmem:s24] =	stream.linear.scatter [tilespmem:s8], [sflag:$0x8], $0x24C0, $0x38;
	[tilespmem:$0x1DFF0] =	vst v63  }
0x94: {  	_ =	swait.ge [sflag:s19], $0x24C0  }
0x95: {  	s26 =	simm.s32 @!p0 $0xDBF0;
	[sflag:s19] =	ssyncset.done $0x0  }
0x96: {  	s24 =	simm.s32 @!p0 $0x0;
	s28 =	rddreg [dreg:$0xf];
	[sflag:s19] =	ssyncadd.s32 $0xFFFFDB40  }
0x97: {  	[hbm4b:s28+s24] =	stream.linear.scatter @!p0 [tilespmem:s26], [sflag:$0x8], $0x24C0, $0x38;
	[tilespmem:$0x1DFF0] =	vst v63  }
0x98: {  	s24 =	simm.s32 @!p0 $0x8  }
0x99: {  	_ =	swait.ge @!p0 [sflag:s24], $0x24C0  }
0x9a: {  	[sflag:s24] =	ssyncset.done @!p0 $0x0  }
0x9b: {  	s26 =	rddreg [dreg:$0x10];
	[sflag:s24] =	ssyncadd.s32 @!p0 $0xFFFFDB40;
	s24 =	simm.s32 $0x0  }
0x9c: {  	[tilespmem:s8], [sflag:$0x8] =	stream.linear.gather [hbm4b:s26+s24], $0x2490, $0x38;
	[tilespmem:$0x1DFF0] =	vst v63  }
0x9d: {  	_ =	swait.ge [sflag:s19], $0x2490  }
0x9e: {  	[sflag:s19] =	ssyncset.done $0x0  }
0x9f: {  	s28 =	simm.s32 $0x0;
	[sflag:s19] =	ssyncadd.s32 $0xFFFFDB70  }
0xa0: {  	v4 =	vld [tilespmem:s28+$0xDBF0]  }
0xa1: {  	s24 =	simm.s32 $0xC0;
	v5 =	vld [tilespmem:s28+$0xDC00]  }
.LBB2_6:
0xa2: {  	p2 =	sne.s32 s24, $0x9180;
	v6 =	vld [tilespmem:s28+$0xDC10];
	_ =	sdelay $0x2  }
.Ltmp2:
0xa3: {  	v4 =	vadd.f32 v4, v2;
	(pc) =	sbr.rel @p2 .LBB2_6-.Ltmp2, $4  }
0xa4: {  	v5 =	vadd.f32 v5, v3  }
0xa5: {  	s26 =	sshra.s32 s24, $0x2;
	[tilespmem:s28+$0xDBF0] =	vst v4;
	v6 =	vadd.f32 v6, v1  }
0xa6: {  	v4 =	vld [tilespmem:s26+$0xDBF0];
	[tilespmem:s28+$0xDC00] =	vst v5  }
0xa7: {  	s24 =	sadd.s32 $0xC0, s24;
	v5 =	vld [tilespmem:s26+$0xDC00];
	[tilespmem:s28+$0xDC10] =	vst v6;
	s28 =	smov.u32 s26  }
0xa8: {  	v6 =	vld [tilespmem:s28+$0xDC10];
	_ =	sdelay $0x2  }
0xa9: {  	v2 =	vadd.f32 v4, v2  }
0xaa: {  	v3 =	vadd.f32 v5, v3  }
0xab: {  	s24 =	sld [smem:$0x7F5];
	[tilespmem:s28+$0xDBF0] =	vst v2;
	v1 =	vadd.f32 v6, v1  }
0xac: {  	[tilespmem:s28+$0xDC00] =	vst v3  }
0xad: {  	s26 =	simm.s32 $0xDBF0;
	[tilespmem:s28+$0xDC10] =	vst v1  }
0xae: {  	[spmem:s24] =	stream.linear.scatter [tilespmem:s26], [sflag:$0x8], $0x2490, $0x38;
	[tilespmem:$0x1DFF0] =	vst v63  }
0xaf: {  	_ =	swait.ge [sflag:s19], $0x2490  }
0xb0: {  	s24 =	simm.s32 @!p0 $0x0;
	[sflag:s19] =	ssyncset.done $0x0  }
0xb1: {  	s26 =	simm.s32 @!p0 $0xDBF0;
	s28 =	rddreg [dreg:$0x11];
	[sflag:s19] =	ssyncadd.s32 $0xFFFFDB70  }
0xb2: {  	[hbm4b:s28+s24] =	stream.linear.scatter @!p0 [tilespmem:s26], [sflag:$0x8], $0x2490, $0x38;
	[tilespmem:$0x1DFF0] =	vst v63  }
0xb3: {  	s24 =	simm.s32 @!p0 $0x8  }
0xb4: {  	_ =	swait.ge @!p0 [sflag:s24], $0x2490  }
0xb5: {  	[sflag:s24] =	ssyncset.done @!p0 $0x0  }
0xb6: {  	[sflag:s24] =	ssyncadd.s32 @!p0 $0xFFFFDB70  }
0xb7: {  	[bflag:$0x0] =	sbarrier.arrive $0xFFFF  }
0xb8: {  	s24 =	simm.s32 $0x0;
	s8 =	rddreg [dreg:$0x12]  }
0xb9: {  	[tilespmem:s23], [sflag:$0x4] =	stream.linear.gather [hbm4b:s8+s24], $0xAB0, $0x38;
	[tilespmem:$0x1DFF0] =	vst v63  }
0xba: {  	s26 =	rddreg [dreg:$0x13];
	s8 =	simm.s32 $0x119F0  }
0xbb: {  	[tilespmem:s8], [sflag:$0x4] =	stream.linear.gather [hbm4b:s26+s24], $0xAB0, $0x38;
	[tilespmem:$0x1DFF0] =	vst v63  }
0xbc: {  	s26 =	sld [smem:$0x7CF];
	_ =	sdelay $0x1  }
0xbd: {  	s8 =	simm.s32 $0x12FF0  }
0xbe: {  	[tilespmem:s8], [sflag:$0x4] =	stream.linear.gather [hbm4b:s26+s24], $0xAB0, $0x38;
	[tilespmem:$0x1DFF0] =	vst v63  }
0xbf: {  	_ =	swait.ge [sflag:s29], $0xAB0  }
0xc0: {  	[sflag:s29] =	ssyncset.done $0x0  }
0xc1: {  	[sflag:s29] =	ssyncadd.s32 $0xFFFFF550  }
0xc2: {  	_ =	swait.ge [sflag:s29], $0xAB0  }
0xc3: {  	[sflag:s29] =	ssyncset.done $0x0  }
0xc4: {  	[sflag:s29] =	ssyncadd.s32 $0xFFFFF550  }
0xc5: {  	_ =	swait.ge [sflag:s29], $0xAB0  }
0xc6: {  	[sflag:s29] =	ssyncset.done $0x0  }
0xc7: {  	s28 =	simm.s32 $0x0;
	[sflag:s29] =	ssyncadd.s32 $0xFFFFF550  }
0xc8: {  	v1 =	vld [tilespmem:s28+$0x119F0];
	_ =	sdelay $0x2  }
0xc9: {  	s24 =	simm.s32 $0x40  }
.LBB2_8:
0xca: {  	p2 =	sne.s32 s24, $0x2A80  }
.Ltmp3:
0xcb: {  	s26 =	sshra.s32 s24, $0x2;
	s24 =	sadd.s32 $0x40, s24;
	v2 =	vmul.u32 $0x3, v1;
	(pc) =	sbr.rel @p2 .LBB2_8-.Ltmp3, $4  }
0xcc: {  	v1 =	vld [tilespmem:s26+$0x119F0]  }
0xcd: {  	[tilespmem:s28+$0x15BF0] =	vst v2;
	v3 =	vadd.s32 $0x1, v2;
	v2 =	vadd.s32 $0x2, v2  }
0xce: {  	[tilespmem:s28+$0x171F0] =	vst v2  }
0xcf: {  	[tilespmem:s28+$0x166F0] =	vst v3;
	s28 =	smov.u32 s26  }
0xd0: {  	_ = 	snop  }
0xd1: {  	v1 =	vmul.u32 $0x3, v1;
	_ =	sdelay $0x1  }
0xd2: {  	[tilespmem:s28+$0x15BF0] =	vst v1;
	v2 =	vadd.s32 $0x2, v1  }
0xd3: {  	v1 =	vadd.s32 $0x1, v1;
	[tilespmem:s28+$0x171F0] =	vst v2  }
0xd4: {  	s8 =	simm.s32 $0x15BF0;
	[tilespmem:s28+$0x166F0] =	vst v1  }
0xd5: {  	[tilespmem:s9], [sflag:$0x1] =	stream.indirect.gather [spmem:s30], $0x1, s8, s31, $0xb8;
	[tilespmem:$0x1DFF0] =	vst v63  }
0xd6: {  	_ = 	snop  }
0xd7: {  	[tilespmem:s11], [sflag:$0x2] =	stream.indirect.gather [spmem:s30], $0x1, s10, s31, $0xb8;
	[tilespmem:$0x1DFF0] =	vst v63  }
0xd8: {  	_ = 	snop  }
0xd9: {  	[tilespmem:s14], [sflag:$0x3] =	stream.indirect.gather [spmem:s30], $0x1, s12, s31, $0xb8;
	[tilespmem:$0x1DFF0] =	vst v63  }
0xda: {  	s24 =	simm.s32 $0x0;
	s26 =	rddreg [dreg:$0x14]  }
0xdb: {  	[tilespmem:s15], [sflag:$0x5] =	stream.linear.gather [hbm4b:s26+s24], $0xAB0, $0x38;
	[tilespmem:$0x1DFF0] =	vst v63  }
0xdc: {  	s8 =	rddreg [dreg:$0x15]  }
0xdd: {  	[tilespmem:s16], [sflag:$0x5] =	stream.linear.gather [hbm4b:s8+s24], $0xAB0, $0x38;
	[tilespmem:$0x1DFF0] =	vst v63  }
0xde: {  	s8 =	sld [smem:$0x7D0];
	_ =	sdelay $0x2  }
0xdf: {  	[tilespmem:s0], [sflag:$0x5] =	stream.linear.gather [hbm4b:s8+s24], $0xAB0, $0x38;
	[tilespmem:$0x1DFF0] =	vst v63  }
0xe0: {  	_ =	swait.ge [sflag:s2], $0xAB0  }
0xe1: {  	[sflag:s2] =	ssyncset.done $0x0  }
0xe2: {  	[sflag:s2] =	ssyncadd.s32 $0xFFFFF550  }
0xe3: {  	_ =	swait.ge [sflag:s3], $0xAB0  }
0xe4: {  	[sflag:s3] =	ssyncset.done $0x0  }
0xe5: {  	[sflag:s3] =	ssyncadd.s32 $0xFFFFF550  }
0xe6: {  	_ =	swait.ge [sflag:s21], $0xAB0  }
0xe7: {  	[sflag:s21] =	ssyncset.done $0x0  }
0xe8: {  	s28 =	simm.s32 $0x0;
	[sflag:s21] =	ssyncadd.s32 $0xFFFFF550  }
0xe9: {  	v1 =	vld [tilespmem:s28+$0x12FF0]  }
0xea: {  	v2 =	vld [tilespmem:s28+$0x19DF0]  }
0xeb: {  	s24 =	simm.s32 $0x40;
	v3 =	vld [tilespmem:s28+$0x1A8F0]  }
.LBB2_10:
0xec: {  	p2 =	sne.s32 s24, $0x2A80;
	v4 =	vld [tilespmem:s28+$0x1B3F0];
	_ =	sdelay $0x2  }
.Ltmp4:
0xed: {  	v2 =	vmul.f32 v2, v1;
	(pc) =	sbr.rel @p2 .LBB2_10-.Ltmp4, $4  }
0xee: {  	s26 =	sshra.s32 s24, $0x2;
	v3 =	vmul.f32 v3, v1  }
0xef: {  	[tilespmem:s28+$0x19DF0] =	vst v2;
	v4 =	vmul.f32 v4, v1;
	v1 =	vld [tilespmem:s26+$0x12FF0]  }
0xf0: {  	v2 =	vld [tilespmem:s26+$0x19DF0];
	[tilespmem:s28+$0x1A8F0] =	vst v3  }
0xf1: {  	s24 =	sadd.s32 $0x40, s24;
	v3 =	vld [tilespmem:s26+$0x1A8F0];
	[tilespmem:s28+$0x1B3F0] =	vst v4;
	s28 =	smov.u32 s26  }
0xf2: {  	v4 =	vld [tilespmem:s28+$0x1B3F0];
	_ =	sdelay $0x2  }
0xf3: {  	v2 =	vmul.f32 v2, v1  }
0xf4: {  	v3 =	vmul.f32 v3, v1  }
0xf5: {  	[tilespmem:s28+$0x19DF0] =	vst v2;
	v1 =	vmul.f32 v4, v1  }
0xf6: {  	[tilespmem:s28+$0x1A8F0] =	vst v3  }
0xf7: {  	s24 =	rddreg [dreg:$0x6];
	[tilespmem:s28+$0x1B3F0] =	vst v1  }
0xf8: {  	[spmem:s24] =	stream.indirect.scatter.add.f32 [tilespmem:s9], [sflag:$0x6], $0x1, s23, s31, $0xb8;
	[tilespmem:$0x1DFF0] =	vst v63  }
0xf9: {  	s8 =	rddreg [dreg:$0x7]  }
0xfa: {  	[spmem:s8] =	stream.indirect.scatter.add.f32 [tilespmem:s11], [sflag:$0x6], $0x1, s23, s31, $0xb8;
	[tilespmem:$0x1DFF0] =	vst v63  }
0xfb: {  	s26 =	rddreg [dreg:$0x8]  }
0xfc: {  	[spmem:s26] =	stream.indirect.scatter.add.f32 [tilespmem:s14], [sflag:$0x6], $0x1, s23, s31, $0xb8;
	[tilespmem:$0x1DFF0] =	vst v63  }
0xfd: {  	_ =	swait.ge [sflag:s4], $0xAB0  }
0xfe: {  	[sflag:s4] =	ssyncset.done $0x0  }
0xff: {  	[sflag:s4] =	ssyncadd.s32 $0xFFFFF550  }
0x100: {  	_ =	swait.ge [sflag:s4], $0xAB0  }
0x101: {  	[sflag:s4] =	ssyncset.done $0x0  }
0x102: {  	[sflag:s4] =	ssyncadd.s32 $0xFFFFF550  }
0x103: {  	_ =	swait.ge [sflag:s4], $0xAB0  }
0x104: {  	[sflag:s4] =	ssyncset.done $0x0  }
0x105: {  	s28 =	simm.s32 $0x0;
	[sflag:s4] =	ssyncadd.s32 $0xFFFFF550  }
0x106: {  	v1 =	vld [tilespmem:s28+$0x13AF0];
	_ =	sdelay $0x2  }
0x107: {  	s24 =	simm.s32 $0x40  }
.LBB2_12:
0x108: {  	p2 =	sne.s32 s24, $0x2A80  }
.Ltmp5:
0x109: {  	s26 =	sshra.s32 s24, $0x2;
	s24 =	sadd.s32 $0x40, s24;
	v2 =	vmul.u32 $0x3, v1;
	(pc) =	sbr.rel @p2 .LBB2_12-.Ltmp5, $4  }
0x10a: {  	v1 =	vld [tilespmem:s26+$0x13AF0]  }
0x10b: {  	[tilespmem:s28+$0x17CF0] =	vst v2;
	v3 =	vadd.s32 $0x1, v2;
	v2 =	vadd.s32 $0x2, v2  }
0x10c: {  	[tilespmem:s28+$0x192F0] =	vst v2  }
0x10d: {  	[tilespmem:s28+$0x187F0] =	vst v3;
	s28 =	smov.u32 s26  }
0x10e: {  	_ = 	snop  }
0x10f: {  	v1 =	vmul.u32 $0x3, v1;
	_ =	sdelay $0x1  }
0x110: {  	[tilespmem:s28+$0x17CF0] =	vst v1;
	v2 =	vadd.s32 $0x2, v1  }
0x111: {  	v1 =	vadd.s32 $0x1, v1;
	[tilespmem:s28+$0x192F0] =	vst v2  }
0x112: {  	[tilespmem:s28+$0x187F0] =	vst v1  }
0x113: {  	[tilespmem:s6], [sflag:$0x1] =	stream.indirect.gather [spmem:s30], $0x1, s5, s31, $0xb8;
	[tilespmem:$0x1DFF0] =	vst v63  }
0x114: {  	_ = 	snop  }
0x115: {  	[tilespmem:s1], [sflag:$0x2] =	stream.indirect.gather [spmem:s30], $0x1, s7, s31, $0xb8;
	[tilespmem:$0x1DFF0] =	vst v63  }
0x116: {  	_ = 	snop  }
0x117: {  	[tilespmem:s17], [sflag:$0x3] =	stream.indirect.gather [spmem:s30], $0x1, s13, s31, $0xb8;
	[tilespmem:$0x1DFF0] =	vst v63  }
0x118: {  	_ =	swait.ge [sflag:s20], $0xAB0  }
0x119: {  	[sflag:s20] =	ssyncset.done $0x0  }
0x11a: {  	[sflag:s20] =	ssyncadd.s32 $0xFFFFF550  }
0x11b: {  	_ =	swait.ge [sflag:s20], $0xAB0  }
0x11c: {  	[sflag:s20] =	ssyncset.done $0x0  }
0x11d: {  	[sflag:s20] =	ssyncadd.s32 $0xFFFFF550  }
0x11e: {  	_ =	swait.ge [sflag:s20], $0xAB0  }
0x11f: {  	[sflag:s20] =	ssyncset.done $0x0  }
0x120: {  	s24 =	simm.s32 $0x0;
	s26 =	rddreg [dreg:$0x16];
	[sflag:s20] =	ssyncadd.s32 $0xFFFFF550  }
0x121: {  	[tilespmem:s23], [sflag:$0x4] =	stream.linear.gather [hbm4b:s26+s24], $0xAB0, $0x38;
	[tilespmem:$0x1DFF0] =	vst v63  }
0x122: {  	s8 =	simm.s32 $0x119F0;
	s26 =	rddreg [dreg:$0x17]  }
0x123: {  	[tilespmem:s8], [sflag:$0x4] =	stream.linear.gather [hbm4b:s26+s24], $0xAB0, $0x38;
	[tilespmem:$0x1DFF0] =	vst v63  }
0x124: {  	s26 =	sld [smem:$0x7D1];
	_ =	sdelay $0x1  }
0x125: {  	s8 =	simm.s32 $0x12FF0  }
0x126: {  	[tilespmem:s8], [sflag:$0x4] =	stream.linear.gather [hbm4b:s26+s24], $0xAB0, $0x38;
	[tilespmem:$0x1DFF0] =	vst v63  }
0x127: {  	_ =	swait.ge [sflag:s2], $0xAB0  }
0x128: {  	[sflag:s2] =	ssyncset.done $0x0  }
0x129: {  	[sflag:s2] =	ssyncadd.s32 $0xFFFFF550  }
0x12a: {  	_ =	swait.ge [sflag:s3], $0xAB0  }
0x12b: {  	[sflag:s3] =	ssyncset.done $0x0  }
0x12c: {  	[sflag:s3] =	ssyncadd.s32 $0xFFFFF550  }
0x12d: {  	_ =	swait.ge [sflag:s21], $0xAB0  }
0x12e: {  	[sflag:s21] =	ssyncset.done $0x0  }
0x12f: {  	s28 =	simm.s32 $0x0;
	[sflag:s21] =	ssyncadd.s32 $0xFFFFF550  }
0x130: {  	v1 =	vld [tilespmem:s28+$0x150F0]  }
0x131: {  	v2 =	vld [tilespmem:s28+$0x1BEF0]  }
0x132: {  	s24 =	simm.s32 $0x40;
	v3 =	vld [tilespmem:s28+$0x1C9F0]  }
.LBB2_14:
0x133: {  	p2 =	sne.s32 s24, $0x2A80;
	v4 =	vld [tilespmem:s28+$0x1D4F0];
	_ =	sdelay $0x2  }
.Ltmp6:
0x134: {  	v2 =	vmul.f32 v2, v1;
	(pc) =	sbr.rel @p2 .LBB2_14-.Ltmp6, $4  }
0x135: {  	s26 =	sshra.s32 s24, $0x2;
	v3 =	vmul.f32 v3, v1  }
0x136: {  	[tilespmem:s28+$0x1BEF0] =	vst v2;
	v4 =	vmul.f32 v4, v1;
	v1 =	vld [tilespmem:s26+$0x150F0]  }
0x137: {  	v2 =	vld [tilespmem:s26+$0x1BEF0];
	[tilespmem:s28+$0x1C9F0] =	vst v3  }
0x138: {  	s24 =	sadd.s32 $0x40, s24;
	v3 =	vld [tilespmem:s26+$0x1C9F0];
	[tilespmem:s28+$0x1D4F0] =	vst v4;
	s28 =	smov.u32 s26  }
0x139: {  	v4 =	vld [tilespmem:s28+$0x1D4F0];
	_ =	sdelay $0x2  }
0x13a: {  	v2 =	vmul.f32 v2, v1  }
0x13b: {  	v3 =	vmul.f32 v3, v1  }
0x13c: {  	[tilespmem:s28+$0x1BEF0] =	vst v2;
	v1 =	vmul.f32 v4, v1  }
0x13d: {  	[tilespmem:s28+$0x1C9F0] =	vst v3  }
0x13e: {  	s24 =	rddreg [dreg:$0x6];
	[tilespmem:s28+$0x1D4F0] =	vst v1  }
0x13f: {  	[spmem:s24] =	stream.indirect.scatter.add.f32 [tilespmem:s6], [sflag:$0x7], $0x1, s15, s31, $0xb8;
	[tilespmem:$0x1DFF0] =	vst v63  }
0x140: {  	s8 =	rddreg [dreg:$0x7]  }
0x141: {  	[spmem:s8] =	stream.indirect.scatter.add.f32 [tilespmem:s1], [sflag:$0x7], $0x1, s15, s31, $0xb8;
	[tilespmem:$0x1DFF0] =	vst v63  }
0x142: {  	s26 =	rddreg [dreg:$0x8]  }
0x143: {  	[spmem:s26] =	stream.indirect.scatter.add.f32 [tilespmem:s17], [sflag:$0x7], $0x1, s15, s31, $0xb8;
	[tilespmem:$0x1DFF0] =	vst v63  }
0x144: {  	_ =	swait.ge [sflag:s29], $0xAB0  }
0x145: {  	[sflag:s29] =	ssyncset.done $0x0  }
0x146: {  	[sflag:s29] =	ssyncadd.s32 $0xFFFFF550  }
0x147: {  	_ =	swait.ge [sflag:s29], $0xAB0  }
0x148: {  	[sflag:s29] =	ssyncset.done $0x0  }
0x149: {  	[sflag:s29] =	ssyncadd.s32 $0xFFFFF550  }
0x14a: {  	_ =	swait.ge [sflag:s29], $0xAB0  }
0x14b: {  	[sflag:s29] =	ssyncset.done $0x0  }
0x14c: {  	s28 =	simm.s32 $0x0;
	[sflag:s29] =	ssyncadd.s32 $0xFFFFF550  }
0x14d: {  	v1 =	vld [tilespmem:s28+$0x119F0];
	_ =	sdelay $0x2  }
0x14e: {  	s24 =	simm.s32 $0x40  }
.LBB2_16:
0x14f: {  	p2 =	sne.s32 s24, $0x2A80  }
.Ltmp7:
0x150: {  	s26 =	sshra.s32 s24, $0x2;
	s24 =	sadd.s32 $0x40, s24;
	v2 =	vmul.u32 $0x3, v1;
	(pc) =	sbr.rel @p2 .LBB2_16-.Ltmp7, $4  }
0x151: {  	v1 =	vld [tilespmem:s26+$0x119F0]  }
0x152: {  	[tilespmem:s28+$0x15BF0] =	vst v2;
	v3 =	vadd.s32 $0x1, v2;
	v2 =	vadd.s32 $0x2, v2  }
0x153: {  	[tilespmem:s28+$0x171F0] =	vst v2  }
0x154: {  	[tilespmem:s28+$0x166F0] =	vst v3;
	s28 =	smov.u32 s26  }
0x155: {  	_ = 	snop  }
0x156: {  	v1 =	vmul.u32 $0x3, v1;
	_ =	sdelay $0x1  }
0x157: {  	[tilespmem:s28+$0x15BF0] =	vst v1;
	v2 =	vadd.s32 $0x2, v1  }
0x158: {  	v1 =	vadd.s32 $0x1, v1;
	[tilespmem:s28+$0x171F0] =	vst v2  }
0x159: {  	s8 =	simm.s32 $0x15BF0;
	[tilespmem:s28+$0x166F0] =	vst v1  }
0x15a: {  	[tilespmem:s9], [sflag:$0x1] =	stream.indirect.gather [spmem:s30], $0x1, s8, s31, $0xb8;
	[tilespmem:$0x1DFF0] =	vst v63  }
0x15b: {  	_ = 	snop  }
0x15c: {  	[tilespmem:s11], [sflag:$0x2] =	stream.indirect.gather [spmem:s30], $0x1, s10, s31, $0xb8;
	[tilespmem:$0x1DFF0] =	vst v63  }
0x15d: {  	_ = 	snop  }
0x15e: {  	[tilespmem:s14], [sflag:$0x3] =	stream.indirect.gather [spmem:s30], $0x1, s12, s31, $0xb8;
	[tilespmem:$0x1DFF0] =	vst v63  }
0x15f: {  	_ =	swait.ge [sflag:s22], $0xAB0  }
0x160: {  	[sflag:s22] =	ssyncset.done $0x0  }
0x161: {  	[sflag:s22] =	ssyncadd.s32 $0xFFFFF550  }
0x162: {  	_ =	swait.ge [sflag:s22], $0xAB0  }
0x163: {  	[sflag:s22] =	ssyncset.done $0x0  }
0x164: {  	[sflag:s22] =	ssyncadd.s32 $0xFFFFF550  }
0x165: {  	_ =	swait.ge [sflag:s22], $0xAB0  }
0x166: {  	[sflag:s22] =	ssyncset.done $0x0  }
0x167: {  	s24 =	simm.s32 $0x0;
	s26 =	rddreg [dreg:$0x18];
	[sflag:s22] =	ssyncadd.s32 $0xFFFFF550  }
0x168: {  	[tilespmem:s15], [sflag:$0x5] =	stream.linear.gather [hbm4b:s26+s24], $0xAB0, $0x38;
	[tilespmem:$0x1DFF0] =	vst v63  }
0x169: {  	s8 =	rddreg [dreg:$0x19]  }
0x16a: {  	[tilespmem:s16], [sflag:$0x5] =	stream.linear.gather [hbm4b:s8+s24], $0xAB0, $0x38;
	[tilespmem:$0x1DFF0] =	vst v63  }
0x16b: {  	s8 =	sld [smem:$0x7D2];
	_ =	sdelay $0x2  }
0x16c: {  	[tilespmem:s0], [sflag:$0x5] =	stream.linear.gather [hbm4b:s8+s24], $0xAB0, $0x38;
	[tilespmem:$0x1DFF0] =	vst v63  }
0x16d: {  	_ =	swait.ge [sflag:s2], $0xAB0  }
0x16e: {  	[sflag:s2] =	ssyncset.done $0x0  }
0x16f: {  	[sflag:s2] =	ssyncadd.s32 $0xFFFFF550  }
0x170: {  	_ =	swait.ge [sflag:s3], $0xAB0  }
0x171: {  	[sflag:s3] =	ssyncset.done $0x0  }
0x172: {  	[sflag:s3] =	ssyncadd.s32 $0xFFFFF550  }
0x173: {  	_ =	swait.ge [sflag:s21], $0xAB0  }
0x174: {  	[sflag:s21] =	ssyncset.done $0x0  }
0x175: {  	s28 =	simm.s32 $0x0;
	[sflag:s21] =	ssyncadd.s32 $0xFFFFF550  }
0x176: {  	v1 =	vld [tilespmem:s28+$0x12FF0]  }
0x177: {  	v2 =	vld [tilespmem:s28+$0x19DF0]  }
0x178: {  	s24 =	simm.s32 $0x40;
	v3 =	vld [tilespmem:s28+$0x1A8F0]  }
.LBB2_18:
0x179: {  	p2 =	sne.s32 s24, $0x2A80;
	v4 =	vld [tilespmem:s28+$0x1B3F0];
	_ =	sdelay $0x2  }
.Ltmp8:
0x17a: {  	v2 =	vmul.f32 v2, v1;
	(pc) =	sbr.rel @p2 .LBB2_18-.Ltmp8, $4  }
0x17b: {  	s26 =	sshra.s32 s24, $0x2;
	v3 =	vmul.f32 v3, v1  }
0x17c: {  	[tilespmem:s28+$0x19DF0] =	vst v2;
	v4 =	vmul.f32 v4, v1;
	v1 =	vld [tilespmem:s26+$0x12FF0]  }
0x17d: {  	v2 =	vld [tilespmem:s26+$0x19DF0];
	[tilespmem:s28+$0x1A8F0] =	vst v3  }
0x17e: {  	s24 =	sadd.s32 $0x40, s24;
	v3 =	vld [tilespmem:s26+$0x1A8F0];
	[tilespmem:s28+$0x1B3F0] =	vst v4;
	s28 =	smov.u32 s26  }
0x17f: {  	v4 =	vld [tilespmem:s28+$0x1B3F0];
	_ =	sdelay $0x2  }
0x180: {  	v2 =	vmul.f32 v2, v1  }
0x181: {  	v3 =	vmul.f32 v3, v1  }
0x182: {  	[tilespmem:s28+$0x19DF0] =	vst v2;
	v1 =	vmul.f32 v4, v1  }
0x183: {  	[tilespmem:s28+$0x1A8F0] =	vst v3  }
0x184: {  	s24 =	rddreg [dreg:$0x6];
	[tilespmem:s28+$0x1B3F0] =	vst v1  }
0x185: {  	[spmem:s24] =	stream.indirect.scatter.add.f32 [tilespmem:s9], [sflag:$0x6], $0x1, s23, s31, $0xb8;
	[tilespmem:$0x1DFF0] =	vst v63  }
0x186: {  	s8 =	rddreg [dreg:$0x7]  }
0x187: {  	[spmem:s8] =	stream.indirect.scatter.add.f32 [tilespmem:s11], [sflag:$0x6], $0x1, s23, s31, $0xb8;
	[tilespmem:$0x1DFF0] =	vst v63  }
0x188: {  	s26 =	rddreg [dreg:$0x8]  }
0x189: {  	[spmem:s26] =	stream.indirect.scatter.add.f32 [tilespmem:s14], [sflag:$0x6], $0x1, s23, s31, $0xb8;
	[tilespmem:$0x1DFF0] =	vst v63  }
0x18a: {  	_ =	swait.ge [sflag:s4], $0xAB0  }
0x18b: {  	[sflag:s4] =	ssyncset.done $0x0  }
0x18c: {  	[sflag:s4] =	ssyncadd.s32 $0xFFFFF550  }
0x18d: {  	_ =	swait.ge [sflag:s4], $0xAB0  }
0x18e: {  	[sflag:s4] =	ssyncset.done $0x0  }
0x18f: {  	[sflag:s4] =	ssyncadd.s32 $0xFFFFF550  }
0x190: {  	_ =	swait.ge [sflag:s4], $0xAB0  }
0x191: {  	[sflag:s4] =	ssyncset.done $0x0  }
0x192: {  	s28 =	simm.s32 $0x0;
	[sflag:s4] =	ssyncadd.s32 $0xFFFFF550  }
0x193: {  	v1 =	vld [tilespmem:s28+$0x13AF0];
	_ =	sdelay $0x2  }
0x194: {  	s24 =	simm.s32 $0x40  }
.LBB2_20:
0x195: {  	p2 =	sne.s32 s24, $0x2A80  }
.Ltmp9:
0x196: {  	s26 =	sshra.s32 s24, $0x2;
	s24 =	sadd.s32 $0x40, s24;
	v2 =	vmul.u32 $0x3, v1;
	(pc) =	sbr.rel @p2 .LBB2_20-.Ltmp9, $4  }
0x197: {  	v1 =	vld [tilespmem:s26+$0x13AF0]  }
0x198: {  	[tilespmem:s28+$0x17CF0] =	vst v2;
	v3 =	vadd.s32 $0x1, v2;
	v2 =	vadd.s32 $0x2, v2  }
0x199: {  	[tilespmem:s28+$0x192F0] =	vst v2  }
0x19a: {  	[tilespmem:s28+$0x187F0] =	vst v3;
	s28 =	smov.u32 s26  }
0x19b: {  	_ = 	snop  }
0x19c: {  	v1 =	vmul.u32 $0x3, v1;
	_ =	sdelay $0x1  }
0x19d: {  	[tilespmem:s28+$0x17CF0] =	vst v1;
	v2 =	vadd.s32 $0x2, v1  }
0x19e: {  	v1 =	vadd.s32 $0x1, v1;
	[tilespmem:s28+$0x192F0] =	vst v2  }
0x19f: {  	[tilespmem:s28+$0x187F0] =	vst v1  }
0x1a0: {  	[tilespmem:s6], [sflag:$0x1] =	stream.indirect.gather [spmem:s30], $0x1, s5, s31, $0xb8;
	[tilespmem:$0x1DFF0] =	vst v63  }
0x1a1: {  	_ = 	snop  }
0x1a2: {  	[tilespmem:s1], [sflag:$0x2] =	stream.indirect.gather [spmem:s30], $0x1, s7, s31, $0xb8;
	[tilespmem:$0x1DFF0] =	vst v63  }
0x1a3: {  	_ = 	snop  }
0x1a4: {  	[tilespmem:s17], [sflag:$0x3] =	stream.indirect.gather [spmem:s30], $0x1, s13, s31, $0xb8;
	[tilespmem:$0x1DFF0] =	vst v63  }
0x1a5: {  	_ =	swait.ge [sflag:s20], $0xAB0  }
0x1a6: {  	[sflag:s20] =	ssyncset.done $0x0  }
0x1a7: {  	[sflag:s20] =	ssyncadd.s32 $0xFFFFF550  }
0x1a8: {  	_ =	swait.ge [sflag:s20], $0xAB0  }
0x1a9: {  	[sflag:s20] =	ssyncset.done $0x0  }
0x1aa: {  	[sflag:s20] =	ssyncadd.s32 $0xFFFFF550  }
0x1ab: {  	_ =	swait.ge [sflag:s20], $0xAB0  }
0x1ac: {  	[sflag:s20] =	ssyncset.done $0x0  }
0x1ad: {  	s24 =	simm.s32 $0x0;
	s26 =	rddreg [dreg:$0x1a];
	[sflag:s20] =	ssyncadd.s32 $0xFFFFF550  }
0x1ae: {  	[tilespmem:s23], [sflag:$0x4] =	stream.linear.gather [hbm4b:s26+s24], $0xAB0, $0x38;
	[tilespmem:$0x1DFF0] =	vst v63  }
0x1af: {  	s8 =	simm.s32 $0x119F0;
	s26 =	rddreg [dreg:$0x1b]  }
0x1b0: {  	[tilespmem:s8], [sflag:$0x4] =	stream.linear.gather [hbm4b:s26+s24], $0xAB0, $0x38;
	[tilespmem:$0x1DFF0] =	vst v63  }
0x1b1: {  	s26 =	sld [smem:$0x7D3];
	_ =	sdelay $0x1  }
0x1b2: {  	s8 =	simm.s32 $0x12FF0  }
0x1b3: {  	[tilespmem:s8], [sflag:$0x4] =	stream.linear.gather [hbm4b:s26+s24], $0xAB0, $0x38;
	[tilespmem:$0x1DFF0] =	vst v63  }
0x1b4: {  	_ =	swait.ge [sflag:s2], $0xAB0  }
0x1b5: {  	[sflag:s2] =	ssyncset.done $0x0  }
0x1b6: {  	[sflag:s2] =	ssyncadd.s32 $0xFFFFF550  }
0x1b7: {  	_ =	swait.ge [sflag:s3], $0xAB0  }
0x1b8: {  	[sflag:s3] =	ssyncset.done $0x0  }
0x1b9: {  	[sflag:s3] =	ssyncadd.s32 $0xFFFFF550  }
0x1ba: {  	_ =	swait.ge [sflag:s21], $0xAB0  }
0x1bb: {  	[sflag:s21] =	ssyncset.done $0x0  }
0x1bc: {  	s28 =	simm.s32 $0x0;
	[sflag:s21] =	ssyncadd.s32 $0xFFFFF550  }
0x1bd: {  	v1 =	vld [tilespmem:s28+$0x150F0]  }
0x1be: {  	v2 =	vld [tilespmem:s28+$0x1BEF0]  }
0x1bf: {  	s24 =	simm.s32 $0x40;
	v3 =	vld [tilespmem:s28+$0x1C9F0]  }
.LBB2_22:
0x1c0: {  	p2 =	sne.s32 s24, $0x2A80;
	v4 =	vld [tilespmem:s28+$0x1D4F0];
	_ =	sdelay $0x2  }
.Ltmp10:
0x1c1: {  	v2 =	vmul.f32 v2, v1;
	(pc) =	sbr.rel @p2 .LBB2_22-.Ltmp10, $4  }
0x1c2: {  	s26 =	sshra.s32 s24, $0x2;
	v3 =	vmul.f32 v3, v1  }
0x1c3: {  	[tilespmem:s28+$0x1BEF0] =	vst v2;
	v4 =	vmul.f32 v4, v1;
	v1 =	vld [tilespmem:s26+$0x150F0]  }
0x1c4: {  	v2 =	vld [tilespmem:s26+$0x1BEF0];
	[tilespmem:s28+$0x1C9F0] =	vst v3  }
0x1c5: {  	s24 =	sadd.s32 $0x40, s24;
	v3 =	vld [tilespmem:s26+$0x1C9F0];
	[tilespmem:s28+$0x1D4F0] =	vst v4;
	s28 =	smov.u32 s26  }
0x1c6: {  	v4 =	vld [tilespmem:s28+$0x1D4F0];
	_ =	sdelay $0x2  }
0x1c7: {  	v2 =	vmul.f32 v2, v1  }
0x1c8: {  	v3 =	vmul.f32 v3, v1  }
0x1c9: {  	[tilespmem:s28+$0x1BEF0] =	vst v2;
	v1 =	vmul.f32 v4, v1  }
0x1ca: {  	[tilespmem:s28+$0x1C9F0] =	vst v3  }
0x1cb: {  	s24 =	rddreg [dreg:$0x6];
	[tilespmem:s28+$0x1D4F0] =	vst v1  }
0x1cc: {  	[spmem:s24] =	stream.indirect.scatter.add.f32 [tilespmem:s6], [sflag:$0x7], $0x1, s15, s31, $0xb8;
	[tilespmem:$0x1DFF0] =	vst v63  }
0x1cd: {  	s8 =	rddreg [dreg:$0x7]  }
0x1ce: {  	[spmem:s8] =	stream.indirect.scatter.add.f32 [tilespmem:s1], [sflag:$0x7], $0x1, s15, s31, $0xb8;
	[tilespmem:$0x1DFF0] =	vst v63  }
0x1cf: {  	s26 =	rddreg [dreg:$0x8]  }
0x1d0: {  	[spmem:s26] =	stream.indirect.scatter.add.f32 [tilespmem:s17], [sflag:$0x7], $0x1, s15, s31, $0xb8;
	[tilespmem:$0x1DFF0] =	vst v63  }
0x1d1: {  	_ =	swait.ge [sflag:s29], $0xAB0  }
0x1d2: {  	[sflag:s29] =	ssyncset.done $0x0  }
0x1d3: {  	[sflag:s29] =	ssyncadd.s32 $0xFFFFF550  }
0x1d4: {  	_ =	swait.ge [sflag:s29], $0xAB0  }
0x1d5: {  	[sflag:s29] =	ssyncset.done $0x0  }
0x1d6: {  	[sflag:s29] =	ssyncadd.s32 $0xFFFFF550  }
0x1d7: {  	_ =	swait.ge [sflag:s29], $0xAB0  }
0x1d8: {  	[sflag:s29] =	ssyncset.done $0x0  }
0x1d9: {  	s28 =	simm.s32 $0x0;
	[sflag:s29] =	ssyncadd.s32 $0xFFFFF550  }
0x1da: {  	v1 =	vld [tilespmem:s28+$0x119F0];
	_ =	sdelay $0x2  }
0x1db: {  	s24 =	simm.s32 $0x40  }
.LBB2_24:
0x1dc: {  	p2 =	sne.s32 s24, $0x2A80  }
.Ltmp11:
0x1dd: {  	s26 =	sshra.s32 s24, $0x2;
	s24 =	sadd.s32 $0x40, s24;
	v2 =	vmul.u32 $0x3, v1;
	(pc) =	sbr.rel @p2 .LBB2_24-.Ltmp11, $4  }
0x1de: {  	v1 =	vld [tilespmem:s26+$0x119F0]  }
0x1df: {  	[tilespmem:s28+$0x15BF0] =	vst v2;
	v3 =	vadd.s32 $0x1, v2;
	v2 =	vadd.s32 $0x2, v2  }
0x1e0: {  	[tilespmem:s28+$0x171F0] =	vst v2  }
0x1e1: {  	[tilespmem:s28+$0x166F0] =	vst v3;
	s28 =	smov.u32 s26  }
0x1e2: {  	_ = 	snop  }
0x1e3: {  	v1 =	vmul.u32 $0x3, v1;
	_ =	sdelay $0x1  }
0x1e4: {  	[tilespmem:s28+$0x15BF0] =	vst v1;
	v2 =	vadd.s32 $0x2, v1  }
0x1e5: {  	v1 =	vadd.s32 $0x1, v1;
	[tilespmem:s28+$0x171F0] =	vst v2  }
0x1e6: {  	s8 =	simm.s32 $0x15BF0;
	[tilespmem:s28+$0x166F0] =	vst v1  }
0x1e7: {  	[tilespmem:s9], [sflag:$0x1] =	stream.indirect.gather [spmem:s30], $0x1, s8, s31, $0xb8;
	[tilespmem:$0x1DFF0] =	vst v63  }
0x1e8: {  	_ = 	snop  }
0x1e9: {  	[tilespmem:s11], [sflag:$0x2] =	stream.indirect.gather [spmem:s30], $0x1, s10, s31, $0xb8;
	[tilespmem:$0x1DFF0] =	vst v63  }
0x1ea: {  	_ = 	snop  }
0x1eb: {  	[tilespmem:s14], [sflag:$0x3] =	stream.indirect.gather [spmem:s30], $0x1, s12, s31, $0xb8;
	[tilespmem:$0x1DFF0] =	vst v63  }
0x1ec: {  	_ =	swait.ge [sflag:s22], $0xAB0  }
0x1ed: {  	[sflag:s22] =	ssyncset.done $0x0  }
0x1ee: {  	[sflag:s22] =	ssyncadd.s32 $0xFFFFF550  }
0x1ef: {  	_ =	swait.ge [sflag:s22], $0xAB0  }
0x1f0: {  	[sflag:s22] =	ssyncset.done $0x0  }
0x1f1: {  	[sflag:s22] =	ssyncadd.s32 $0xFFFFF550  }
0x1f2: {  	_ =	swait.ge [sflag:s22], $0xAB0  }
0x1f3: {  	[sflag:s22] =	ssyncset.done $0x0  }
0x1f4: {  	s24 =	simm.s32 $0x0;
	s26 =	rddreg [dreg:$0x1c];
	[sflag:s22] =	ssyncadd.s32 $0xFFFFF550  }
0x1f5: {  	[tilespmem:s15], [sflag:$0x5] =	stream.linear.gather [hbm4b:s26+s24], $0xAB0, $0x38;
	[tilespmem:$0x1DFF0] =	vst v63  }
0x1f6: {  	s8 =	rddreg [dreg:$0x1d]  }
0x1f7: {  	[tilespmem:s16], [sflag:$0x5] =	stream.linear.gather [hbm4b:s8+s24], $0xAB0, $0x38;
	[tilespmem:$0x1DFF0] =	vst v63  }
0x1f8: {  	s8 =	sld [smem:$0x7D4];
	_ =	sdelay $0x2  }
0x1f9: {  	[tilespmem:s0], [sflag:$0x5] =	stream.linear.gather [hbm4b:s8+s24], $0xAB0, $0x38;
	[tilespmem:$0x1DFF0] =	vst v63  }
0x1fa: {  	_ =	swait.ge [sflag:s2], $0xAB0  }
0x1fb: {  	[sflag:s2] =	ssyncset.done $0x0  }
0x1fc: {  	[sflag:s2] =	ssyncadd.s32 $0xFFFFF550  }
0x1fd: {  	_ =	swait.ge [sflag:s3], $0xAB0  }
0x1fe: {  	[sflag:s3] =	ssyncset.done $0x0  }
0x1ff: {  	[sflag:s3] =	ssyncadd.s32 $0xFFFFF550  }
0x200: {  	_ =	swait.ge [sflag:s21], $0xAB0  }
0x201: {  	[sflag:s21] =	ssyncset.done $0x0  }
0x202: {  	s28 =	simm.s32 $0x0;
	[sflag:s21] =	ssyncadd.s32 $0xFFFFF550  }
0x203: {  	v1 =	vld [tilespmem:s28+$0x12FF0]  }
0x204: {  	v2 =	vld [tilespmem:s28+$0x19DF0]  }
0x205: {  	s24 =	simm.s32 $0x40;
	v3 =	vld [tilespmem:s28+$0x1A8F0]  }
.LBB2_26:
0x206: {  	p2 =	sne.s32 s24, $0x2A80;
	v4 =	vld [tilespmem:s28+$0x1B3F0];
	_ =	sdelay $0x2  }
.Ltmp12:
0x207: {  	v2 =	vmul.f32 v2, v1;
	(pc) =	sbr.rel @p2 .LBB2_26-.Ltmp12, $4  }
0x208: {  	s26 =	sshra.s32 s24, $0x2;
	v3 =	vmul.f32 v3, v1  }
0x209: {  	[tilespmem:s28+$0x19DF0] =	vst v2;
	v4 =	vmul.f32 v4, v1;
	v1 =	vld [tilespmem:s26+$0x12FF0]  }
0x20a: {  	v2 =	vld [tilespmem:s26+$0x19DF0];
	[tilespmem:s28+$0x1A8F0] =	vst v3  }
0x20b: {  	s24 =	sadd.s32 $0x40, s24;
	v3 =	vld [tilespmem:s26+$0x1A8F0];
	[tilespmem:s28+$0x1B3F0] =	vst v4;
	s28 =	smov.u32 s26  }
0x20c: {  	v4 =	vld [tilespmem:s28+$0x1B3F0];
	_ =	sdelay $0x2  }
0x20d: {  	v2 =	vmul.f32 v2, v1  }
0x20e: {  	v3 =	vmul.f32 v3, v1  }
0x20f: {  	[tilespmem:s28+$0x19DF0] =	vst v2;
	v1 =	vmul.f32 v4, v1  }
0x210: {  	[tilespmem:s28+$0x1A8F0] =	vst v3  }
0x211: {  	s24 =	rddreg [dreg:$0x6];
	[tilespmem:s28+$0x1B3F0] =	vst v1  }
0x212: {  	[spmem:s24] =	stream.indirect.scatter.add.f32 [tilespmem:s9], [sflag:$0x6], $0x1, s23, s31, $0xb8;
	[tilespmem:$0x1DFF0] =	vst v63  }
0x213: {  	s8 =	rddreg [dreg:$0x7]  }
0x214: {  	[spmem:s8] =	stream.indirect.scatter.add.f32 [tilespmem:s11], [sflag:$0x6], $0x1, s23, s31, $0xb8;
	[tilespmem:$0x1DFF0] =	vst v63  }
0x215: {  	s26 =	rddreg [dreg:$0x8]  }
0x216: {  	[spmem:s26] =	stream.indirect.scatter.add.f32 [tilespmem:s14], [sflag:$0x6], $0x1, s23, s31, $0xb8;
	[tilespmem:$0x1DFF0] =	vst v63  }
0x217: {  	_ =	swait.ge [sflag:s4], $0xAB0  }
0x218: {  	[sflag:s4] =	ssyncset.done $0x0  }
0x219: {  	[sflag:s4] =	ssyncadd.s32 $0xFFFFF550  }
0x21a: {  	_ =	swait.ge [sflag:s4], $0xAB0  }
0x21b: {  	[sflag:s4] =	ssyncset.done $0x0  }
0x21c: {  	[sflag:s4] =	ssyncadd.s32 $0xFFFFF550  }
0x21d: {  	_ =	swait.ge [sflag:s4], $0xAB0  }
0x21e: {  	[sflag:s4] =	ssyncset.done $0x0  }
0x21f: {  	s28 =	simm.s32 $0x0;
	[sflag:s4] =	ssyncadd.s32 $0xFFFFF550  }
0x220: {  	v1 =	vld [tilespmem:s28+$0x13AF0];
	_ =	sdelay $0x2  }
0x221: {  	s24 =	simm.s32 $0x40  }
.LBB2_28:
0x222: {  	p2 =	sne.s32 s24, $0x2A80  }
.Ltmp13:
0x223: {  	s26 =	sshra.s32 s24, $0x2;
	s24 =	sadd.s32 $0x40, s24;
	v2 =	vmul.u32 $0x3, v1;
	(pc) =	sbr.rel @p2 .LBB2_28-.Ltmp13, $4  }
0x224: {  	v1 =	vld [tilespmem:s26+$0x13AF0]  }
0x225: {  	[tilespmem:s28+$0x17CF0] =	vst v2;
	v3 =	vadd.s32 $0x1, v2;
	v2 =	vadd.s32 $0x2, v2  }
0x226: {  	[tilespmem:s28+$0x192F0] =	vst v2  }
0x227: {  	[tilespmem:s28+$0x187F0] =	vst v3;
	s28 =	smov.u32 s26  }
0x228: {  	_ = 	snop  }
0x229: {  	v1 =	vmul.u32 $0x3, v1;
	_ =	sdelay $0x1  }
0x22a: {  	[tilespmem:s28+$0x17CF0] =	vst v1;
	v2 =	vadd.s32 $0x2, v1  }
0x22b: {  	v1 =	vadd.s32 $0x1, v1;
	[tilespmem:s28+$0x192F0] =	vst v2  }
0x22c: {  	[tilespmem:s28+$0x187F0] =	vst v1  }
0x22d: {  	[tilespmem:s6], [sflag:$0x1] =	stream.indirect.gather [spmem:s30], $0x1, s5, s31, $0xb8;
	[tilespmem:$0x1DFF0] =	vst v63  }
0x22e: {  	_ = 	snop  }
0x22f: {  	[tilespmem:s1], [sflag:$0x2] =	stream.indirect.gather [spmem:s30], $0x1, s7, s31, $0xb8;
	[tilespmem:$0x1DFF0] =	vst v63  }
0x230: {  	_ = 	snop  }
0x231: {  	[tilespmem:s17], [sflag:$0x3] =	stream.indirect.gather [spmem:s30], $0x1, s13, s31, $0xb8;
	[tilespmem:$0x1DFF0] =	vst v63  }
0x232: {  	_ =	swait.ge [sflag:s20], $0xAB0  }
0x233: {  	[sflag:s20] =	ssyncset.done $0x0  }
0x234: {  	[sflag:s20] =	ssyncadd.s32 $0xFFFFF550  }
0x235: {  	_ =	swait.ge [sflag:s20], $0xAB0  }
0x236: {  	[sflag:s20] =	ssyncset.done $0x0  }
0x237: {  	[sflag:s20] =	ssyncadd.s32 $0xFFFFF550  }
0x238: {  	_ =	swait.ge [sflag:s20], $0xAB0  }
0x239: {  	[sflag:s20] =	ssyncset.done $0x0  }
0x23a: {  	s24 =	simm.s32 $0x0;
	s26 =	rddreg [dreg:$0x1e];
	[sflag:s20] =	ssyncadd.s32 $0xFFFFF550  }
0x23b: {  	[tilespmem:s23], [sflag:$0x4] =	stream.linear.gather [hbm4b:s26+s24], $0xAB0, $0x38;
	[tilespmem:$0x1DFF0] =	vst v63  }
0x23c: {  	s8 =	simm.s32 $0x119F0;
	s26 =	rddreg [dreg:$0x1f]  }
0x23d: {  	[tilespmem:s8], [sflag:$0x4] =	stream.linear.gather [hbm4b:s26+s24], $0xAB0, $0x38;
	[tilespmem:$0x1DFF0] =	vst v63  }
0x23e: {  	s26 =	sld [smem:$0x7D5];
	_ =	sdelay $0x1  }
0x23f: {  	s8 =	simm.s32 $0x12FF0  }
0x240: {  	[tilespmem:s8], [sflag:$0x4] =	stream.linear.gather [hbm4b:s26+s24], $0xAB0, $0x38;
	[tilespmem:$0x1DFF0] =	vst v63  }
0x241: {  	_ =	swait.ge [sflag:s2], $0xAB0  }
0x242: {  	[sflag:s2] =	ssyncset.done $0x0  }
0x243: {  	[sflag:s2] =	ssyncadd.s32 $0xFFFFF550  }
0x244: {  	_ =	swait.ge [sflag:s3], $0xAB0  }
0x245: {  	[sflag:s3] =	ssyncset.done $0x0  }
0x246: {  	[sflag:s3] =	ssyncadd.s32 $0xFFFFF550  }
0x247: {  	_ =	swait.ge [sflag:s21], $0xAB0  }
0x248: {  	[sflag:s21] =	ssyncset.done $0x0  }
0x249: {  	s28 =	simm.s32 $0x0;
	[sflag:s21] =	ssyncadd.s32 $0xFFFFF550  }
0x24a: {  	v1 =	vld [tilespmem:s28+$0x150F0]  }
0x24b: {  	v2 =	vld [tilespmem:s28+$0x1BEF0]  }
0x24c: {  	s24 =	simm.s32 $0x40;
	v3 =	vld [tilespmem:s28+$0x1C9F0]  }
.LBB2_30:
0x24d: {  	p2 =	sne.s32 s24, $0x2A80;
	v4 =	vld [tilespmem:s28+$0x1D4F0];
	_ =	sdelay $0x2  }
.Ltmp14:
0x24e: {  	v2 =	vmul.f32 v2, v1;
	(pc) =	sbr.rel @p2 .LBB2_30-.Ltmp14, $4  }
0x24f: {  	s26 =	sshra.s32 s24, $0x2;
	v3 =	vmul.f32 v3, v1  }
0x250: {  	[tilespmem:s28+$0x1BEF0] =	vst v2;
	v4 =	vmul.f32 v4, v1;
	v1 =	vld [tilespmem:s26+$0x150F0]  }
0x251: {  	v2 =	vld [tilespmem:s26+$0x1BEF0];
	[tilespmem:s28+$0x1C9F0] =	vst v3  }
0x252: {  	s24 =	sadd.s32 $0x40, s24;
	v3 =	vld [tilespmem:s26+$0x1C9F0];
	[tilespmem:s28+$0x1D4F0] =	vst v4;
	s28 =	smov.u32 s26  }
0x253: {  	v4 =	vld [tilespmem:s28+$0x1D4F0];
	_ =	sdelay $0x2  }
0x254: {  	v2 =	vmul.f32 v2, v1  }
0x255: {  	v3 =	vmul.f32 v3, v1  }
0x256: {  	[tilespmem:s28+$0x1BEF0] =	vst v2;
	v1 =	vmul.f32 v4, v1  }
0x257: {  	[tilespmem:s28+$0x1C9F0] =	vst v3  }
0x258: {  	s24 =	rddreg [dreg:$0x6];
	[tilespmem:s28+$0x1D4F0] =	vst v1  }
0x259: {  	[spmem:s24] =	stream.indirect.scatter.add.f32 [tilespmem:s6], [sflag:$0x7], $0x1, s15, s31, $0xb8;
	[tilespmem:$0x1DFF0] =	vst v63  }
0x25a: {  	s8 =	rddreg [dreg:$0x7]  }
0x25b: {  	[spmem:s8] =	stream.indirect.scatter.add.f32 [tilespmem:s1], [sflag:$0x7], $0x1, s15, s31, $0xb8;
	[tilespmem:$0x1DFF0] =	vst v63  }
0x25c: {  	s26 =	rddreg [dreg:$0x8]  }
0x25d: {  	[spmem:s26] =	stream.indirect.scatter.add.f32 [tilespmem:s17], [sflag:$0x7], $0x1, s15, s31, $0xb8;
	[tilespmem:$0x1DFF0] =	vst v63  }
0x25e: {  	_ =	swait.ge [sflag:s29], $0xAB0  }
0x25f: {  	[sflag:s29] =	ssyncset.done $0x0  }
0x260: {  	[sflag:s29] =	ssyncadd.s32 $0xFFFFF550  }
0x261: {  	_ =	swait.ge [sflag:s29], $0xAB0  }
0x262: {  	[sflag:s29] =	ssyncset.done $0x0  }
0x263: {  	[sflag:s29] =	ssyncadd.s32 $0xFFFFF550  }
0x264: {  	_ =	swait.ge [sflag:s29], $0xAB0  }
0x265: {  	[sflag:s29] =	ssyncset.done $0x0  }
0x266: {  	s28 =	simm.s32 $0x0;
	[sflag:s29] =	ssyncadd.s32 $0xFFFFF550  }
0x267: {  	v1 =	vld [tilespmem:s28+$0x119F0];
	_ =	sdelay $0x2  }
0x268: {  	s24 =	simm.s32 $0x40  }
.LBB2_32:
0x269: {  	p2 =	sne.s32 s24, $0x2A80  }
.Ltmp15:
0x26a: {  	s26 =	sshra.s32 s24, $0x2;
	s24 =	sadd.s32 $0x40, s24;
	v2 =	vmul.u32 $0x3, v1;
	(pc) =	sbr.rel @p2 .LBB2_32-.Ltmp15, $4  }
0x26b: {  	v1 =	vld [tilespmem:s26+$0x119F0]  }
0x26c: {  	[tilespmem:s28+$0x15BF0] =	vst v2;
	v3 =	vadd.s32 $0x1, v2;
	v2 =	vadd.s32 $0x2, v2  }
0x26d: {  	[tilespmem:s28+$0x171F0] =	vst v2  }
0x26e: {  	[tilespmem:s28+$0x166F0] =	vst v3;
	s28 =	smov.u32 s26  }
0x26f: {  	_ = 	snop  }
0x270: {  	v1 =	vmul.u32 $0x3, v1;
	_ =	sdelay $0x1  }
0x271: {  	[tilespmem:s28+$0x15BF0] =	vst v1;
	v2 =	vadd.s32 $0x2, v1  }
0x272: {  	v1 =	vadd.s32 $0x1, v1;
	[tilespmem:s28+$0x171F0] =	vst v2  }
0x273: {  	s8 =	simm.s32 $0x15BF0;
	[tilespmem:s28+$0x166F0] =	vst v1  }
0x274: {  	[tilespmem:s9], [sflag:$0x1] =	stream.indirect.gather [spmem:s30], $0x1, s8, s31, $0xb8;
	[tilespmem:$0x1DFF0] =	vst v63  }
0x275: {  	_ = 	snop  }
0x276: {  	[tilespmem:s11], [sflag:$0x2] =	stream.indirect.gather [spmem:s30], $0x1, s10, s31, $0xb8;
	[tilespmem:$0x1DFF0] =	vst v63  }
0x277: {  	_ = 	snop  }
0x278: {  	[tilespmem:s14], [sflag:$0x3] =	stream.indirect.gather [spmem:s30], $0x1, s12, s31, $0xb8;
	[tilespmem:$0x1DFF0] =	vst v63  }
0x279: {  	_ =	swait.ge [sflag:s22], $0xAB0  }
0x27a: {  	[sflag:s22] =	ssyncset.done $0x0  }
0x27b: {  	[sflag:s22] =	ssyncadd.s32 $0xFFFFF550  }
0x27c: {  	_ =	swait.ge [sflag:s22], $0xAB0  }
0x27d: {  	[sflag:s22] =	ssyncset.done $0x0  }
0x27e: {  	[sflag:s22] =	ssyncadd.s32 $0xFFFFF550  }
0x27f: {  	_ =	swait.ge [sflag:s22], $0xAB0  }
0x280: {  	s26 =	sld [smem:$0x7CD]  }
0x281: {  	[sflag:s22] =	ssyncset.done $0x0  }
0x282: {  	s24 =	simm.s32 $0x0;
	s8 =	sld [smem:$0x7CE];
	[sflag:s22] =	ssyncadd.s32 $0xFFFFF550  }
0x283: {  	[tilespmem:s15], [sflag:$0x5] =	stream.linear.gather [hbm4b:s26+s24], $0xAB0, $0x38;
	[tilespmem:$0x1DFF0] =	vst v63  }
0x284: {  	_ = 	snop  }
0x285: {  	[tilespmem:s16], [sflag:$0x5] =	stream.linear.gather [hbm4b:s8+s24], $0xAB0, $0x38;
	[tilespmem:$0x1DFF0] =	vst v63  }
0x286: {  	s8 =	sld [smem:$0x7D6];
	_ =	sdelay $0x2  }
0x287: {  	[tilespmem:s0], [sflag:$0x5] =	stream.linear.gather [hbm4b:s8+s24], $0xAB0, $0x38;
	[tilespmem:$0x1DFF0] =	vst v63  }
0x288: {  	_ =	swait.ge [sflag:s2], $0xAB0  }
0x289: {  	[sflag:s2] =	ssyncset.done $0x0  }
0x28a: {  	[sflag:s2] =	ssyncadd.s32 $0xFFFFF550  }
0x28b: {  	_ =	swait.ge [sflag:s3], $0xAB0  }
0x28c: {  	[sflag:s3] =	ssyncset.done $0x0  }
0x28d: {  	[sflag:s3] =	ssyncadd.s32 $0xFFFFF550  }
0x28e: {  	_ =	swait.ge [sflag:s21], $0xAB0  }
0x28f: {  	[sflag:s21] =	ssyncset.done $0x0  }
0x290: {  	s28 =	simm.s32 $0x0;
	[sflag:s21] =	ssyncadd.s32 $0xFFFFF550  }
0x291: {  	v1 =	vld [tilespmem:s28+$0x12FF0]  }
0x292: {  	v2 =	vld [tilespmem:s28+$0x19DF0]  }
0x293: {  	s24 =	simm.s32 $0x40;
	v3 =	vld [tilespmem:s28+$0x1A8F0]  }
.LBB2_34:
0x294: {  	p2 =	sne.s32 s24, $0x2A80;
	v4 =	vld [tilespmem:s28+$0x1B3F0];
	_ =	sdelay $0x2  }
.Ltmp16:
0x295: {  	v2 =	vmul.f32 v2, v1;
	(pc) =	sbr.rel @p2 .LBB2_34-.Ltmp16, $4  }
0x296: {  	s26 =	sshra.s32 s24, $0x2;
	v3 =	vmul.f32 v3, v1  }
0x297: {  	[tilespmem:s28+$0x19DF0] =	vst v2;
	v4 =	vmul.f32 v4, v1;
	v1 =	vld [tilespmem:s26+$0x12FF0]  }
0x298: {  	v2 =	vld [tilespmem:s26+$0x19DF0];
	[tilespmem:s28+$0x1A8F0] =	vst v3  }
0x299: {  	s24 =	sadd.s32 $0x40, s24;
	v3 =	vld [tilespmem:s26+$0x1A8F0];
	[tilespmem:s28+$0x1B3F0] =	vst v4;
	s28 =	smov.u32 s26  }
0x29a: {  	v4 =	vld [tilespmem:s28+$0x1B3F0];
	_ =	sdelay $0x2  }
0x29b: {  	v2 =	vmul.f32 v2, v1  }
0x29c: {  	v3 =	vmul.f32 v3, v1  }
0x29d: {  	[tilespmem:s28+$0x19DF0] =	vst v2;
	v1 =	vmul.f32 v4, v1  }
0x29e: {  	[tilespmem:s28+$0x1A8F0] =	vst v3  }
0x29f: {  	s24 =	rddreg [dreg:$0x6];
	[tilespmem:s28+$0x1B3F0] =	vst v1  }
0x2a0: {  	[spmem:s24] =	stream.indirect.scatter.add.f32 [tilespmem:s9], [sflag:$0x6], $0x1, s23, s31, $0xb8;
	[tilespmem:$0x1DFF0] =	vst v63  }
0x2a1: {  	s8 =	rddreg [dreg:$0x7]  }
0x2a2: {  	[spmem:s8] =	stream.indirect.scatter.add.f32 [tilespmem:s11], [sflag:$0x6], $0x1, s23, s31, $0xb8;
	[tilespmem:$0x1DFF0] =	vst v63  }
0x2a3: {  	s26 =	rddreg [dreg:$0x8]  }
0x2a4: {  	[spmem:s26] =	stream.indirect.scatter.add.f32 [tilespmem:s14], [sflag:$0x6], $0x1, s23, s31, $0xb8;
	[tilespmem:$0x1DFF0] =	vst v63  }
0x2a5: {  	_ =	swait.ge [sflag:s4], $0xAB0  }
0x2a6: {  	[sflag:s4] =	ssyncset.done $0x0  }
0x2a7: {  	[sflag:s4] =	ssyncadd.s32 $0xFFFFF550  }
0x2a8: {  	_ =	swait.ge [sflag:s4], $0xAB0  }
0x2a9: {  	[sflag:s4] =	ssyncset.done $0x0  }
0x2aa: {  	[sflag:s4] =	ssyncadd.s32 $0xFFFFF550  }
0x2ab: {  	_ =	swait.ge [sflag:s4], $0xAB0  }
0x2ac: {  	[sflag:s4] =	ssyncset.done $0x0  }
0x2ad: {  	v1 =	vimm.f32 @!p1 $0.0e+00;
	[sflag:s4] =	ssyncadd.s32 $0xFFFFF550  }
0x2ae: {  	[tilespmem:$0x150F0] =	vst @!p1 v1  }
0x2af: {  	[tilespmem:$0x15100] =	vst @!p1 v1  }
0x2b0: {  	[tilespmem:$0x15110] =	vst @!p1 v1  }
0x2b1: {  	[tilespmem:$0x15120] =	vst @!p1 v1  }
0x2b2: {  	[tilespmem:$0x15130] =	vst @!p1 v1  }
0x2b3: {  	[tilespmem:$0x15140] =	vst @!p1 v1  }
0x2b4: {  	[tilespmem:$0x15150] =	vst @!p1 v1  }
0x2b5: {  	[tilespmem:$0x15160] =	vst @!p1 v1  }
0x2b6: {  	[tilespmem:$0x15170] =	vst @!p1 v1  }
0x2b7: {  	[tilespmem:$0x15180] =	vst @!p1 v1  }
0x2b8: {  	[tilespmem:$0x15190] =	vst @!p1 v1  }
0x2b9: {  	[tilespmem:$0x151A0] =	vst @!p1 v1  }
0x2ba: {  	[tilespmem:$0x151B0] =	vst @!p1 v1  }
0x2bb: {  	[tilespmem:$0x151C0] =	vst @!p1 v1  }
0x2bc: {  	[tilespmem:$0x151D0] =	vst @!p1 v1  }
0x2bd: {  	[tilespmem:$0x151E0] =	vst @!p1 v1  }
0x2be: {  	[tilespmem:$0x151F0] =	vst @!p1 v1  }
0x2bf: {  	[tilespmem:$0x15200] =	vst @!p1 v1  }
0x2c0: {  	[tilespmem:$0x15210] =	vst @!p1 v1  }
0x2c1: {  	[tilespmem:$0x15220] =	vst @!p1 v1  }
0x2c2: {  	[tilespmem:$0x15230] =	vst @!p1 v1  }
0x2c3: {  	[tilespmem:$0x15240] =	vst @!p1 v1  }
0x2c4: {  	[tilespmem:$0x15250] =	vst @!p1 v1  }
0x2c5: {  	[tilespmem:$0x15260] =	vst @!p1 v1  }
0x2c6: {  	[tilespmem:$0x15270] =	vst @!p1 v1  }
0x2c7: {  	s28 =	simm.s32 $0x0;
	[tilespmem:$0x15280] =	vst @!p1 v1  }
0x2c8: {  	v1 =	vld [tilespmem:s28+$0x13AF0];
	_ =	sdelay $0x2  }
0x2c9: {  	s24 =	simm.s32 $0x40  }
.LBB2_36:
0x2ca: {  	p2 =	sne.s32 s24, $0x2A80  }
.Ltmp17:
0x2cb: {  	s26 =	sshra.s32 s24, $0x2;
	s24 =	sadd.s32 $0x40, s24;
	v2 =	vmul.u32 $0x3, v1;
	(pc) =	sbr.rel @p2 .LBB2_36-.Ltmp17, $4  }
0x2cc: {  	v1 =	vld [tilespmem:s26+$0x13AF0]  }
0x2cd: {  	[tilespmem:s28+$0x17CF0] =	vst v2;
	v3 =	vadd.s32 $0x1, v2;
	v2 =	vadd.s32 $0x2, v2  }
0x2ce: {  	[tilespmem:s28+$0x192F0] =	vst v2  }
0x2cf: {  	[tilespmem:s28+$0x187F0] =	vst v3;
	s28 =	smov.u32 s26  }
0x2d0: {  	_ = 	snop  }
0x2d1: {  	v1 =	vmul.u32 $0x3, v1;
	_ =	sdelay $0x1  }
0x2d2: {  	[tilespmem:s28+$0x17CF0] =	vst v1;
	v2 =	vadd.s32 $0x2, v1  }
0x2d3: {  	v1 =	vadd.s32 $0x1, v1;
	[tilespmem:s28+$0x192F0] =	vst v2  }
0x2d4: {  	[tilespmem:s28+$0x187F0] =	vst v1  }
0x2d5: {  	[tilespmem:s6], [sflag:$0x1] =	stream.indirect.gather [spmem:s30], $0x1, s5, s31, $0xb8;
	[tilespmem:$0x1DFF0] =	vst v63  }
0x2d6: {  	_ = 	snop  }
0x2d7: {  	[tilespmem:s1], [sflag:$0x2] =	stream.indirect.gather [spmem:s30], $0x1, s7, s31, $0xb8;
	[tilespmem:$0x1DFF0] =	vst v63  }
0x2d8: {  	_ = 	snop  }
0x2d9: {  	[tilespmem:s17], [sflag:$0x3] =	stream.indirect.gather [spmem:s30], $0x1, s13, s31, $0xb8;
	[tilespmem:$0x1DFF0] =	vst v63  }
0x2da: {  	_ =	swait.ge [sflag:s20], $0xAB0  }
0x2db: {  	[sflag:s20] =	ssyncset.done $0x0  }
0x2dc: {  	[sflag:s20] =	ssyncadd.s32 $0xFFFFF550  }
0x2dd: {  	_ =	swait.ge [sflag:s20], $0xAB0  }
0x2de: {  	[sflag:s20] =	ssyncset.done $0x0  }
0x2df: {  	[sflag:s20] =	ssyncadd.s32 $0xFFFFF550  }
0x2e0: {  	_ =	swait.ge [sflag:s20], $0xAB0  }
0x2e1: {  	s26 =	sld [smem:$0x7D8]  }
0x2e2: {  	[sflag:s20] =	ssyncset.done $0x0  }
0x2e3: {  	s24 =	simm.s32 $0x0;
	[sflag:s20] =	ssyncadd.s32 $0xFFFFF550  }
0x2e4: {  	[tilespmem:s23], [sflag:$0x4] =	stream.linear.gather [hbm4b:s26+s24], $0xAB0, $0x38;
	[tilespmem:$0x1DFF0] =	vst v63  }
0x2e5: {  	s26 =	sld [smem:$0x7D7];
	_ =	sdelay $0x1  }
0x2e6: {  	s8 =	simm.s32 $0x119F0  }
0x2e7: {  	[tilespmem:s8], [sflag:$0x4] =	stream.linear.gather [hbm4b:s26+s24], $0xAB0, $0x38;
	[tilespmem:$0x1DFF0] =	vst v63  }
0x2e8: {  	s26 =	sld [smem:$0x7D9];
	_ =	sdelay $0x1  }
0x2e9: {  	s8 =	simm.s32 $0x12FF0  }
0x2ea: {  	[tilespmem:s8], [sflag:$0x4] =	stream.linear.gather [hbm4b:s26+s24], $0xAB0, $0x38;
	[tilespmem:$0x1DFF0] =	vst v63  }
0x2eb: {  	_ =	swait.ge [sflag:s2], $0xAB0  }
0x2ec: {  	[sflag:s2] =	ssyncset.done $0x0  }
0x2ed: {  	[sflag:s2] =	ssyncadd.s32 $0xFFFFF550  }
0x2ee: {  	_ =	swait.ge [sflag:s3], $0xAB0  }
0x2ef: {  	[sflag:s3] =	ssyncset.done $0x0  }
0x2f0: {  	[sflag:s3] =	ssyncadd.s32 $0xFFFFF550  }
0x2f1: {  	_ =	swait.ge [sflag:s21], $0xAB0  }
0x2f2: {  	[sflag:s21] =	ssyncset.done $0x0  }
0x2f3: {  	s28 =	simm.s32 $0x0;
	[sflag:s21] =	ssyncadd.s32 $0xFFFFF550  }
0x2f4: {  	v1 =	vld [tilespmem:s28+$0x150F0]  }
0x2f5: {  	v2 =	vld [tilespmem:s28+$0x1BEF0]  }
0x2f6: {  	s24 =	simm.s32 $0x40;
	v3 =	vld [tilespmem:s28+$0x1C9F0]  }
.LBB2_38:
0x2f7: {  	p2 =	sne.s32 s24, $0x2A80;
	v4 =	vld [tilespmem:s28+$0x1D4F0];
	_ =	sdelay $0x2  }
.Ltmp18:
0x2f8: {  	v2 =	vmul.f32 v2, v1;
	(pc) =	sbr.rel @p2 .LBB2_38-.Ltmp18, $4  }
0x2f9: {  	s26 =	sshra.s32 s24, $0x2;
	v3 =	vmul.f32 v3, v1  }
0x2fa: {  	[tilespmem:s28+$0x1BEF0] =	vst v2;
	v4 =	vmul.f32 v4, v1;
	v1 =	vld [tilespmem:s26+$0x150F0]  }
0x2fb: {  	v2 =	vld [tilespmem:s26+$0x1BEF0];
	[tilespmem:s28+$0x1C9F0] =	vst v3  }
0x2fc: {  	s24 =	sadd.s32 $0x40, s24;
	v3 =	vld [tilespmem:s26+$0x1C9F0];
	[tilespmem:s28+$0x1D4F0] =	vst v4;
	s28 =	smov.u32 s26  }
0x2fd: {  	v4 =	vld [tilespmem:s28+$0x1D4F0];
	_ =	sdelay $0x2  }
0x2fe: {  	v2 =	vmul.f32 v2, v1  }
0x2ff: {  	v3 =	vmul.f32 v3, v1  }
0x300: {  	[tilespmem:s28+$0x1BEF0] =	vst v2;
	v1 =	vmul.f32 v4, v1  }
0x301: {  	[tilespmem:s28+$0x1C9F0] =	vst v3  }
0x302: {  	s24 =	rddreg [dreg:$0x6];
	[tilespmem:s28+$0x1D4F0] =	vst v1  }
0x303: {  	[spmem:s24] =	stream.indirect.scatter.add.f32 [tilespmem:s6], [sflag:$0x7], $0x1, s15, s31, $0xb8;
	[tilespmem:$0x1DFF0] =	vst v63  }
0x304: {  	s8 =	rddreg [dreg:$0x7]  }
0x305: {  	[spmem:s8] =	stream.indirect.scatter.add.f32 [tilespmem:s1], [sflag:$0x7], $0x1, s15, s31, $0xb8;
	[tilespmem:$0x1DFF0] =	vst v63  }
0x306: {  	s26 =	rddreg [dreg:$0x8]  }
0x307: {  	[spmem:s26] =	stream.indirect.scatter.add.f32 [tilespmem:s17], [sflag:$0x7], $0x1, s15, s31, $0xb8;
	[tilespmem:$0x1DFF0] =	vst v63  }
0x308: {  	_ =	swait.ge [sflag:s29], $0xAB0  }
0x309: {  	[sflag:s29] =	ssyncset.done $0x0  }
0x30a: {  	[sflag:s29] =	ssyncadd.s32 $0xFFFFF550  }
0x30b: {  	_ =	swait.ge [sflag:s29], $0xAB0  }
0x30c: {  	[sflag:s29] =	ssyncset.done $0x0  }
0x30d: {  	[sflag:s29] =	ssyncadd.s32 $0xFFFFF550  }
0x30e: {  	_ =	swait.ge [sflag:s29], $0xAB0  }
0x30f: {  	[sflag:s29] =	ssyncset.done $0x0  }
0x310: {  	s28 =	simm.s32 $0x0;
	[sflag:s29] =	ssyncadd.s32 $0xFFFFF550  }
0x311: {  	v1 =	vld [tilespmem:s28+$0x119F0];
	_ =	sdelay $0x2  }
0x312: {  	s24 =	simm.s32 $0x40  }
.LBB2_40:
0x313: {  	p2 =	sne.s32 s24, $0x2A80  }
.Ltmp19:
0x314: {  	s26 =	sshra.s32 s24, $0x2;
	s24 =	sadd.s32 $0x40, s24;
	v2 =	vmul.u32 $0x3, v1;
	(pc) =	sbr.rel @p2 .LBB2_40-.Ltmp19, $4  }
0x315: {  	v1 =	vld [tilespmem:s26+$0x119F0]  }
0x316: {  	[tilespmem:s28+$0x15BF0] =	vst v2;
	v3 =	vadd.s32 $0x1, v2;
	v2 =	vadd.s32 $0x2, v2  }
0x317: {  	[tilespmem:s28+$0x171F0] =	vst v2  }
0x318: {  	[tilespmem:s28+$0x166F0] =	vst v3;
	s28 =	smov.u32 s26  }
0x319: {  	_ = 	snop  }
0x31a: {  	v1 =	vmul.u32 $0x3, v1;
	_ =	sdelay $0x1  }
0x31b: {  	[tilespmem:s28+$0x15BF0] =	vst v1;
	v2 =	vadd.s32 $0x2, v1  }
0x31c: {  	v1 =	vadd.s32 $0x1, v1;
	[tilespmem:s28+$0x171F0] =	vst v2  }
0x31d: {  	s8 =	simm.s32 $0x15BF0;
	[tilespmem:s28+$0x166F0] =	vst v1  }
0x31e: {  	[tilespmem:s9], [sflag:$0x1] =	stream.indirect.gather [spmem:s30], $0x1, s8, s31, $0xb8;
	[tilespmem:$0x1DFF0] =	vst v63  }
0x31f: {  	_ = 	snop  }
0x320: {  	[tilespmem:s11], [sflag:$0x2] =	stream.indirect.gather [spmem:s30], $0x1, s10, s31, $0xb8;
	[tilespmem:$0x1DFF0] =	vst v63  }
0x321: {  	_ = 	snop  }
0x322: {  	[tilespmem:s14], [sflag:$0x3] =	stream.indirect.gather [spmem:s30], $0x1, s12, s31, $0xb8;
	[tilespmem:$0x1DFF0] =	vst v63  }
0x323: {  	_ =	swait.ge [sflag:s22], $0xAB0  }
0x324: {  	[sflag:s22] =	ssyncset.done $0x0  }
0x325: {  	[sflag:s22] =	ssyncadd.s32 $0xFFFFF550  }
0x326: {  	_ =	swait.ge [sflag:s22], $0xAB0  }
0x327: {  	[sflag:s22] =	ssyncset.done $0x0  }
0x328: {  	[sflag:s22] =	ssyncadd.s32 $0xFFFFF550  }
0x329: {  	_ =	swait.ge [sflag:s22], $0xAB0  }
0x32a: {  	s26 =	sld [smem:$0x7DB]  }
0x32b: {  	[sflag:s22] =	ssyncset.done $0x0  }
0x32c: {  	s24 =	simm.s32 $0x0;
	s8 =	sld [smem:$0x7DA];
	[sflag:s22] =	ssyncadd.s32 $0xFFFFF550  }
0x32d: {  	[tilespmem:s15], [sflag:$0x5] =	stream.linear.gather [hbm4b:s26+s24], $0xAB0, $0x38;
	[tilespmem:$0x1DFF0] =	vst v63  }
0x32e: {  	_ = 	snop  }
0x32f: {  	[tilespmem:s16], [sflag:$0x5] =	stream.linear.gather [hbm4b:s8+s24], $0xAB0, $0x38;
	[tilespmem:$0x1DFF0] =	vst v63  }
0x330: {  	s8 =	sld [smem:$0x7DC];
	_ =	sdelay $0x2  }
0x331: {  	[tilespmem:s0], [sflag:$0x5] =	stream.linear.gather [hbm4b:s8+s24], $0xAB0, $0x38;
	[tilespmem:$0x1DFF0] =	vst v63  }
0x332: {  	_ =	swait.ge [sflag:s2], $0xAB0  }
0x333: {  	[sflag:s2] =	ssyncset.done $0x0  }
0x334: {  	[sflag:s2] =	ssyncadd.s32 $0xFFFFF550  }
0x335: {  	_ =	swait.ge [sflag:s3], $0xAB0  }
0x336: {  	[sflag:s3] =	ssyncset.done $0x0  }
0x337: {  	[sflag:s3] =	ssyncadd.s32 $0xFFFFF550  }
0x338: {  	_ =	swait.ge [sflag:s21], $0xAB0  }
0x339: {  	[sflag:s21] =	ssyncset.done $0x0  }
0x33a: {  	s28 =	simm.s32 $0x0;
	[sflag:s21] =	ssyncadd.s32 $0xFFFFF550  }
0x33b: {  	v1 =	vld [tilespmem:s28+$0x12FF0]  }
0x33c: {  	v2 =	vld [tilespmem:s28+$0x19DF0]  }
0x33d: {  	s24 =	simm.s32 $0x40;
	v3 =	vld [tilespmem:s28+$0x1A8F0]  }
.LBB2_42:
0x33e: {  	p2 =	sne.s32 s24, $0x2A80;
	v4 =	vld [tilespmem:s28+$0x1B3F0];
	_ =	sdelay $0x2  }
.Ltmp20:
0x33f: {  	v2 =	vmul.f32 v2, v1;
	(pc) =	sbr.rel @p2 .LBB2_42-.Ltmp20, $4  }
0x340: {  	s26 =	sshra.s32 s24, $0x2;
	v3 =	vmul.f32 v3, v1  }
0x341: {  	[tilespmem:s28+$0x19DF0] =	vst v2;
	v4 =	vmul.f32 v4, v1;
	v1 =	vld [tilespmem:s26+$0x12FF0]  }
0x342: {  	v2 =	vld [tilespmem:s26+$0x19DF0];
	[tilespmem:s28+$0x1A8F0] =	vst v3  }
0x343: {  	s24 =	sadd.s32 $0x40, s24;
	v3 =	vld [tilespmem:s26+$0x1A8F0];
	[tilespmem:s28+$0x1B3F0] =	vst v4;
	s28 =	smov.u32 s26  }
0x344: {  	v4 =	vld [tilespmem:s28+$0x1B3F0];
	_ =	sdelay $0x2  }
0x345: {  	v2 =	vmul.f32 v2, v1  }
0x346: {  	v3 =	vmul.f32 v3, v1  }
0x347: {  	[tilespmem:s28+$0x19DF0] =	vst v2;
	v1 =	vmul.f32 v4, v1  }
0x348: {  	[tilespmem:s28+$0x1A8F0] =	vst v3  }
0x349: {  	s24 =	rddreg [dreg:$0x9];
	[tilespmem:s28+$0x1B3F0] =	vst v1  }
0x34a: {  	[spmem:s24] =	stream.indirect.scatter.add.f32 [tilespmem:s9], [sflag:$0x6], $0x1, s23, s31, $0xb8;
	[tilespmem:$0x1DFF0] =	vst v63  }
0x34b: {  	s26 =	rddreg [dreg:$0xa]  }
0x34c: {  	[spmem:s26] =	stream.indirect.scatter.add.f32 [tilespmem:s11], [sflag:$0x6], $0x1, s23, s31, $0xb8;
	[tilespmem:$0x1DFF0] =	vst v63  }
0x34d: {  	s8 =	rddreg [dreg:$0xb]  }
0x34e: {  	[spmem:s8] =	stream.indirect.scatter.add.f32 [tilespmem:s14], [sflag:$0x6], $0x1, s23, s31, $0xb8;
	[tilespmem:$0x1DFF0] =	vst v63  }
0x34f: {  	_ =	swait.ge [sflag:s4], $0xAB0  }
0x350: {  	[sflag:s4] =	ssyncset.done $0x0  }
0x351: {  	[sflag:s4] =	ssyncadd.s32 $0xFFFFF550  }
0x352: {  	_ =	swait.ge [sflag:s4], $0xAB0  }
0x353: {  	[sflag:s4] =	ssyncset.done $0x0  }
0x354: {  	[sflag:s4] =	ssyncadd.s32 $0xFFFFF550  }
0x355: {  	_ =	swait.ge [sflag:s4], $0xAB0  }
0x356: {  	[sflag:s4] =	ssyncset.done $0x0  }
0x357: {  	s28 =	simm.s32 $0x0;
	[sflag:s4] =	ssyncadd.s32 $0xFFFFF550  }
0x358: {  	v1 =	vld [tilespmem:s28+$0x13AF0];
	_ =	sdelay $0x2  }
0x359: {  	s24 =	simm.s32 $0x40  }
.LBB2_44:
0x35a: {  	p2 =	sne.s32 s24, $0x2A80  }
.Ltmp21:
0x35b: {  	s26 =	sshra.s32 s24, $0x2;
	s24 =	sadd.s32 $0x40, s24;
	v2 =	vmul.u32 $0x3, v1;
	(pc) =	sbr.rel @p2 .LBB2_44-.Ltmp21, $4  }
0x35c: {  	v1 =	vld [tilespmem:s26+$0x13AF0]  }
0x35d: {  	[tilespmem:s28+$0x17CF0] =	vst v2;
	v3 =	vadd.s32 $0x1, v2;
	v2 =	vadd.s32 $0x2, v2  }
0x35e: {  	[tilespmem:s28+$0x192F0] =	vst v2  }
0x35f: {  	[tilespmem:s28+$0x187F0] =	vst v3;
	s28 =	smov.u32 s26  }
0x360: {  	_ = 	snop  }
0x361: {  	v1 =	vmul.u32 $0x3, v1;
	_ =	sdelay $0x1  }
0x362: {  	[tilespmem:s28+$0x17CF0] =	vst v1;
	v2 =	vadd.s32 $0x2, v1  }
0x363: {  	v1 =	vadd.s32 $0x1, v1;
	[tilespmem:s28+$0x192F0] =	vst v2  }
0x364: {  	[tilespmem:s28+$0x187F0] =	vst v1  }
0x365: {  	[tilespmem:s6], [sflag:$0x1] =	stream.indirect.gather [spmem:s30], $0x1, s5, s31, $0xb8;
	[tilespmem:$0x1DFF0] =	vst v63  }
0x366: {  	_ = 	snop  }
0x367: {  	[tilespmem:s1], [sflag:$0x2] =	stream.indirect.gather [spmem:s30], $0x1, s7, s31, $0xb8;
	[tilespmem:$0x1DFF0] =	vst v63  }
0x368: {  	_ = 	snop  }
0x369: {  	[tilespmem:s17], [sflag:$0x3] =	stream.indirect.gather [spmem:s30], $0x1, s13, s31, $0xb8;
	[tilespmem:$0x1DFF0] =	vst v63  }
0x36a: {  	_ =	swait.ge [sflag:s20], $0xAB0  }
0x36b: {  	[sflag:s20] =	ssyncset.done $0x0  }
0x36c: {  	[sflag:s20] =	ssyncadd.s32 $0xFFFFF550  }
0x36d: {  	_ =	swait.ge [sflag:s20], $0xAB0  }
0x36e: {  	[sflag:s20] =	ssyncset.done $0x0  }
0x36f: {  	[sflag:s20] =	ssyncadd.s32 $0xFFFFF550  }
0x370: {  	_ =	swait.ge [sflag:s20], $0xAB0  }
0x371: {  	s26 =	sld [smem:$0x7DE]  }
0x372: {  	[sflag:s20] =	ssyncset.done $0x0  }
0x373: {  	s24 =	simm.s32 $0x0;
	[sflag:s20] =	ssyncadd.s32 $0xFFFFF550  }
0x374: {  	[tilespmem:s23], [sflag:$0x4] =	stream.linear.gather [hbm4b:s26+s24], $0xAB0, $0x38;
	[tilespmem:$0x1DFF0] =	vst v63  }
0x375: {  	s26 =	sld [smem:$0x7DD];
	_ =	sdelay $0x1  }
0x376: {  	s8 =	simm.s32 $0x119F0  }
0x377: {  	[tilespmem:s8], [sflag:$0x4] =	stream.linear.gather [hbm4b:s26+s24], $0xAB0, $0x38;
	[tilespmem:$0x1DFF0] =	vst v63  }
0x378: {  	s26 =	sld [smem:$0x7DF];
	_ =	sdelay $0x1  }
0x379: {  	s8 =	simm.s32 $0x12FF0  }
0x37a: {  	[tilespmem:s8], [sflag:$0x4] =	stream.linear.gather [hbm4b:s26+s24], $0xAB0, $0x38;
	[tilespmem:$0x1DFF0] =	vst v63  }
0x37b: {  	_ =	swait.ge [sflag:s2], $0xAB0  }
0x37c: {  	[sflag:s2] =	ssyncset.done $0x0  }
0x37d: {  	[sflag:s2] =	ssyncadd.s32 $0xFFFFF550  }
0x37e: {  	_ =	swait.ge [sflag:s3], $0xAB0  }
0x37f: {  	[sflag:s3] =	ssyncset.done $0x0  }
0x380: {  	[sflag:s3] =	ssyncadd.s32 $0xFFFFF550  }
0x381: {  	_ =	swait.ge [sflag:s21], $0xAB0  }
0x382: {  	[sflag:s21] =	ssyncset.done $0x0  }
0x383: {  	s28 =	simm.s32 $0x0;
	[sflag:s21] =	ssyncadd.s32 $0xFFFFF550  }
0x384: {  	v1 =	vld [tilespmem:s28+$0x150F0]  }
0x385: {  	v2 =	vld [tilespmem:s28+$0x1BEF0]  }
0x386: {  	s24 =	simm.s32 $0x40;
	v3 =	vld [tilespmem:s28+$0x1C9F0]  }
.LBB2_46:
0x387: {  	p2 =	sne.s32 s24, $0x2A80;
	v4 =	vld [tilespmem:s28+$0x1D4F0];
	_ =	sdelay $0x2  }
.Ltmp22:
0x388: {  	v2 =	vmul.f32 v2, v1;
	(pc) =	sbr.rel @p2 .LBB2_46-.Ltmp22, $4  }
0x389: {  	s26 =	sshra.s32 s24, $0x2;
	v3 =	vmul.f32 v3, v1  }
0x38a: {  	[tilespmem:s28+$0x1BEF0] =	vst v2;
	v4 =	vmul.f32 v4, v1;
	v1 =	vld [tilespmem:s26+$0x150F0]  }
0x38b: {  	v2 =	vld [tilespmem:s26+$0x1BEF0];
	[tilespmem:s28+$0x1C9F0] =	vst v3  }
0x38c: {  	s24 =	sadd.s32 $0x40, s24;
	v3 =	vld [tilespmem:s26+$0x1C9F0];
	[tilespmem:s28+$0x1D4F0] =	vst v4;
	s28 =	smov.u32 s26  }
0x38d: {  	v4 =	vld [tilespmem:s28+$0x1D4F0];
	_ =	sdelay $0x2  }
0x38e: {  	v2 =	vmul.f32 v2, v1  }
0x38f: {  	v3 =	vmul.f32 v3, v1  }
0x390: {  	[tilespmem:s28+$0x1BEF0] =	vst v2;
	v1 =	vmul.f32 v4, v1  }
0x391: {  	[tilespmem:s28+$0x1C9F0] =	vst v3  }
0x392: {  	s24 =	rddreg [dreg:$0x9];
	[tilespmem:s28+$0x1D4F0] =	vst v1  }
0x393: {  	[spmem:s24] =	stream.indirect.scatter.add.f32 [tilespmem:s6], [sflag:$0x7], $0x1, s15, s31, $0xb8;
	[tilespmem:$0x1DFF0] =	vst v63  }
0x394: {  	s26 =	rddreg [dreg:$0xa]  }
0x395: {  	[spmem:s26] =	stream.indirect.scatter.add.f32 [tilespmem:s1], [sflag:$0x7], $0x1, s15, s31, $0xb8;
	[tilespmem:$0x1DFF0] =	vst v63  }
0x396: {  	s8 =	rddreg [dreg:$0xb]  }
0x397: {  	[spmem:s8] =	stream.indirect.scatter.add.f32 [tilespmem:s17], [sflag:$0x7], $0x1, s15, s31, $0xb8;
	[tilespmem:$0x1DFF0] =	vst v63  }
0x398: {  	_ =	swait.ge [sflag:s29], $0xAB0  }
0x399: {  	[sflag:s29] =	ssyncset.done $0x0  }
0x39a: {  	[sflag:s29] =	ssyncadd.s32 $0xFFFFF550  }
0x39b: {  	_ =	swait.ge [sflag:s29], $0xAB0  }
0x39c: {  	[sflag:s29] =	ssyncset.done $0x0  }
0x39d: {  	[sflag:s29] =	ssyncadd.s32 $0xFFFFF550  }
0x39e: {  	_ =	swait.ge [sflag:s29], $0xAB0  }
0x39f: {  	[sflag:s29] =	ssyncset.done $0x0  }
0x3a0: {  	s28 =	simm.s32 $0x0;
	[sflag:s29] =	ssyncadd.s32 $0xFFFFF550  }
0x3a1: {  	v1 =	vld [tilespmem:s28+$0x119F0];
	_ =	sdelay $0x2  }
0x3a2: {  	s24 =	simm.s32 $0x40  }
.LBB2_48:
0x3a3: {  	p2 =	sne.s32 s24, $0x2A80  }
.Ltmp23:
0x3a4: {  	s26 =	sshra.s32 s24, $0x2;
	s24 =	sadd.s32 $0x40, s24;
	v2 =	vmul.u32 $0x3, v1;
	(pc) =	sbr.rel @p2 .LBB2_48-.Ltmp23, $4  }
0x3a5: {  	v1 =	vld [tilespmem:s26+$0x119F0]  }
0x3a6: {  	[tilespmem:s28+$0x15BF0] =	vst v2;
	v3 =	vadd.s32 $0x1, v2;
	v2 =	vadd.s32 $0x2, v2  }
0x3a7: {  	[tilespmem:s28+$0x171F0] =	vst v2  }
0x3a8: {  	[tilespmem:s28+$0x166F0] =	vst v3;
	s28 =	smov.u32 s26  }
0x3a9: {  	_ = 	snop  }
0x3aa: {  	v1 =	vmul.u32 $0x3, v1;
	_ =	sdelay $0x1  }
0x3ab: {  	[tilespmem:s28+$0x15BF0] =	vst v1;
	v2 =	vadd.s32 $0x2, v1  }
0x3ac: {  	v1 =	vadd.s32 $0x1, v1;
	[tilespmem:s28+$0x171F0] =	vst v2  }
0x3ad: {  	s8 =	simm.s32 $0x15BF0;
	[tilespmem:s28+$0x166F0] =	vst v1  }
0x3ae: {  	[tilespmem:s9], [sflag:$0x1] =	stream.indirect.gather [spmem:s30], $0x1, s8, s31, $0xb8;
	[tilespmem:$0x1DFF0] =	vst v63  }
0x3af: {  	_ = 	snop  }
0x3b0: {  	[tilespmem:s11], [sflag:$0x2] =	stream.indirect.gather [spmem:s30], $0x1, s10, s31, $0xb8;
	[tilespmem:$0x1DFF0] =	vst v63  }
0x3b1: {  	_ = 	snop  }
0x3b2: {  	[tilespmem:s14], [sflag:$0x3] =	stream.indirect.gather [spmem:s30], $0x1, s12, s31, $0xb8;
	[tilespmem:$0x1DFF0] =	vst v63  }
0x3b3: {  	_ =	swait.ge [sflag:s22], $0xAB0  }
0x3b4: {  	[sflag:s22] =	ssyncset.done $0x0  }
0x3b5: {  	[sflag:s22] =	ssyncadd.s32 $0xFFFFF550  }
0x3b6: {  	_ =	swait.ge [sflag:s22], $0xAB0  }
0x3b7: {  	[sflag:s22] =	ssyncset.done $0x0  }
0x3b8: {  	[sflag:s22] =	ssyncadd.s32 $0xFFFFF550  }
0x3b9: {  	_ =	swait.ge [sflag:s22], $0xAB0  }
0x3ba: {  	s26 =	sld [smem:$0x7E1]  }
0x3bb: {  	[sflag:s22] =	ssyncset.done $0x0  }
0x3bc: {  	s24 =	simm.s32 $0x0;
	s8 =	sld [smem:$0x7E0];
	[sflag:s22] =	ssyncadd.s32 $0xFFFFF550  }
0x3bd: {  	[tilespmem:s15], [sflag:$0x5] =	stream.linear.gather [hbm4b:s26+s24], $0xAB0, $0x38;
	[tilespmem:$0x1DFF0] =	vst v63  }
0x3be: {  	_ = 	snop  }
0x3bf: {  	[tilespmem:s16], [sflag:$0x5] =	stream.linear.gather [hbm4b:s8+s24], $0xAB0, $0x38;
	[tilespmem:$0x1DFF0] =	vst v63  }
0x3c0: {  	s8 =	sld [smem:$0x7E2];
	_ =	sdelay $0x2  }
0x3c1: {  	[tilespmem:s0], [sflag:$0x5] =	stream.linear.gather [hbm4b:s8+s24], $0xAB0, $0x38;
	[tilespmem:$0x1DFF0] =	vst v63  }
0x3c2: {  	_ =	swait.ge [sflag:s2], $0xAB0  }
0x3c3: {  	[sflag:s2] =	ssyncset.done $0x0  }
0x3c4: {  	[sflag:s2] =	ssyncadd.s32 $0xFFFFF550  }
0x3c5: {  	_ =	swait.ge [sflag:s3], $0xAB0  }
0x3c6: {  	[sflag:s3] =	ssyncset.done $0x0  }
0x3c7: {  	[sflag:s3] =	ssyncadd.s32 $0xFFFFF550  }
0x3c8: {  	_ =	swait.ge [sflag:s21], $0xAB0  }
0x3c9: {  	[sflag:s21] =	ssyncset.done $0x0  }
0x3ca: {  	s28 =	simm.s32 $0x0;
	[sflag:s21] =	ssyncadd.s32 $0xFFFFF550  }
0x3cb: {  	v1 =	vld [tilespmem:s28+$0x12FF0]  }
0x3cc: {  	v2 =	vld [tilespmem:s28+$0x19DF0]  }
0x3cd: {  	s24 =	simm.s32 $0x40;
	v3 =	vld [tilespmem:s28+$0x1A8F0]  }
.LBB2_50:
0x3ce: {  	p2 =	sne.s32 s24, $0x2A80;
	v4 =	vld [tilespmem:s28+$0x1B3F0];
	_ =	sdelay $0x2  }
.Ltmp24:
0x3cf: {  	v2 =	vmul.f32 v2, v1;
	(pc) =	sbr.rel @p2 .LBB2_50-.Ltmp24, $4  }
0x3d0: {  	s26 =	sshra.s32 s24, $0x2;
	v3 =	vmul.f32 v3, v1  }
0x3d1: {  	[tilespmem:s28+$0x19DF0] =	vst v2;
	v4 =	vmul.f32 v4, v1;
	v1 =	vld [tilespmem:s26+$0x12FF0]  }
0x3d2: {  	v2 =	vld [tilespmem:s26+$0x19DF0];
	[tilespmem:s28+$0x1A8F0] =	vst v3  }
0x3d3: {  	s24 =	sadd.s32 $0x40, s24;
	v3 =	vld [tilespmem:s26+$0x1A8F0];
	[tilespmem:s28+$0x1B3F0] =	vst v4;
	s28 =	smov.u32 s26  }
0x3d4: {  	v4 =	vld [tilespmem:s28+$0x1B3F0];
	_ =	sdelay $0x2  }
0x3d5: {  	v2 =	vmul.f32 v2, v1  }
0x3d6: {  	v3 =	vmul.f32 v3, v1  }
0x3d7: {  	[tilespmem:s28+$0x19DF0] =	vst v2;
	v1 =	vmul.f32 v4, v1  }
0x3d8: {  	[tilespmem:s28+$0x1A8F0] =	vst v3  }
0x3d9: {  	s24 =	rddreg [dreg:$0x9];
	[tilespmem:s28+$0x1B3F0] =	vst v1  }
0x3da: {  	[spmem:s24] =	stream.indirect.scatter.add.f32 [tilespmem:s9], [sflag:$0x6], $0x1, s23, s31, $0xb8;
	[tilespmem:$0x1DFF0] =	vst v63  }
0x3db: {  	s26 =	rddreg [dreg:$0xa]  }
0x3dc: {  	[spmem:s26] =	stream.indirect.scatter.add.f32 [tilespmem:s11], [sflag:$0x6], $0x1, s23, s31, $0xb8;
	[tilespmem:$0x1DFF0] =	vst v63  }
0x3dd: {  	s8 =	rddreg [dreg:$0xb]  }
0x3de: {  	[spmem:s8] =	stream.indirect.scatter.add.f32 [tilespmem:s14], [sflag:$0x6], $0x1, s23, s31, $0xb8;
	[tilespmem:$0x1DFF0] =	vst v63  }
0x3df: {  	_ =	swait.ge [sflag:s4], $0xAB0  }
0x3e0: {  	[sflag:s4] =	ssyncset.done $0x0  }
0x3e1: {  	[sflag:s4] =	ssyncadd.s32 $0xFFFFF550  }
0x3e2: {  	_ =	swait.ge [sflag:s4], $0xAB0  }
0x3e3: {  	[sflag:s4] =	ssyncset.done $0x0  }
0x3e4: {  	[sflag:s4] =	ssyncadd.s32 $0xFFFFF550  }
0x3e5: {  	_ =	swait.ge [sflag:s4], $0xAB0  }
0x3e6: {  	[sflag:s4] =	ssyncset.done $0x0  }
0x3e7: {  	s28 =	simm.s32 $0x0;
	[sflag:s4] =	ssyncadd.s32 $0xFFFFF550  }
0x3e8: {  	v1 =	vld [tilespmem:s28+$0x13AF0];
	_ =	sdelay $0x2  }
0x3e9: {  	s24 =	simm.s32 $0x40  }
.LBB2_52:
0x3ea: {  	p2 =	sne.s32 s24, $0x2A80  }
.Ltmp25:
0x3eb: {  	s26 =	sshra.s32 s24, $0x2;
	s24 =	sadd.s32 $0x40, s24;
	v2 =	vmul.u32 $0x3, v1;
	(pc) =	sbr.rel @p2 .LBB2_52-.Ltmp25, $4  }
0x3ec: {  	v1 =	vld [tilespmem:s26+$0x13AF0]  }
0x3ed: {  	[tilespmem:s28+$0x17CF0] =	vst v2;
	v3 =	vadd.s32 $0x1, v2;
	v2 =	vadd.s32 $0x2, v2  }
0x3ee: {  	[tilespmem:s28+$0x192F0] =	vst v2  }
0x3ef: {  	[tilespmem:s28+$0x187F0] =	vst v3;
	s28 =	smov.u32 s26  }
0x3f0: {  	_ = 	snop  }
0x3f1: {  	v1 =	vmul.u32 $0x3, v1;
	_ =	sdelay $0x1  }
0x3f2: {  	[tilespmem:s28+$0x17CF0] =	vst v1;
	v2 =	vadd.s32 $0x2, v1  }
0x3f3: {  	v1 =	vadd.s32 $0x1, v1;
	[tilespmem:s28+$0x192F0] =	vst v2  }
0x3f4: {  	[tilespmem:s28+$0x187F0] =	vst v1  }
0x3f5: {  	[tilespmem:s6], [sflag:$0x1] =	stream.indirect.gather [spmem:s30], $0x1, s5, s31, $0xb8;
	[tilespmem:$0x1DFF0] =	vst v63  }
0x3f6: {  	_ = 	snop  }
0x3f7: {  	[tilespmem:s1], [sflag:$0x2] =	stream.indirect.gather [spmem:s30], $0x1, s7, s31, $0xb8;
	[tilespmem:$0x1DFF0] =	vst v63  }
0x3f8: {  	_ = 	snop  }
0x3f9: {  	[tilespmem:s17], [sflag:$0x3] =	stream.indirect.gather [spmem:s30], $0x1, s13, s31, $0xb8;
	[tilespmem:$0x1DFF0] =	vst v63  }
0x3fa: {  	_ =	swait.ge [sflag:s20], $0xAB0  }
0x3fb: {  	[sflag:s20] =	ssyncset.done $0x0  }
0x3fc: {  	[sflag:s20] =	ssyncadd.s32 $0xFFFFF550  }
0x3fd: {  	_ =	swait.ge [sflag:s20], $0xAB0  }
0x3fe: {  	[sflag:s20] =	ssyncset.done $0x0  }
0x3ff: {  	[sflag:s20] =	ssyncadd.s32 $0xFFFFF550  }
0x400: {  	_ =	swait.ge [sflag:s20], $0xAB0  }
0x401: {  	s26 =	sld [smem:$0x7E4]  }
0x402: {  	[sflag:s20] =	ssyncset.done $0x0  }
0x403: {  	s24 =	simm.s32 $0x0;
	[sflag:s20] =	ssyncadd.s32 $0xFFFFF550  }
0x404: {  	[tilespmem:s23], [sflag:$0x4] =	stream.linear.gather [hbm4b:s26+s24], $0xAB0, $0x38;
	[tilespmem:$0x1DFF0] =	vst v63  }
0x405: {  	s26 =	sld [smem:$0x7E3];
	_ =	sdelay $0x1  }
0x406: {  	s8 =	simm.s32 $0x119F0  }
0x407: {  	[tilespmem:s8], [sflag:$0x4] =	stream.linear.gather [hbm4b:s26+s24], $0xAB0, $0x38;
	[tilespmem:$0x1DFF0] =	vst v63  }
0x408: {  	s26 =	sld [smem:$0x7E5];
	_ =	sdelay $0x1  }
0x409: {  	s8 =	simm.s32 $0x12FF0  }
0x40a: {  	[tilespmem:s8], [sflag:$0x4] =	stream.linear.gather [hbm4b:s26+s24], $0xAB0, $0x38;
	[tilespmem:$0x1DFF0] =	vst v63  }
0x40b: {  	_ =	swait.ge [sflag:s2], $0xAB0  }
0x40c: {  	[sflag:s2] =	ssyncset.done $0x0  }
0x40d: {  	[sflag:s2] =	ssyncadd.s32 $0xFFFFF550  }
0x40e: {  	_ =	swait.ge [sflag:s3], $0xAB0  }
0x40f: {  	[sflag:s3] =	ssyncset.done $0x0  }
0x410: {  	[sflag:s3] =	ssyncadd.s32 $0xFFFFF550  }
0x411: {  	_ =	swait.ge [sflag:s21], $0xAB0  }
0x412: {  	[sflag:s21] =	ssyncset.done $0x0  }
0x413: {  	s28 =	simm.s32 $0x0;
	[sflag:s21] =	ssyncadd.s32 $0xFFFFF550  }
0x414: {  	v1 =	vld [tilespmem:s28+$0x150F0]  }
0x415: {  	v2 =	vld [tilespmem:s28+$0x1BEF0]  }
0x416: {  	s24 =	simm.s32 $0x40;
	v3 =	vld [tilespmem:s28+$0x1C9F0]  }
.LBB2_54:
0x417: {  	p2 =	sne.s32 s24, $0x2A80;
	v4 =	vld [tilespmem:s28+$0x1D4F0];
	_ =	sdelay $0x2  }
.Ltmp26:
0x418: {  	v2 =	vmul.f32 v2, v1;
	(pc) =	sbr.rel @p2 .LBB2_54-.Ltmp26, $4  }
0x419: {  	s26 =	sshra.s32 s24, $0x2;
	v3 =	vmul.f32 v3, v1  }
0x41a: {  	[tilespmem:s28+$0x1BEF0] =	vst v2;
	v4 =	vmul.f32 v4, v1;
	v1 =	vld [tilespmem:s26+$0x150F0]  }
0x41b: {  	v2 =	vld [tilespmem:s26+$0x1BEF0];
	[tilespmem:s28+$0x1C9F0] =	vst v3  }
0x41c: {  	s24 =	sadd.s32 $0x40, s24;
	v3 =	vld [tilespmem:s26+$0x1C9F0];
	[tilespmem:s28+$0x1D4F0] =	vst v4;
	s28 =	smov.u32 s26  }
0x41d: {  	v4 =	vld [tilespmem:s28+$0x1D4F0];
	_ =	sdelay $0x2  }
0x41e: {  	v2 =	vmul.f32 v2, v1  }
0x41f: {  	v3 =	vmul.f32 v3, v1  }
0x420: {  	[tilespmem:s28+$0x1BEF0] =	vst v2;
	v1 =	vmul.f32 v4, v1  }
0x421: {  	[tilespmem:s28+$0x1C9F0] =	vst v3  }
0x422: {  	s24 =	rddreg [dreg:$0x9];
	[tilespmem:s28+$0x1D4F0] =	vst v1  }
0x423: {  	[spmem:s24] =	stream.indirect.scatter.add.f32 [tilespmem:s6], [sflag:$0x7], $0x1, s15, s31, $0xb8;
	[tilespmem:$0x1DFF0] =	vst v63  }
0x424: {  	s26 =	rddreg [dreg:$0xa]  }
0x425: {  	[spmem:s26] =	stream.indirect.scatter.add.f32 [tilespmem:s1], [sflag:$0x7], $0x1, s15, s31, $0xb8;
	[tilespmem:$0x1DFF0] =	vst v63  }
0x426: {  	s8 =	rddreg [dreg:$0xb]  }
0x427: {  	[spmem:s8] =	stream.indirect.scatter.add.f32 [tilespmem:s17], [sflag:$0x7], $0x1, s15, s31, $0xb8;
	[tilespmem:$0x1DFF0] =	vst v63  }
0x428: {  	_ =	swait.ge [sflag:s29], $0xAB0  }
0x429: {  	[sflag:s29] =	ssyncset.done $0x0  }
0x42a: {  	[sflag:s29] =	ssyncadd.s32 $0xFFFFF550  }
0x42b: {  	_ =	swait.ge [sflag:s29], $0xAB0  }
0x42c: {  	[sflag:s29] =	ssyncset.done $0x0  }
0x42d: {  	[sflag:s29] =	ssyncadd.s32 $0xFFFFF550  }
0x42e: {  	_ =	swait.ge [sflag:s29], $0xAB0  }
0x42f: {  	[sflag:s29] =	ssyncset.done $0x0  }
0x430: {  	s28 =	simm.s32 $0x0;
	[sflag:s29] =	ssyncadd.s32 $0xFFFFF550  }
0x431: {  	v1 =	vld [tilespmem:s28+$0x119F0];
	_ =	sdelay $0x2  }
0x432: {  	s24 =	simm.s32 $0x40  }
.LBB2_56:
0x433: {  	p2 =	sne.s32 s24, $0x2A80  }
.Ltmp27:
0x434: {  	s26 =	sshra.s32 s24, $0x2;
	s24 =	sadd.s32 $0x40, s24;
	v2 =	vmul.u32 $0x3, v1;
	(pc) =	sbr.rel @p2 .LBB2_56-.Ltmp27, $4  }
0x435: {  	v1 =	vld [tilespmem:s26+$0x119F0]  }
0x436: {  	[tilespmem:s28+$0x15BF0] =	vst v2;
	v3 =	vadd.s32 $0x1, v2;
	v2 =	vadd.s32 $0x2, v2  }
0x437: {  	[tilespmem:s28+$0x171F0] =	vst v2  }
0x438: {  	[tilespmem:s28+$0x166F0] =	vst v3;
	s28 =	smov.u32 s26  }
0x439: {  	_ = 	snop  }
0x43a: {  	v1 =	vmul.u32 $0x3, v1;
	_ =	sdelay $0x1  }
0x43b: {  	[tilespmem:s28+$0x15BF0] =	vst v1;
	v2 =	vadd.s32 $0x2, v1  }
0x43c: {  	v1 =	vadd.s32 $0x1, v1;
	[tilespmem:s28+$0x171F0] =	vst v2  }
0x43d: {  	s8 =	simm.s32 $0x15BF0;
	[tilespmem:s28+$0x166F0] =	vst v1  }
0x43e: {  	[tilespmem:s9], [sflag:$0x1] =	stream.indirect.gather [spmem:s30], $0x1, s8, s31, $0xb8;
	[tilespmem:$0x1DFF0] =	vst v63  }
0x43f: {  	_ = 	snop  }
0x440: {  	[tilespmem:s11], [sflag:$0x2] =	stream.indirect.gather [spmem:s30], $0x1, s10, s31, $0xb8;
	[tilespmem:$0x1DFF0] =	vst v63  }
0x441: {  	_ = 	snop  }
0x442: {  	[tilespmem:s14], [sflag:$0x3] =	stream.indirect.gather [spmem:s30], $0x1, s12, s31, $0xb8;
	[tilespmem:$0x1DFF0] =	vst v63  }
0x443: {  	_ =	swait.ge [sflag:s22], $0xAB0  }
0x444: {  	[sflag:s22] =	ssyncset.done $0x0  }
0x445: {  	[sflag:s22] =	ssyncadd.s32 $0xFFFFF550  }
0x446: {  	_ =	swait.ge [sflag:s22], $0xAB0  }
0x447: {  	[sflag:s22] =	ssyncset.done $0x0  }
0x448: {  	[sflag:s22] =	ssyncadd.s32 $0xFFFFF550  }
0x449: {  	_ =	swait.ge [sflag:s22], $0xAB0  }
0x44a: {  	s26 =	sld [smem:$0x7E7]  }
0x44b: {  	[sflag:s22] =	ssyncset.done $0x0  }
0x44c: {  	s24 =	simm.s32 $0x0;
	s8 =	sld [smem:$0x7E6];
	[sflag:s22] =	ssyncadd.s32 $0xFFFFF550  }
0x44d: {  	[tilespmem:s15], [sflag:$0x5] =	stream.linear.gather [hbm4b:s26+s24], $0xAB0, $0x38;
	[tilespmem:$0x1DFF0] =	vst v63  }
0x44e: {  	_ = 	snop  }
0x44f: {  	[tilespmem:s16], [sflag:$0x5] =	stream.linear.gather [hbm4b:s8+s24], $0xAB0, $0x38;
	[tilespmem:$0x1DFF0] =	vst v63  }
0x450: {  	s8 =	sld [smem:$0x7E8];
	_ =	sdelay $0x2  }
0x451: {  	[tilespmem:s0], [sflag:$0x5] =	stream.linear.gather [hbm4b:s8+s24], $0xAB0, $0x38;
	[tilespmem:$0x1DFF0] =	vst v63  }
0x452: {  	_ =	swait.ge [sflag:s2], $0xAB0  }
0x453: {  	[sflag:s2] =	ssyncset.done $0x0  }
0x454: {  	[sflag:s2] =	ssyncadd.s32 $0xFFFFF550  }
0x455: {  	_ =	swait.ge [sflag:s3], $0xAB0  }
0x456: {  	[sflag:s3] =	ssyncset.done $0x0  }
0x457: {  	[sflag:s3] =	ssyncadd.s32 $0xFFFFF550  }
0x458: {  	_ =	swait.ge [sflag:s21], $0xAB0  }
0x459: {  	[sflag:s21] =	ssyncset.done $0x0  }
0x45a: {  	s28 =	simm.s32 $0x0;
	[sflag:s21] =	ssyncadd.s32 $0xFFFFF550  }
0x45b: {  	v1 =	vld [tilespmem:s28+$0x12FF0]  }
0x45c: {  	v2 =	vld [tilespmem:s28+$0x19DF0]  }
0x45d: {  	s24 =	simm.s32 $0x40;
	v3 =	vld [tilespmem:s28+$0x1A8F0]  }
.LBB2_58:
0x45e: {  	p2 =	sne.s32 s24, $0x2A80;
	v4 =	vld [tilespmem:s28+$0x1B3F0];
	_ =	sdelay $0x2  }
.Ltmp28:
0x45f: {  	v2 =	vmul.f32 v2, v1;
	(pc) =	sbr.rel @p2 .LBB2_58-.Ltmp28, $4  }
0x460: {  	s26 =	sshra.s32 s24, $0x2;
	v3 =	vmul.f32 v3, v1  }
0x461: {  	[tilespmem:s28+$0x19DF0] =	vst v2;
	v4 =	vmul.f32 v4, v1;
	v1 =	vld [tilespmem:s26+$0x12FF0]  }
0x462: {  	v2 =	vld [tilespmem:s26+$0x19DF0];
	[tilespmem:s28+$0x1A8F0] =	vst v3  }
0x463: {  	s24 =	sadd.s32 $0x40, s24;
	v3 =	vld [tilespmem:s26+$0x1A8F0];
	[tilespmem:s28+$0x1B3F0] =	vst v4;
	s28 =	smov.u32 s26  }
0x464: {  	v4 =	vld [tilespmem:s28+$0x1B3F0];
	_ =	sdelay $0x2  }
0x465: {  	v2 =	vmul.f32 v2, v1  }
0x466: {  	v3 =	vmul.f32 v3, v1  }
0x467: {  	[tilespmem:s28+$0x19DF0] =	vst v2;
	v1 =	vmul.f32 v4, v1  }
0x468: {  	[tilespmem:s28+$0x1A8F0] =	vst v3  }
0x469: {  	s24 =	rddreg [dreg:$0x9];
	[tilespmem:s28+$0x1B3F0] =	vst v1  }
0x46a: {  	[spmem:s24] =	stream.indirect.scatter.add.f32 [tilespmem:s9], [sflag:$0x6], $0x1, s23, s31, $0xb8;
	[tilespmem:$0x1DFF0] =	vst v63  }
0x46b: {  	s26 =	rddreg [dreg:$0xa]  }
0x46c: {  	[spmem:s26] =	stream.indirect.scatter.add.f32 [tilespmem:s11], [sflag:$0x6], $0x1, s23, s31, $0xb8;
	[tilespmem:$0x1DFF0] =	vst v63  }
0x46d: {  	s8 =	rddreg [dreg:$0xb]  }
0x46e: {  	[spmem:s8] =	stream.indirect.scatter.add.f32 [tilespmem:s14], [sflag:$0x6], $0x1, s23, s31, $0xb8;
	[tilespmem:$0x1DFF0] =	vst v63  }
0x46f: {  	_ =	swait.ge [sflag:s4], $0xAB0  }
0x470: {  	[sflag:s4] =	ssyncset.done $0x0  }
0x471: {  	[sflag:s4] =	ssyncadd.s32 $0xFFFFF550  }
0x472: {  	_ =	swait.ge [sflag:s4], $0xAB0  }
0x473: {  	[sflag:s4] =	ssyncset.done $0x0  }
0x474: {  	[sflag:s4] =	ssyncadd.s32 $0xFFFFF550  }
0x475: {  	_ =	swait.ge [sflag:s4], $0xAB0  }
0x476: {  	[sflag:s4] =	ssyncset.done $0x0  }
0x477: {  	s28 =	simm.s32 $0x0;
	[sflag:s4] =	ssyncadd.s32 $0xFFFFF550  }
0x478: {  	v1 =	vld [tilespmem:s28+$0x13AF0];
	_ =	sdelay $0x2  }
0x479: {  	s24 =	simm.s32 $0x40  }
.LBB2_60:
0x47a: {  	p2 =	sne.s32 s24, $0x2A80  }
.Ltmp29:
0x47b: {  	s26 =	sshra.s32 s24, $0x2;
	s24 =	sadd.s32 $0x40, s24;
	v2 =	vmul.u32 $0x3, v1;
	(pc) =	sbr.rel @p2 .LBB2_60-.Ltmp29, $4  }
0x47c: {  	v1 =	vld [tilespmem:s26+$0x13AF0]  }
0x47d: {  	[tilespmem:s28+$0x17CF0] =	vst v2;
	v3 =	vadd.s32 $0x1, v2;
	v2 =	vadd.s32 $0x2, v2  }
0x47e: {  	[tilespmem:s28+$0x192F0] =	vst v2  }
0x47f: {  	[tilespmem:s28+$0x187F0] =	vst v3;
	s28 =	smov.u32 s26  }
0x480: {  	_ = 	snop  }
0x481: {  	v1 =	vmul.u32 $0x3, v1;
	_ =	sdelay $0x1  }
0x482: {  	[tilespmem:s28+$0x17CF0] =	vst v1;
	v2 =	vadd.s32 $0x2, v1  }
0x483: {  	v1 =	vadd.s32 $0x1, v1;
	[tilespmem:s28+$0x192F0] =	vst v2  }
0x484: {  	[tilespmem:s28+$0x187F0] =	vst v1  }
0x485: {  	[tilespmem:s6], [sflag:$0x1] =	stream.indirect.gather [spmem:s30], $0x1, s5, s31, $0xb8;
	[tilespmem:$0x1DFF0] =	vst v63  }
0x486: {  	_ = 	snop  }
0x487: {  	[tilespmem:s1], [sflag:$0x2] =	stream.indirect.gather [spmem:s30], $0x1, s7, s31, $0xb8;
	[tilespmem:$0x1DFF0] =	vst v63  }
0x488: {  	_ = 	snop  }
0x489: {  	[tilespmem:s17], [sflag:$0x3] =	stream.indirect.gather [spmem:s30], $0x1, s13, s31, $0xb8;
	[tilespmem:$0x1DFF0] =	vst v63  }
0x48a: {  	_ =	swait.ge [sflag:s20], $0xAB0  }
0x48b: {  	[sflag:s20] =	ssyncset.done $0x0  }
0x48c: {  	[sflag:s20] =	ssyncadd.s32 $0xFFFFF550  }
0x48d: {  	_ =	swait.ge [sflag:s20], $0xAB0  }
0x48e: {  	[sflag:s20] =	ssyncset.done $0x0  }
0x48f: {  	[sflag:s20] =	ssyncadd.s32 $0xFFFFF550  }
0x490: {  	_ =	swait.ge [sflag:s20], $0xAB0  }
0x491: {  	s26 =	sld [smem:$0x7EA]  }
0x492: {  	[sflag:s20] =	ssyncset.done $0x0  }
0x493: {  	s24 =	simm.s32 $0x0;
	[sflag:s20] =	ssyncadd.s32 $0xFFFFF550  }
0x494: {  	[tilespmem:s23], [sflag:$0x4] =	stream.linear.gather [hbm4b:s26+s24], $0xAB0, $0x38;
	[tilespmem:$0x1DFF0] =	vst v63  }
0x495: {  	s26 =	sld [smem:$0x7E9];
	_ =	sdelay $0x1  }
0x496: {  	s8 =	simm.s32 $0x119F0  }
0x497: {  	[tilespmem:s8], [sflag:$0x4] =	stream.linear.gather [hbm4b:s26+s24], $0xAB0, $0x38;
	[tilespmem:$0x1DFF0] =	vst v63  }
0x498: {  	s26 =	sld [smem:$0x7EB];
	_ =	sdelay $0x1  }
0x499: {  	s8 =	simm.s32 $0x12FF0  }
0x49a: {  	[tilespmem:s8], [sflag:$0x4] =	stream.linear.gather [hbm4b:s26+s24], $0xAB0, $0x38;
	[tilespmem:$0x1DFF0] =	vst v63  }
0x49b: {  	_ =	swait.ge [sflag:s2], $0xAB0  }
0x49c: {  	[sflag:s2] =	ssyncset.done $0x0  }
0x49d: {  	[sflag:s2] =	ssyncadd.s32 $0xFFFFF550  }
0x49e: {  	_ =	swait.ge [sflag:s3], $0xAB0  }
0x49f: {  	[sflag:s3] =	ssyncset.done $0x0  }
0x4a0: {  	[sflag:s3] =	ssyncadd.s32 $0xFFFFF550  }
0x4a1: {  	_ =	swait.ge [sflag:s21], $0xAB0  }
0x4a2: {  	[sflag:s21] =	ssyncset.done $0x0  }
0x4a3: {  	s28 =	simm.s32 $0x0;
	[sflag:s21] =	ssyncadd.s32 $0xFFFFF550  }
0x4a4: {  	v1 =	vld [tilespmem:s28+$0x150F0]  }
0x4a5: {  	v2 =	vld [tilespmem:s28+$0x1BEF0]  }
0x4a6: {  	s24 =	simm.s32 $0x40;
	v3 =	vld [tilespmem:s28+$0x1C9F0]  }
.LBB2_62:
0x4a7: {  	p2 =	sne.s32 s24, $0x2A80;
	v4 =	vld [tilespmem:s28+$0x1D4F0];
	_ =	sdelay $0x2  }
.Ltmp30:
0x4a8: {  	v2 =	vmul.f32 v2, v1;
	(pc) =	sbr.rel @p2 .LBB2_62-.Ltmp30, $4  }
0x4a9: {  	s26 =	sshra.s32 s24, $0x2;
	v3 =	vmul.f32 v3, v1  }
0x4aa: {  	[tilespmem:s28+$0x1BEF0] =	vst v2;
	v4 =	vmul.f32 v4, v1;
	v1 =	vld [tilespmem:s26+$0x150F0]  }
0x4ab: {  	v2 =	vld [tilespmem:s26+$0x1BEF0];
	[tilespmem:s28+$0x1C9F0] =	vst v3  }
0x4ac: {  	s24 =	sadd.s32 $0x40, s24;
	v3 =	vld [tilespmem:s26+$0x1C9F0];
	[tilespmem:s28+$0x1D4F0] =	vst v4;
	s28 =	smov.u32 s26  }
0x4ad: {  	v4 =	vld [tilespmem:s28+$0x1D4F0];
	_ =	sdelay $0x2  }
0x4ae: {  	v2 =	vmul.f32 v2, v1  }
0x4af: {  	v3 =	vmul.f32 v3, v1  }
0x4b0: {  	[tilespmem:s28+$0x1BEF0] =	vst v2;
	v1 =	vmul.f32 v4, v1  }
0x4b1: {  	[tilespmem:s28+$0x1C9F0] =	vst v3  }
0x4b2: {  	s24 =	rddreg [dreg:$0x9];
	[tilespmem:s28+$0x1D4F0] =	vst v1  }
0x4b3: {  	[spmem:s24] =	stream.indirect.scatter.add.f32 [tilespmem:s6], [sflag:$0x7], $0x1, s15, s31, $0xb8;
	[tilespmem:$0x1DFF0] =	vst v63  }
0x4b4: {  	s26 =	rddreg [dreg:$0xa]  }
0x4b5: {  	[spmem:s26] =	stream.indirect.scatter.add.f32 [tilespmem:s1], [sflag:$0x7], $0x1, s15, s31, $0xb8;
	[tilespmem:$0x1DFF0] =	vst v63  }
0x4b6: {  	s8 =	rddreg [dreg:$0xb]  }
0x4b7: {  	[spmem:s8] =	stream.indirect.scatter.add.f32 [tilespmem:s17], [sflag:$0x7], $0x1, s15, s31, $0xb8;
	[tilespmem:$0x1DFF0] =	vst v63  }
0x4b8: {  	_ =	swait.ge [sflag:s29], $0xAB0  }
0x4b9: {  	[sflag:s29] =	ssyncset.done $0x0  }
0x4ba: {  	[sflag:s29] =	ssyncadd.s32 $0xFFFFF550  }
0x4bb: {  	_ =	swait.ge [sflag:s29], $0xAB0  }
0x4bc: {  	[sflag:s29] =	ssyncset.done $0x0  }
0x4bd: {  	[sflag:s29] =	ssyncadd.s32 $0xFFFFF550  }
0x4be: {  	_ =	swait.ge [sflag:s29], $0xAB0  }
0x4bf: {  	[sflag:s29] =	ssyncset.done $0x0  }
0x4c0: {  	s28 =	simm.s32 $0x0;
	[sflag:s29] =	ssyncadd.s32 $0xFFFFF550  }
0x4c1: {  	v1 =	vld [tilespmem:s28+$0x119F0];
	_ =	sdelay $0x2  }
0x4c2: {  	s24 =	simm.s32 $0x40  }
.LBB2_64:
0x4c3: {  	p2 =	sne.s32 s24, $0x2A80  }
.Ltmp31:
0x4c4: {  	s26 =	sshra.s32 s24, $0x2;
	s24 =	sadd.s32 $0x40, s24;
	v2 =	vmul.u32 $0x3, v1;
	(pc) =	sbr.rel @p2 .LBB2_64-.Ltmp31, $4  }
0x4c5: {  	v1 =	vld [tilespmem:s26+$0x119F0]  }
0x4c6: {  	[tilespmem:s28+$0x15BF0] =	vst v2;
	v3 =	vadd.s32 $0x1, v2;
	v2 =	vadd.s32 $0x2, v2  }
0x4c7: {  	[tilespmem:s28+$0x171F0] =	vst v2  }
0x4c8: {  	[tilespmem:s28+$0x166F0] =	vst v3;
	s28 =	smov.u32 s26  }
0x4c9: {  	_ = 	snop  }
0x4ca: {  	v1 =	vmul.u32 $0x3, v1;
	_ =	sdelay $0x1  }
0x4cb: {  	[tilespmem:s28+$0x15BF0] =	vst v1;
	v2 =	vadd.s32 $0x2, v1  }
0x4cc: {  	v1 =	vadd.s32 $0x1, v1;
	[tilespmem:s28+$0x171F0] =	vst v2  }
0x4cd: {  	s8 =	simm.s32 $0x15BF0;
	[tilespmem:s28+$0x166F0] =	vst v1  }
0x4ce: {  	[tilespmem:s9], [sflag:$0x1] =	stream.indirect.gather [spmem:s30], $0x1, s8, s31, $0xb8;
	[tilespmem:$0x1DFF0] =	vst v63  }
0x4cf: {  	_ = 	snop  }
0x4d0: {  	[tilespmem:s11], [sflag:$0x2] =	stream.indirect.gather [spmem:s30], $0x1, s10, s31, $0xb8;
	[tilespmem:$0x1DFF0] =	vst v63  }
0x4d1: {  	_ = 	snop  }
0x4d2: {  	[tilespmem:s14], [sflag:$0x3] =	stream.indirect.gather [spmem:s30], $0x1, s12, s31, $0xb8;
	[tilespmem:$0x1DFF0] =	vst v63  }
0x4d3: {  	_ =	swait.ge [sflag:s22], $0xAB0  }
0x4d4: {  	[sflag:s22] =	ssyncset.done $0x0  }
0x4d5: {  	[sflag:s22] =	ssyncadd.s32 $0xFFFFF550  }
0x4d6: {  	_ =	swait.ge [sflag:s22], $0xAB0  }
0x4d7: {  	[sflag:s22] =	ssyncset.done $0x0  }
0x4d8: {  	[sflag:s22] =	ssyncadd.s32 $0xFFFFF550  }
0x4d9: {  	_ =	swait.ge [sflag:s22], $0xAB0  }
0x4da: {  	s26 =	sld [smem:$0x7ED]  }
0x4db: {  	[sflag:s22] =	ssyncset.done $0x0  }
0x4dc: {  	s24 =	simm.s32 $0x0;
	s8 =	sld [smem:$0x7EC];
	[sflag:s22] =	ssyncadd.s32 $0xFFFFF550  }
0x4dd: {  	[tilespmem:s15], [sflag:$0x5] =	stream.linear.gather [hbm4b:s26+s24], $0xAB0, $0x38;
	[tilespmem:$0x1DFF0] =	vst v63  }
0x4de: {  	_ = 	snop  }
0x4df: {  	[tilespmem:s16], [sflag:$0x5] =	stream.linear.gather [hbm4b:s8+s24], $0xAB0, $0x38;
	[tilespmem:$0x1DFF0] =	vst v63  }
0x4e0: {  	s8 =	sld [smem:$0x7EE];
	_ =	sdelay $0x2  }
0x4e1: {  	[tilespmem:s0], [sflag:$0x5] =	stream.linear.gather [hbm4b:s8+s24], $0xAB0, $0x38;
	[tilespmem:$0x1DFF0] =	vst v63  }
0x4e2: {  	_ =	swait.ge [sflag:s2], $0xAB0  }
0x4e3: {  	[sflag:s2] =	ssyncset.done $0x0  }
0x4e4: {  	[sflag:s2] =	ssyncadd.s32 $0xFFFFF550  }
0x4e5: {  	_ =	swait.ge [sflag:s3], $0xAB0  }
0x4e6: {  	[sflag:s3] =	ssyncset.done $0x0  }
0x4e7: {  	[sflag:s3] =	ssyncadd.s32 $0xFFFFF550  }
0x4e8: {  	_ =	swait.ge [sflag:s21], $0xAB0  }
0x4e9: {  	[sflag:s21] =	ssyncset.done $0x0  }
0x4ea: {  	s28 =	simm.s32 $0x0;
	[sflag:s21] =	ssyncadd.s32 $0xFFFFF550  }
0x4eb: {  	v1 =	vld [tilespmem:s28+$0x12FF0]  }
0x4ec: {  	v2 =	vld [tilespmem:s28+$0x19DF0]  }
0x4ed: {  	s24 =	simm.s32 $0x40;
	v3 =	vld [tilespmem:s28+$0x1A8F0]  }
.LBB2_66:
0x4ee: {  	p2 =	sne.s32 s24, $0x2A80;
	v4 =	vld [tilespmem:s28+$0x1B3F0];
	_ =	sdelay $0x2  }
.Ltmp32:
0x4ef: {  	v2 =	vmul.f32 v2, v1;
	(pc) =	sbr.rel @p2 .LBB2_66-.Ltmp32, $4  }
0x4f0: {  	s26 =	sshra.s32 s24, $0x2;
	v3 =	vmul.f32 v3, v1  }
0x4f1: {  	[tilespmem:s28+$0x19DF0] =	vst v2;
	v4 =	vmul.f32 v4, v1;
	v1 =	vld [tilespmem:s26+$0x12FF0]  }
0x4f2: {  	v2 =	vld [tilespmem:s26+$0x19DF0];
	[tilespmem:s28+$0x1A8F0] =	vst v3  }
0x4f3: {  	s24 =	sadd.s32 $0x40, s24;
	v3 =	vld [tilespmem:s26+$0x1A8F0];
	[tilespmem:s28+$0x1B3F0] =	vst v4;
	s28 =	smov.u32 s26  }
0x4f4: {  	v4 =	vld [tilespmem:s28+$0x1B3F0];
	_ =	sdelay $0x2  }
0x4f5: {  	v2 =	vmul.f32 v2, v1  }
0x4f6: {  	v3 =	vmul.f32 v3, v1  }
0x4f7: {  	[tilespmem:s28+$0x19DF0] =	vst v2;
	v1 =	vmul.f32 v4, v1  }
0x4f8: {  	[tilespmem:s28+$0x1A8F0] =	vst v3  }
0x4f9: {  	s24 =	rddreg [dreg:$0x9];
	[tilespmem:s28+$0x1B3F0] =	vst v1  }
0x4fa: {  	[spmem:s24] =	stream.indirect.scatter.add.f32 [tilespmem:s9], [sflag:$0x6], $0x1, s23, s31, $0xb8;
	[tilespmem:$0x1DFF0] =	vst v63  }
0x4fb: {  	s26 =	rddreg [dreg:$0xa]  }
0x4fc: {  	[spmem:s26] =	stream.indirect.scatter.add.f32 [tilespmem:s11], [sflag:$0x6], $0x1, s23, s31, $0xb8;
	[tilespmem:$0x1DFF0] =	vst v63  }
0x4fd: {  	s8 =	rddreg [dreg:$0xb]  }
0x4fe: {  	[spmem:s8] =	stream.indirect.scatter.add.f32 [tilespmem:s14], [sflag:$0x6], $0x1, s23, s31, $0xb8;
	[tilespmem:$0x1DFF0] =	vst v63  }
0x4ff: {  	_ =	swait.ge [sflag:s4], $0xAB0  }
0x500: {  	[sflag:s4] =	ssyncset.done $0x0  }
0x501: {  	[sflag:s4] =	ssyncadd.s32 $0xFFFFF550  }
0x502: {  	_ =	swait.ge [sflag:s4], $0xAB0  }
0x503: {  	[sflag:s4] =	ssyncset.done $0x0  }
0x504: {  	[sflag:s4] =	ssyncadd.s32 $0xFFFFF550  }
0x505: {  	_ =	swait.ge [sflag:s4], $0xAB0  }
0x506: {  	[sflag:s4] =	ssyncset.done $0x0  }
0x507: {  	v1 =	vimm.f32 @!p1 $0.0e+00;
	[sflag:s4] =	ssyncadd.s32 $0xFFFFF550  }
0x508: {  	[tilespmem:$0x150F0] =	vst @!p1 v1  }
0x509: {  	[tilespmem:$0x15100] =	vst @!p1 v1  }
0x50a: {  	[tilespmem:$0x15110] =	vst @!p1 v1  }
0x50b: {  	[tilespmem:$0x15120] =	vst @!p1 v1  }
0x50c: {  	[tilespmem:$0x15130] =	vst @!p1 v1  }
0x50d: {  	[tilespmem:$0x15140] =	vst @!p1 v1  }
0x50e: {  	[tilespmem:$0x15150] =	vst @!p1 v1  }
0x50f: {  	[tilespmem:$0x15160] =	vst @!p1 v1  }
0x510: {  	[tilespmem:$0x15170] =	vst @!p1 v1  }
0x511: {  	[tilespmem:$0x15180] =	vst @!p1 v1  }
0x512: {  	[tilespmem:$0x15190] =	vst @!p1 v1  }
0x513: {  	[tilespmem:$0x151A0] =	vst @!p1 v1  }
0x514: {  	[tilespmem:$0x151B0] =	vst @!p1 v1  }
0x515: {  	[tilespmem:$0x151C0] =	vst @!p1 v1  }
0x516: {  	[tilespmem:$0x151D0] =	vst @!p1 v1  }
0x517: {  	[tilespmem:$0x151E0] =	vst @!p1 v1  }
0x518: {  	[tilespmem:$0x151F0] =	vst @!p1 v1  }
0x519: {  	[tilespmem:$0x15200] =	vst @!p1 v1  }
0x51a: {  	[tilespmem:$0x15210] =	vst @!p1 v1  }
0x51b: {  	[tilespmem:$0x15220] =	vst @!p1 v1  }
0x51c: {  	[tilespmem:$0x15230] =	vst @!p1 v1  }
0x51d: {  	[tilespmem:$0x15240] =	vst @!p1 v1  }
0x51e: {  	[tilespmem:$0x15250] =	vst @!p1 v1  }
0x51f: {  	[tilespmem:$0x15260] =	vst @!p1 v1  }
0x520: {  	[tilespmem:$0x15270] =	vst @!p1 v1  }
0x521: {  	s28 =	simm.s32 $0x0;
	[tilespmem:$0x15280] =	vst @!p1 v1  }
0x522: {  	v1 =	vld [tilespmem:s28+$0x13AF0];
	_ =	sdelay $0x2  }
0x523: {  	s24 =	simm.s32 $0x40  }
.LBB2_68:
0x524: {  	p2 =	sne.s32 s24, $0x2A80  }
.Ltmp33:
0x525: {  	s26 =	sshra.s32 s24, $0x2;
	s24 =	sadd.s32 $0x40, s24;
	v2 =	vmul.u32 $0x3, v1;
	(pc) =	sbr.rel @p2 .LBB2_68-.Ltmp33, $4  }
0x526: {  	v1 =	vld [tilespmem:s26+$0x13AF0]  }
0x527: {  	[tilespmem:s28+$0x17CF0] =	vst v2;
	v3 =	vadd.s32 $0x1, v2;
	v2 =	vadd.s32 $0x2, v2  }
0x528: {  	[tilespmem:s28+$0x192F0] =	vst v2  }
0x529: {  	[tilespmem:s28+$0x187F0] =	vst v3;
	s28 =	smov.u32 s26  }
0x52a: {  	_ = 	snop  }
0x52b: {  	v1 =	vmul.u32 $0x3, v1;
	_ =	sdelay $0x1  }
0x52c: {  	[tilespmem:s28+$0x17CF0] =	vst v1;
	v2 =	vadd.s32 $0x2, v1  }
0x52d: {  	v1 =	vadd.s32 $0x1, v1;
	[tilespmem:s28+$0x192F0] =	vst v2  }
0x52e: {  	[tilespmem:s28+$0x187F0] =	vst v1  }
0x52f: {  	[tilespmem:s6], [sflag:$0x1] =	stream.indirect.gather [spmem:s30], $0x1, s5, s31, $0xb8;
	[tilespmem:$0x1DFF0] =	vst v63  }
0x530: {  	_ = 	snop  }
0x531: {  	[tilespmem:s1], [sflag:$0x2] =	stream.indirect.gather [spmem:s30], $0x1, s7, s31, $0xb8;
	[tilespmem:$0x1DFF0] =	vst v63  }
0x532: {  	_ = 	snop  }
0x533: {  	[tilespmem:s17], [sflag:$0x3] =	stream.indirect.gather [spmem:s30], $0x1, s13, s31, $0xb8;
	[tilespmem:$0x1DFF0] =	vst v63  }
0x534: {  	_ =	swait.ge [sflag:s2], $0xAB0  }
0x535: {  	[sflag:s2] =	ssyncset.done $0x0  }
0x536: {  	[sflag:s2] =	ssyncadd.s32 $0xFFFFF550  }
0x537: {  	_ =	swait.ge [sflag:s3], $0xAB0  }
0x538: {  	[sflag:s3] =	ssyncset.done $0x0  }
0x539: {  	[sflag:s3] =	ssyncadd.s32 $0xFFFFF550  }
0x53a: {  	_ =	swait.ge [sflag:s21], $0xAB0  }
0x53b: {  	[sflag:s21] =	ssyncset.done $0x0  }
0x53c: {  	s28 =	simm.s32 $0x0;
	[sflag:s21] =	ssyncadd.s32 $0xFFFFF550  }
0x53d: {  	v1 =	vld [tilespmem:s28+$0x150F0]  }
0x53e: {  	v2 =	vld [tilespmem:s28+$0x1BEF0]  }
0x53f: {  	s24 =	simm.s32 $0x40;
	v3 =	vld [tilespmem:s28+$0x1C9F0]  }
.LBB2_70:
0x540: {  	p2 =	sne.s32 s24, $0x2A80;
	v4 =	vld [tilespmem:s28+$0x1D4F0];
	_ =	sdelay $0x2  }
.Ltmp34:
0x541: {  	v2 =	vmul.f32 v2, v1;
	(pc) =	sbr.rel @p2 .LBB2_70-.Ltmp34, $4  }
0x542: {  	s26 =	sshra.s32 s24, $0x2;
	v3 =	vmul.f32 v3, v1  }
0x543: {  	[tilespmem:s28+$0x1BEF0] =	vst v2;
	v4 =	vmul.f32 v4, v1;
	v1 =	vld [tilespmem:s26+$0x150F0]  }
0x544: {  	v2 =	vld [tilespmem:s26+$0x1BEF0];
	[tilespmem:s28+$0x1C9F0] =	vst v3  }
0x545: {  	s24 =	sadd.s32 $0x40, s24;
	v3 =	vld [tilespmem:s26+$0x1C9F0];
	[tilespmem:s28+$0x1D4F0] =	vst v4;
	s28 =	smov.u32 s26  }
0x546: {  	v4 =	vld [tilespmem:s28+$0x1D4F0];
	_ =	sdelay $0x2  }
0x547: {  	v2 =	vmul.f32 v2, v1  }
0x548: {  	v3 =	vmul.f32 v3, v1  }
0x549: {  	[tilespmem:s28+$0x1BEF0] =	vst v2;
	v1 =	vmul.f32 v4, v1  }
0x54a: {  	[tilespmem:s28+$0x1C9F0] =	vst v3  }
0x54b: {  	s24 =	rddreg [dreg:$0x9];
	[tilespmem:s28+$0x1D4F0] =	vst v1  }
0x54c: {  	[spmem:s24] =	stream.indirect.scatter.add.f32 [tilespmem:s6], [sflag:$0x7], $0x1, s15, s31, $0xb8;
	[tilespmem:$0x1DFF0] =	vst v63  }
0x54d: {  	s26 =	rddreg [dreg:$0xa]  }
0x54e: {  	[spmem:s26] =	stream.indirect.scatter.add.f32 [tilespmem:s1], [sflag:$0x7], $0x1, s15, s31, $0xb8;
	[tilespmem:$0x1DFF0] =	vst v63  }
0x54f: {  	s8 =	rddreg [dreg:$0xb]  }
0x550: {  	[spmem:s8] =	stream.indirect.scatter.add.f32 [tilespmem:s17], [sflag:$0x7], $0x1, s15, s31, $0xb8;
	[tilespmem:$0x1DFF0] =	vst v63  }
0x551: {  	_ =	swait.ge [sflag:s20], $0xAB0  }
0x552: {  	[sflag:s20] =	ssyncset.done $0x0  }
0x553: {  	[sflag:s20] =	ssyncadd.s32 $0xFFFFF550  }
0x554: {  	_ =	swait.ge [sflag:s20], $0xAB0  }
0x555: {  	[sflag:s20] =	ssyncset.done $0x0  }
0x556: {  	[sflag:s20] =	ssyncadd.s32 $0xFFFFF550  }
0x557: {  	_ =	swait.ge [sflag:s20], $0xAB0  }
0x558: {  	[sflag:s20] =	ssyncset.done $0x0  }
0x559: {  	[sflag:s20] =	ssyncadd.s32 $0xFFFFF550  }
0x55a: {  	_ =	swait.ge [sflag:s22], $0xAB0  }
0x55b: {  	[sflag:s22] =	ssyncset.done $0x0  }
0x55c: {  	[sflag:s22] =	ssyncadd.s32 $0xFFFFF550  }
0x55d: {  	_ =	swait.ge [sflag:s22], $0xAB0  }
0x55e: {  	[sflag:s22] =	ssyncset.done $0x0  }
0x55f: {  	[sflag:s22] =	ssyncadd.s32 $0xFFFFF550  }
0x560: {  	_ =	swait.ge [sflag:s22], $0xAB0  }
0x561: {  	[sflag:s22] =	ssyncset.done $0x0  }
0x562: {  	[sflag:s22] =	ssyncadd.s32 $0xFFFFF550  }
0x563: {  	[bflag:$0x0] =	sbarrier.arrive $0xFFFF  }
0x564: {  	s28 =	sld [smem:$0x7EF];
	_ =	sdelay $0x2  }
0x565: {  	[tilespmem:s18], [sflag:$0x8] =	stream.linear.gather [spmem:s28], $0x1870, $0x38;
	[tilespmem:$0x1DFF0] =	vst v63  }
0x566: {  	_ =	swait.ge [sflag:s19], $0x1870  }
0x567: {  	s26 =	sld [smem:$0x7FB]  }
0x568: {  	[sflag:s19] =	ssyncset.done $0x0  }
0x569: {  	s24 =	simm.s32 $0x0;
	[sflag:s19] =	ssyncadd.s32 $0xFFFFE790  }
0x56a: {  	[hbm4b:s26+s24] =	stream.linear.scatter [tilespmem:s18], [sflag:$0x8], $0x1870, $0x38;
	[tilespmem:$0x1DFF0] =	vst v63  }
0x56b: {  	_ =	swait.ge [sflag:s19], $0x1870  }
0x56c: {  	s26 =	sld [smem:$0x7FD]  }
0x56d: {  	[sflag:s19] =	ssyncset.done $0x0  }
0x56e: {  	[sflag:s19] =	ssyncadd.s32 $0xFFFFE790  }
0x56f: {  	[tilespmem:s18], [sflag:$0x8] =	stream.linear.gather [spmem:s26], $0x1870, $0x38;
	[tilespmem:$0x1DFF0] =	vst v63  }
0x570: {  	_ =	swait.ge [sflag:s19], $0x1870  }
0x571: {  	s8 =	sld [smem:$0x7F7]  }
0x572: {  	[sflag:s19] =	ssyncset.done $0x0  }
0x573: {  	[sflag:s19] =	ssyncadd.s32 $0xFFFFE790  }
0x574: {  	[hbm4b:s8+s24] =	stream.linear.scatter [tilespmem:s18], [sflag:$0x8], $0x1870, $0x38;
	[tilespmem:$0x1DFF0] =	vst v63  }
0x575: {  	_ =	swait.ge [sflag:s19], $0x1870  }
0x576: {  	s8 =	sld [smem:$0x7F0]  }
0x577: {  	[sflag:s19] =	ssyncset.done $0x0  }
0x578: {  	[sflag:s19] =	ssyncadd.s32 $0xFFFFE790  }
0x579: {  	[tilespmem:s18], [sflag:$0x8] =	stream.linear.gather [spmem:s8], $0x1870, $0x38;
	[tilespmem:$0x1DFF0] =	vst v63  }
0x57a: {  	_ =	swait.ge [sflag:s19], $0x1870  }
0x57b: {  	s8 =	sld [smem:$0x7F8]  }
0x57c: {  	[sflag:s19] =	ssyncset.done $0x0  }
0x57d: {  	[sflag:s19] =	ssyncadd.s32 $0xFFFFE790  }
0x57e: {  	[hbm4b:s8+s24] =	stream.linear.scatter [tilespmem:s18], [sflag:$0x8], $0x1870, $0x38;
	[tilespmem:$0x1DFF0] =	vst v63  }
0x57f: {  	_ =	swait.ge [sflag:s19], $0x1870  }
0x580: {  	s8 =	sld [smem:$0x7F1]  }
0x581: {  	[sflag:s19] =	ssyncset.done $0x0  }
0x582: {  	[sflag:s19] =	ssyncadd.s32 $0xFFFFE790  }
0x583: {  	[tilespmem:s18], [sflag:$0x8] =	stream.linear.gather [spmem:s8], $0x1870, $0x38;
	[tilespmem:$0x1DFF0] =	vst v63  }
0x584: {  	_ =	swait.ge [sflag:s19], $0x1870  }
0x585: {  	s8 =	sld [smem:$0x7F9]  }
0x586: {  	[sflag:s19] =	ssyncset.done $0x0  }
0x587: {  	[sflag:s19] =	ssyncadd.s32 $0xFFFFE790  }
0x588: {  	[hbm4b:s8+s24] =	stream.linear.scatter [tilespmem:s18], [sflag:$0x8], $0x1870, $0x38;
	[tilespmem:$0x1DFF0] =	vst v63  }
0x589: {  	_ =	swait.ge [sflag:s19], $0x1870  }
0x58a: {  	s8 =	sld [smem:$0x7F2]  }
0x58b: {  	[sflag:s19] =	ssyncset.done $0x0  }
0x58c: {  	[sflag:s19] =	ssyncadd.s32 $0xFFFFE790  }
0x58d: {  	[tilespmem:s18], [sflag:$0x8] =	stream.linear.gather [spmem:s8], $0x1870, $0x38;
	[tilespmem:$0x1DFF0] =	vst v63  }
0x58e: {  	_ =	swait.ge [sflag:s19], $0x1870  }
0x58f: {  	s8 =	sld [smem:$0x7FA]  }
0x590: {  	[sflag:s19] =	ssyncset.done $0x0  }
0x591: {  	[sflag:s19] =	ssyncadd.s32 $0xFFFFE790  }
0x592: {  	[hbm4b:s8+s24] =	stream.linear.scatter [tilespmem:s18], [sflag:$0x8], $0x1870, $0x38;
	[tilespmem:$0x1DFF0] =	vst v63  }
0x593: {  	_ =	swait.ge [sflag:s19], $0x1870  }
0x594: {  	s8 =	sld [smem:$0x7F3]  }
0x595: {  	[sflag:s19] =	ssyncset.done $0x0  }
0x596: {  	[sflag:s19] =	ssyncadd.s32 $0xFFFFE790  }
0x597: {  	[tilespmem:s18], [sflag:$0x8] =	stream.linear.gather [spmem:s8], $0x1870, $0x38;
	[tilespmem:$0x1DFF0] =	vst v63  }
0x598: {  	_ =	swait.ge [sflag:s19], $0x1870  }
0x599: {  	s8 =	sld [smem:$0x7FC]  }
0x59a: {  	[sflag:s19] =	ssyncset.done $0x0  }
0x59b: {  	[sflag:s19] =	ssyncadd.s32 $0xFFFFE790  }
0x59c: {  	[hbm4b:s8+s24] =	stream.linear.scatter [tilespmem:s18], [sflag:$0x8], $0x1870, $0x38;
	[tilespmem:$0x1DFF0] =	vst v63  }
0x59d: {  	_ =	swait.ge [sflag:s19], $0x1870  }
0x59e: {  	s28 =	sld [smem:$0x7F6];
	_ =	sdelay $0x1  }
0x59f: {  	s25 =	sadd.s32 $0x1, s25  }
0x5a0: {  	p2 =	sne.s32 s25, s28  }
.Ltmp35:
0x5a1: {  	_ = 	snop;
	(pc) =	sbr.rel @p2 .LBB2_1-.Ltmp35, $3  }
0x5a2: {  	_ =	sdelay $0x1  }
0x5a3: {  	[sflag:s19] =	ssyncset.done $0x0  }
0x5a4: {  	[sflag:s19] =	ssyncadd.s32 $0xFFFFE790  }
0x5a5: {  	_ =	sfence.sel $0x180000  }
0x5a6: {  	[bflag:$0x0] =	sbarrier.arrive $0xFFFF  }
0x5a7: {  	_ =	strace $0x90000047  }
0x5a8: {  	s0 =	stileid.u32;
	[bflag:$0x2] =	sbarrier.arrive $0xFFFF  }
0x5a9: {  	p0 =	sne.s32 s0, $0x0;
	s0 =	rddreg [dreg:$0xd]  }
0x5aa: {  	s0 =	sadd.s32 @!p0 $0x100000, s0  }
0x5ab: {  	[sflag:s0] =	ssyncadd.tile.s32 @!p0 $0x1;
	_ =	shalt  }
.Lfunc_end2:
_tile_overlayer_lowered:
.L_overlay_start_2:
0x5ac: {  	(tag) =	ssettag $0x2  }
0x5ad: {  	s0 =	rddreg [dreg:$0x0];
	s2 =	stileid.u32  }
0x5ae: {  	s1 =	rddreg [dreg:$0x1];
	p0 =	sne.s32 s2, $0x0  }
0x5af: {  	s3 =	rddreg [dreg:$0x2];
	[bflag:$0x3] =	sbarrier.arrive $0xFFFF;
	s2 =	simm.s32 @!p0 $0x1C08  }
0x5b0: {  	[timem:s3], [sflag:s2] =	dma.local @!p0 [hbm:s0], s1  }
0x5b1: {  	s0 =	simm.s32 @!p0 $0x8  }
0x5b2: {  	_ =	swait.ge @!p0 [sflag:s0], s1  }
0x5b3: {  	s1 =	ssub.s32 @!p0 $0x0, s1;
	[sflag:s0] =	ssyncset.done @!p0 $0x0  }
0x5b4: {  	[sflag:s0] =	ssyncadd.s32 @!p0 s1  }
0x5b5: {  	[bflag:$0x3] =	sbarrier.arrive $0xFFFF  }
0x5b6: {  	_ =	shalt  }

</sc_bundles>
